<compile_context>
chip_gen: v7x
topology: tpu7x:2x2x1
jax: 0.10.2.dev20260603
libtpu: 0.0.44.dev20260713+nightly
codegen_flags: <defaults>
</compile_context>

<pallas_src>
import functools

import jax
import jax.numpy as jnp
from jax import lax
from jax.experimental import pallas as pl
from jax.experimental.pallas import tpu as pltpu
from jax.experimental.pallas import tpu_sc as plsc

_N = 10000
_HID = 128
_K = 6
_NP1 = 2500
_NP2 = 625
_NP1_PAD = 2560


_NSC = 2
_NSUB = 16
_NW = _NSC * _NSUB


def _sc_segsum_call(table, src_idx, dst_idx, n_out_pad, chunk,
                    nck0=None, nck1=None, gidx=None):
    e_pad = src_idx.shape[0]
    assert e_pad % chunk == 0
    ncks = e_pad // chunk
    if nck0 is None:
        nck0 = nck1 = ncks // _NW
    assert _NSUB * (nck0 + nck1) == ncks
    nck_max = max(nck0, nck1)
    rows_per_sub = n_out_pad // _NSUB
    src2d = src_idx.reshape(ncks, chunk)
    dst2d = dst_idx.reshape(ncks, chunk)
    extra = _NSUB * nck0 + (_NSUB - 1) * nck1 + nck_max - ncks
    if extra > 0:
        src2d = jnp.pad(src2d, ((0, extra), (0, 0)))
        dst2d = jnp.pad(dst2d, ((0, extra), (0, 0)))
    zeros = jnp.zeros((n_out_pad, _HID), jnp.float32)
    mesh = plsc.VectorSubcoreMesh(core_axis_name="c", subcore_axis_name="s")

    nbuf = 2
    use_ring = (nck0 % 2 == 0 and nck1 % 2 == 0 and min(nck0, nck1) >= 4)

    out_types = [jax.ShapeDtypeStruct((_NSC, n_out_pad, _HID), jnp.float32)]
    scratch = [
        pltpu.VMEM((nck_max, chunk), jnp.int32),
        pltpu.VMEM((nck_max, chunk), jnp.int32),
        pltpu.VMEM((nbuf, chunk, _HID), jnp.float32),
        pltpu.VMEM_SHARED((n_out_pad, _HID), jnp.float32),
        pltpu.SemaphoreType.DMA((nbuf,)),
        pltpu.SemaphoreType.DMA((nbuf,)),
    ]
    grows = n_out_pad // _NW
    if gidx is not None:
        out_types.append(jax.ShapeDtypeStruct((n_out_pad, _HID), jnp.float32))
        scratch += [
            pltpu.VMEM((1, grows), jnp.int32),
            pltpu.VMEM((grows, _HID), jnp.float32),
            pltpu.SemaphoreType.DMA,
        ]
        gidx2d = gidx.reshape(_NW, grows)

    @functools.partial(
        pl.kernel,
        out_type=tuple(out_types) if gidx is not None else out_types[0],
        mesh=mesh,
        scratch_types=scratch,
    )
    def k(table_h, src_h, dst_h, zero_h, *rest):
        if gidx is not None:
            (gidx_h, out_h, gout_h, sidx, didx, rows, acc, gsem, ssem,
             gvidx, grbuf, g2sem) = rest
        else:
            out_h, sidx, didx, rows, acc, gsem, ssem = rest
        cid = lax.axis_index("c")
        sid = lax.axis_index("s")
        wid = cid * _NSUB + sid
        nck = jnp.where(cid == 0, nck0, nck1)
        base = jnp.where(cid == 0, sid * nck0, _NSUB * nck0 + sid * nck1)
        pltpu.sync_copy(zero_h.at[pl.ds(sid * rows_per_sub, rows_per_sub)],
                        acc.at[pl.ds(sid * rows_per_sub, rows_per_sub)])
        pltpu.sync_copy(src_h.at[pl.ds(base, nck_max)], sidx)
        pltpu.sync_copy(dst_h.at[pl.ds(base, nck_max)], didx)
        if gidx is not None:
            pltpu.sync_copy(gidx_h.at[pl.ds(wid, 1)], gvidx)
            pltpu.async_copy(table_h.at[gvidx.at[0]], grbuf, g2sem).wait()
            pltpu.sync_copy(grbuf, gout_h.at[pl.ds(wid * grows, grows)])
        plsc.subcore_barrier()

        def gather(c, b):
            pltpu.async_copy(table_h.at[sidx.at[c]], rows.at[b], gsem.at[b])

        def gwait(b):
            pltpu.make_async_copy(table_h.at[sidx.at[0]], rows.at[b],
                                  gsem.at[b]).wait()

        def swait(b):
            pltpu.make_async_copy(rows.at[b], acc.at[didx.at[0]],
                                  ssem.at[b]).wait()

        def scatter(c, b):
            pltpu.async_copy(rows.at[b], acc.at[didx.at[c]], ssem.at[b],
                             add=True)

        if use_ring:
            gather(0, 0)
            gather(1, 1)
            gwait(0)
            scatter(0, 0)

            @pl.loop(1, nck - 1, step=2)
            def _mid(c0):
                for j in range(2):
                    c = c0 + j
                    b = (1 + j) % 2
                    swait(1 - b)
                    gather(c + 1, 1 - b)
                    gwait(b)
                    scatter(c, b)

            gwait(1)
            scatter(nck - 1, 1)
            for b in range(nbuf):
                swait(b)
        else:
            @pl.loop(0, nck)
            def _chunk(c):
                pltpu.async_copy(table_h.at[sidx.at[c]], rows.at[0],
                                 gsem.at[0]).wait()
                pltpu.sync_copy(rows.at[0], acc.at[didx.at[c]], add=True)

        plsc.subcore_barrier()
        pltpu.sync_copy(acc.at[pl.ds(sid * rows_per_sub, rows_per_sub)],
                        out_h.at[cid, pl.ds(sid * rows_per_sub, rows_per_sub)])

    if gidx is not None:
        return k(table, src2d, dst2d, zeros, gidx2d)
    return k(table, src2d, dst2d, zeros)


def _pad_edges(src, dst, e_pad, dump_row, n_dump):
    e = src.shape[0]
    pad = e_pad - e
    src_p = jnp.concatenate([src, jnp.zeros((pad,), jnp.int32)])
    dump = dump_row + (jnp.arange(pad, dtype=jnp.int32) % n_dump)
    dst_p = jnp.concatenate([dst, dump])
    return src_p, dst_p


def _conv_body(x_ref, m_ref, wr_ref, wn_ref, b_ref, o_ref):
    acc = jnp.dot(x_ref[...], wr_ref[...], preferred_element_type=jnp.float32)
    acc = acc + jnp.dot(m_ref[...], wn_ref[...], preferred_element_type=jnp.float32)
    acc = acc + b_ref[...]
    o_ref[...] = jnp.maximum(acc, 0.0)


def _conv2_body(x_ref, ma_ref, mb_ref, wr_ref, wn_ref, b_ref, o_ref):
    acc = jnp.dot(x_ref[...], wr_ref[...], preferred_element_type=jnp.float32)
    m = ma_ref[...] + mb_ref[...]
    acc = acc + jnp.dot(m, wn_ref[...], preferred_element_type=jnp.float32)
    acc = acc + b_ref[...]
    o_ref[...] = jnp.maximum(acc, 0.0)


def _conv_relu(x, msgs, wr, wn, b, block_rows=None):
    n = x.shape[0]
    if block_rows is None:
        block_rows = 512 if n % 512 == 0 else 2000
    assert n % block_rows == 0, n
    grid = n // block_rows
    row_spec = pl.BlockSpec((block_rows, _HID), lambda i: (i, 0))
    w_spec = pl.BlockSpec((_HID, _HID), lambda i: (0, 0))
    b_spec = pl.BlockSpec((1, _HID), lambda i: (0, 0))
    body = _conv_body if len(msgs) == 1 else _conv2_body
    return pl.pallas_call(
        body,
        grid=(grid,),
        in_specs=[row_spec] * (1 + len(msgs)) + [w_spec, w_spec, b_spec],
        out_specs=row_spec,
        out_shape=jax.ShapeDtypeStruct((n, _HID), jnp.float32),
    )(x, *msgs, wr, wn, b.reshape(1, _HID))


def _final_body(x_ref, ma_ref, mb_ref, wr_ref, wn_ref, b_ref, lw_ref, lb_ref,
                o_ref):
    acc = jnp.dot(x_ref[...], wr_ref[...], preferred_element_type=jnp.float32)
    m = ma_ref[...] + mb_ref[...]
    acc = acc + jnp.dot(m, wn_ref[...], preferred_element_type=jnp.float32)
    acc = acc + b_ref[...]
    h = jnp.maximum(acc, 0.0)
    o_ref[...] = jnp.dot(h, lw_ref[...], preferred_element_type=jnp.float32) + lb_ref[...]


def _final_fused(x, msgs, wr, wn, b, lin_w, lin_b, block_rows=None):
    n = x.shape[0]
    if block_rows is None:
        block_rows = 512 if n % 512 == 0 else 2000
    assert n % block_rows == 0, n
    grid = n // block_rows
    row_spec = pl.BlockSpec((block_rows, _HID), lambda i: (i, 0))
    w_spec = pl.BlockSpec((_HID, _HID), lambda i: (0, 0))
    b_spec = pl.BlockSpec((1, _HID), lambda i: (0, 0))
    return pl.pallas_call(
        _final_body,
        grid=(grid,),
        in_specs=[row_spec, row_spec, row_spec, w_spec, w_spec, b_spec,
                  w_spec, b_spec],
        out_specs=row_spec,
        out_shape=jax.ShapeDtypeStruct((n, _HID), jnp.float32),
    )(x, *msgs, wr, wn, b.reshape(1, _HID), lin_w, lin_b.reshape(1, _HID))


def _knn_body(pos_ref, post_ref, o_ref, *, block_rows, npts_pad):
    i = pl.program_id(0)
    pr = pos_ref[...]
    pt = post_ref[...]
    d = jnp.zeros((block_rows, npts_pad), jnp.float32)
    for c in range(3):
        diff = pr[:, c:c + 1] - pt[c:c + 1, :]
        d = d + diff * diff
    row_id = lax.broadcasted_iota(jnp.int32, (block_rows, npts_pad), 0) + i * block_rows
    col_id = lax.broadcasted_iota(jnp.int32, (block_rows, npts_pad), 1)
    d = jnp.where(row_id == col_id, d + 1e10, d)
    cols = []
    for _ in range(_K):
        a = jnp.argmin(d, axis=1).astype(jnp.int32)
        cols.append(a[:, None])
        d = jnp.where(col_id == a[:, None], jnp.inf, d)
    cols.append(jnp.zeros((block_rows, 2), jnp.int32))
    o_ref[...] = jnp.concatenate(cols, axis=1)


def _knn_top6(pos_pad, post_pad, block_rows=256):
    npts_pad = post_pad.shape[1]
    grid = npts_pad // block_rows
    return pl.pallas_call(
        functools.partial(_knn_body, block_rows=block_rows, npts_pad=npts_pad),
        grid=(grid,),
        in_specs=[
            pl.BlockSpec((block_rows, 8), lambda i: (i, 0)),
            pl.BlockSpec((8, npts_pad), lambda i: (0, 0)),
        ],
        out_specs=pl.BlockSpec((block_rows, 8), lambda i: (i, 0)),
        out_shape=jax.ShapeDtypeStruct((npts_pad, 8), jnp.int32),
    )(pos_pad, post_pad)


def kernel(x, pos, edge_index, batch, d0_wr, d0_wn, d0_b, d1_wr, d1_wn, d1_b,
           u0_wr, u0_wn, u0_b, u1_wr, u1_wn, u1_b, lin_w, lin_b):
    n = x.shape[0]
    src0, dst0 = edge_index[0], edge_index[1]

    def _constants():
        p0 = jax.random.permutation(jax.random.key(100), n)[:_NP1]
        p1 = jax.random.permutation(jax.random.key(101), _NP1)[:_NP2]
        i1 = (_NP2 + (jnp.arange(_NP1, dtype=jnp.int32) % 96)).at[p1].set(
            jnp.arange(_NP2, dtype=jnp.int32))
        i0 = jnp.full((n,), _NP1, jnp.int32).at[p0].set(
            jnp.arange(_NP1, dtype=jnp.int32))
        dk = jnp.tile(jnp.arange(_NP1, dtype=jnp.int32), _K)
        perm0_pad = jnp.concatenate(
            [p0.astype(jnp.int32), jnp.zeros((_NP1_PAD - _NP1,), jnp.int32)])
        inv1_pad = jnp.concatenate(
            [i1, _NP2 + (jnp.arange(_NP1_PAD - _NP1, dtype=jnp.int32) % 96)])
        return (p0.astype(jnp.int32), p1.astype(jnp.int32), i0, i1, dk,
                perm0_pad, inv1_pad)
    try:
        with jax.ensure_compile_time_eval(), \
                jax.default_device(jax.devices("cpu")[0]):
            perm0, perm1, inv0, inv1, dstk, perm0_pad, inv1_pad = _constants()
    except Exception:
        perm0, perm1, inv0, inv1, dstk, perm0_pad, inv1_pad = _constants()

    n_acc = 10112
    e_pad0 = 163840
    src0_p, dst0_p = _pad_edges(src0, dst0, e_pad0, n, n_acc - n)
    parts0 = _sc_segsum_call(x, src0_p, dst0_p, n_acc, 64, 120, 40)
    h0 = _conv_relu(x, [parts0[0, :n], parts0[1, :n]], d0_wr, d0_wn, d0_b)

    pos1 = pos[perm0]
    pos1_pad = jnp.full((_NP1_PAD, 8), 1e6, jnp.float32)
    pos1_pad = pos1_pad.at[:_NP1, :3].set(pos1)
    post_pad = pos1_pad.T.reshape(8, _NP1_PAD) + 0.0
    idx_pad = _knn_top6(pos1_pad, post_pad)
    idx1 = idx_pad[:_NP1, :_K]

    e_pad1 = 16384
    idx1t = idx1.T.reshape(-1)
    gidx1 = perm0[idx1t]
    srck, dstk_p = _pad_edges(gidx1, dstk, e_pad1, _NP1, _NP1_PAD - _NP1)
    parts1, x1p = _sc_segsum_call(h0, srck, dstk_p, _NP1_PAD, 32, 24, 8,
                                  gidx=perm0_pad)
    h1 = _conv_relu(x1p, [parts1[0], parts1[1]], d1_wr, d1_wn, d1_b)[:_NP1]

    x2 = h1[perm1]
    t_tab = jnp.concatenate([x2, jnp.zeros((96, _HID), jnp.float32)], axis=0)
    srcu = inv1[idx1t]
    srcu_p, _ = _pad_edges(srcu, dstk, e_pad1, _NP1, _NP1_PAD - _NP1)
    parts2, xr0p = _sc_segsum_call(t_tab, srcu_p, dstk_p, _NP1_PAD, 32, 24, 8,
                                   gidx=inv1_pad)
    h2 = _conv_relu(xr0p, [parts2[0], parts2[1]], u0_wr, u0_wn, u0_b)[:_NP1]

    u_tab = jnp.concatenate([h2, jnp.zeros((1, _HID), jnp.float32)], axis=0)
    xg = u_tab[inv0]
    parts3 = _sc_segsum_call(xg, src0_p, dst0_p, n_acc, 64, 120, 40)
    return _final_fused(xg, [parts3[0, :n], parts3[1, :n]],
                        u1_wr, u1_wn, u1_b, lin_w, lin_b)

# --- scband reference (transcript-rebuilt; emitter-appended) ---
"""Pipeline reference for scband-gae-51728586113708 (READ-ONLY COPY).

The authoritative reference and input builder live on the scoring server;
editing this copy changes nothing except your own understanding.
"""

import jax, jax.numpy as jnp
import numpy as np

N = 10000
E = 160000
D_IN = 128
HID = 128
DEPTH = 2
RATIO = 0.25


def graph_conv(x, ei, wr, wn, b):
    n = x.shape[0]
    msg = jax.ops.segment_sum(x[ei[0]], ei[1], num_segments=n)
    return x @ wr + msg @ wn + b


def knn_graph(pos, k):
    d = jnp.sum((pos[:, None, :] - pos[None, :, :]) ** 2, axis=-1)
    d = d + jnp.eye(pos.shape[0], dtype=d.dtype) * 1e10
    _, idx = jax.lax.top_k(-d, k)
    n = pos.shape[0]
    dst = jnp.repeat(jnp.arange(n), k)
    src = idx.reshape(-1)
    return jnp.stack([src, dst])


def setup_inputs(seed: int = 0):
    key = jax.random.key(seed)
    ks = jax.random.split(key, 24)
    inp = {}
    inp['x'] = jax.random.normal(ks[0], (N, D_IN), jnp.float32)
    inp['pos'] = jax.random.normal(ks[1], (N, 3), jnp.float32)
    inp['edge_index'] = jax.random.randint(ks[2], (2, E), 0, N, jnp.int32)
    inp['batch'] = jnp.zeros((N,), jnp.int32)
    dims = [(D_IN, HID), (HID, HID)]
    i = 3
    for li, (cin, cout) in enumerate(dims):
        inp['d%d_wr' % li] = jax.random.normal(ks[i], (cin, cout), jnp.float32) * 0.05; i += 1
        inp['d%d_wn' % li] = jax.random.normal(ks[i], (cin, cout), jnp.float32) * 0.05; i += 1
        inp['d%d_b' % li] = jnp.zeros((cout,), jnp.float32)
    for li in range(DEPTH):
        inp['u%d_wr' % li] = jax.random.normal(ks[i], (HID, HID), jnp.float32) * 0.05; i += 1
        inp['u%d_wn' % li] = jax.random.normal(ks[i], (HID, HID), jnp.float32) * 0.05; i += 1
        inp['u%d_b' % li] = jnp.zeros((HID,), jnp.float32)
    inp['lin_w'] = jax.random.normal(ks[i], (HID, HID), jnp.float32) * 0.05
    inp['lin_b'] = jnp.zeros((HID,), jnp.float32)
    return inp


def reference(x, pos, edge_index, batch, d0_wr, d0_wn, d0_b, d1_wr, d1_wn, d1_b, u0_wr, u0_wn, u0_b, u1_wr, u1_wn, u1_b, lin_w, lin_b):
    down = [(d0_wr, d0_wn, d0_b), (d1_wr, d1_wn, d1_b)]
    up = [(u0_wr, u0_wn, u0_b), (u1_wr, u1_wn, u1_b)]
    ei = edge_index
    cur_pos = pos
    all_pos = [pos]
    edge_indices = [ei]
    perms = []
    n_cur = x.shape[0]
    for i in range(DEPTH):
        wr, wn, b = down[i]
        x = jax.nn.relu(graph_conv(x, ei, wr, wn, b))
        keep = int(n_cur * RATIO)
        perm = jax.random.permutation(jax.random.key(100 + i), n_cur)[:keep]
        cur_pos = cur_pos[perm]
        ei = knn_graph(cur_pos, 6 + i)
        x = x[perm]
        all_pos.append(cur_pos)
        edge_indices.append(ei)
        perms.append(perm)
        n_cur = keep
    for i in range(DEPTH):
        wr, wn, b = up[i]
        n_up = all_pos[-i - 2].shape[0]
        upx = jnp.zeros((n_up, x.shape[1]), x.dtype).at[perms[-i - 1]].set(x)
        x = jax.nn.relu(graph_conv(upx, edge_indices[-i - 2], wr, wn, b))
    return x @ lin_w + lin_b

if __name__ == "__main__":
    import jax
    _d = setup_inputs()
    print(jax.jit(kernel)(*tuple(_d.values())))

</pallas_src>

<mosaic_0001>
#map = affine_map<(d0, d1) -> (0, 0)>
#map1 = affine_map<(d0, d1) -> (0, 0, 0)>
module attributes {stable_mosaic.version = 14 : i64} {
  func.func @k(%arg0: i32, %arg1: i32, %arg2: memref<10000x128xf32, #tpu.memory_space<hbm>>, %arg3: memref<2640x64xi32, #tpu.memory_space<hbm>>, %arg4: memref<2640x64xi32, #tpu.memory_space<hbm>>, %arg5: memref<10112x128xf32, #tpu.memory_space<hbm>>, %arg6: memref<2x10112x128xf32, #tpu.memory_space<hbm>>, %arg7: memref<120x64xi32, #tpu.memory_space<vmem>>, %arg8: memref<120x64xi32, #tpu.memory_space<vmem>>, %arg9: memref<2x64x128xf32, #tpu.memory_space<vmem>>, %arg10: memref<10112x128xf32, #tpu.memory_space<vmem_shared>>, %arg11: memref<2x!tpu.dma_semaphore, #tpu.memory_space<semaphore_mem>>, %arg12: memref<2x!tpu.dma_semaphore, #tpu.memory_space<semaphore_mem>>) attributes {dimension_semantics = [#tpu.dimension_semantics<core_parallel>, #tpu.dimension_semantics<subcore_parallel>], iteration_bounds = array<i64: 2, 16>, scalar_prefetch = 0 : i64, scratch_operands = 6 : i64, tpu.core_type = #tpu.core_type<sc_vector_subcore>, window_params = [{transform_indices = #map}, {transform_indices = #map}, {transform_indices = #map}, {transform_indices = #map}, {transform_indices = #map1}]} {
    %mul3A = arith.constant 16 : i32
    %mul3A_0 = arith.muli %arg0, %mul3A : i32
    %add3A = arith.addi %mul3A_0, %arg1 : i32
    %eq3A = arith.constant 0 : i32
    %eq3A_1 = arith.cmpi eq, %arg0, %eq3A : i32
    %jit3A = arith.constant 120 : i32
    %jit3A_2 = arith.constant 40 : i32
    %select_n3A = arith.select %eq3A_1, %jit3A, %jit3A_2 : i32
    %eq3A_3 = arith.constant 0 : i32
    %eq3A_4 = arith.cmpi eq, %arg0, %eq3A_3 : i32
    %mul3A_5 = arith.constant 120 : i32
    %mul3A_6 = arith.muli %arg1, %mul3A_5 : i32
    %mul3A_7 = arith.constant 40 : i32
    %mul3A_8 = arith.muli %arg1, %mul3A_7 : i32
    %add3A_9 = arith.constant 1920 : i32
    %add3A_10 = arith.addi %add3A_9, %mul3A_8 : i32
    %select_n3A_11 = arith.select %eq3A_4, %mul3A_6, %add3A_10 : i32
    %mul3A_12 = arith.constant 632 : i32
    %mul3A_13 = arith.muli %arg1, %mul3A_12 : i32
    %mul3A_14 = arith.constant 632 : i32
    %mul3A_15 = arith.muli %arg1, %mul3A_14 : i32
    "tpu.region"() ({
      %run_scoped3A = tpu.sem_alloc : memref<!tpu.dma_semaphore, #tpu.memory_space<semaphore_mem>>
      %dma_start3A_158 = arith.constant 0 : i32
      %dma_start3A_159 = tpu.memref_slice %arg10[%mul3A_15, %dma_start3A_158] : memref<10112x128xf32, #tpu.memory_space<vmem_shared>> -> memref<632x128xf32, #tpu.memory_space<vmem_shared>>
      %dma_start3A_160 = arith.constant 0 : i32
      %dma_start3A_161 = tpu.memref_slice %arg5[%mul3A_13, %dma_start3A_160] : memref<10112x128xf32, #tpu.memory_space<hbm>> -> memref<632x128xf32, #tpu.memory_space<hbm>>
      tpu.enqueue_dma source(%dma_start3A_161 : memref<632x128xf32, #tpu.memory_space<hbm>>) target(%dma_start3A_159 : memref<632x128xf32, #tpu.memory_space<vmem_shared>>) target_semaphore(%run_scoped3A : memref<!tpu.dma_semaphore, #tpu.memory_space<semaphore_mem>>)
      %dma_wait3A_162 = arith.constant 0 : i32
      %dma_wait3A_163 = tpu.memref_slice %arg10[%mul3A_15, %dma_wait3A_162] : memref<10112x128xf32, #tpu.memory_space<vmem_shared>> -> memref<632x128xf32, #tpu.memory_space<vmem_shared>>
      %dma_wait3A_164 = arith.constant 0 : i32
      %dma_wait3A_165 = tpu.memref_slice %arg5[%mul3A_13, %dma_wait3A_164] : memref<10112x128xf32, #tpu.memory_space<hbm>> -> memref<632x128xf32, #tpu.memory_space<hbm>>
      tpu.wait_dma2 semaphore(%run_scoped3A : memref<!tpu.dma_semaphore, #tpu.memory_space<semaphore_mem>>) src(%dma_wait3A_165 : memref<632x128xf32, #tpu.memory_space<hbm>>) dst(%dma_wait3A_163 : memref<632x128xf32, #tpu.memory_space<vmem_shared>>)
      tpu.yield
    }) : () -> ()
    "tpu.region"() ({
      %run_scoped3A = tpu.sem_alloc : memref<!tpu.dma_semaphore, #tpu.memory_space<semaphore_mem>>
      %dma_start3A_158 = arith.constant 0 : i32
      %dma_start3A_159 = tpu.memref_slice %arg3[%select_n3A_11, %dma_start3A_158] : memref<2640x64xi32, #tpu.memory_space<hbm>> -> memref<120x64xi32, #tpu.memory_space<hbm>>
      %dma_start3A_160 = arith.constant 0 : i32
      %dma_start3A_161 = tpu.memref_slice %arg3[%select_n3A_11, %dma_start3A_160] : memref<2640x64xi32, #tpu.memory_space<hbm>> -> memref<120x64xi32, #tpu.memory_space<hbm>>
      tpu.enqueue_dma source(%dma_start3A_161 : memref<120x64xi32, #tpu.memory_space<hbm>>) target(%arg7 : memref<120x64xi32, #tpu.memory_space<vmem>>) target_semaphore(%run_scoped3A : memref<!tpu.dma_semaphore, #tpu.memory_space<semaphore_mem>>)
      %dma_wait3A_162 = arith.constant 0 : i32
      %dma_wait3A_163 = tpu.memref_slice %arg3[%select_n3A_11, %dma_wait3A_162] : memref<2640x64xi32, #tpu.memory_space<hbm>> -> memref<120x64xi32, #tpu.memory_space<hbm>>
      %dma_wait3A_164 = arith.constant 0 : i32
      %dma_wait3A_165 = tpu.memref_slice %arg3[%select_n3A_11, %dma_wait3A_164] : memref<2640x64xi32, #tpu.memory_space<hbm>> -> memref<120x64xi32, #tpu.memory_space<hbm>>
      tpu.wait_dma2 semaphore(%run_scoped3A : memref<!tpu.dma_semaphore, #tpu.memory_space<semaphore_mem>>) src(%dma_wait3A_165 : memref<120x64xi32, #tpu.memory_space<hbm>>) dst(%arg7 : memref<120x64xi32, #tpu.memory_space<vmem>>)
      tpu.yield
    }) : () -> ()
    "tpu.region"() ({
      %run_scoped3A = tpu.sem_alloc : memref<!tpu.dma_semaphore, #tpu.memory_space<semaphore_mem>>
      %dma_start3A_158 = arith.constant 0 : i32
      %dma_start3A_159 = tpu.memref_slice %arg4[%select_n3A_11, %dma_start3A_158] : memref<2640x64xi32, #tpu.memory_space<hbm>> -> memref<120x64xi32, #tpu.memory_space<hbm>>
      %dma_start3A_160 = arith.constant 0 : i32
      %dma_start3A_161 = tpu.memref_slice %arg4[%select_n3A_11, %dma_start3A_160] : memref<2640x64xi32, #tpu.memory_space<hbm>> -> memref<120x64xi32, #tpu.memory_space<hbm>>
      tpu.enqueue_dma source(%dma_start3A_161 : memref<120x64xi32, #tpu.memory_space<hbm>>) target(%arg8 : memref<120x64xi32, #tpu.memory_space<vmem>>) target_semaphore(%run_scoped3A : memref<!tpu.dma_semaphore, #tpu.memory_space<semaphore_mem>>)
      %dma_wait3A_162 = arith.constant 0 : i32
      %dma_wait3A_163 = tpu.memref_slice %arg4[%select_n3A_11, %dma_wait3A_162] : memref<2640x64xi32, #tpu.memory_space<hbm>> -> memref<120x64xi32, #tpu.memory_space<hbm>>
      %dma_wait3A_164 = arith.constant 0 : i32
      %dma_wait3A_165 = tpu.memref_slice %arg4[%select_n3A_11, %dma_wait3A_164] : memref<2640x64xi32, #tpu.memory_space<hbm>> -> memref<120x64xi32, #tpu.memory_space<hbm>>
      tpu.wait_dma2 semaphore(%run_scoped3A : memref<!tpu.dma_semaphore, #tpu.memory_space<semaphore_mem>>) src(%dma_wait3A_165 : memref<120x64xi32, #tpu.memory_space<hbm>>) dst(%arg8 : memref<120x64xi32, #tpu.memory_space<vmem>>)
      tpu.yield
    }) : () -> ()
    %barrier3A = arith.constant 0 : index
    tpu.barrier barrier_id(%barrier3A)
    %dma_start3A = arith.constant 0 : i32
    %dma_start3A_16 = arith.constant 0 : i32
    %dma_start3A_17 = arith.constant 0 : i32
    %dma_start3A_18 = arith.constant 0 : i32
    %dma_start3A_19 = arith.constant 0 : i32
    %dma_start3A_20 = tpu.memref_slice %arg9[%dma_start3A_16, %dma_start3A_18, %dma_start3A_19] : memref<2x64x128xf32, #tpu.memory_space<vmem>> -> memref<1x64x128xf32, #tpu.memory_space<vmem>>
    %dma_start3A_21 = tpu.memref_squeeze %dma_start3A_20 : memref<1x64x128xf32, #tpu.memory_space<vmem>> -> memref<64x128xf32, #tpu.memory_space<vmem>>
    %dma_start3A_22 = arith.constant 0 : i32
    %dma_start3A_23 = tpu.memref_slice %arg7[%dma_start3A, %dma_start3A_22] : memref<120x64xi32, #tpu.memory_space<vmem>> -> memref<1x64xi32, #tpu.memory_space<vmem>>
    %dma_start3A_24 = tpu.memref_squeeze %dma_start3A_23 : memref<1x64xi32, #tpu.memory_space<vmem>> -> memref<64xi32, #tpu.memory_space<vmem>>
    %dma_start3A_25 = arith.constant 0 : i32
    %dma_start3A_26 = arith.constant 0 : i32
    %dma_start3A_27 = tpu.memref_slice %arg2[%dma_start3A_25, %dma_start3A_26] : memref<10000x128xf32, #tpu.memory_space<hbm>> -> memref<10000x128xf32, #tpu.memory_space<hbm>>
    %dma_start3A_28 = tpu.memref_slice %arg11[%dma_start3A_17] : memref<2x!tpu.dma_semaphore, #tpu.memory_space<semaphore_mem>> -> memref<1x!tpu.dma_semaphore, #tpu.memory_space<semaphore_mem>>
    %dma_start3A_29 = tpu.memref_squeeze %dma_start3A_28 : memref<1x!tpu.dma_semaphore, #tpu.memory_space<semaphore_mem>> -> memref<!tpu.dma_semaphore, #tpu.memory_space<semaphore_mem>>
    tpu.enqueue_indirect_dma source(%dma_start3A_27 : memref<10000x128xf32, #tpu.memory_space<hbm>>) target(%dma_start3A_21 : memref<64x128xf32, #tpu.memory_space<vmem>>) offsets(%dma_start3A_24 : memref<64xi32, #tpu.memory_space<vmem>>) semaphore(%dma_start3A_29 : memref<!tpu.dma_semaphore, #tpu.memory_space<semaphore_mem>>)
    %dma_start3A_30 = arith.constant 1 : i32
    %dma_start3A_31 = arith.constant 1 : i32
    %dma_start3A_32 = arith.constant 1 : i32
    %dma_start3A_33 = arith.constant 0 : i32
    %dma_start3A_34 = arith.constant 0 : i32
    %dma_start3A_35 = tpu.memref_slice %arg9[%dma_start3A_31, %dma_start3A_33, %dma_start3A_34] : memref<2x64x128xf32, #tpu.memory_space<vmem>> -> memref<1x64x128xf32, #tpu.memory_space<vmem>>
    %dma_start3A_36 = tpu.memref_squeeze %dma_start3A_35 : memref<1x64x128xf32, #tpu.memory_space<vmem>> -> memref<64x128xf32, #tpu.memory_space<vmem>>
    %dma_start3A_37 = arith.constant 0 : i32
    %dma_start3A_38 = tpu.memref_slice %arg7[%dma_start3A_30, %dma_start3A_37] : memref<120x64xi32, #tpu.memory_space<vmem>> -> memref<1x64xi32, #tpu.memory_space<vmem>>
    %dma_start3A_39 = tpu.memref_squeeze %dma_start3A_38 : memref<1x64xi32, #tpu.memory_space<vmem>> -> memref<64xi32, #tpu.memory_space<vmem>>
    %dma_start3A_40 = arith.constant 0 : i32
    %dma_start3A_41 = arith.constant 0 : i32
    %dma_start3A_42 = tpu.memref_slice %arg2[%dma_start3A_40, %dma_start3A_41] : memref<10000x128xf32, #tpu.memory_space<hbm>> -> memref<10000x128xf32, #tpu.memory_space<hbm>>
    %dma_start3A_43 = tpu.memref_slice %arg11[%dma_start3A_32] : memref<2x!tpu.dma_semaphore, #tpu.memory_space<semaphore_mem>> -> memref<1x!tpu.dma_semaphore, #tpu.memory_space<semaphore_mem>>
    %dma_start3A_44 = tpu.memref_squeeze %dma_start3A_43 : memref<1x!tpu.dma_semaphore, #tpu.memory_space<semaphore_mem>> -> memref<!tpu.dma_semaphore, #tpu.memory_space<semaphore_mem>>
    tpu.enqueue_indirect_dma source(%dma_start3A_42 : memref<10000x128xf32, #tpu.memory_space<hbm>>) target(%dma_start3A_36 : memref<64x128xf32, #tpu.memory_space<vmem>>) offsets(%dma_start3A_39 : memref<64xi32, #tpu.memory_space<vmem>>) semaphore(%dma_start3A_44 : memref<!tpu.dma_semaphore, #tpu.memory_space<semaphore_mem>>)
    %dma_wait3A = arith.constant 0 : i32
    %dma_wait3A_45 = arith.constant 0 : i32
    %dma_wait3A_46 = arith.constant 0 : i32
    %dma_wait3A_47 = arith.constant 0 : i32
    %dma_wait3A_48 = arith.constant 0 : i32
    %dma_wait3A_49 = tpu.memref_slice %arg9[%dma_wait3A_45, %dma_wait3A_47, %dma_wait3A_48] : memref<2x64x128xf32, #tpu.memory_space<vmem>> -> memref<1x64x128xf32, #tpu.memory_space<vmem>>
    %dma_wait3A_50 = tpu.memref_squeeze %dma_wait3A_49 : memref<1x64x128xf32, #tpu.memory_space<vmem>> -> memref<64x128xf32, #tpu.memory_space<vmem>>
    %dma_wait3A_51 = arith.constant 0 : i32
    %dma_wait3A_52 = tpu.memref_slice %arg7[%dma_wait3A, %dma_wait3A_51] : memref<120x64xi32, #tpu.memory_space<vmem>> -> memref<1x64xi32, #tpu.memory_space<vmem>>
    %dma_wait3A_53 = tpu.memref_squeeze %dma_wait3A_52 : memref<1x64xi32, #tpu.memory_space<vmem>> -> memref<64xi32, #tpu.memory_space<vmem>>
    %dma_wait3A_54 = arith.constant 0 : i32
    %dma_wait3A_55 = arith.constant 0 : i32
    %dma_wait3A_56 = tpu.memref_slice %arg2[%dma_wait3A_54, %dma_wait3A_55] : memref<10000x128xf32, #tpu.memory_space<hbm>> -> memref<10000x128xf32, #tpu.memory_space<hbm>>
    %dma_wait3A_57 = tpu.memref_slice %arg11[%dma_wait3A_46] : memref<2x!tpu.dma_semaphore, #tpu.memory_space<semaphore_mem>> -> memref<1x!tpu.dma_semaphore, #tpu.memory_space<semaphore_mem>>
    %dma_wait3A_58 = tpu.memref_squeeze %dma_wait3A_57 : memref<1x!tpu.dma_semaphore, #tpu.memory_space<semaphore_mem>> -> memref<!tpu.dma_semaphore, #tpu.memory_space<semaphore_mem>>
    tpu.wait_indirect_dma semaphore(%dma_wait3A_58 : memref<!tpu.dma_semaphore, #tpu.memory_space<semaphore_mem>>) src(%dma_wait3A_56 : memref<10000x128xf32, #tpu.memory_space<hbm>>) dst(%dma_wait3A_50 : memref<64x128xf32, #tpu.memory_space<vmem>>)
    %dma_start3A_59 = arith.constant 0 : i32
    %dma_start3A_60 = arith.constant 0 : i32
    %dma_start3A_61 = arith.constant 0 : i32
    %dma_start3A_62 = arith.constant 0 : i32
    %dma_start3A_63 = arith.constant 0 : i32
    %dma_start3A_64 = tpu.memref_slice %arg9[%dma_start3A_59, %dma_start3A_62, %dma_start3A_63] : memref<2x64x128xf32, #tpu.memory_space<vmem>> -> memref<1x64x128xf32, #tpu.memory_space<vmem>>
    %dma_start3A_65 = tpu.memref_squeeze %dma_start3A_64 : memref<1x64x128xf32, #tpu.memory_space<vmem>> -> memref<64x128xf32, #tpu.memory_space<vmem>>
    %dma_start3A_66 = arith.constant 0 : i32
    %dma_start3A_67 = tpu.memref_slice %arg8[%dma_start3A_60, %dma_start3A_66] : memref<120x64xi32, #tpu.memory_space<vmem>> -> memref<1x64xi32, #tpu.memory_space<vmem>>
    %dma_start3A_68 = tpu.memref_squeeze %dma_start3A_67 : memref<1x64xi32, #tpu.memory_space<vmem>> -> memref<64xi32, #tpu.memory_space<vmem>>
    %dma_start3A_69 = arith.constant 0 : i32
    %dma_start3A_70 = arith.constant 0 : i32
    %dma_start3A_71 = tpu.memref_slice %arg10[%dma_start3A_69, %dma_start3A_70] : memref<10112x128xf32, #tpu.memory_space<vmem_shared>> -> memref<10112x128xf32, #tpu.memory_space<vmem_shared>>
    %dma_start3A_72 = tpu.memref_slice %arg12[%dma_start3A_61] : memref<2x!tpu.dma_semaphore, #tpu.memory_space<semaphore_mem>> -> memref<1x!tpu.dma_semaphore, #tpu.memory_space<semaphore_mem>>
    %dma_start3A_73 = tpu.memref_squeeze %dma_start3A_72 : memref<1x!tpu.dma_semaphore, #tpu.memory_space<semaphore_mem>> -> memref<!tpu.dma_semaphore, #tpu.memory_space<semaphore_mem>>
    tpu.enqueue_indirect_dma source(%dma_start3A_65 : memref<64x128xf32, #tpu.memory_space<vmem>>) target(%dma_start3A_71 : memref<10112x128xf32, #tpu.memory_space<vmem_shared>>) offsets(%dma_start3A_68 : memref<64xi32, #tpu.memory_space<vmem>>) semaphore(%dma_start3A_73 : memref<!tpu.dma_semaphore, #tpu.memory_space<semaphore_mem>>) {add = true}
    %sub3A = arith.constant 1 : i32
    %sub3A_74 = arith.subi %select_n3A, %sub3A : i32
    %sub3A_75 = arith.constant 1 : i32
    %sub3A_76 = arith.subi %sub3A_74, %sub3A_75 : i32
    %sub3A_77 = arith.constant 2 : i32
    %sub3A_78 = arith.constant 1 : i32
    %sub3A_79 = arith.subi %sub3A_77, %sub3A_78 : i32
    %add3A_80 = arith.addi %sub3A_76, %sub3A_79 : i32
    %div3A = arith.constant 2 : i32
    %div3A_81 = arith.divsi %add3A_80, %div3A : i32
    %while3A = arith.constant 2 : i32
    %while3A_82 = arith.constant 1 : i32
    %while3A_83 = arith.constant 0 : i32
    %while3A_84 = arith.subi %div3A_81, %while3A_83 : i32
    %while3A_85 = arith.addi %while3A_83, %while3A_84 : i32
    %while3A_86 = arith.constant 1 : i32
    %while3A_87 = arith.divsi %while3A_84, %while3A_86 : i32
    %while3A_88 = arith.muli %while3A_87, %while3A_86 : i32
    %while3A_89 = arith.addi %while3A_83, %while3A_88 : i32
    %while3A_90 = arith.constant 1 : i32
    scf.for %while3A_158 = %while3A_83 to %while3A_89 step %while3A_90  : i32 {
      %mul3A_159 = arith.muli %while3A_158, %while3A : i32
      %add3A_160 = arith.addi %while3A_82, %mul3A_159 : i32
      %add3A_161 = arith.constant 0 : i32
      %add3A_162 = arith.addi %add3A_160, %add3A_161 : i32
      %dma_wait3A_163 = arith.constant 0 : i32
      %dma_wait3A_164 = arith.constant 0 : i32
      %dma_wait3A_165 = arith.constant 0 : i32
      %dma_wait3A_166 = arith.constant 0 : i32
      %dma_wait3A_167 = arith.constant 0 : i32
      %dma_wait3A_168 = tpu.memref_slice %arg9[%dma_wait3A_163, %dma_wait3A_166, %dma_wait3A_167] : memref<2x64x128xf32, #tpu.memory_space<vmem>> -> memref<1x64x128xf32, #tpu.memory_space<vmem>>
      %dma_wait3A_169 = tpu.memref_squeeze %dma_wait3A_168 : memref<1x64x128xf32, #tpu.memory_space<vmem>> -> memref<64x128xf32, #tpu.memory_space<vmem>>
      %dma_wait3A_170 = arith.constant 0 : i32
      %dma_wait3A_171 = tpu.memref_slice %arg8[%dma_wait3A_164, %dma_wait3A_170] : memref<120x64xi32, #tpu.memory_space<vmem>> -> memref<1x64xi32, #tpu.memory_space<vmem>>
      %dma_wait3A_172 = tpu.memref_squeeze %dma_wait3A_171 : memref<1x64xi32, #tpu.memory_space<vmem>> -> memref<64xi32, #tpu.memory_space<vmem>>
      %dma_wait3A_173 = arith.constant 0 : i32
      %dma_wait3A_174 = arith.constant 0 : i32
      %dma_wait3A_175 = tpu.memref_slice %arg10[%dma_wait3A_173, %dma_wait3A_174] : memref<10112x128xf32, #tpu.memory_space<vmem_shared>> -> memref<10112x128xf32, #tpu.memory_space<vmem_shared>>
      %dma_wait3A_176 = tpu.memref_slice %arg12[%dma_wait3A_165] : memref<2x!tpu.dma_semaphore, #tpu.memory_space<semaphore_mem>> -> memref<1x!tpu.dma_semaphore, #tpu.memory_space<semaphore_mem>>
      %dma_wait3A_177 = tpu.memref_squeeze %dma_wait3A_176 : memref<1x!tpu.dma_semaphore, #tpu.memory_space<semaphore_mem>> -> memref<!tpu.dma_semaphore, #tpu.memory_space<semaphore_mem>>
      tpu.wait_indirect_dma semaphore(%dma_wait3A_177 : memref<!tpu.dma_semaphore, #tpu.memory_space<semaphore_mem>>) src(%dma_wait3A_169 : memref<64x128xf32, #tpu.memory_space<vmem>>) dst(%dma_wait3A_175 : memref<10112x128xf32, #tpu.memory_space<vmem_shared>>)
      %add3A_178 = arith.constant 1 : i32
      %add3A_179 = arith.addi %add3A_162, %add3A_178 : i32
      %dma_start3A_180 = arith.constant 0 : i32
      %dma_start3A_181 = arith.constant 0 : i32
      %dma_start3A_182 = arith.constant 0 : i32
      %dma_start3A_183 = arith.constant 0 : i32
      %dma_start3A_184 = tpu.memref_slice %arg9[%dma_start3A_180, %dma_start3A_182, %dma_start3A_183] : memref<2x64x128xf32, #tpu.memory_space<vmem>> -> memref<1x64x128xf32, #tpu.memory_space<vmem>>
      %dma_start3A_185 = tpu.memref_squeeze %dma_start3A_184 : memref<1x64x128xf32, #tpu.memory_space<vmem>> -> memref<64x128xf32, #tpu.memory_space<vmem>>
      %dma_start3A_186 = arith.constant 0 : i32
      %dma_start3A_187 = tpu.memref_slice %arg7[%add3A_179, %dma_start3A_186] : memref<120x64xi32, #tpu.memory_space<vmem>> -> memref<1x64xi32, #tpu.memory_space<vmem>>
      %dma_start3A_188 = tpu.memref_squeeze %dma_start3A_187 : memref<1x64xi32, #tpu.memory_space<vmem>> -> memref<64xi32, #tpu.memory_space<vmem>>
      %dma_start3A_189 = arith.constant 0 : i32
      %dma_start3A_190 = arith.constant 0 : i32
      %dma_start3A_191 = tpu.memref_slice %arg2[%dma_start3A_189, %dma_start3A_190] : memref<10000x128xf32, #tpu.memory_space<hbm>> -> memref<10000x128xf32, #tpu.memory_space<hbm>>
      %dma_start3A_192 = tpu.memref_slice %arg11[%dma_start3A_181] : memref<2x!tpu.dma_semaphore, #tpu.memory_space<semaphore_mem>> -> memref<1x!tpu.dma_semaphore, #tpu.memory_space<semaphore_mem>>
      %dma_start3A_193 = tpu.memref_squeeze %dma_start3A_192 : memref<1x!tpu.dma_semaphore, #tpu.memory_space<semaphore_mem>> -> memref<!tpu.dma_semaphore, #tpu.memory_space<semaphore_mem>>
      tpu.enqueue_indirect_dma source(%dma_start3A_191 : memref<10000x128xf32, #tpu.memory_space<hbm>>) target(%dma_start3A_185 : memref<64x128xf32, #tpu.memory_space<vmem>>) offsets(%dma_start3A_188 : memref<64xi32, #tpu.memory_space<vmem>>) semaphore(%dma_start3A_193 : memref<!tpu.dma_semaphore, #tpu.memory_space<semaphore_mem>>)
      %dma_wait3A_194 = arith.constant 0 : i32
      %dma_wait3A_195 = arith.constant 1 : i32
      %dma_wait3A_196 = arith.constant 1 : i32
      %dma_wait3A_197 = arith.constant 0 : i32
      %dma_wait3A_198 = arith.constant 0 : i32
      %dma_wait3A_199 = tpu.memref_slice %arg9[%dma_wait3A_195, %dma_wait3A_197, %dma_wait3A_198] : memref<2x64x128xf32, #tpu.memory_space<vmem>> -> memref<1x64x128xf32, #tpu.memory_space<vmem>>
      %dma_wait3A_200 = tpu.memref_squeeze %dma_wait3A_199 : memref<1x64x128xf32, #tpu.memory_space<vmem>> -> memref<64x128xf32, #tpu.memory_space<vmem>>
      %dma_wait3A_201 = arith.constant 0 : i32
      %dma_wait3A_202 = tpu.memref_slice %arg7[%dma_wait3A_194, %dma_wait3A_201] : memref<120x64xi32, #tpu.memory_space<vmem>> -> memref<1x64xi32, #tpu.memory_space<vmem>>
      %dma_wait3A_203 = tpu.memref_squeeze %dma_wait3A_202 : memref<1x64xi32, #tpu.memory_space<vmem>> -> memref<64xi32, #tpu.memory_space<vmem>>
      %dma_wait3A_204 = arith.constant 0 : i32
      %dma_wait3A_205 = arith.constant 0 : i32
      %dma_wait3A_206 = tpu.memref_slice %arg2[%dma_wait3A_204, %dma_wait3A_205] : memref<10000x128xf32, #tpu.memory_space<hbm>> -> memref<10000x128xf32, #tpu.memory_space<hbm>>
      %dma_wait3A_207 = tpu.memref_slice %arg11[%dma_wait3A_196] : memref<2x!tpu.dma_semaphore, #tpu.memory_space<semaphore_mem>> -> memref<1x!tpu.dma_semaphore, #tpu.memory_space<semaphore_mem>>
      %dma_wait3A_208 = tpu.memref_squeeze %dma_wait3A_207 : memref<1x!tpu.dma_semaphore, #tpu.memory_space<semaphore_mem>> -> memref<!tpu.dma_semaphore, #tpu.memory_space<semaphore_mem>>
      tpu.wait_indirect_dma semaphore(%dma_wait3A_208 : memref<!tpu.dma_semaphore, #tpu.memory_space<semaphore_mem>>) src(%dma_wait3A_206 : memref<10000x128xf32, #tpu.memory_space<hbm>>) dst(%dma_wait3A_200 : memref<64x128xf32, #tpu.memory_space<vmem>>)
      %dma_start3A_209 = arith.constant 1 : i32
      %dma_start3A_210 = arith.constant 1 : i32
      %dma_start3A_211 = arith.constant 0 : i32
      %dma_start3A_212 = arith.constant 0 : i32
      %dma_start3A_213 = tpu.memref_slice %arg9[%dma_start3A_209, %dma_start3A_211, %dma_start3A_212] : memref<2x64x128xf32, #tpu.memory_space<vmem>> -> memref<1x64x128xf32, #tpu.memory_space<vmem>>
      %dma_start3A_214 = tpu.memref_squeeze %dma_start3A_213 : memref<1x64x128xf32, #tpu.memory_space<vmem>> -> memref<64x128xf32, #tpu.memory_space<vmem>>
      %dma_start3A_215 = arith.constant 0 : i32
      %dma_start3A_216 = tpu.memref_slice %arg8[%add3A_162, %dma_start3A_215] : memref<120x64xi32, #tpu.memory_space<vmem>> -> memref<1x64xi32, #tpu.memory_space<vmem>>
      %dma_start3A_217 = tpu.memref_squeeze %dma_start3A_216 : memref<1x64xi32, #tpu.memory_space<vmem>> -> memref<64xi32, #tpu.memory_space<vmem>>
      %dma_start3A_218 = arith.constant 0 : i32
      %dma_start3A_219 = arith.constant 0 : i32
      %dma_start3A_220 = tpu.memref_slice %arg10[%dma_start3A_218, %dma_start3A_219] : memref<10112x128xf32, #tpu.memory_space<vmem_shared>> -> memref<10112x128xf32, #tpu.memory_space<vmem_shared>>
      %dma_start3A_221 = tpu.memref_slice %arg12[%dma_start3A_210] : memref<2x!tpu.dma_semaphore, #tpu.memory_space<semaphore_mem>> -> memref<1x!tpu.dma_semaphore, #tpu.memory_space<semaphore_mem>>
      %dma_start3A_222 = tpu.memref_squeeze %dma_start3A_221 : memref<1x!tpu.dma_semaphore, #tpu.memory_space<semaphore_mem>> -> memref<!tpu.dma_semaphore, #tpu.memory_space<semaphore_mem>>
      tpu.enqueue_indirect_dma source(%dma_start3A_214 : memref<64x128xf32, #tpu.memory_space<vmem>>) target(%dma_start3A_220 : memref<10112x128xf32, #tpu.memory_space<vmem_shared>>) offsets(%dma_start3A_217 : memref<64xi32, #tpu.memory_space<vmem>>) semaphore(%dma_start3A_222 : memref<!tpu.dma_semaphore, #tpu.memory_space<semaphore_mem>>) {add = true}
      %add3A_223 = arith.constant 1 : i32
      %add3A_224 = arith.addi %add3A_160, %add3A_223 : i32
      %dma_wait3A_225 = arith.constant 1 : i32
      %dma_wait3A_226 = arith.constant 0 : i32
      %dma_wait3A_227 = arith.constant 1 : i32
      %dma_wait3A_228 = arith.constant 0 : i32
      %dma_wait3A_229 = arith.constant 0 : i32
      %dma_wait3A_230 = tpu.memref_slice %arg9[%dma_wait3A_225, %dma_wait3A_228, %dma_wait3A_229] : memref<2x64x128xf32, #tpu.memory_space<vmem>> -> memref<1x64x128xf32, #tpu.memory_space<vmem>>
      %dma_wait3A_231 = tpu.memref_squeeze %dma_wait3A_230 : memref<1x64x128xf32, #tpu.memory_space<vmem>> -> memref<64x128xf32, #tpu.memory_space<vmem>>
      %dma_wait3A_232 = arith.constant 0 : i32
      %dma_wait3A_233 = tpu.memref_slice %arg8[%dma_wait3A_226, %dma_wait3A_232] : memref<120x64xi32, #tpu.memory_space<vmem>> -> memref<1x64xi32, #tpu.memory_space<vmem>>
      %dma_wait3A_234 = tpu.memref_squeeze %dma_wait3A_233 : memref<1x64xi32, #tpu.memory_space<vmem>> -> memref<64xi32, #tpu.memory_space<vmem>>
      %dma_wait3A_235 = arith.constant 0 : i32
      %dma_wait3A_236 = arith.constant 0 : i32
      %dma_wait3A_237 = tpu.memref_slice %arg10[%dma_wait3A_235, %dma_wait3A_236] : memref<10112x128xf32, #tpu.memory_space<vmem_shared>> -> memref<10112x128xf32, #tpu.memory_space<vmem_shared>>
      %dma_wait3A_238 = tpu.memref_slice %arg12[%dma_wait3A_227] : memref<2x!tpu.dma_semaphore, #tpu.memory_space<semaphore_mem>> -> memref<1x!tpu.dma_semaphore, #tpu.memory_space<semaphore_mem>>
      %dma_wait3A_239 = tpu.memref_squeeze %dma_wait3A_238 : memref<1x!tpu.dma_semaphore, #tpu.memory_space<semaphore_mem>> -> memref<!tpu.dma_semaphore, #tpu.memory_space<semaphore_mem>>
      tpu.wait_indirect_dma semaphore(%dma_wait3A_239 : memref<!tpu.dma_semaphore, #tpu.memory_space<semaphore_mem>>) src(%dma_wait3A_231 : memref<64x128xf32, #tpu.memory_space<vmem>>) dst(%dma_wait3A_237 : memref<10112x128xf32, #tpu.memory_space<vmem_shared>>)
      %add3A_240 = arith.constant 1 : i32
      %add3A_241 = arith.addi %add3A_224, %add3A_240 : i32
      %dma_start3A_242 = arith.constant 1 : i32
      %dma_start3A_243 = arith.constant 1 : i32
      %dma_start3A_244 = arith.constant 0 : i32
      %dma_start3A_245 = arith.constant 0 : i32
      %dma_start3A_246 = tpu.memref_slice %arg9[%dma_start3A_242, %dma_start3A_244, %dma_start3A_245] : memref<2x64x128xf32, #tpu.memory_space<vmem>> -> memref<1x64x128xf32, #tpu.memory_space<vmem>>
      %dma_start3A_247 = tpu.memref_squeeze %dma_start3A_246 : memref<1x64x128xf32, #tpu.memory_space<vmem>> -> memref<64x128xf32, #tpu.memory_space<vmem>>
      %dma_start3A_248 = arith.constant 0 : i32
      %dma_start3A_249 = tpu.memref_slice %arg7[%add3A_241, %dma_start3A_248] : memref<120x64xi32, #tpu.memory_space<vmem>> -> memref<1x64xi32, #tpu.memory_space<vmem>>
      %dma_start3A_250 = tpu.memref_squeeze %dma_start3A_249 : memref<1x64xi32, #tpu.memory_space<vmem>> -> memref<64xi32, #tpu.memory_space<vmem>>
      %dma_start3A_251 = arith.constant 0 : i32
      %dma_start3A_252 = arith.constant 0 : i32
      %dma_start3A_253 = tpu.memref_slice %arg2[%dma_start3A_251, %dma_start3A_252] : memref<10000x128xf32, #tpu.memory_space<hbm>> -> memref<10000x128xf32, #tpu.memory_space<hbm>>
      %dma_start3A_254 = tpu.memref_slice %arg11[%dma_start3A_243] : memref<2x!tpu.dma_semaphore, #tpu.memory_space<semaphore_mem>> -> memref<1x!tpu.dma_semaphore, #tpu.memory_space<semaphore_mem>>
      %dma_start3A_255 = tpu.memref_squeeze %dma_start3A_254 : memref<1x!tpu.dma_semaphore, #tpu.memory_space<semaphore_mem>> -> memref<!tpu.dma_semaphore, #tpu.memory_space<semaphore_mem>>
      tpu.enqueue_indirect_dma source(%dma_start3A_253 : memref<10000x128xf32, #tpu.memory_space<hbm>>) target(%dma_start3A_247 : memref<64x128xf32, #tpu.memory_space<vmem>>) offsets(%dma_start3A_250 : memref<64xi32, #tpu.memory_space<vmem>>) semaphore(%dma_start3A_255 : memref<!tpu.dma_semaphore, #tpu.memory_space<semaphore_mem>>)
      %dma_wait3A_256 = arith.constant 0 : i32
      %dma_wait3A_257 = arith.constant 0 : i32
      %dma_wait3A_258 = arith.constant 0 : i32
      %dma_wait3A_259 = arith.constant 0 : i32
      %dma_wait3A_260 = arith.constant 0 : i32
      %dma_wait3A_261 = tpu.memref_slice %arg9[%dma_wait3A_257, %dma_wait3A_259, %dma_wait3A_260] : memref<2x64x128xf32, #tpu.memory_space<vmem>> -> memref<1x64x128xf32, #tpu.memory_space<vmem>>
      %dma_wait3A_262 = tpu.memref_squeeze %dma_wait3A_261 : memref<1x64x128xf32, #tpu.memory_space<vmem>> -> memref<64x128xf32, #tpu.memory_space<vmem>>
      %dma_wait3A_263 = arith.constant 0 : i32
      %dma_wait3A_264 = tpu.memref_slice %arg7[%dma_wait3A_256, %dma_wait3A_263] : memref<120x64xi32, #tpu.memory_space<vmem>> -> memref<1x64xi32, #tpu.memory_space<vmem>>
      %dma_wait3A_265 = tpu.memref_squeeze %dma_wait3A_264 : memref<1x64xi32, #tpu.memory_space<vmem>> -> memref<64xi32, #tpu.memory_space<vmem>>
      %dma_wait3A_266 = arith.constant 0 : i32
      %dma_wait3A_267 = arith.constant 0 : i32
      %dma_wait3A_268 = tpu.memref_slice %arg2[%dma_wait3A_266, %dma_wait3A_267] : memref<10000x128xf32, #tpu.memory_space<hbm>> -> memref<10000x128xf32, #tpu.memory_space<hbm>>
      %dma_wait3A_269 = tpu.memref_slice %arg11[%dma_wait3A_258] : memref<2x!tpu.dma_semaphore, #tpu.memory_space<semaphore_mem>> -> memref<1x!tpu.dma_semaphore, #tpu.memory_space<semaphore_mem>>
      %dma_wait3A_270 = tpu.memref_squeeze %dma_wait3A_269 : memref<1x!tpu.dma_semaphore, #tpu.memory_space<semaphore_mem>> -> memref<!tpu.dma_semaphore, #tpu.memory_space<semaphore_mem>>
      tpu.wait_indirect_dma semaphore(%dma_wait3A_270 : memref<!tpu.dma_semaphore, #tpu.memory_space<semaphore_mem>>) src(%dma_wait3A_268 : memref<10000x128xf32, #tpu.memory_space<hbm>>) dst(%dma_wait3A_262 : memref<64x128xf32, #tpu.memory_space<vmem>>)
      %dma_start3A_271 = arith.constant 0 : i32
      %dma_start3A_272 = arith.constant 0 : i32
      %dma_start3A_273 = arith.constant 0 : i32
      %dma_start3A_274 = arith.constant 0 : i32
      %dma_start3A_275 = tpu.memref_slice %arg9[%dma_start3A_271, %dma_start3A_273, %dma_start3A_274] : memref<2x64x128xf32, #tpu.memory_space<vmem>> -> memref<1x64x128xf32, #tpu.memory_space<vmem>>
      %dma_start3A_276 = tpu.memref_squeeze %dma_start3A_275 : memref<1x64x128xf32, #tpu.memory_space<vmem>> -> memref<64x128xf32, #tpu.memory_space<vmem>>
      %dma_start3A_277 = arith.constant 0 : i32
      %dma_start3A_278 = tpu.memref_slice %arg8[%add3A_224, %dma_start3A_277] : memref<120x64xi32, #tpu.memory_space<vmem>> -> memref<1x64xi32, #tpu.memory_space<vmem>>
      %dma_start3A_279 = tpu.memref_squeeze %dma_start3A_278 : memref<1x64xi32, #tpu.memory_space<vmem>> -> memref<64xi32, #tpu.memory_space<vmem>>
      %dma_start3A_280 = arith.constant 0 : i32
      %dma_start3A_281 = arith.constant 0 : i32
      %dma_start3A_282 = tpu.memref_slice %arg10[%dma_start3A_280, %dma_start3A_281] : memref<10112x128xf32, #tpu.memory_space<vmem_shared>> -> memref<10112x128xf32, #tpu.memory_space<vmem_shared>>
      %dma_start3A_283 = tpu.memref_slice %arg12[%dma_start3A_272] : memref<2x!tpu.dma_semaphore, #tpu.memory_space<semaphore_mem>> -> memref<1x!tpu.dma_semaphore, #tpu.memory_space<semaphore_mem>>
      %dma_start3A_284 = tpu.memref_squeeze %dma_start3A_283 : memref<1x!tpu.dma_semaphore, #tpu.memory_space<semaphore_mem>> -> memref<!tpu.dma_semaphore, #tpu.memory_space<semaphore_mem>>
      tpu.enqueue_indirect_dma source(%dma_start3A_276 : memref<64x128xf32, #tpu.memory_space<vmem>>) target(%dma_start3A_282 : memref<10112x128xf32, #tpu.memory_space<vmem_shared>>) offsets(%dma_start3A_279 : memref<64xi32, #tpu.memory_space<vmem>>) semaphore(%dma_start3A_284 : memref<!tpu.dma_semaphore, #tpu.memory_space<semaphore_mem>>) {add = true}
    }
    %while3A_91 = arith.constant 1 : i32
    scf.for %while3A_158 = %while3A_89 to %while3A_85 step %while3A_91  : i32 {
      %mul3A_159 = arith.muli %while3A_158, %while3A : i32
      %add3A_160 = arith.addi %while3A_82, %mul3A_159 : i32
      %add3A_161 = arith.constant 0 : i32
      %add3A_162 = arith.addi %add3A_160, %add3A_161 : i32
      %dma_wait3A_163 = arith.constant 0 : i32
      %dma_wait3A_164 = arith.constant 0 : i32
      %dma_wait3A_165 = arith.constant 0 : i32
      %dma_wait3A_166 = arith.constant 0 : i32
      %dma_wait3A_167 = arith.constant 0 : i32
      %dma_wait3A_168 = tpu.memref_slice %arg9[%dma_wait3A_163, %dma_wait3A_166, %dma_wait3A_167] : memref<2x64x128xf32, #tpu.memory_space<vmem>> -> memref<1x64x128xf32, #tpu.memory_space<vmem>>
      %dma_wait3A_169 = tpu.memref_squeeze %dma_wait3A_168 : memref<1x64x128xf32, #tpu.memory_space<vmem>> -> memref<64x128xf32, #tpu.memory_space<vmem>>
      %dma_wait3A_170 = arith.constant 0 : i32
      %dma_wait3A_171 = tpu.memref_slice %arg8[%dma_wait3A_164, %dma_wait3A_170] : memref<120x64xi32, #tpu.memory_space<vmem>> -> memref<1x64xi32, #tpu.memory_space<vmem>>
      %dma_wait3A_172 = tpu.memref_squeeze %dma_wait3A_171 : memref<1x64xi32, #tpu.memory_space<vmem>> -> memref<64xi32, #tpu.memory_space<vmem>>
      %dma_wait3A_173 = arith.constant 0 : i32
      %dma_wait3A_174 = arith.constant 0 : i32
      %dma_wait3A_175 = tpu.memref_slice %arg10[%dma_wait3A_173, %dma_wait3A_174] : memref<10112x128xf32, #tpu.memory_space<vmem_shared>> -> memref<10112x128xf32, #tpu.memory_space<vmem_shared>>
      %dma_wait3A_176 = tpu.memref_slice %arg12[%dma_wait3A_165] : memref<2x!tpu.dma_semaphore, #tpu.memory_space<semaphore_mem>> -> memref<1x!tpu.dma_semaphore, #tpu.memory_space<semaphore_mem>>
      %dma_wait3A_177 = tpu.memref_squeeze %dma_wait3A_176 : memref<1x!tpu.dma_semaphore, #tpu.memory_space<semaphore_mem>> -> memref<!tpu.dma_semaphore, #tpu.memory_space<semaphore_mem>>
      tpu.wait_indirect_dma semaphore(%dma_wait3A_177 : memref<!tpu.dma_semaphore, #tpu.memory_space<semaphore_mem>>) src(%dma_wait3A_169 : memref<64x128xf32, #tpu.memory_space<vmem>>) dst(%dma_wait3A_175 : memref<10112x128xf32, #tpu.memory_space<vmem_shared>>)
      %add3A_178 = arith.constant 1 : i32
      %add3A_179 = arith.addi %add3A_162, %add3A_178 : i32
      %dma_start3A_180 = arith.constant 0 : i32
      %dma_start3A_181 = arith.constant 0 : i32
      %dma_start3A_182 = arith.constant 0 : i32
      %dma_start3A_183 = arith.constant 0 : i32
      %dma_start3A_184 = tpu.memref_slice %arg9[%dma_start3A_180, %dma_start3A_182, %dma_start3A_183] : memref<2x64x128xf32, #tpu.memory_space<vmem>> -> memref<1x64x128xf32, #tpu.memory_space<vmem>>
      %dma_start3A_185 = tpu.memref_squeeze %dma_start3A_184 : memref<1x64x128xf32, #tpu.memory_space<vmem>> -> memref<64x128xf32, #tpu.memory_space<vmem>>
      %dma_start3A_186 = arith.constant 0 : i32
      %dma_start3A_187 = tpu.memref_slice %arg7[%add3A_179, %dma_start3A_186] : memref<120x64xi32, #tpu.memory_space<vmem>> -> memref<1x64xi32, #tpu.memory_space<vmem>>
      %dma_start3A_188 = tpu.memref_squeeze %dma_start3A_187 : memref<1x64xi32, #tpu.memory_space<vmem>> -> memref<64xi32, #tpu.memory_space<vmem>>
      %dma_start3A_189 = arith.constant 0 : i32
      %dma_start3A_190 = arith.constant 0 : i32
      %dma_start3A_191 = tpu.memref_slice %arg2[%dma_start3A_189, %dma_start3A_190] : memref<10000x128xf32, #tpu.memory_space<hbm>> -> memref<10000x128xf32, #tpu.memory_space<hbm>>
      %dma_start3A_192 = tpu.memref_slice %arg11[%dma_start3A_181] : memref<2x!tpu.dma_semaphore, #tpu.memory_space<semaphore_mem>> -> memref<1x!tpu.dma_semaphore, #tpu.memory_space<semaphore_mem>>
      %dma_start3A_193 = tpu.memref_squeeze %dma_start3A_192 : memref<1x!tpu.dma_semaphore, #tpu.memory_space<semaphore_mem>> -> memref<!tpu.dma_semaphore, #tpu.memory_space<semaphore_mem>>
      tpu.enqueue_indirect_dma source(%dma_start3A_191 : memref<10000x128xf32, #tpu.memory_space<hbm>>) target(%dma_start3A_185 : memref<64x128xf32, #tpu.memory_space<vmem>>) offsets(%dma_start3A_188 : memref<64xi32, #tpu.memory_space<vmem>>) semaphore(%dma_start3A_193 : memref<!tpu.dma_semaphore, #tpu.memory_space<semaphore_mem>>)
      %dma_wait3A_194 = arith.constant 0 : i32
      %dma_wait3A_195 = arith.constant 1 : i32
      %dma_wait3A_196 = arith.constant 1 : i32
      %dma_wait3A_197 = arith.constant 0 : i32
      %dma_wait3A_198 = arith.constant 0 : i32
      %dma_wait3A_199 = tpu.memref_slice %arg9[%dma_wait3A_195, %dma_wait3A_197, %dma_wait3A_198] : memref<2x64x128xf32, #tpu.memory_space<vmem>> -> memref<1x64x128xf32, #tpu.memory_space<vmem>>
      %dma_wait3A_200 = tpu.memref_squeeze %dma_wait3A_199 : memref<1x64x128xf32, #tpu.memory_space<vmem>> -> memref<64x128xf32, #tpu.memory_space<vmem>>
      %dma_wait3A_201 = arith.constant 0 : i32
      %dma_wait3A_202 = tpu.memref_slice %arg7[%dma_wait3A_194, %dma_wait3A_201] : memref<120x64xi32, #tpu.memory_space<vmem>> -> memref<1x64xi32, #tpu.memory_space<vmem>>
      %dma_wait3A_203 = tpu.memref_squeeze %dma_wait3A_202 : memref<1x64xi32, #tpu.memory_space<vmem>> -> memref<64xi32, #tpu.memory_space<vmem>>
      %dma_wait3A_204 = arith.constant 0 : i32
      %dma_wait3A_205 = arith.constant 0 : i32
      %dma_wait3A_206 = tpu.memref_slice %arg2[%dma_wait3A_204, %dma_wait3A_205] : memref<10000x128xf32, #tpu.memory_space<hbm>> -> memref<10000x128xf32, #tpu.memory_space<hbm>>
      %dma_wait3A_207 = tpu.memref_slice %arg11[%dma_wait3A_196] : memref<2x!tpu.dma_semaphore, #tpu.memory_space<semaphore_mem>> -> memref<1x!tpu.dma_semaphore, #tpu.memory_space<semaphore_mem>>
      %dma_wait3A_208 = tpu.memref_squeeze %dma_wait3A_207 : memref<1x!tpu.dma_semaphore, #tpu.memory_space<semaphore_mem>> -> memref<!tpu.dma_semaphore, #tpu.memory_space<semaphore_mem>>
      tpu.wait_indirect_dma semaphore(%dma_wait3A_208 : memref<!tpu.dma_semaphore, #tpu.memory_space<semaphore_mem>>) src(%dma_wait3A_206 : memref<10000x128xf32, #tpu.memory_space<hbm>>) dst(%dma_wait3A_200 : memref<64x128xf32, #tpu.memory_space<vmem>>)
      %dma_start3A_209 = arith.constant 1 : i32
      %dma_start3A_210 = arith.constant 1 : i32
      %dma_start3A_211 = arith.constant 0 : i32
      %dma_start3A_212 = arith.constant 0 : i32
      %dma_start3A_213 = tpu.memref_slice %arg9[%dma_start3A_209, %dma_start3A_211, %dma_start3A_212] : memref<2x64x128xf32, #tpu.memory_space<vmem>> -> memref<1x64x128xf32, #tpu.memory_space<vmem>>
      %dma_start3A_214 = tpu.memref_squeeze %dma_start3A_213 : memref<1x64x128xf32, #tpu.memory_space<vmem>> -> memref<64x128xf32, #tpu.memory_space<vmem>>
      %dma_start3A_215 = arith.constant 0 : i32
      %dma_start3A_216 = tpu.memref_slice %arg8[%add3A_162, %dma_start3A_215] : memref<120x64xi32, #tpu.memory_space<vmem>> -> memref<1x64xi32, #tpu.memory_space<vmem>>
      %dma_start3A_217 = tpu.memref_squeeze %dma_start3A_216 : memref<1x64xi32, #tpu.memory_space<vmem>> -> memref<64xi32, #tpu.memory_space<vmem>>
      %dma_start3A_218 = arith.constant 0 : i32
      %dma_start3A_219 = arith.constant 0 : i32
      %dma_start3A_220 = tpu.memref_slice %arg10[%dma_start3A_218, %dma_start3A_219] : memref<10112x128xf32, #tpu.memory_space<vmem_shared>> -> memref<10112x128xf32, #tpu.memory_space<vmem_shared>>
      %dma_start3A_221 = tpu.memref_slice %arg12[%dma_start3A_210] : memref<2x!tpu.dma_semaphore, #tpu.memory_space<semaphore_mem>> -> memref<1x!tpu.dma_semaphore, #tpu.memory_space<semaphore_mem>>
      %dma_start3A_222 = tpu.memref_squeeze %dma_start3A_221 : memref<1x!tpu.dma_semaphore, #tpu.memory_space<semaphore_mem>> -> memref<!tpu.dma_semaphore, #tpu.memory_space<semaphore_mem>>
      tpu.enqueue_indirect_dma source(%dma_start3A_214 : memref<64x128xf32, #tpu.memory_space<vmem>>) target(%dma_start3A_220 : memref<10112x128xf32, #tpu.memory_space<vmem_shared>>) offsets(%dma_start3A_217 : memref<64xi32, #tpu.memory_space<vmem>>) semaphore(%dma_start3A_222 : memref<!tpu.dma_semaphore, #tpu.memory_space<semaphore_mem>>) {add = true}
      %add3A_223 = arith.constant 1 : i32
      %add3A_224 = arith.addi %add3A_160, %add3A_223 : i32
      %dma_wait3A_225 = arith.constant 1 : i32
      %dma_wait3A_226 = arith.constant 0 : i32
      %dma_wait3A_227 = arith.constant 1 : i32
      %dma_wait3A_228 = arith.constant 0 : i32
      %dma_wait3A_229 = arith.constant 0 : i32
      %dma_wait3A_230 = tpu.memref_slice %arg9[%dma_wait3A_225, %dma_wait3A_228, %dma_wait3A_229] : memref<2x64x128xf32, #tpu.memory_space<vmem>> -> memref<1x64x128xf32, #tpu.memory_space<vmem>>
      %dma_wait3A_231 = tpu.memref_squeeze %dma_wait3A_230 : memref<1x64x128xf32, #tpu.memory_space<vmem>> -> memref<64x128xf32, #tpu.memory_space<vmem>>
      %dma_wait3A_232 = arith.constant 0 : i32
      %dma_wait3A_233 = tpu.memref_slice %arg8[%dma_wait3A_226, %dma_wait3A_232] : memref<120x64xi32, #tpu.memory_space<vmem>> -> memref<1x64xi32, #tpu.memory_space<vmem>>
      %dma_wait3A_234 = tpu.memref_squeeze %dma_wait3A_233 : memref<1x64xi32, #tpu.memory_space<vmem>> -> memref<64xi32, #tpu.memory_space<vmem>>
      %dma_wait3A_235 = arith.constant 0 : i32
      %dma_wait3A_236 = arith.constant 0 : i32
      %dma_wait3A_237 = tpu.memref_slice %arg10[%dma_wait3A_235, %dma_wait3A_236] : memref<10112x128xf32, #tpu.memory_space<vmem_shared>> -> memref<10112x128xf32, #tpu.memory_space<vmem_shared>>
      %dma_wait3A_238 = tpu.memref_slice %arg12[%dma_wait3A_227] : memref<2x!tpu.dma_semaphore, #tpu.memory_space<semaphore_mem>> -> memref<1x!tpu.dma_semaphore, #tpu.memory_space<semaphore_mem>>
      %dma_wait3A_239 = tpu.memref_squeeze %dma_wait3A_238 : memref<1x!tpu.dma_semaphore, #tpu.memory_space<semaphore_mem>> -> memref<!tpu.dma_semaphore, #tpu.memory_space<semaphore_mem>>
      tpu.wait_indirect_dma semaphore(%dma_wait3A_239 : memref<!tpu.dma_semaphore, #tpu.memory_space<semaphore_mem>>) src(%dma_wait3A_231 : memref<64x128xf32, #tpu.memory_space<vmem>>) dst(%dma_wait3A_237 : memref<10112x128xf32, #tpu.memory_space<vmem_shared>>)
      %add3A_240 = arith.constant 1 : i32
      %add3A_241 = arith.addi %add3A_224, %add3A_240 : i32
      %dma_start3A_242 = arith.constant 1 : i32
      %dma_start3A_243 = arith.constant 1 : i32
      %dma_start3A_244 = arith.constant 0 : i32
      %dma_start3A_245 = arith.constant 0 : i32
      %dma_start3A_246 = tpu.memref_slice %arg9[%dma_start3A_242, %dma_start3A_244, %dma_start3A_245] : memref<2x64x128xf32, #tpu.memory_space<vmem>> -> memref<1x64x128xf32, #tpu.memory_space<vmem>>
      %dma_start3A_247 = tpu.memref_squeeze %dma_start3A_246 : memref<1x64x128xf32, #tpu.memory_space<vmem>> -> memref<64x128xf32, #tpu.memory_space<vmem>>
      %dma_start3A_248 = arith.constant 0 : i32
      %dma_start3A_249 = tpu.memref_slice %arg7[%add3A_241, %dma_start3A_248] : memref<120x64xi32, #tpu.memory_space<vmem>> -> memref<1x64xi32, #tpu.memory_space<vmem>>
      %dma_start3A_250 = tpu.memref_squeeze %dma_start3A_249 : memref<1x64xi32, #tpu.memory_space<vmem>> -> memref<64xi32, #tpu.memory_space<vmem>>
      %dma_start3A_251 = arith.constant 0 : i32
      %dma_start3A_252 = arith.constant 0 : i32
      %dma_start3A_253 = tpu.memref_slice %arg2[%dma_start3A_251, %dma_start3A_252] : memref<10000x128xf32, #tpu.memory_space<hbm>> -> memref<10000x128xf32, #tpu.memory_space<hbm>>
      %dma_start3A_254 = tpu.memref_slice %arg11[%dma_start3A_243] : memref<2x!tpu.dma_semaphore, #tpu.memory_space<semaphore_mem>> -> memref<1x!tpu.dma_semaphore, #tpu.memory_space<semaphore_mem>>
      %dma_start3A_255 = tpu.memref_squeeze %dma_start3A_254 : memref<1x!tpu.dma_semaphore, #tpu.memory_space<semaphore_mem>> -> memref<!tpu.dma_semaphore, #tpu.memory_space<semaphore_mem>>
      tpu.enqueue_indirect_dma source(%dma_start3A_253 : memref<10000x128xf32, #tpu.memory_space<hbm>>) target(%dma_start3A_247 : memref<64x128xf32, #tpu.memory_space<vmem>>) offsets(%dma_start3A_250 : memref<64xi32, #tpu.memory_space<vmem>>) semaphore(%dma_start3A_255 : memref<!tpu.dma_semaphore, #tpu.memory_space<semaphore_mem>>)
      %dma_wait3A_256 = arith.constant 0 : i32
      %dma_wait3A_257 = arith.constant 0 : i32
      %dma_wait3A_258 = arith.constant 0 : i32
      %dma_wait3A_259 = arith.constant 0 : i32
      %dma_wait3A_260 = arith.constant 0 : i32
      %dma_wait3A_261 = tpu.memref_slice %arg9[%dma_wait3A_257, %dma_wait3A_259, %dma_wait3A_260] : memref<2x64x128xf32, #tpu.memory_space<vmem>> -> memref<1x64x128xf32, #tpu.memory_space<vmem>>
      %dma_wait3A_262 = tpu.memref_squeeze %dma_wait3A_261 : memref<1x64x128xf32, #tpu.memory_space<vmem>> -> memref<64x128xf32, #tpu.memory_space<vmem>>
      %dma_wait3A_263 = arith.constant 0 : i32
      %dma_wait3A_264 = tpu.memref_slice %arg7[%dma_wait3A_256, %dma_wait3A_263] : memref<120x64xi32, #tpu.memory_space<vmem>> -> memref<1x64xi32, #tpu.memory_space<vmem>>
      %dma_wait3A_265 = tpu.memref_squeeze %dma_wait3A_264 : memref<1x64xi32, #tpu.memory_space<vmem>> -> memref<64xi32, #tpu.memory_space<vmem>>
      %dma_wait3A_266 = arith.constant 0 : i32
      %dma_wait3A_267 = arith.constant 0 : i32
      %dma_wait3A_268 = tpu.memref_slice %arg2[%dma_wait3A_266, %dma_wait3A_267] : memref<10000x128xf32, #tpu.memory_space<hbm>> -> memref<10000x128xf32, #tpu.memory_space<hbm>>
      %dma_wait3A_269 = tpu.memref_slice %arg11[%dma_wait3A_258] : memref<2x!tpu.dma_semaphore, #tpu.memory_space<semaphore_mem>> -> memref<1x!tpu.dma_semaphore, #tpu.memory_space<semaphore_mem>>
      %dma_wait3A_270 = tpu.memref_squeeze %dma_wait3A_269 : memref<1x!tpu.dma_semaphore, #tpu.memory_space<semaphore_mem>> -> memref<!tpu.dma_semaphore, #tpu.memory_space<semaphore_mem>>
      tpu.wait_indirect_dma semaphore(%dma_wait3A_270 : memref<!tpu.dma_semaphore, #tpu.memory_space<semaphore_mem>>) src(%dma_wait3A_268 : memref<10000x128xf32, #tpu.memory_space<hbm>>) dst(%dma_wait3A_262 : memref<64x128xf32, #tpu.memory_space<vmem>>)
      %dma_start3A_271 = arith.constant 0 : i32
      %dma_start3A_272 = arith.constant 0 : i32
      %dma_start3A_273 = arith.constant 0 : i32
      %dma_start3A_274 = arith.constant 0 : i32
      %dma_start3A_275 = tpu.memref_slice %arg9[%dma_start3A_271, %dma_start3A_273, %dma_start3A_274] : memref<2x64x128xf32, #tpu.memory_space<vmem>> -> memref<1x64x128xf32, #tpu.memory_space<vmem>>
      %dma_start3A_276 = tpu.memref_squeeze %dma_start3A_275 : memref<1x64x128xf32, #tpu.memory_space<vmem>> -> memref<64x128xf32, #tpu.memory_space<vmem>>
      %dma_start3A_277 = arith.constant 0 : i32
      %dma_start3A_278 = tpu.memref_slice %arg8[%add3A_224, %dma_start3A_277] : memref<120x64xi32, #tpu.memory_space<vmem>> -> memref<1x64xi32, #tpu.memory_space<vmem>>
      %dma_start3A_279 = tpu.memref_squeeze %dma_start3A_278 : memref<1x64xi32, #tpu.memory_space<vmem>> -> memref<64xi32, #tpu.memory_space<vmem>>
      %dma_start3A_280 = arith.constant 0 : i32
      %dma_start3A_281 = arith.constant 0 : i32
      %dma_start3A_282 = tpu.memref_slice %arg10[%dma_start3A_280, %dma_start3A_281] : memref<10112x128xf32, #tpu.memory_space<vmem_shared>> -> memref<10112x128xf32, #tpu.memory_space<vmem_shared>>
      %dma_start3A_283 = tpu.memref_slice %arg12[%dma_start3A_272] : memref<2x!tpu.dma_semaphore, #tpu.memory_space<semaphore_mem>> -> memref<1x!tpu.dma_semaphore, #tpu.memory_space<semaphore_mem>>
      %dma_start3A_284 = tpu.memref_squeeze %dma_start3A_283 : memref<1x!tpu.dma_semaphore, #tpu.memory_space<semaphore_mem>> -> memref<!tpu.dma_semaphore, #tpu.memory_space<semaphore_mem>>
      tpu.enqueue_indirect_dma source(%dma_start3A_276 : memref<64x128xf32, #tpu.memory_space<vmem>>) target(%dma_start3A_282 : memref<10112x128xf32, #tpu.memory_space<vmem_shared>>) offsets(%dma_start3A_279 : memref<64xi32, #tpu.memory_space<vmem>>) semaphore(%dma_start3A_284 : memref<!tpu.dma_semaphore, #tpu.memory_space<semaphore_mem>>) {add = true}
    }
    %dma_wait3A_92 = arith.constant 0 : i32
    %dma_wait3A_93 = arith.constant 1 : i32
    %dma_wait3A_94 = arith.constant 1 : i32
    %dma_wait3A_95 = arith.constant 0 : i32
    %dma_wait3A_96 = arith.constant 0 : i32
    %dma_wait3A_97 = tpu.memref_slice %arg9[%dma_wait3A_93, %dma_wait3A_95, %dma_wait3A_96] : memref<2x64x128xf32, #tpu.memory_space<vmem>> -> memref<1x64x128xf32, #tpu.memory_space<vmem>>
    %dma_wait3A_98 = tpu.memref_squeeze %dma_wait3A_97 : memref<1x64x128xf32, #tpu.memory_space<vmem>> -> memref<64x128xf32, #tpu.memory_space<vmem>>
    %dma_wait3A_99 = arith.constant 0 : i32
    %dma_wait3A_100 = tpu.memref_slice %arg7[%dma_wait3A_92, %dma_wait3A_99] : memref<120x64xi32, #tpu.memory_space<vmem>> -> memref<1x64xi32, #tpu.memory_space<vmem>>
    %dma_wait3A_101 = tpu.memref_squeeze %dma_wait3A_100 : memref<1x64xi32, #tpu.memory_space<vmem>> -> memref<64xi32, #tpu.memory_space<vmem>>
    %dma_wait3A_102 = arith.constant 0 : i32
    %dma_wait3A_103 = arith.constant 0 : i32
    %dma_wait3A_104 = tpu.memref_slice %arg2[%dma_wait3A_102, %dma_wait3A_103] : memref<10000x128xf32, #tpu.memory_space<hbm>> -> memref<10000x128xf32, #tpu.memory_space<hbm>>
    %dma_wait3A_105 = tpu.memref_slice %arg11[%dma_wait3A_94] : memref<2x!tpu.dma_semaphore, #tpu.memory_space<semaphore_mem>> -> memref<1x!tpu.dma_semaphore, #tpu.memory_space<semaphore_mem>>
    %dma_wait3A_106 = tpu.memref_squeeze %dma_wait3A_105 : memref<1x!tpu.dma_semaphore, #tpu.memory_space<semaphore_mem>> -> memref<!tpu.dma_semaphore, #tpu.memory_space<semaphore_mem>>
    tpu.wait_indirect_dma semaphore(%dma_wait3A_106 : memref<!tpu.dma_semaphore, #tpu.memory_space<semaphore_mem>>) src(%dma_wait3A_104 : memref<10000x128xf32, #tpu.memory_space<hbm>>) dst(%dma_wait3A_98 : memref<64x128xf32, #tpu.memory_space<vmem>>)
    %sub3A_107 = arith.constant 1 : i32
    %sub3A_108 = arith.subi %select_n3A, %sub3A_107 : i32
    %dma_start3A_109 = arith.constant 1 : i32
    %dma_start3A_110 = arith.constant 1 : i32
    %dma_start3A_111 = arith.constant 0 : i32
    %dma_start3A_112 = arith.constant 0 : i32
    %dma_start3A_113 = tpu.memref_slice %arg9[%dma_start3A_109, %dma_start3A_111, %dma_start3A_112] : memref<2x64x128xf32, #tpu.memory_space<vmem>> -> memref<1x64x128xf32, #tpu.memory_space<vmem>>
    %dma_start3A_114 = tpu.memref_squeeze %dma_start3A_113 : memref<1x64x128xf32, #tpu.memory_space<vmem>> -> memref<64x128xf32, #tpu.memory_space<vmem>>
    %dma_start3A_115 = arith.constant 0 : i32
    %dma_start3A_116 = tpu.memref_slice %arg8[%sub3A_108, %dma_start3A_115] : memref<120x64xi32, #tpu.memory_space<vmem>> -> memref<1x64xi32, #tpu.memory_space<vmem>>
    %dma_start3A_117 = tpu.memref_squeeze %dma_start3A_116 : memref<1x64xi32, #tpu.memory_space<vmem>> -> memref<64xi32, #tpu.memory_space<vmem>>
    %dma_start3A_118 = arith.constant 0 : i32
    %dma_start3A_119 = arith.constant 0 : i32
    %dma_start3A_120 = tpu.memref_slice %arg10[%dma_start3A_118, %dma_start3A_119] : memref<10112x128xf32, #tpu.memory_space<vmem_shared>> -> memref<10112x128xf32, #tpu.memory_space<vmem_shared>>
    %dma_start3A_121 = tpu.memref_slice %arg12[%dma_start3A_110] : memref<2x!tpu.dma_semaphore, #tpu.memory_space<semaphore_mem>> -> memref<1x!tpu.dma_semaphore, #tpu.memory_space<semaphore_mem>>
    %dma_start3A_122 = tpu.memref_squeeze %dma_start3A_121 : memref<1x!tpu.dma_semaphore, #tpu.memory_space<semaphore_mem>> -> memref<!tpu.dma_semaphore, #tpu.memory_space<semaphore_mem>>
    tpu.enqueue_indirect_dma source(%dma_start3A_114 : memref<64x128xf32, #tpu.memory_space<vmem>>) target(%dma_start3A_120 : memref<10112x128xf32, #tpu.memory_space<vmem_shared>>) offsets(%dma_start3A_117 : memref<64xi32, #tpu.memory_space<vmem>>) semaphore(%dma_start3A_122 : memref<!tpu.dma_semaphore, #tpu.memory_space<semaphore_mem>>) {add = true}
    %dma_wait3A_123 = arith.constant 0 : i32
    %dma_wait3A_124 = arith.constant 0 : i32
    %dma_wait3A_125 = arith.constant 0 : i32
    %dma_wait3A_126 = arith.constant 0 : i32
    %dma_wait3A_127 = arith.constant 0 : i32
    %dma_wait3A_128 = tpu.memref_slice %arg9[%dma_wait3A_123, %dma_wait3A_126, %dma_wait3A_127] : memref<2x64x128xf32, #tpu.memory_space<vmem>> -> memref<1x64x128xf32, #tpu.memory_space<vmem>>
    %dma_wait3A_129 = tpu.memref_squeeze %dma_wait3A_128 : memref<1x64x128xf32, #tpu.memory_space<vmem>> -> memref<64x128xf32, #tpu.memory_space<vmem>>
    %dma_wait3A_130 = arith.constant 0 : i32
    %dma_wait3A_131 = tpu.memref_slice %arg8[%dma_wait3A_124, %dma_wait3A_130] : memref<120x64xi32, #tpu.memory_space<vmem>> -> memref<1x64xi32, #tpu.memory_space<vmem>>
    %dma_wait3A_132 = tpu.memref_squeeze %dma_wait3A_131 : memref<1x64xi32, #tpu.memory_space<vmem>> -> memref<64xi32, #tpu.memory_space<vmem>>
    %dma_wait3A_133 = arith.constant 0 : i32
    %dma_wait3A_134 = arith.constant 0 : i32
    %dma_wait3A_135 = tpu.memref_slice %arg10[%dma_wait3A_133, %dma_wait3A_134] : memref<10112x128xf32, #tpu.memory_space<vmem_shared>> -> memref<10112x128xf32, #tpu.memory_space<vmem_shared>>
    %dma_wait3A_136 = tpu.memref_slice %arg12[%dma_wait3A_125] : memref<2x!tpu.dma_semaphore, #tpu.memory_space<semaphore_mem>> -> memref<1x!tpu.dma_semaphore, #tpu.memory_space<semaphore_mem>>
    %dma_wait3A_137 = tpu.memref_squeeze %dma_wait3A_136 : memref<1x!tpu.dma_semaphore, #tpu.memory_space<semaphore_mem>> -> memref<!tpu.dma_semaphore, #tpu.memory_space<semaphore_mem>>
    tpu.wait_indirect_dma semaphore(%dma_wait3A_137 : memref<!tpu.dma_semaphore, #tpu.memory_space<semaphore_mem>>) src(%dma_wait3A_129 : memref<64x128xf32, #tpu.memory_space<vmem>>) dst(%dma_wait3A_135 : memref<10112x128xf32, #tpu.memory_space<vmem_shared>>)
    %dma_wait3A_138 = arith.constant 1 : i32
    %dma_wait3A_139 = arith.constant 0 : i32
    %dma_wait3A_140 = arith.constant 1 : i32
    %dma_wait3A_141 = arith.constant 0 : i32
    %dma_wait3A_142 = arith.constant 0 : i32
    %dma_wait3A_143 = tpu.memref_slice %arg9[%dma_wait3A_138, %dma_wait3A_141, %dma_wait3A_142] : memref<2x64x128xf32, #tpu.memory_space<vmem>> -> memref<1x64x128xf32, #tpu.memory_space<vmem>>
    %dma_wait3A_144 = tpu.memref_squeeze %dma_wait3A_143 : memref<1x64x128xf32, #tpu.memory_space<vmem>> -> memref<64x128xf32, #tpu.memory_space<vmem>>
    %dma_wait3A_145 = arith.constant 0 : i32
    %dma_wait3A_146 = tpu.memref_slice %arg8[%dma_wait3A_139, %dma_wait3A_145] : memref<120x64xi32, #tpu.memory_space<vmem>> -> memref<1x64xi32, #tpu.memory_space<vmem>>
    %dma_wait3A_147 = tpu.memref_squeeze %dma_wait3A_146 : memref<1x64xi32, #tpu.memory_space<vmem>> -> memref<64xi32, #tpu.memory_space<vmem>>
    %dma_wait3A_148 = arith.constant 0 : i32
    %dma_wait3A_149 = arith.constant 0 : i32
    %dma_wait3A_150 = tpu.memref_slice %arg10[%dma_wait3A_148, %dma_wait3A_149] : memref<10112x128xf32, #tpu.memory_space<vmem_shared>> -> memref<10112x128xf32, #tpu.memory_space<vmem_shared>>
    %dma_wait3A_151 = tpu.memref_slice %arg12[%dma_wait3A_140] : memref<2x!tpu.dma_semaphore, #tpu.memory_space<semaphore_mem>> -> memref<1x!tpu.dma_semaphore, #tpu.memory_space<semaphore_mem>>
    %dma_wait3A_152 = tpu.memref_squeeze %dma_wait3A_151 : memref<1x!tpu.dma_semaphore, #tpu.memory_space<semaphore_mem>> -> memref<!tpu.dma_semaphore, #tpu.memory_space<semaphore_mem>>
    tpu.wait_indirect_dma semaphore(%dma_wait3A_152 : memref<!tpu.dma_semaphore, #tpu.memory_space<semaphore_mem>>) src(%dma_wait3A_144 : memref<64x128xf32, #tpu.memory_space<vmem>>) dst(%dma_wait3A_150 : memref<10112x128xf32, #tpu.memory_space<vmem_shared>>)
    %barrier3A_153 = arith.constant 0 : index
    tpu.barrier barrier_id(%barrier3A_153)
    %mul3A_154 = arith.constant 632 : i32
    %mul3A_155 = arith.muli %arg1, %mul3A_154 : i32
    %mul3A_156 = arith.constant 632 : i32
    %mul3A_157 = arith.muli %arg1, %mul3A_156 : i32
    "tpu.region"() ({
      %run_scoped3A = tpu.sem_alloc : memref<!tpu.dma_semaphore, #tpu.memory_space<semaphore_mem>>
      %dma_start3A_158 = arith.constant 0 : i32
      %dma_start3A_159 = tpu.memref_slice %arg6[%arg0, %mul3A_157, %dma_start3A_158] : memref<2x10112x128xf32, #tpu.memory_space<hbm>> -> memref<1x632x128xf32, #tpu.memory_space<hbm>>
      %dma_start3A_160 = tpu.memref_squeeze %dma_start3A_159 : memref<1x632x128xf32, #tpu.memory_space<hbm>> -> memref<632x128xf32, #tpu.memory_space<hbm>>
      %dma_start3A_161 = arith.constant 0 : i32
      %dma_start3A_162 = tpu.memref_slice %arg10[%mul3A_155, %dma_start3A_161] : memref<10112x128xf32, #tpu.memory_space<vmem_shared>> -> memref<632x128xf32, #tpu.memory_space<vmem_shared>>
      tpu.enqueue_dma source(%dma_start3A_162 : memref<632x128xf32, #tpu.memory_space<vmem_shared>>) target(%dma_start3A_160 : memref<632x128xf32, #tpu.memory_space<hbm>>) target_semaphore(%run_scoped3A : memref<!tpu.dma_semaphore, #tpu.memory_space<semaphore_mem>>)
      %dma_wait3A_163 = arith.constant 0 : i32
      %dma_wait3A_164 = tpu.memref_slice %arg6[%arg0, %mul3A_157, %dma_wait3A_163] : memref<2x10112x128xf32, #tpu.memory_space<hbm>> -> memref<1x632x128xf32, #tpu.memory_space<hbm>>
      %dma_wait3A_165 = tpu.memref_squeeze %dma_wait3A_164 : memref<1x632x128xf32, #tpu.memory_space<hbm>> -> memref<632x128xf32, #tpu.memory_space<hbm>>
      %dma_wait3A_166 = arith.constant 0 : i32
      %dma_wait3A_167 = tpu.memref_slice %arg10[%mul3A_155, %dma_wait3A_166] : memref<10112x128xf32, #tpu.memory_space<vmem_shared>> -> memref<632x128xf32, #tpu.memory_space<vmem_shared>>
      tpu.wait_dma2 semaphore(%run_scoped3A : memref<!tpu.dma_semaphore, #tpu.memory_space<semaphore_mem>>) src(%dma_wait3A_167 : memref<632x128xf32, #tpu.memory_space<vmem_shared>>) dst(%dma_wait3A_165 : memref<632x128xf32, #tpu.memory_space<hbm>>)
      tpu.yield
    }) : () -> ()
    return
  }
}

#map = affine_map<(d0, d1) -> (0, 0)>
#map1 = affine_map<(d0, d1) -> (0, 0, 0)>
module attributes {stable_mosaic.version = 14 : i64} {
  func.func @k(%arg0: i32, %arg1: i32, %arg2: memref<10000x128xf32, #tpu.memory_space<hbm>>, %arg3: memref<2640x64xi32, #tpu.memory_space<hbm>>, %arg4: memref<2640x64xi32, #tpu.memory_space<hbm>>, %arg5: memref<10112x128xf32, #tpu.memory_space<hbm>>, %arg6: memref<2x10112x128xf32, #tpu.memory_space<hbm>>, %arg7: memref<120x64xi32, #tpu.memory_space<vmem>>, %arg8: memref<120x64xi32, #tpu.memory_space<vmem>>, %arg9: memref<2x64x128xf32, #tpu.memory_space<vmem>>, %arg10: memref<10112x128xf32, #tpu.memory_space<vmem_shared>>, %arg11: memref<2x!tpu.dma_semaphore, #tpu.memory_space<semaphore_mem>>, %arg12: memref<2x!tpu.dma_semaphore, #tpu.memory_space<semaphore_mem>>) attributes {dimension_semantics = [#tpu.dimension_semantics<core_parallel>, #tpu.dimension_semantics<subcore_parallel>], iteration_bounds = array<i64: 2, 16>, scalar_prefetch = 0 : i64, scratch_operands = 6 : i64, tpu.core_type = #tpu.core_type<sc_vector_subcore>, window_params = [{transform_indices = #map}, {transform_indices = #map}, {transform_indices = #map}, {transform_indices = #map}, {transform_indices = #map1}]} {
    %mul3A = arith.constant 16 : i32
    %mul3A_0 = arith.muli %arg0, %mul3A : i32
    %add3A = arith.addi %mul3A_0, %arg1 : i32
    %eq3A = arith.constant 0 : i32
    %eq3A_1 = arith.cmpi eq, %arg0, %eq3A : i32
    %jit3A = arith.constant 120 : i32
    %jit3A_2 = arith.constant 40 : i32
    %select_n3A = arith.select %eq3A_1, %jit3A, %jit3A_2 : i32
    %eq3A_3 = arith.constant 0 : i32
    %eq3A_4 = arith.cmpi eq, %arg0, %eq3A_3 : i32
    %mul3A_5 = arith.constant 120 : i32
    %mul3A_6 = arith.muli %arg1, %mul3A_5 : i32
    %mul3A_7 = arith.constant 40 : i32
    %mul3A_8 = arith.muli %arg1, %mul3A_7 : i32
    %add3A_9 = arith.constant 1920 : i32
    %add3A_10 = arith.addi %add3A_9, %mul3A_8 : i32
    %select_n3A_11 = arith.select %eq3A_4, %mul3A_6, %add3A_10 : i32
    %mul3A_12 = arith.constant 632 : i32
    %mul3A_13 = arith.muli %arg1, %mul3A_12 : i32
    %mul3A_14 = arith.constant 632 : i32
    %mul3A_15 = arith.muli %arg1, %mul3A_14 : i32
    "tpu.region"() ({
      %run_scoped3A = tpu.sem_alloc : memref<!tpu.dma_semaphore, #tpu.memory_space<semaphore_mem>>
      %dma_start3A_158 = arith.constant 0 : i32
      %dma_start3A_159 = tpu.memref_slice %arg10[%mul3A_15, %dma_start3A_158] : memref<10112x128xf32, #tpu.memory_space<vmem_shared>> -> memref<632x128xf32, #tpu.memory_space<vmem_shared>>
      %dma_start3A_160 = arith.constant 0 : i32
      %dma_start3A_161 = tpu.memref_slice %arg5[%mul3A_13, %dma_start3A_160] : memref<10112x128xf32, #tpu.memory_space<hbm>> -> memref<632x128xf32, #tpu.memory_space<hbm>>
      tpu.enqueue_dma source(%dma_start3A_161 : memref<632x128xf32, #tpu.memory_space<hbm>>) target(%dma_start3A_159 : memref<632x128xf32, #tpu.memory_space<vmem_shared>>) target_semaphore(%run_scoped3A : memref<!tpu.dma_semaphore, #tpu.memory_space<semaphore_mem>>)
      %dma_wait3A_162 = arith.constant 0 : i32
      %dma_wait3A_163 = tpu.memref_slice %arg10[%mul3A_15, %dma_wait3A_162] : memref<10112x128xf32, #tpu.memory_space<vmem_shared>> -> memref<632x128xf32, #tpu.memory_space<vmem_shared>>
      %dma_wait3A_164 = arith.constant 0 : i32
      %dma_wait3A_165 = tpu.memref_slice %arg5[%mul3A_13, %dma_wait3A_164] : memref<10112x128xf32, #tpu.memory_space<hbm>> -> memref<632x128xf32, #tpu.memory_space<hbm>>
      tpu.wait_dma2 semaphore(%run_scoped3A : memref<!tpu.dma_semaphore, #tpu.memory_space<semaphore_mem>>) src(%dma_wait3A_165 : memref<632x128xf32, #tpu.memory_space<hbm>>) dst(%dma_wait3A_163 : memref<632x128xf32, #tpu.memory_space<vmem_shared>>)
      tpu.yield
    }) : () -> ()
    "tpu.region"() ({
      %run_scoped3A = tpu.sem_alloc : memref<!tpu.dma_semaphore, #tpu.memory_space<semaphore_mem>>
      %dma_start3A_158 = arith.constant 0 : i32
      %dma_start3A_159 = tpu.memref_slice %arg3[%select_n3A_11, %dma_start3A_158] : memref<2640x64xi32, #tpu.memory_space<hbm>> -> memref<120x64xi32, #tpu.memory_space<hbm>>
      %dma_start3A_160 = arith.constant 0 : i32
      %dma_start3A_161 = tpu.memref_slice %arg3[%select_n3A_11, %dma_start3A_160] : memref<2640x64xi32, #tpu.memory_space<hbm>> -> memref<120x64xi32, #tpu.memory_space<hbm>>
      tpu.enqueue_dma source(%dma_start3A_161 : memref<120x64xi32, #tpu.memory_space<hbm>>) target(%arg7 : memref<120x64xi32, #tpu.memory_space<vmem>>) target_semaphore(%run_scoped3A : memref<!tpu.dma_semaphore, #tpu.memory_space<semaphore_mem>>)
      %dma_wait3A_162 = arith.constant 0 : i32
      %dma_wait3A_163 = tpu.memref_slice %arg3[%select_n3A_11, %dma_wait3A_162] : memref<2640x64xi32, #tpu.memory_space<hbm>> -> memref<120x64xi32, #tpu.memory_space<hbm>>
      %dma_wait3A_164 = arith.constant 0 : i32
      %dma_wait3A_165 = tpu.memref_slice %arg3[%select_n3A_11, %dma_wait3A_164] : memref<2640x64xi32, #tpu.memory_space<hbm>> -> memref<120x64xi32, #tpu.memory_space<hbm>>
      tpu.wait_dma2 semaphore(%run_scoped3A : memref<!tpu.dma_semaphore, #tpu.memory_space<semaphore_mem>>) src(%dma_wait3A_165 : memref<120x64xi32, #tpu.memory_space<hbm>>) dst(%arg7 : memref<120x64xi32, #tpu.memory_space<vmem>>)
      tpu.yield
    }) : () -> ()
    "tpu.region"() ({
      %run_scoped3A = tpu.sem_alloc : memref<!tpu.dma_semaphore, #tpu.memory_space<semaphore_mem>>
      %dma_start3A_158 = arith.constant 0 : i32
      %dma_start3A_159 = tpu.memref_slice %arg4[%select_n3A_11, %dma_start3A_158] : memref<2640x64xi32, #tpu.memory_space<hbm>> -> memref<120x64xi32, #tpu.memory_space<hbm>>
      %dma_start3A_160 = arith.constant 0 : i32
      %dma_start3A_161 = tpu.memref_slice %arg4[%select_n3A_11, %dma_start3A_160] : memref<2640x64xi32, #tpu.memory_space<hbm>> -> memref<120x64xi32, #tpu.memory_space<hbm>>
      tpu.enqueue_dma source(%dma_start3A_161 : memref<120x64xi32, #tpu.memory_space<hbm>>) target(%arg8 : memref<120x64xi32, #tpu.memory_space<vmem>>) target_semaphore(%run_scoped3A : memref<!tpu.dma_semaphore, #tpu.memory_space<semaphore_mem>>)
      %dma_wait3A_162 = arith.constant 0 : i32
      %dma_wait3A_163 = tpu.memref_slice %arg4[%select_n3A_11, %dma_wait3A_162] : memref<2640x64xi32, #tpu.memory_space<hbm>> -> memref<120x64xi32, #tpu.memory_space<hbm>>
      %dma_wait3A_164 = arith.constant 0 : i32
      %dma_wait3A_165 = tpu.memref_slice %arg4[%select_n3A_11, %dma_wait3A_164] : memref<2640x64xi32, #tpu.memory_space<hbm>> -> memref<120x64xi32, #tpu.memory_space<hbm>>
      tpu.wait_dma2 semaphore(%run_scoped3A : memref<!tpu.dma_semaphore, #tpu.memory_space<semaphore_mem>>) src(%dma_wait3A_165 : memref<120x64xi32, #tpu.memory_space<hbm>>) dst(%arg8 : memref<120x64xi32, #tpu.memory_space<vmem>>)
      tpu.yield
    }) : () -> ()
    %barrier3A = arith.constant 0 : index
    tpu.barrier barrier_id(%barrier3A)
    %dma_start3A = arith.constant 0 : i32
    %dma_start3A_16 = arith.constant 0 : i32
    %dma_start3A_17 = arith.constant 0 : i32
    %dma_start3A_18 = arith.constant 0 : i32
    %dma_start3A_19 = arith.constant 0 : i32
    %dma_start3A_20 = tpu.memref_slice %arg9[%dma_start3A_16, %dma_start3A_18, %dma_start3A_19] : memref<2x64x128xf32, #tpu.memory_space<vmem>> -> memref<1x64x128xf32, #tpu.memory_space<vmem>>
    %dma_start3A_21 = tpu.memref_squeeze %dma_start3A_20 : memref<1x64x128xf32, #tpu.memory_space<vmem>> -> memref<64x128xf32, #tpu.memory_space<vmem>>
    %dma_start3A_22 = arith.constant 0 : i32
    %dma_start3A_23 = tpu.memref_slice %arg7[%dma_start3A, %dma_start3A_22] : memref<120x64xi32, #tpu.memory_space<vmem>> -> memref<1x64xi32, #tpu.memory_space<vmem>>
    %dma_start3A_24 = tpu.memref_squeeze %dma_start3A_23 : memref<1x64xi32, #tpu.memory_space<vmem>> -> memref<64xi32, #tpu.memory_space<vmem>>
    %dma_start3A_25 = arith.constant 0 : i32
    %dma_start3A_26 = arith.constant 0 : i32
    %dma_start3A_27 = tpu.memref_slice %arg2[%dma_start3A_25, %dma_start3A_26] : memref<10000x128xf32, #tpu.memory_space<hbm>> -> memref<10000x128xf32, #tpu.memory_space<hbm>>
    %dma_start3A_28 = tpu.memref_slice %arg11[%dma_start3A_17] : memref<2x!tpu.dma_semaphore, #tpu.memory_space<semaphore_mem>> -> memref<1x!tpu.dma_semaphore, #tpu.memory_space<semaphore_mem>>
    %dma_start3A_29 = tpu.memref_squeeze %dma_start3A_28 : memref<1x!tpu.dma_semaphore, #tpu.memory_space<semaphore_mem>> -> memref<!tpu.dma_semaphore, #tpu.memory_space<semaphore_mem>>
    tpu.enqueue_indirect_dma source(%dma_start3A_27 : memref<10000x128xf32, #tpu.memory_space<hbm>>) target(%dma_start3A_21 : memref<64x128xf32, #tpu.memory_space<vmem>>) offsets(%dma_start3A_24 : memref<64xi32, #tpu.memory_space<vmem>>) semaphore(%dma_start3A_29 : memref<!tpu.dma_semaphore, #tpu.memory_space<semaphore_mem>>)
    %dma_start3A_30 = arith.constant 1 : i32
    %dma_start3A_31 = arith.constant 1 : i32
    %dma_start3A_32 = arith.constant 1 : i32
    %dma_start3A_33 = arith.constant 0 : i32
    %dma_start3A_34 = arith.constant 0 : i32
    %dma_start3A_35 = tpu.memref_slice %arg9[%dma_start3A_31, %dma_start3A_33, %dma_start3A_34] : memref<2x64x128xf32, #tpu.memory_space<vmem>> -> memref<1x64x128xf32, #tpu.memory_space<vmem>>
    %dma_start3A_36 = tpu.memref_squeeze %dma_start3A_35 : memref<1x64x128xf32, #tpu.memory_space<vmem>> -> memref<64x128xf32, #tpu.memory_space<vmem>>
    %dma_start3A_37 = arith.constant 0 : i32
    %dma_start3A_38 = tpu.memref_slice %arg7[%dma_start3A_30, %dma_start3A_37] : memref<120x64xi32, #tpu.memory_space<vmem>> -> memref<1x64xi32, #tpu.memory_space<vmem>>
    %dma_start3A_39 = tpu.memref_squeeze %dma_start3A_38 : memref<1x64xi32, #tpu.memory_space<vmem>> -> memref<64xi32, #tpu.memory_space<vmem>>
    %dma_start3A_40 = arith.constant 0 : i32
    %dma_start3A_41 = arith.constant 0 : i32
    %dma_start3A_42 = tpu.memref_slice %arg2[%dma_start3A_40, %dma_start3A_41] : memref<10000x128xf32, #tpu.memory_space<hbm>> -> memref<10000x128xf32, #tpu.memory_space<hbm>>
    %dma_start3A_43 = tpu.memref_slice %arg11[%dma_start3A_32] : memref<2x!tpu.dma_semaphore, #tpu.memory_space<semaphore_mem>> -> memref<1x!tpu.dma_semaphore, #tpu.memory_space<semaphore_mem>>
    %dma_start3A_44 = tpu.memref_squeeze %dma_start3A_43 : memref<1x!tpu.dma_semaphore, #tpu.memory_space<semaphore_mem>> -> memref<!tpu.dma_semaphore, #tpu.memory_space<semaphore_mem>>
    tpu.enqueue_indirect_dma source(%dma_start3A_42 : memref<10000x128xf32, #tpu.memory_space<hbm>>) target(%dma_start3A_36 : memref<64x128xf32, #tpu.memory_space<vmem>>) offsets(%dma_start3A_39 : memref<64xi32, #tpu.memory_space<vmem>>) semaphore(%dma_start3A_44 : memref<!tpu.dma_semaphore, #tpu.memory_space<semaphore_mem>>)
    %dma_wait3A = arith.constant 0 : i32
    %dma_wait3A_45 = arith.constant 0 : i32
    %dma_wait3A_46 = arith.constant 0 : i32
    %dma_wait3A_47 = arith.constant 0 : i32
    %dma_wait3A_48 = arith.constant 0 : i32
    %dma_wait3A_49 = tpu.memref_slice %arg9[%dma_wait3A_45, %dma_wait3A_47, %dma_wait3A_48] : memref<2x64x128xf32, #tpu.memory_space<vmem>> -> memref<1x64x128xf32, #tpu.memory_space<vmem>>
    %dma_wait3A_50 = tpu.memref_squeeze %dma_wait3A_49 : memref<1x64x128xf32, #tpu.memory_space<vmem>> -> memref<64x128xf32, #tpu.memory_space<vmem>>
    %dma_wait3A_51 = arith.constant 0 : i32
    %dma_wait3A_52 = tpu.memref_slice %arg7[%dma_wait3A, %dma_wait3A_51] : memref<120x64xi32, #tpu.memory_space<vmem>> -> memref<1x64xi32, #tpu.memory_space<vmem>>
    %dma_wait3A_53 = tpu.memref_squeeze %dma_wait3A_52 : memref<1x64xi32, #tpu.memory_space<vmem>> -> memref<64xi32, #tpu.memory_space<vmem>>
    %dma_wait3A_54 = arith.constant 0 : i32
    %dma_wait3A_55 = arith.constant 0 : i32
    %dma_wait3A_56 = tpu.memref_slice %arg2[%dma_wait3A_54, %dma_wait3A_55] : memref<10000x128xf32, #tpu.memory_space<hbm>> -> memref<10000x128xf32, #tpu.memory_space<hbm>>
    %dma_wait3A_57 = tpu.memref_slice %arg11[%dma_wait3A_46] : memref<2x!tpu.dma_semaphore, #tpu.memory_space<semaphore_mem>> -> memref<1x!tpu.dma_semaphore, #tpu.memory_space<semaphore_mem>>
    %dma_wait3A_58 = tpu.memref_squeeze %dma_wait3A_57 : memref<1x!tpu.dma_semaphore, #tpu.memory_space<semaphore_mem>> -> memref<!tpu.dma_semaphore, #tpu.memory_space<semaphore_mem>>
    tpu.wait_indirect_dma semaphore(%dma_wait3A_58 : memref<!tpu.dma_semaphore, #tpu.memory_space<semaphore_mem>>) src(%dma_wait3A_56 : memref<10000x128xf32, #tpu.memory_space<hbm>>) dst(%dma_wait3A_50 : memref<64x128xf32, #tpu.memory_space<vmem>>)
    %dma_start3A_59 = arith.constant 0 : i32
    %dma_start3A_60 = arith.constant 0 : i32
    %dma_start3A_61 = arith.constant 0 : i32
    %dma_start3A_62 = arith.constant 0 : i32
    %dma_start3A_63 = arith.constant 0 : i32
    %dma_start3A_64 = tpu.memref_slice %arg9[%dma_start3A_59, %dma_start3A_62, %dma_start3A_63] : memref<2x64x128xf32, #tpu.memory_space<vmem>> -> memref<1x64x128xf32, #tpu.memory_space<vmem>>
    %dma_start3A_65 = tpu.memref_squeeze %dma_start3A_64 : memref<1x64x128xf32, #tpu.memory_space<vmem>> -> memref<64x128xf32, #tpu.memory_space<vmem>>
    %dma_start3A_66 = arith.constant 0 : i32
    %dma_start3A_67 = tpu.memref_slice %arg8[%dma_start3A_60, %dma_start3A_66] : memref<120x64xi32, #tpu.memory_space<vmem>> -> memref<1x64xi32, #tpu.memory_space<vmem>>
    %dma_start3A_68 = tpu.memref_squeeze %dma_start3A_67 : memref<1x64xi32, #tpu.memory_space<vmem>> -> memref<64xi32, #tpu.memory_space<vmem>>
    %dma_start3A_69 = arith.constant 0 : i32
    %dma_start3A_70 = arith.constant 0 : i32
    %dma_start3A_71 = tpu.memref_slice %arg10[%dma_start3A_69, %dma_start3A_70] : memref<10112x128xf32, #tpu.memory_space<vmem_shared>> -> memref<10112x128xf32, #tpu.memory_space<vmem_shared>>
    %dma_start3A_72 = tpu.memref_slice %arg12[%dma_start3A_61] : memref<2x!tpu.dma_semaphore, #tpu.memory_space<semaphore_mem>> -> memref<1x!tpu.dma_semaphore, #tpu.memory_space<semaphore_mem>>
    %dma_start3A_73 = tpu.memref_squeeze %dma_start3A_72 : memref<1x!tpu.dma_semaphore, #tpu.memory_space<semaphore_mem>> -> memref<!tpu.dma_semaphore, #tpu.memory_space<semaphore_mem>>
    tpu.enqueue_indirect_dma source(%dma_start3A_65 : memref<64x128xf32, #tpu.memory_space<vmem>>) target(%dma_start3A_71 : memref<10112x128xf32, #tpu.memory_space<vmem_shared>>) offsets(%dma_start3A_68 : memref<64xi32, #tpu.memory_space<vmem>>) semaphore(%dma_start3A_73 : memref<!tpu.dma_semaphore, #tpu.memory_space<semaphore_mem>>) {add = true}
    %sub3A = arith.constant 1 : i32
    %sub3A_74 = arith.subi %select_n3A, %sub3A : i32
    %sub3A_75 = arith.constant 1 : i32
    %sub3A_76 = arith.subi %sub3A_74, %sub3A_75 : i32
    %sub3A_77 = arith.constant 2 : i32
    %sub3A_78 = arith.constant 1 : i32
    %sub3A_79 = arith.subi %sub3A_77, %sub3A_78 : i32
    %add3A_80 = arith.addi %sub3A_76, %sub3A_79 : i32
    %div3A = arith.constant 2 : i32
    %div3A_81 = arith.divsi %add3A_80, %div3A : i32
    %while3A = arith.constant 2 : i32
    %while3A_82 = arith.constant 1 : i32
    %while3A_83 = arith.constant 0 : i32
    %while3A_84 = arith.subi %div3A_81, %while3A_83 : i32
    %while3A_85 = arith.addi %while3A_83, %while3A_84 : i32
    %while3A_86 = arith.constant 1 : i32
    %while3A_87 = arith.divsi %while3A_84, %while3A_86 : i32
    %while3A_88 = arith.muli %while3A_87, %while3A_86 : i32
    %while3A_89 = arith.addi %while3A_83, %while3A_88 : i32
    %while3A_90 = arith.constant 1 : i32
    scf.for %while3A_158 = %while3A_83 to %while3A_89 step %while3A_90  : i32 {
      %mul3A_159 = arith.muli %while3A_158, %while3A : i32
      %add3A_160 = arith.addi %while3A_82, %mul3A_159 : i32
      %add3A_161 = arith.constant 0 : i32
      %add3A_162 = arith.addi %add3A_160, %add3A_161 : i32
      %dma_wait3A_163 = arith.constant 0 : i32
      %dma_wait3A_164 = arith.constant 0 : i32
      %dma_wait3A_165 = arith.constant 0 : i32
      %dma_wait3A_166 = arith.constant 0 : i32
      %dma_wait3A_167 = arith.constant 0 : i32
      %dma_wait3A_168 = tpu.memref_slice %arg9[%dma_wait3A_163, %dma_wait3A_166, %dma_wait3A_167] : memref<2x64x128xf32, #tpu.memory_space<vmem>> -> memref<1x64x128xf32, #tpu.memory_space<vmem>>
      %dma_wait3A_169 = tpu.memref_squeeze %dma_wait3A_168 : memref<1x64x128xf32, #tpu.memory_space<vmem>> -> memref<64x128xf32, #tpu.memory_space<vmem>>
      %dma_wait3A_170 = arith.constant 0 : i32
      %dma_wait3A_171 = tpu.memref_slice %arg8[%dma_wait3A_164, %dma_wait3A_170] : memref<120x64xi32, #tpu.memory_space<vmem>> -> memref<1x64xi32, #tpu.memory_space<vmem>>
      %dma_wait3A_172 = tpu.memref_squeeze %dma_wait3A_171 : memref<1x64xi32, #tpu.memory_space<vmem>> -> memref<64xi32, #tpu.memory_space<vmem>>
      %dma_wait3A_173 = arith.constant 0 : i32
      %dma_wait3A_174 = arith.constant 0 : i32
      %dma_wait3A_175 = tpu.memref_slice %arg10[%dma_wait3A_173, %dma_wait3A_174] : memref<10112x128xf32, #tpu.memory_space<vmem_shared>> -> memref<10112x128xf32, #tpu.memory_space<vmem_shared>>
      %dma_wait3A_176 = tpu.memref_slice %arg12[%dma_wait3A_165] : memref<2x!tpu.dma_semaphore, #tpu.memory_space<semaphore_mem>> -> memref<1x!tpu.dma_semaphore, #tpu.memory_space<semaphore_mem>>
      %dma_wait3A_177 = tpu.memref_squeeze %dma_wait3A_176 : memref<1x!tpu.dma_semaphore, #tpu.memory_space<semaphore_mem>> -> memref<!tpu.dma_semaphore, #tpu.memory_space<semaphore_mem>>
      tpu.wait_indirect_dma semaphore(%dma_wait3A_177 : memref<!tpu.dma_semaphore, #tpu.memory_space<semaphore_mem>>) src(%dma_wait3A_169 : memref<64x128xf32, #tpu.memory_space<vmem>>) dst(%dma_wait3A_175 : memref<10112x128xf32, #tpu.memory_space<vmem_shared>>)
      %add3A_178 = arith.constant 1 : i32
      %add3A_179 = arith.addi %add3A_162, %add3A_178 : i32
      %dma_start3A_180 = arith.constant 0 : i32
      %dma_start3A_181 = arith.constant 0 : i32
      %dma_start3A_182 = arith.constant 0 : i32
      %dma_start3A_183 = arith.constant 0 : i32
      %dma_start3A_184 = tpu.memref_slice %arg9[%dma_start3A_180, %dma_start3A_182, %dma_start3A_183] : memref<2x64x128xf32, #tpu.memory_space<vmem>> -> memref<1x64x128xf32, #tpu.memory_space<vmem>>
      %dma_start3A_185 = tpu.memref_squeeze %dma_start3A_184 : memref<1x64x128xf32, #tpu.memory_space<vmem>> -> memref<64x128xf32, #tpu.memory_space<vmem>>
      %dma_start3A_186 = arith.constant 0 : i32
      %dma_start3A_187 = tpu.memref_slice %arg7[%add3A_179, %dma_start3A_186] : memref<120x64xi32, #tpu.memory_space<vmem>> -> memref<1x64xi32, #tpu.memory_space<vmem>>
      %dma_start3A_188 = tpu.memref_squeeze %dma_start3A_187 : memref<1x64xi32, #tpu.memory_space<vmem>> -> memref<64xi32, #tpu.memory_space<vmem>>
      %dma_start3A_189 = arith.constant 0 : i32
      %dma_start3A_190 = arith.constant 0 : i32
      %dma_start3A_191 = tpu.memref_slice %arg2[%dma_start3A_189, %dma_start3A_190] : memref<10000x128xf32, #tpu.memory_space<hbm>> -> memref<10000x128xf32, #tpu.memory_space<hbm>>
      %dma_start3A_192 = tpu.memref_slice %arg11[%dma_start3A_181] : memref<2x!tpu.dma_semaphore, #tpu.memory_space<semaphore_mem>> -> memref<1x!tpu.dma_semaphore, #tpu.memory_space<semaphore_mem>>
      %dma_start3A_193 = tpu.memref_squeeze %dma_start3A_192 : memref<1x!tpu.dma_semaphore, #tpu.memory_space<semaphore_mem>> -> memref<!tpu.dma_semaphore, #tpu.memory_space<semaphore_mem>>
      tpu.enqueue_indirect_dma source(%dma_start3A_191 : memref<10000x128xf32, #tpu.memory_space<hbm>>) target(%dma_start3A_185 : memref<64x128xf32, #tpu.memory_space<vmem>>) offsets(%dma_start3A_188 : memref<64xi32, #tpu.memory_space<vmem>>) semaphore(%dma_start3A_193 : memref<!tpu.dma_semaphore, #tpu.memory_space<semaphore_mem>>)
      %dma_wait3A_194 = arith.constant 0 : i32
      %dma_wait3A_195 = arith.constant 1 : i32
      %dma_wait3A_196 = arith.constant 1 : i32
      %dma_wait3A_197 = arith.constant 0 : i32
      %dma_wait3A_198 = arith.constant 0 : i32
      %dma_wait3A_199 = tpu.memref_slice %arg9[%dma_wait3A_195, %dma_wait3A_197, %dma_wait3A_198] : memref<2x64x128xf32, #tpu.memory_space<vmem>> -> memref<1x64x128xf32, #tpu.memory_space<vmem>>
      %dma_wait3A_200 = tpu.memref_squeeze %dma_wait3A_199 : memref<1x64x128xf32, #tpu.memory_space<vmem>> -> memref<64x128xf32, #tpu.memory_space<vmem>>
      %dma_wait3A_201 = arith.constant 0 : i32
      %dma_wait3A_202 = tpu.memref_slice %arg7[%dma_wait3A_194, %dma_wait3A_201] : memref<120x64xi32, #tpu.memory_space<vmem>> -> memref<1x64xi32, #tpu.memory_space<vmem>>
      %dma_wait3A_203 = tpu.memref_squeeze %dma_wait3A_202 : memref<1x64xi32, #tpu.memory_space<vmem>> -> memref<64xi32, #tpu.memory_space<vmem>>
      %dma_wait3A_204 = arith.constant 0 : i32
      %dma_wait3A_205 = arith.constant 0 : i32
      %dma_wait3A_206 = tpu.memref_slice %arg2[%dma_wait3A_204, %dma_wait3A_205] : memref<10000x128xf32, #tpu.memory_space<hbm>> -> memref<10000x128xf32, #tpu.memory_space<hbm>>
      %dma_wait3A_207 = tpu.memref_slice %arg11[%dma_wait3A_196] : memref<2x!tpu.dma_semaphore, #tpu.memory_space<semaphore_mem>> -> memref<1x!tpu.dma_semaphore, #tpu.memory_space<semaphore_mem>>
      %dma_wait3A_208 = tpu.memref_squeeze %dma_wait3A_207 : memref<1x!tpu.dma_semaphore, #tpu.memory_space<semaphore_mem>> -> memref<!tpu.dma_semaphore, #tpu.memory_space<semaphore_mem>>
      tpu.wait_indirect_dma semaphore(%dma_wait3A_208 : memref<!tpu.dma_semaphore, #tpu.memory_space<semaphore_mem>>) src(%dma_wait3A_206 : memref<10000x128xf32, #tpu.memory_space<hbm>>) dst(%dma_wait3A_200 : memref<64x128xf32, #tpu.memory_space<vmem>>)
      %dma_start3A_209 = arith.constant 1 : i32
      %dma_start3A_210 = arith.constant 1 : i32
      %dma_start3A_211 = arith.constant 0 : i32
      %dma_start3A_212 = arith.constant 0 : i32
      %dma_start3A_213 = tpu.memref_slice %arg9[%dma_start3A_209, %dma_start3A_211, %dma_start3A_212] : memref<2x64x128xf32, #tpu.memory_space<vmem>> -> memref<1x64x128xf32, #tpu.memory_space<vmem>>
      %dma_start3A_214 = tpu.memref_squeeze %dma_start3A_213 : memref<1x64x128xf32, #tpu.memory_space<vmem>> -> memref<64x128xf32, #tpu.memory_space<vmem>>
      %dma_start3A_215 = arith.constant 0 : i32
      %dma_start3A_216 = tpu.memref_slice %arg8[%add3A_162, %dma_start3A_215] : memref<120x64xi32, #tpu.memory_space<vmem>> -> memref<1x64xi32, #tpu.memory_space<vmem>>
      %dma_start3A_217 = tpu.memref_squeeze %dma_start3A_216 : memref<1x64xi32, #tpu.memory_space<vmem>> -> memref<64xi32, #tpu.memory_space<vmem>>
      %dma_start3A_218 = arith.constant 0 : i32
      %dma_start3A_219 = arith.constant 0 : i32
      %dma_start3A_220 = tpu.memref_slice %arg10[%dma_start3A_218, %dma_start3A_219] : memref<10112x128xf32, #tpu.memory_space<vmem_shared>> -> memref<10112x128xf32, #tpu.memory_space<vmem_shared>>
      %dma_start3A_221 = tpu.memref_slice %arg12[%dma_start3A_210] : memref<2x!tpu.dma_semaphore, #tpu.memory_space<semaphore_mem>> -> memref<1x!tpu.dma_semaphore, #tpu.memory_space<semaphore_mem>>
      %dma_start3A_222 = tpu.memref_squeeze %dma_start3A_221 : memref<1x!tpu.dma_semaphore, #tpu.memory_space<semaphore_mem>> -> memref<!tpu.dma_semaphore, #tpu.memory_space<semaphore_mem>>
      tpu.enqueue_indirect_dma source(%dma_start3A_214 : memref<64x128xf32, #tpu.memory_space<vmem>>) target(%dma_start3A_220 : memref<10112x128xf32, #tpu.memory_space<vmem_shared>>) offsets(%dma_start3A_217 : memref<64xi32, #tpu.memory_space<vmem>>) semaphore(%dma_start3A_222 : memref<!tpu.dma_semaphore, #tpu.memory_space<semaphore_mem>>) {add = true}
      %add3A_223 = arith.constant 1 : i32
      %add3A_224 = arith.addi %add3A_160, %add3A_223 : i32
      %dma_wait3A_225 = arith.constant 1 : i32
      %dma_wait3A_226 = arith.constant 0 : i32
      %dma_wait3A_227 = arith.constant 1 : i32
      %dma_wait3A_228 = arith.constant 0 : i32
      %dma_wait3A_229 = arith.constant 0 : i32
      %dma_wait3A_230 = tpu.memref_slice %arg9[%dma_wait3A_225, %dma_wait3A_228, %dma_wait3A_229] : memref<2x64x128xf32, #tpu.memory_space<vmem>> -> memref<1x64x128xf32, #tpu.memory_space<vmem>>
      %dma_wait3A_231 = tpu.memref_squeeze %dma_wait3A_230 : memref<1x64x128xf32, #tpu.memory_space<vmem>> -> memref<64x128xf32, #tpu.memory_space<vmem>>
      %dma_wait3A_232 = arith.constant 0 : i32
      %dma_wait3A_233 = tpu.memref_slice %arg8[%dma_wait3A_226, %dma_wait3A_232] : memref<120x64xi32, #tpu.memory_space<vmem>> -> memref<1x64xi32, #tpu.memory_space<vmem>>
      %dma_wait3A_234 = tpu.memref_squeeze %dma_wait3A_233 : memref<1x64xi32, #tpu.memory_space<vmem>> -> memref<64xi32, #tpu.memory_space<vmem>>
      %dma_wait3A_235 = arith.constant 0 : i32
      %dma_wait3A_236 = arith.constant 0 : i32
      %dma_wait3A_237 = tpu.memref_slice %arg10[%dma_wait3A_235, %dma_wait3A_236] : memref<10112x128xf32, #tpu.memory_space<vmem_shared>> -> memref<10112x128xf32, #tpu.memory_space<vmem_shared>>
      %dma_wait3A_238 = tpu.memref_slice %arg12[%dma_wait3A_227] : memref<2x!tpu.dma_semaphore, #tpu.memory_space<semaphore_mem>> -> memref<1x!tpu.dma_semaphore, #tpu.memory_space<semaphore_mem>>
      %dma_wait3A_239 = tpu.memref_squeeze %dma_wait3A_238 : memref<1x!tpu.dma_semaphore, #tpu.memory_space<semaphore_mem>> -> memref<!tpu.dma_semaphore, #tpu.memory_space<semaphore_mem>>
      tpu.wait_indirect_dma semaphore(%dma_wait3A_239 : memref<!tpu.dma_semaphore, #tpu.memory_space<semaphore_mem>>) src(%dma_wait3A_231 : memref<64x128xf32, #tpu.memory_space<vmem>>) dst(%dma_wait3A_237 : memref<10112x128xf32, #tpu.memory_space<vmem_shared>>)
      %add3A_240 = arith.constant 1 : i32
      %add3A_241 = arith.addi %add3A_224, %add3A_240 : i32
      %dma_start3A_242 = arith.constant 1 : i32
      %dma_start3A_243 = arith.constant 1 : i32
      %dma_start3A_244 = arith.constant 0 : i32
      %dma_start3A_245 = arith.constant 0 : i32
      %dma_start3A_246 = tpu.memref_slice %arg9[%dma_start3A_242, %dma_start3A_244, %dma_start3A_245] : memref<2x64x128xf32, #tpu.memory_space<vmem>> -> memref<1x64x128xf32, #tpu.memory_space<vmem>>
      %dma_start3A_247 = tpu.memref_squeeze %dma_start3A_246 : memref<1x64x128xf32, #tpu.memory_space<vmem>> -> memref<64x128xf32, #tpu.memory_space<vmem>>
      %dma_start3A_248 = arith.constant 0 : i32
      %dma_start3A_249 = tpu.memref_slice %arg7[%add3A_241, %dma_start3A_248] : memref<120x64xi32, #tpu.memory_space<vmem>> -> memref<1x64xi32, #tpu.memory_space<vmem>>
      %dma_start3A_250 = tpu.memref_squeeze %dma_start3A_249 : memref<1x64xi32, #tpu.memory_space<vmem>> -> memref<64xi32, #tpu.memory_space<vmem>>
      %dma_start3A_251 = arith.constant 0 : i32
      %dma_start3A_252 = arith.constant 0 : i32
      %dma_start3A_253 = tpu.memref_slice %arg2[%dma_start3A_251, %dma_start3A_252] : memref<10000x128xf32, #tpu.memory_space<hbm>> -> memref<10000x128xf32, #tpu.memory_space<hbm>>
      %dma_start3A_254 = tpu.memref_slice %arg11[%dma_start3A_243] : memref<2x!tpu.dma_semaphore, #tpu.memory_space<semaphore_mem>> -> memref<1x!tpu.dma_semaphore, #tpu.memory_space<semaphore_mem>>
      %dma_start3A_255 = tpu.memref_squeeze %dma_start3A_254 : memref<1x!tpu.dma_semaphore, #tpu.memory_space<semaphore_mem>> -> memref<!tpu.dma_semaphore, #tpu.memory_space<semaphore_mem>>
      tpu.enqueue_indirect_dma source(%dma_start3A_253 : memref<10000x128xf32, #tpu.memory_space<hbm>>) target(%dma_start3A_247 : memref<64x128xf32, #tpu.memory_space<vmem>>) offsets(%dma_start3A_250 : memref<64xi32, #tpu.memory_space<vmem>>) semaphore(%dma_start3A_255 : memref<!tpu.dma_semaphore, #tpu.memory_space<semaphore_mem>>)
      %dma_wait3A_256 = arith.constant 0 : i32
      %dma_wait3A_257 = arith.constant 0 : i32
      %dma_wait3A_258 = arith.constant 0 : i32
      %dma_wait3A_259 = arith.constant 0 : i32
      %dma_wait3A_260 = arith.constant 0 : i32
      %dma_wait3A_261 = tpu.memref_slice %arg9[%dma_wait3A_257, %dma_wait3A_259, %dma_wait3A_260] : memref<2x64x128xf32, #tpu.memory_space<vmem>> -> memref<1x64x128xf32, #tpu.memory_space<vmem>>
      %dma_wait3A_262 = tpu.memref_squeeze %dma_wait3A_261 : memref<1x64x128xf32, #tpu.memory_space<vmem>> -> memref<64x128xf32, #tpu.memory_space<vmem>>
      %dma_wait3A_263 = arith.constant 0 : i32
      %dma_wait3A_264 = tpu.memref_slice %arg7[%dma_wait3A_256, %dma_wait3A_263] : memref<120x64xi32, #tpu.memory_space<vmem>> -> memref<1x64xi32, #tpu.memory_space<vmem>>
      %dma_wait3A_265 = tpu.memref_squeeze %dma_wait3A_264 : memref<1x64xi32, #tpu.memory_space<vmem>> -> memref<64xi32, #tpu.memory_space<vmem>>
      %dma_wait3A_266 = arith.constant 0 : i32
      %dma_wait3A_267 = arith.constant 0 : i32
      %dma_wait3A_268 = tpu.memref_slice %arg2[%dma_wait3A_266, %dma_wait3A_267] : memref<10000x128xf32, #tpu.memory_space<hbm>> -> memref<10000x128xf32, #tpu.memory_space<hbm>>
      %dma_wait3A_269 = tpu.memref_slice %arg11[%dma_wait3A_258] : memref<2x!tpu.dma_semaphore, #tpu.memory_space<semaphore_mem>> -> memref<1x!tpu.dma_semaphore, #tpu.memory_space<semaphore_mem>>
      %dma_wait3A_270 = tpu.memref_squeeze %dma_wait3A_269 : memref<1x!tpu.dma_semaphore, #tpu.memory_space<semaphore_mem>> -> memref<!tpu.dma_semaphore, #tpu.memory_space<semaphore_mem>>
      tpu.wait_indirect_dma semaphore(%dma_wait3A_270 : memref<!tpu.dma_semaphore, #tpu.memory_space<semaphore_mem>>) src(%dma_wait3A_268 : memref<10000x128xf32, #tpu.memory_space<hbm>>) dst(%dma_wait3A_262 : memref<64x128xf32, #tpu.memory_space<vmem>>)
      %dma_start3A_271 = arith.constant 0 : i32
      %dma_start3A_272 = arith.constant 0 : i32
      %dma_start3A_273 = arith.constant 0 : i32
      %dma_start3A_274 = arith.constant 0 : i32
      %dma_start3A_275 = tpu.memref_slice %arg9[%dma_start3A_271, %dma_start3A_273, %dma_start3A_274] : memref<2x64x128xf32, #tpu.memory_space<vmem>> -> memref<1x64x128xf32, #tpu.memory_space<vmem>>
      %dma_start3A_276 = tpu.memref_squeeze %dma_start3A_275 : memref<1x64x128xf32, #tpu.memory_space<vmem>> -> memref<64x128xf32, #tpu.memory_space<vmem>>
      %dma_start3A_277 = arith.constant 0 : i32
      %dma_start3A_278 = tpu.memref_slice %arg8[%add3A_224, %dma_start3A_277] : memref<120x64xi32, #tpu.memory_space<vmem>> -> memref<1x64xi32, #tpu.memory_space<vmem>>
      %dma_start3A_279 = tpu.memref_squeeze %dma_start3A_278 : memref<1x64xi32, #tpu.memory_space<vmem>> -> memref<64xi32, #tpu.memory_space<vmem>>
      %dma_start3A_280 = arith.constant 0 : i32
      %dma_start3A_281 = arith.constant 0 : i32
      %dma_start3A_282 = tpu.memref_slice %arg10[%dma_start3A_280, %dma_start3A_281] : memref<10112x128xf32, #tpu.memory_space<vmem_shared>> -> memref<10112x128xf32, #tpu.memory_space<vmem_shared>>
      %dma_start3A_283 = tpu.memref_slice %arg12[%dma_start3A_272] : memref<2x!tpu.dma_semaphore, #tpu.memory_space<semaphore_mem>> -> memref<1x!tpu.dma_semaphore, #tpu.memory_space<semaphore_mem>>
      %dma_start3A_284 = tpu.memref_squeeze %dma_start3A_283 : memref<1x!tpu.dma_semaphore, #tpu.memory_space<semaphore_mem>> -> memref<!tpu.dma_semaphore, #tpu.memory_space<semaphore_mem>>
      tpu.enqueue_indirect_dma source(%dma_start3A_276 : memref<64x128xf32, #tpu.memory_space<vmem>>) target(%dma_start3A_282 : memref<10112x128xf32, #tpu.memory_space<vmem_shared>>) offsets(%dma_start3A_279 : memref<64xi32, #tpu.memory_space<vmem>>) semaphore(%dma_start3A_284 : memref<!tpu.dma_semaphore, #tpu.memory_space<semaphore_mem>>) {add = true}
    }
    %while3A_91 = arith.constant 1 : i32
    scf.for %while3A_158 = %while3A_89 to %while3A_85 step %while3A_91  : i32 {
      %mul3A_159 = arith.muli %while3A_158, %while3A : i32
      %add3A_160 = arith.addi %while3A_82, %mul3A_159 : i32
      %add3A_161 = arith.constant 0 : i32
      %add3A_162 = arith.addi %add3A_160, %add3A_161 : i32
      %dma_wait3A_163 = arith.constant 0 : i32
      %dma_wait3A_164 = arith.constant 0 : i32
      %dma_wait3A_165 = arith.constant 0 : i32
      %dma_wait3A_166 = arith.constant 0 : i32
      %dma_wait3A_167 = arith.constant 0 : i32
      %dma_wait3A_168 = tpu.memref_slice %arg9[%dma_wait3A_163, %dma_wait3A_166, %dma_wait3A_167] : memref<2x64x128xf32, #tpu.memory_space<vmem>> -> memref<1x64x128xf32, #tpu.memory_space<vmem>>
      %dma_wait3A_169 = tpu.memref_squeeze %dma_wait3A_168 : memref<1x64x128xf32, #tpu.memory_space<vmem>> -> memref<64x128xf32, #tpu.memory_space<vmem>>
      %dma_wait3A_170 = arith.constant 0 : i32
      %dma_wait3A_171 = tpu.memref_slice %arg8[%dma_wait3A_164, %dma_wait3A_170] : memref<120x64xi32, #tpu.memory_space<vmem>> -> memref<1x64xi32, #tpu.memory_space<vmem>>
      %dma_wait3A_172 = tpu.memref_squeeze %dma_wait3A_171 : memref<1x64xi32, #tpu.memory_space<vmem>> -> memref<64xi32, #tpu.memory_space<vmem>>
      %dma_wait3A_173 = arith.constant 0 : i32
      %dma_wait3A_174 = arith.constant 0 : i32
      %dma_wait3A_175 = tpu.memref_slice %arg10[%dma_wait3A_173, %dma_wait3A_174] : memref<10112x128xf32, #tpu.memory_space<vmem_shared>> -> memref<10112x128xf32, #tpu.memory_space<vmem_shared>>
      %dma_wait3A_176 = tpu.memref_slice %arg12[%dma_wait3A_165] : memref<2x!tpu.dma_semaphore, #tpu.memory_space<semaphore_mem>> -> memref<1x!tpu.dma_semaphore, #tpu.memory_space<semaphore_mem>>
      %dma_wait3A_177 = tpu.memref_squeeze %dma_wait3A_176 : memref<1x!tpu.dma_semaphore, #tpu.memory_space<semaphore_mem>> -> memref<!tpu.dma_semaphore, #tpu.memory_space<semaphore_mem>>
      tpu.wait_indirect_dma semaphore(%dma_wait3A_177 : memref<!tpu.dma_semaphore, #tpu.memory_space<semaphore_mem>>) src(%dma_wait3A_169 : memref<64x128xf32, #tpu.memory_space<vmem>>) dst(%dma_wait3A_175 : memref<10112x128xf32, #tpu.memory_space<vmem_shared>>)
      %add3A_178 = arith.constant 1 : i32
      %add3A_179 = arith.addi %add3A_162, %add3A_178 : i32
      %dma_start3A_180 = arith.constant 0 : i32
      %dma_start3A_181 = arith.constant 0 : i32
      %dma_start3A_182 = arith.constant 0 : i32
      %dma_start3A_183 = arith.constant 0 : i32
      %dma_start3A_184 = tpu.memref_slice %arg9[%dma_start3A_180, %dma_start3A_182, %dma_start3A_183] : memref<2x64x128xf32, #tpu.memory_space<vmem>> -> memref<1x64x128xf32, #tpu.memory_space<vmem>>
      %dma_start3A_185 = tpu.memref_squeeze %dma_start3A_184 : memref<1x64x128xf32, #tpu.memory_space<vmem>> -> memref<64x128xf32, #tpu.memory_space<vmem>>
      %dma_start3A_186 = arith.constant 0 : i32
      %dma_start3A_187 = tpu.memref_slice %arg7[%add3A_179, %dma_start3A_186] : memref<120x64xi32, #tpu.memory_space<vmem>> -> memref<1x64xi32, #tpu.memory_space<vmem>>
      %dma_start3A_188 = tpu.memref_squeeze %dma_start3A_187 : memref<1x64xi32, #tpu.memory_space<vmem>> -> memref<64xi32, #tpu.memory_space<vmem>>
      %dma_start3A_189 = arith.constant 0 : i32
      %dma_start3A_190 = arith.constant 0 : i32
      %dma_start3A_191 = tpu.memref_slice %arg2[%dma_start3A_189, %dma_start3A_190] : memref<10000x128xf32, #tpu.memory_space<hbm>> -> memref<10000x128xf32, #tpu.memory_space<hbm>>
      %dma_start3A_192 = tpu.memref_slice %arg11[%dma_start3A_181] : memref<2x!tpu.dma_semaphore, #tpu.memory_space<semaphore_mem>> -> memref<1x!tpu.dma_semaphore, #tpu.memory_space<semaphore_mem>>
      %dma_start3A_193 = tpu.memref_squeeze %dma_start3A_192 : memref<1x!tpu.dma_semaphore, #tpu.memory_space<semaphore_mem>> -> memref<!tpu.dma_semaphore, #tpu.memory_space<semaphore_mem>>
      tpu.enqueue_indirect_dma source(%dma_start3A_191 : memref<10000x128xf32, #tpu.memory_space<hbm>>) target(%dma_start3A_185 : memref<64x128xf32, #tpu.memory_space<vmem>>) offsets(%dma_start3A_188 : memref<64xi32, #tpu.memory_space<vmem>>) semaphore(%dma_start3A_193 : memref<!tpu.dma_semaphore, #tpu.memory_space<semaphore_mem>>)
      %dma_wait3A_194 = arith.constant 0 : i32
      %dma_wait3A_195 = arith.constant 1 : i32
      %dma_wait3A_196 = arith.constant 1 : i32
      %dma_wait3A_197 = arith.constant 0 : i32
      %dma_wait3A_198 = arith.constant 0 : i32
      %dma_wait3A_199 = tpu.memref_slice %arg9[%dma_wait3A_195, %dma_wait3A_197, %dma_wait3A_198] : memref<2x64x128xf32, #tpu.memory_space<vmem>> -> memref<1x64x128xf32, #tpu.memory_space<vmem>>
      %dma_wait3A_200 = tpu.memref_squeeze %dma_wait3A_199 : memref<1x64x128xf32, #tpu.memory_space<vmem>> -> memref<64x128xf32, #tpu.memory_space<vmem>>
      %dma_wait3A_201 = arith.constant 0 : i32
      %dma_wait3A_202 = tpu.memref_slice %arg7[%dma_wait3A_194, %dma_wait3A_201] : memref<120x64xi32, #tpu.memory_space<vmem>> -> memref<1x64xi32, #tpu.memory_space<vmem>>
      %dma_wait3A_203 = tpu.memref_squeeze %dma_wait3A_202 : memref<1x64xi32, #tpu.memory_space<vmem>> -> memref<64xi32, #tpu.memory_space<vmem>>
      %dma_wait3A_204 = arith.constant 0 : i32
      %dma_wait3A_205 = arith.constant 0 : i32
      %dma_wait3A_206 = tpu.memref_slice %arg2[%dma_wait3A_204, %dma_wait3A_205] : memref<10000x128xf32, #tpu.memory_space<hbm>> -> memref<10000x128xf32, #tpu.memory_space<hbm>>
      %dma_wait3A_207 = tpu.memref_slice %arg11[%dma_wait3A_196] : memref<2x!tpu.dma_semaphore, #tpu.memory_space<semaphore_mem>> -> memref<1x!tpu.dma_semaphore, #tpu.memory_space<semaphore_mem>>
      %dma_wait3A_208 = tpu.memref_squeeze %dma_wait3A_207 : memref<1x!tpu.dma_semaphore, #tpu.memory_space<semaphore_mem>> -> memref<!tpu.dma_semaphore, #tpu.memory_space<semaphore_mem>>
      tpu.wait_indirect_dma semaphore(%dma_wait3A_208 : memref<!tpu.dma_semaphore, #tpu.memory_space<semaphore_mem>>) src(%dma_wait3A_206 : memref<10000x128xf32, #tpu.memory_space<hbm>>) dst(%dma_wait3A_200 : memref<64x128xf32, #tpu.memory_space<vmem>>)
      %dma_start3A_209 = arith.constant 1 : i32
      %dma_start3A_210 = arith.constant 1 : i32
      %dma_start3A_211 = arith.constant 0 : i32
      %dma_start3A_212 = arith.constant 0 : i32
      %dma_start3A_213 = tpu.memref_slice %arg9[%dma_start3A_209, %dma_start3A_211, %dma_start3A_212] : memref<2x64x128xf32, #tpu.memory_space<vmem>> -> memref<1x64x128xf32, #tpu.memory_space<vmem>>
      %dma_start3A_214 = tpu.memref_squeeze %dma_start3A_213 : memref<1x64x128xf32, #tpu.memory_space<vmem>> -> memref<64x128xf32, #tpu.memory_space<vmem>>
      %dma_start3A_215 = arith.constant 0 : i32
      %dma_start3A_216 = tpu.memref_slice %arg8[%add3A_162, %dma_start3A_215] : memref<120x64xi32, #tpu.memory_space<vmem>> -> memref<1x64xi32, #tpu.memory_space<vmem>>
      %dma_start3A_217 = tpu.memref_squeeze %dma_start3A_216 : memref<1x64xi32, #tpu.memory_space<vmem>> -> memref<64xi32, #tpu.memory_space<vmem>>
      %dma_start3A_218 = arith.constant 0 : i32
      %dma_start3A_219 = arith.constant 0 : i32
      %dma_start3A_220 = tpu.memref_slice %arg10[%dma_start3A_218, %dma_start3A_219] : memref<10112x128xf32, #tpu.memory_space<vmem_shared>> -> memref<10112x128xf32, #tpu.memory_space<vmem_shared>>
      %dma_start3A_221 = tpu.memref_slice %arg12[%dma_start3A_210] : memref<2x!tpu.dma_semaphore, #tpu.memory_space<semaphore_mem>> -> memref<1x!tpu.dma_semaphore, #tpu.memory_space<semaphore_mem>>
      %dma_start3A_222 = tpu.memref_squeeze %dma_start3A_221 : memref<1x!tpu.dma_semaphore, #tpu.memory_space<semaphore_mem>> -> memref<!tpu.dma_semaphore, #tpu.memory_space<semaphore_mem>>
      tpu.enqueue_indirect_dma source(%dma_start3A_214 : memref<64x128xf32, #tpu.memory_space<vmem>>) target(%dma_start3A_220 : memref<10112x128xf32, #tpu.memory_space<vmem_shared>>) offsets(%dma_start3A_217 : memref<64xi32, #tpu.memory_space<vmem>>) semaphore(%dma_start3A_222 : memref<!tpu.dma_semaphore, #tpu.memory_space<semaphore_mem>>) {add = true}
      %add3A_223 = arith.constant 1 : i32
      %add3A_224 = arith.addi %add3A_160, %add3A_223 : i32
      %dma_wait3A_225 = arith.constant 1 : i32
      %dma_wait3A_226 = arith.constant 0 : i32
      %dma_wait3A_227 = arith.constant 1 : i32
      %dma_wait3A_228 = arith.constant 0 : i32
      %dma_wait3A_229 = arith.constant 0 : i32
      %dma_wait3A_230 = tpu.memref_slice %arg9[%dma_wait3A_225, %dma_wait3A_228, %dma_wait3A_229] : memref<2x64x128xf32, #tpu.memory_space<vmem>> -> memref<1x64x128xf32, #tpu.memory_space<vmem>>
      %dma_wait3A_231 = tpu.memref_squeeze %dma_wait3A_230 : memref<1x64x128xf32, #tpu.memory_space<vmem>> -> memref<64x128xf32, #tpu.memory_space<vmem>>
      %dma_wait3A_232 = arith.constant 0 : i32
      %dma_wait3A_233 = tpu.memref_slice %arg8[%dma_wait3A_226, %dma_wait3A_232] : memref<120x64xi32, #tpu.memory_space<vmem>> -> memref<1x64xi32, #tpu.memory_space<vmem>>
      %dma_wait3A_234 = tpu.memref_squeeze %dma_wait3A_233 : memref<1x64xi32, #tpu.memory_space<vmem>> -> memref<64xi32, #tpu.memory_space<vmem>>
      %dma_wait3A_235 = arith.constant 0 : i32
      %dma_wait3A_236 = arith.constant 0 : i32
      %dma_wait3A_237 = tpu.memref_slice %arg10[%dma_wait3A_235, %dma_wait3A_236] : memref<10112x128xf32, #tpu.memory_space<vmem_shared>> -> memref<10112x128xf32, #tpu.memory_space<vmem_shared>>
      %dma_wait3A_238 = tpu.memref_slice %arg12[%dma_wait3A_227] : memref<2x!tpu.dma_semaphore, #tpu.memory_space<semaphore_mem>> -> memref<1x!tpu.dma_semaphore, #tpu.memory_space<semaphore_mem>>
      %dma_wait3A_239 = tpu.memref_squeeze %dma_wait3A_238 : memref<1x!tpu.dma_semaphore, #tpu.memory_space<semaphore_mem>> -> memref<!tpu.dma_semaphore, #tpu.memory_space<semaphore_mem>>
      tpu.wait_indirect_dma semaphore(%dma_wait3A_239 : memref<!tpu.dma_semaphore, #tpu.memory_space<semaphore_mem>>) src(%dma_wait3A_231 : memref<64x128xf32, #tpu.memory_space<vmem>>) dst(%dma_wait3A_237 : memref<10112x128xf32, #tpu.memory_space<vmem_shared>>)
      %add3A_240 = arith.constant 1 : i32
      %add3A_241 = arith.addi %add3A_224, %add3A_240 : i32
      %dma_start3A_242 = arith.constant 1 : i32
      %dma_start3A_243 = arith.constant 1 : i32
      %dma_start3A_244 = arith.constant 0 : i32
      %dma_start3A_245 = arith.constant 0 : i32
      %dma_start3A_246 = tpu.memref_slice %arg9[%dma_start3A_242, %dma_start3A_244, %dma_start3A_245] : memref<2x64x128xf32, #tpu.memory_space<vmem>> -> memref<1x64x128xf32, #tpu.memory_space<vmem>>
      %dma_start3A_247 = tpu.memref_squeeze %dma_start3A_246 : memref<1x64x128xf32, #tpu.memory_space<vmem>> -> memref<64x128xf32, #tpu.memory_space<vmem>>
      %dma_start3A_248 = arith.constant 0 : i32
      %dma_start3A_249 = tpu.memref_slice %arg7[%add3A_241, %dma_start3A_248] : memref<120x64xi32, #tpu.memory_space<vmem>> -> memref<1x64xi32, #tpu.memory_space<vmem>>
      %dma_start3A_250 = tpu.memref_squeeze %dma_start3A_249 : memref<1x64xi32, #tpu.memory_space<vmem>> -> memref<64xi32, #tpu.memory_space<vmem>>
      %dma_start3A_251 = arith.constant 0 : i32
      %dma_start3A_252 = arith.constant 0 : i32
      %dma_start3A_253 = tpu.memref_slice %arg2[%dma_start3A_251, %dma_start3A_252] : memref<10000x128xf32, #tpu.memory_space<hbm>> -> memref<10000x128xf32, #tpu.memory_space<hbm>>
      %dma_start3A_254 = tpu.memref_slice %arg11[%dma_start3A_243] : memref<2x!tpu.dma_semaphore, #tpu.memory_space<semaphore_mem>> -> memref<1x!tpu.dma_semaphore, #tpu.memory_space<semaphore_mem>>
      %dma_start3A_255 = tpu.memref_squeeze %dma_start3A_254 : memref<1x!tpu.dma_semaphore, #tpu.memory_space<semaphore_mem>> -> memref<!tpu.dma_semaphore, #tpu.memory_space<semaphore_mem>>
      tpu.enqueue_indirect_dma source(%dma_start3A_253 : memref<10000x128xf32, #tpu.memory_space<hbm>>) target(%dma_start3A_247 : memref<64x128xf32, #tpu.memory_space<vmem>>) offsets(%dma_start3A_250 : memref<64xi32, #tpu.memory_space<vmem>>) semaphore(%dma_start3A_255 : memref<!tpu.dma_semaphore, #tpu.memory_space<semaphore_mem>>)
      %dma_wait3A_256 = arith.constant 0 : i32
      %dma_wait3A_257 = arith.constant 0 : i32
      %dma_wait3A_258 = arith.constant 0 : i32
      %dma_wait3A_259 = arith.constant 0 : i32
      %dma_wait3A_260 = arith.constant 0 : i32
      %dma_wait3A_261 = tpu.memref_slice %arg9[%dma_wait3A_257, %dma_wait3A_259, %dma_wait3A_260] : memref<2x64x128xf32, #tpu.memory_space<vmem>> -> memref<1x64x128xf32, #tpu.memory_space<vmem>>
      %dma_wait3A_262 = tpu.memref_squeeze %dma_wait3A_261 : memref<1x64x128xf32, #tpu.memory_space<vmem>> -> memref<64x128xf32, #tpu.memory_space<vmem>>
      %dma_wait3A_263 = arith.constant 0 : i32
      %dma_wait3A_264 = tpu.memref_slice %arg7[%dma_wait3A_256, %dma_wait3A_263] : memref<120x64xi32, #tpu.memory_space<vmem>> -> memref<1x64xi32, #tpu.memory_space<vmem>>
      %dma_wait3A_265 = tpu.memref_squeeze %dma_wait3A_264 : memref<1x64xi32, #tpu.memory_space<vmem>> -> memref<64xi32, #tpu.memory_space<vmem>>
      %dma_wait3A_266 = arith.constant 0 : i32
      %dma_wait3A_267 = arith.constant 0 : i32
      %dma_wait3A_268 = tpu.memref_slice %arg2[%dma_wait3A_266, %dma_wait3A_267] : memref<10000x128xf32, #tpu.memory_space<hbm>> -> memref<10000x128xf32, #tpu.memory_space<hbm>>
      %dma_wait3A_269 = tpu.memref_slice %arg11[%dma_wait3A_258] : memref<2x!tpu.dma_semaphore, #tpu.memory_space<semaphore_mem>> -> memref<1x!tpu.dma_semaphore, #tpu.memory_space<semaphore_mem>>
      %dma_wait3A_270 = tpu.memref_squeeze %dma_wait3A_269 : memref<1x!tpu.dma_semaphore, #tpu.memory_space<semaphore_mem>> -> memref<!tpu.dma_semaphore, #tpu.memory_space<semaphore_mem>>
      tpu.wait_indirect_dma semaphore(%dma_wait3A_270 : memref<!tpu.dma_semaphore, #tpu.memory_space<semaphore_mem>>) src(%dma_wait3A_268 : memref<10000x128xf32, #tpu.memory_space<hbm>>) dst(%dma_wait3A_262 : memref<64x128xf32, #tpu.memory_space<vmem>>)
      %dma_start3A_271 = arith.constant 0 : i32
      %dma_start3A_272 = arith.constant 0 : i32
      %dma_start3A_273 = arith.constant 0 : i32
      %dma_start3A_274 = arith.constant 0 : i32
      %dma_start3A_275 = tpu.memref_slice %arg9[%dma_start3A_271, %dma_start3A_273, %dma_start3A_274] : memref<2x64x128xf32, #tpu.memory_space<vmem>> -> memref<1x64x128xf32, #tpu.memory_space<vmem>>
      %dma_start3A_276 = tpu.memref_squeeze %dma_start3A_275 : memref<1x64x128xf32, #tpu.memory_space<vmem>> -> memref<64x128xf32, #tpu.memory_space<vmem>>
      %dma_start3A_277 = arith.constant 0 : i32
      %dma_start3A_278 = tpu.memref_slice %arg8[%add3A_224, %dma_start3A_277] : memref<120x64xi32, #tpu.memory_space<vmem>> -> memref<1x64xi32, #tpu.memory_space<vmem>>
      %dma_start3A_279 = tpu.memref_squeeze %dma_start3A_278 : memref<1x64xi32, #tpu.memory_space<vmem>> -> memref<64xi32, #tpu.memory_space<vmem>>
      %dma_start3A_280 = arith.constant 0 : i32
      %dma_start3A_281 = arith.constant 0 : i32
      %dma_start3A_282 = tpu.memref_slice %arg10[%dma_start3A_280, %dma_start3A_281] : memref<10112x128xf32, #tpu.memory_space<vmem_shared>> -> memref<10112x128xf32, #tpu.memory_space<vmem_shared>>
      %dma_start3A_283 = tpu.memref_slice %arg12[%dma_start3A_272] : memref<2x!tpu.dma_semaphore, #tpu.memory_space<semaphore_mem>> -> memref<1x!tpu.dma_semaphore, #tpu.memory_space<semaphore_mem>>
      %dma_start3A_284 = tpu.memref_squeeze %dma_start3A_283 : memref<1x!tpu.dma_semaphore, #tpu.memory_space<semaphore_mem>> -> memref<!tpu.dma_semaphore, #tpu.memory_space<semaphore_mem>>
      tpu.enqueue_indirect_dma source(%dma_start3A_276 : memref<64x128xf32, #tpu.memory_space<vmem>>) target(%dma_start3A_282 : memref<10112x128xf32, #tpu.memory_space<vmem_shared>>) offsets(%dma_start3A_279 : memref<64xi32, #tpu.memory_space<vmem>>) semaphore(%dma_start3A_284 : memref<!tpu.dma_semaphore, #tpu.memory_space<semaphore_mem>>) {add = true}
    }
    %dma_wait3A_92 = arith.constant 0 : i32
    %dma_wait3A_93 = arith.constant 1 : i32
    %dma_wait3A_94 = arith.constant 1 : i32
    %dma_wait3A_95 = arith.constant 0 : i32
    %dma_wait3A_96 = arith.constant 0 : i32
    %dma_wait3A_97 = tpu.memref_slice %arg9[%dma_wait3A_93, %dma_wait3A_95, %dma_wait3A_96] : memref<2x64x128xf32, #tpu.memory_space<vmem>> -> memref<1x64x128xf32, #tpu.memory_space<vmem>>
    %dma_wait3A_98 = tpu.memref_squeeze %dma_wait3A_97 : memref<1x64x128xf32, #tpu.memory_space<vmem>> -> memref<64x128xf32, #tpu.memory_space<vmem>>
    %dma_wait3A_99 = arith.constant 0 : i32
    %dma_wait3A_100 = tpu.memref_slice %arg7[%dma_wait3A_92, %dma_wait3A_99] : memref<120x64xi32, #tpu.memory_space<vmem>> -> memref<1x64xi32, #tpu.memory_space<vmem>>
    %dma_wait3A_101 = tpu.memref_squeeze %dma_wait3A_100 : memref<1x64xi32, #tpu.memory_space<vmem>> -> memref<64xi32, #tpu.memory_space<vmem>>
    %dma_wait3A_102 = arith.constant 0 : i32
    %dma_wait3A_103 = arith.constant 0 : i32
    %dma_wait3A_104 = tpu.memref_slice %arg2[%dma_wait3A_102, %dma_wait3A_103] : memref<10000x128xf32, #tpu.memory_space<hbm>> -> memref<10000x128xf32, #tpu.memory_space<hbm>>
    %dma_wait3A_105 = tpu.memref_slice %arg11[%dma_wait3A_94] : memref<2x!tpu.dma_semaphore, #tpu.memory_space<semaphore_mem>> -> memref<1x!tpu.dma_semaphore, #tpu.memory_space<semaphore_mem>>
    %dma_wait3A_106 = tpu.memref_squeeze %dma_wait3A_105 : memref<1x!tpu.dma_semaphore, #tpu.memory_space<semaphore_mem>> -> memref<!tpu.dma_semaphore, #tpu.memory_space<semaphore_mem>>
    tpu.wait_indirect_dma semaphore(%dma_wait3A_106 : memref<!tpu.dma_semaphore, #tpu.memory_space<semaphore_mem>>) src(%dma_wait3A_104 : memref<10000x128xf32, #tpu.memory_space<hbm>>) dst(%dma_wait3A_98 : memref<64x128xf32, #tpu.memory_space<vmem>>)
    %sub3A_107 = arith.constant 1 : i32
    %sub3A_108 = arith.subi %select_n3A, %sub3A_107 : i32
    %dma_start3A_109 = arith.constant 1 : i32
    %dma_start3A_110 = arith.constant 1 : i32
    %dma_start3A_111 = arith.constant 0 : i32
    %dma_start3A_112 = arith.constant 0 : i32
    %dma_start3A_113 = tpu.memref_slice %arg9[%dma_start3A_109, %dma_start3A_111, %dma_start3A_112] : memref<2x64x128xf32, #tpu.memory_space<vmem>> -> memref<1x64x128xf32, #tpu.memory_space<vmem>>
    %dma_start3A_114 = tpu.memref_squeeze %dma_start3A_113 : memref<1x64x128xf32, #tpu.memory_space<vmem>> -> memref<64x128xf32, #tpu.memory_space<vmem>>
    %dma_start3A_115 = arith.constant 0 : i32
    %dma_start3A_116 = tpu.memref_slice %arg8[%sub3A_108, %dma_start3A_115] : memref<120x64xi32, #tpu.memory_space<vmem>> -> memref<1x64xi32, #tpu.memory_space<vmem>>
    %dma_start3A_117 = tpu.memref_squeeze %dma_start3A_116 : memref<1x64xi32, #tpu.memory_space<vmem>> -> memref<64xi32, #tpu.memory_space<vmem>>
    %dma_start3A_118 = arith.constant 0 : i32
    %dma_start3A_119 = arith.constant 0 : i32
    %dma_start3A_120 = tpu.memref_slice %arg10[%dma_start3A_118, %dma_start3A_119] : memref<10112x128xf32, #tpu.memory_space<vmem_shared>> -> memref<10112x128xf32, #tpu.memory_space<vmem_shared>>
    %dma_start3A_121 = tpu.memref_slice %arg12[%dma_start3A_110] : memref<2x!tpu.dma_semaphore, #tpu.memory_space<semaphore_mem>> -> memref<1x!tpu.dma_semaphore, #tpu.memory_space<semaphore_mem>>
    %dma_start3A_122 = tpu.memref_squeeze %dma_start3A_121 : memref<1x!tpu.dma_semaphore, #tpu.memory_space<semaphore_mem>> -> memref<!tpu.dma_semaphore, #tpu.memory_space<semaphore_mem>>
    tpu.enqueue_indirect_dma source(%dma_start3A_114 : memref<64x128xf32, #tpu.memory_space<vmem>>) target(%dma_start3A_120 : memref<10112x128xf32, #tpu.memory_space<vmem_shared>>) offsets(%dma_start3A_117 : memref<64xi32, #tpu.memory_space<vmem>>) semaphore(%dma_start3A_122 : memref<!tpu.dma_semaphore, #tpu.memory_space<semaphore_mem>>) {add = true}
    %dma_wait3A_123 = arith.constant 0 : i32
    %dma_wait3A_124 = arith.constant 0 : i32
    %dma_wait3A_125 = arith.constant 0 : i32
    %dma_wait3A_126 = arith.constant 0 : i32
    %dma_wait3A_127 = arith.constant 0 : i32
    %dma_wait3A_128 = tpu.memref_slice %arg9[%dma_wait3A_123, %dma_wait3A_126, %dma_wait3A_127] : memref<2x64x128xf32, #tpu.memory_space<vmem>> -> memref<1x64x128xf32, #tpu.memory_space<vmem>>
    %dma_wait3A_129 = tpu.memref_squeeze %dma_wait3A_128 : memref<1x64x128xf32, #tpu.memory_space<vmem>> -> memref<64x128xf32, #tpu.memory_space<vmem>>
    %dma_wait3A_130 = arith.constant 0 : i32
    %dma_wait3A_131 = tpu.memref_slice %arg8[%dma_wait3A_124, %dma_wait3A_130] : memref<120x64xi32, #tpu.memory_space<vmem>> -> memref<1x64xi32, #tpu.memory_space<vmem>>
    %dma_wait3A_132 = tpu.memref_squeeze %dma_wait3A_131 : memref<1x64xi32, #tpu.memory_space<vmem>> -> memref<64xi32, #tpu.memory_space<vmem>>
    %dma_wait3A_133 = arith.constant 0 : i32
    %dma_wait3A_134 = arith.constant 0 : i32
    %dma_wait3A_135 = tpu.memref_slice %arg10[%dma_wait3A_133, %dma_wait3A_134] : memref<10112x128xf32, #tpu.memory_space<vmem_shared>> -> memref<10112x128xf32, #tpu.memory_space<vmem_shared>>
    %dma_wait3A_136 = tpu.memref_slice %arg12[%dma_wait3A_125] : memref<2x!tpu.dma_semaphore, #tpu.memory_space<semaphore_mem>> -> memref<1x!tpu.dma_semaphore, #tpu.memory_space<semaphore_mem>>
    %dma_wait3A_137 = tpu.memref_squeeze %dma_wait3A_136 : memref<1x!tpu.dma_semaphore, #tpu.memory_space<semaphore_mem>> -> memref<!tpu.dma_semaphore, #tpu.memory_space<semaphore_mem>>
    tpu.wait_indirect_dma semaphore(%dma_wait3A_137 : memref<!tpu.dma_semaphore, #tpu.memory_space<semaphore_mem>>) src(%dma_wait3A_129 : memref<64x128xf32, #tpu.memory_space<vmem>>) dst(%dma_wait3A_135 : memref<10112x128xf32, #tpu.memory_space<vmem_shared>>)
    %dma_wait3A_138 = arith.constant 1 : i32
    %dma_wait3A_139 = arith.constant 0 : i32
    %dma_wait3A_140 = arith.constant 1 : i32
    %dma_wait3A_141 = arith.constant 0 : i32
    %dma_wait3A_142 = arith.constant 0 : i32
    %dma_wait3A_143 = tpu.memref_slice %arg9[%dma_wait3A_138, %dma_wait3A_141, %dma_wait3A_142] : memref<2x64x128xf32, #tpu.memory_space<vmem>> -> memref<1x64x128xf32, #tpu.memory_space<vmem>>
    %dma_wait3A_144 = tpu.memref_squeeze %dma_wait3A_143 : memref<1x64x128xf32, #tpu.memory_space<vmem>> -> memref<64x128xf32, #tpu.memory_space<vmem>>
    %dma_wait3A_145 = arith.constant 0 : i32
    %dma_wait3A_146 = tpu.memref_slice %arg8[%dma_wait3A_139, %dma_wait3A_145] : memref<120x64xi32, #tpu.memory_space<vmem>> -> memref<1x64xi32, #tpu.memory_space<vmem>>
    %dma_wait3A_147 = tpu.memref_squeeze %dma_wait3A_146 : memref<1x64xi32, #tpu.memory_space<vmem>> -> memref<64xi32, #tpu.memory_space<vmem>>
    %dma_wait3A_148 = arith.constant 0 : i32
    %dma_wait3A_149 = arith.constant 0 : i32
    %dma_wait3A_150 = tpu.memref_slice %arg10[%dma_wait3A_148, %dma_wait3A_149] : memref<10112x128xf32, #tpu.memory_space<vmem_shared>> -> memref<10112x128xf32, #tpu.memory_space<vmem_shared>>
    %dma_wait3A_151 = tpu.memref_slice %arg12[%dma_wait3A_140] : memref<2x!tpu.dma_semaphore, #tpu.memory_space<semaphore_mem>> -> memref<1x!tpu.dma_semaphore, #tpu.memory_space<semaphore_mem>>
    %dma_wait3A_152 = tpu.memref_squeeze %dma_wait3A_151 : memref<1x!tpu.dma_semaphore, #tpu.memory_space<semaphore_mem>> -> memref<!tpu.dma_semaphore, #tpu.memory_space<semaphore_mem>>
    tpu.wait_indirect_dma semaphore(%dma_wait3A_152 : memref<!tpu.dma_semaphore, #tpu.memory_space<semaphore_mem>>) src(%dma_wait3A_144 : memref<64x128xf32, #tpu.memory_space<vmem>>) dst(%dma_wait3A_150 : memref<10112x128xf32, #tpu.memory_space<vmem_shared>>)
    %barrier3A_153 = arith.constant 0 : index
    tpu.barrier barrier_id(%barrier3A_153)
    %mul3A_154 = arith.constant 632 : i32
    %mul3A_155 = arith.muli %arg1, %mul3A_154 : i32
    %mul3A_156 = arith.constant 632 : i32
    %mul3A_157 = arith.muli %arg1, %mul3A_156 : i32
    "tpu.region"() ({
      %run_scoped3A = tpu.sem_alloc : memref<!tpu.dma_semaphore, #tpu.memory_space<semaphore_mem>>
      %dma_start3A_158 = arith.constant 0 : i32
      %dma_start3A_159 = tpu.memref_slice %arg6[%arg0, %mul3A_157, %dma_start3A_158] : memref<2x10112x128xf32, #tpu.memory_space<hbm>> -> memref<1x632x128xf32, #tpu.memory_space<hbm>>
      %dma_start3A_160 = tpu.memref_squeeze %dma_start3A_159 : memref<1x632x128xf32, #tpu.memory_space<hbm>> -> memref<632x128xf32, #tpu.memory_space<hbm>>
      %dma_start3A_161 = arith.constant 0 : i32
      %dma_start3A_162 = tpu.memref_slice %arg10[%mul3A_155, %dma_start3A_161] : memref<10112x128xf32, #tpu.memory_space<vmem_shared>> -> memref<632x128xf32, #tpu.memory_space<vmem_shared>>
      tpu.enqueue_dma source(%dma_start3A_162 : memref<632x128xf32, #tpu.memory_space<vmem_shared>>) target(%dma_start3A_160 : memref<632x128xf32, #tpu.memory_space<hbm>>) target_semaphore(%run_scoped3A : memref<!tpu.dma_semaphore, #tpu.memory_space<semaphore_mem>>)
      %dma_wait3A_163 = arith.constant 0 : i32
      %dma_wait3A_164 = tpu.memref_slice %arg6[%arg0, %mul3A_157, %dma_wait3A_163] : memref<2x10112x128xf32, #tpu.memory_space<hbm>> -> memref<1x632x128xf32, #tpu.memory_space<hbm>>
      %dma_wait3A_165 = tpu.memref_squeeze %dma_wait3A_164 : memref<1x632x128xf32, #tpu.memory_space<hbm>> -> memref<632x128xf32, #tpu.memory_space<hbm>>
      %dma_wait3A_166 = arith.constant 0 : i32
      %dma_wait3A_167 = tpu.memref_slice %arg10[%mul3A_155, %dma_wait3A_166] : memref<10112x128xf32, #tpu.memory_space<vmem_shared>> -> memref<632x128xf32, #tpu.memory_space<vmem_shared>>
      tpu.wait_dma2 semaphore(%run_scoped3A : memref<!tpu.dma_semaphore, #tpu.memory_space<semaphore_mem>>) src(%dma_wait3A_167 : memref<632x128xf32, #tpu.memory_space<vmem_shared>>) dst(%dma_wait3A_165 : memref<632x128xf32, #tpu.memory_space<hbm>>)
      tpu.yield
    }) : () -> ()
    return
  }
}

#map = affine_map<(d0, d1) -> (0, 0)>
#map1 = affine_map<(d0, d1) -> (0, 0, 0)>
module attributes {stable_mosaic.version = 14 : i64} {
  func.func @k(%arg0: i32, %arg1: i32, %arg2: memref<721x128xf32, #tpu.memory_space<hbm>>, %arg3: memref<528x32xi32, #tpu.memory_space<hbm>>, %arg4: memref<528x32xi32, #tpu.memory_space<hbm>>, %arg5: memref<2560x128xf32, #tpu.memory_space<hbm>>, %arg6: memref<32x80xi32, #tpu.memory_space<hbm>>, %arg7: memref<2x2560x128xf32, #tpu.memory_space<hbm>>, %arg8: memref<2560x128xf32, #tpu.memory_space<hbm>>, %arg9: memref<24x32xi32, #tpu.memory_space<vmem>>, %arg10: memref<24x32xi32, #tpu.memory_space<vmem>>, %arg11: memref<2x32x128xf32, #tpu.memory_space<vmem>>, %arg12: memref<2560x128xf32, #tpu.memory_space<vmem_shared>>, %arg13: memref<2x!tpu.dma_semaphore, #tpu.memory_space<semaphore_mem>>, %arg14: memref<2x!tpu.dma_semaphore, #tpu.memory_space<semaphore_mem>>, %arg15: memref<1x80xi32, #tpu.memory_space<vmem>>, %arg16: memref<80x128xf32, #tpu.memory_space<vmem>>, %arg17: memref<!tpu.dma_semaphore, #tpu.memory_space<semaphore_mem>>) attributes {dimension_semantics = [#tpu.dimension_semantics<core_parallel>, #tpu.dimension_semantics<subcore_parallel>], iteration_bounds = array<i64: 2, 16>, scalar_prefetch = 0 : i64, scratch_operands = 9 : i64, tpu.core_type = #tpu.core_type<sc_vector_subcore>, window_params = [{transform_indices = #map}, {transform_indices = #map}, {transform_indices = #map}, {transform_indices = #map}, {transform_indices = #map}, {transform_indices = #map1}, {transform_indices = #map}]} {
    %mul3A = arith.constant 16 : i32
    %mul3A_0 = arith.muli %arg0, %mul3A : i32
    %add3A = arith.addi %mul3A_0, %arg1 : i32
    %eq3A = arith.constant 0 : i32
    %eq3A_1 = arith.cmpi eq, %arg0, %eq3A : i32
    %jit3A = arith.constant 24 : i32
    %jit3A_2 = arith.constant 8 : i32
    %select_n3A = arith.select %eq3A_1, %jit3A, %jit3A_2 : i32
    %eq3A_3 = arith.constant 0 : i32
    %eq3A_4 = arith.cmpi eq, %arg0, %eq3A_3 : i32
    %mul3A_5 = arith.constant 24 : i32
    %mul3A_6 = arith.muli %arg1, %mul3A_5 : i32
    %mul3A_7 = arith.constant 8 : i32
    %mul3A_8 = arith.muli %arg1, %mul3A_7 : i32
    %add3A_9 = arith.constant 384 : i32
    %add3A_10 = arith.addi %add3A_9, %mul3A_8 : i32
    %select_n3A_11 = arith.select %eq3A_4, %mul3A_6, %add3A_10 : i32
    %mul3A_12 = arith.constant 160 : i32
    %mul3A_13 = arith.muli %arg1, %mul3A_12 : i32
    %mul3A_14 = arith.constant 160 : i32
    %mul3A_15 = arith.muli %arg1, %mul3A_14 : i32
    "tpu.region"() ({
      %run_scoped3A = tpu.sem_alloc : memref<!tpu.dma_semaphore, #tpu.memory_space<semaphore_mem>>
      %dma_start3A_174 = arith.constant 0 : i32
      %dma_start3A_175 = tpu.memref_slice %arg12[%mul3A_15, %dma_start3A_174] : memref<2560x128xf32, #tpu.memory_space<vmem_shared>> -> memref<160x128xf32, #tpu.memory_space<vmem_shared>>
      %dma_start3A_176 = arith.constant 0 : i32
      %dma_start3A_177 = tpu.memref_slice %arg5[%mul3A_13, %dma_start3A_176] : memref<2560x128xf32, #tpu.memory_space<hbm>> -> memref<160x128xf32, #tpu.memory_space<hbm>>
      tpu.enqueue_dma source(%dma_start3A_177 : memref<160x128xf32, #tpu.memory_space<hbm>>) target(%dma_start3A_175 : memref<160x128xf32, #tpu.memory_space<vmem_shared>>) target_semaphore(%run_scoped3A : memref<!tpu.dma_semaphore, #tpu.memory_space<semaphore_mem>>)
      %dma_wait3A_178 = arith.constant 0 : i32
      %dma_wait3A_179 = tpu.memref_slice %arg12[%mul3A_15, %dma_wait3A_178] : memref<2560x128xf32, #tpu.memory_space<vmem_shared>> -> memref<160x128xf32, #tpu.memory_space<vmem_shared>>
      %dma_wait3A_180 = arith.constant 0 : i32
      %dma_wait3A_181 = tpu.memref_slice %arg5[%mul3A_13, %dma_wait3A_180] : memref<2560x128xf32, #tpu.memory_space<hbm>> -> memref<160x128xf32, #tpu.memory_space<hbm>>
      tpu.wait_dma2 semaphore(%run_scoped3A : memref<!tpu.dma_semaphore, #tpu.memory_space<semaphore_mem>>) src(%dma_wait3A_181 : memref<160x128xf32, #tpu.memory_space<hbm>>) dst(%dma_wait3A_179 : memref<160x128xf32, #tpu.memory_space<vmem_shared>>)
      tpu.yield
    }) : () -> ()
    "tpu.region"() ({
      %run_scoped3A = tpu.sem_alloc : memref<!tpu.dma_semaphore, #tpu.memory_space<semaphore_mem>>
      %dma_start3A_174 = arith.constant 0 : i32
      %dma_start3A_175 = tpu.memref_slice %arg3[%select_n3A_11, %dma_start3A_174] : memref<528x32xi32, #tpu.memory_space<hbm>> -> memref<24x32xi32, #tpu.memory_space<hbm>>
      %dma_start3A_176 = arith.constant 0 : i32
      %dma_start3A_177 = tpu.memref_slice %arg3[%select_n3A_11, %dma_start3A_176] : memref<528x32xi32, #tpu.memory_space<hbm>> -> memref<24x32xi32, #tpu.memory_space<hbm>>
      tpu.enqueue_dma source(%dma_start3A_177 : memref<24x32xi32, #tpu.memory_space<hbm>>) target(%arg9 : memref<24x32xi32, #tpu.memory_space<vmem>>) target_semaphore(%run_scoped3A : memref<!tpu.dma_semaphore, #tpu.memory_space<semaphore_mem>>)
      %dma_wait3A_178 = arith.constant 0 : i32
      %dma_wait3A_179 = tpu.memref_slice %arg3[%select_n3A_11, %dma_wait3A_178] : memref<528x32xi32, #tpu.memory_space<hbm>> -> memref<24x32xi32, #tpu.memory_space<hbm>>
      %dma_wait3A_180 = arith.constant 0 : i32
      %dma_wait3A_181 = tpu.memref_slice %arg3[%select_n3A_11, %dma_wait3A_180] : memref<528x32xi32, #tpu.memory_space<hbm>> -> memref<24x32xi32, #tpu.memory_space<hbm>>
      tpu.wait_dma2 semaphore(%run_scoped3A : memref<!tpu.dma_semaphore, #tpu.memory_space<semaphore_mem>>) src(%dma_wait3A_181 : memref<24x32xi32, #tpu.memory_space<hbm>>) dst(%arg9 : memref<24x32xi32, #tpu.memory_space<vmem>>)
      tpu.yield
    }) : () -> ()
    "tpu.region"() ({
      %run_scoped3A = tpu.sem_alloc : memref<!tpu.dma_semaphore, #tpu.memory_space<semaphore_mem>>
      %dma_start3A_174 = arith.constant 0 : i32
      %dma_start3A_175 = tpu.memref_slice %arg4[%select_n3A_11, %dma_start3A_174] : memref<528x32xi32, #tpu.memory_space<hbm>> -> memref<24x32xi32, #tpu.memory_space<hbm>>
      %dma_start3A_176 = arith.constant 0 : i32
      %dma_start3A_177 = tpu.memref_slice %arg4[%select_n3A_11, %dma_start3A_176] : memref<528x32xi32, #tpu.memory_space<hbm>> -> memref<24x32xi32, #tpu.memory_space<hbm>>
      tpu.enqueue_dma source(%dma_start3A_177 : memref<24x32xi32, #tpu.memory_space<hbm>>) target(%arg10 : memref<24x32xi32, #tpu.memory_space<vmem>>) target_semaphore(%run_scoped3A : memref<!tpu.dma_semaphore, #tpu.memory_space<semaphore_mem>>)
      %dma_wait3A_178 = arith.constant 0 : i32
      %dma_wait3A_179 = tpu.memref_slice %arg4[%select_n3A_11, %dma_wait3A_178] : memref<528x32xi32, #tpu.memory_space<hbm>> -> memref<24x32xi32, #tpu.memory_space<hbm>>
      %dma_wait3A_180 = arith.constant 0 : i32
      %dma_wait3A_181 = tpu.memref_slice %arg4[%select_n3A_11, %dma_wait3A_180] : memref<528x32xi32, #tpu.memory_space<hbm>> -> memref<24x32xi32, #tpu.memory_space<hbm>>
      tpu.wait_dma2 semaphore(%run_scoped3A : memref<!tpu.dma_semaphore, #tpu.memory_space<semaphore_mem>>) src(%dma_wait3A_181 : memref<24x32xi32, #tpu.memory_space<hbm>>) dst(%arg10 : memref<24x32xi32, #tpu.memory_space<vmem>>)
      tpu.yield
    }) : () -> ()
    "tpu.region"() ({
      %run_scoped3A = tpu.sem_alloc : memref<!tpu.dma_semaphore, #tpu.memory_space<semaphore_mem>>
      %dma_start3A_174 = arith.constant 0 : i32
      %dma_start3A_175 = tpu.memref_slice %arg6[%add3A, %dma_start3A_174] : memref<32x80xi32, #tpu.memory_space<hbm>> -> memref<1x80xi32, #tpu.memory_space<hbm>>
      %dma_start3A_176 = arith.constant 0 : i32
      %dma_start3A_177 = tpu.memref_slice %arg6[%add3A, %dma_start3A_176] : memref<32x80xi32, #tpu.memory_space<hbm>> -> memref<1x80xi32, #tpu.memory_space<hbm>>
      tpu.enqueue_dma source(%dma_start3A_177 : memref<1x80xi32, #tpu.memory_space<hbm>>) target(%arg15 : memref<1x80xi32, #tpu.memory_space<vmem>>) target_semaphore(%run_scoped3A : memref<!tpu.dma_semaphore, #tpu.memory_space<semaphore_mem>>)
      %dma_wait3A_178 = arith.constant 0 : i32
      %dma_wait3A_179 = tpu.memref_slice %arg6[%add3A, %dma_wait3A_178] : memref<32x80xi32, #tpu.memory_space<hbm>> -> memref<1x80xi32, #tpu.memory_space<hbm>>
      %dma_wait3A_180 = arith.constant 0 : i32
      %dma_wait3A_181 = tpu.memref_slice %arg6[%add3A, %dma_wait3A_180] : memref<32x80xi32, #tpu.memory_space<hbm>> -> memref<1x80xi32, #tpu.memory_space<hbm>>
      tpu.wait_dma2 semaphore(%run_scoped3A : memref<!tpu.dma_semaphore, #tpu.memory_space<semaphore_mem>>) src(%dma_wait3A_181 : memref<1x80xi32, #tpu.memory_space<hbm>>) dst(%arg15 : memref<1x80xi32, #tpu.memory_space<vmem>>)
      tpu.yield
    }) : () -> ()
    %dma_start3A = arith.constant 0 : i32
    %dma_start3A_16 = arith.constant 0 : i32
    %dma_start3A_17 = tpu.memref_slice %arg15[%dma_start3A, %dma_start3A_16] : memref<1x80xi32, #tpu.memory_space<vmem>> -> memref<1x80xi32, #tpu.memory_space<vmem>>
    %dma_start3A_18 = tpu.memref_squeeze %dma_start3A_17 : memref<1x80xi32, #tpu.memory_space<vmem>> -> memref<80xi32, #tpu.memory_space<vmem>>
    %dma_start3A_19 = arith.constant 0 : i32
    %dma_start3A_20 = arith.constant 0 : i32
    %dma_start3A_21 = tpu.memref_slice %arg2[%dma_start3A_19, %dma_start3A_20] : memref<721x128xf32, #tpu.memory_space<hbm>> -> memref<721x128xf32, #tpu.memory_space<hbm>>
    tpu.enqueue_indirect_dma source(%dma_start3A_21 : memref<721x128xf32, #tpu.memory_space<hbm>>) target(%arg16 : memref<80x128xf32, #tpu.memory_space<vmem>>) offsets(%dma_start3A_18 : memref<80xi32, #tpu.memory_space<vmem>>) semaphore(%arg17 : memref<!tpu.dma_semaphore, #tpu.memory_space<semaphore_mem>>)
    %dma_wait3A = arith.constant 0 : i32
    %dma_wait3A_22 = arith.constant 0 : i32
    %dma_wait3A_23 = tpu.memref_slice %arg15[%dma_wait3A, %dma_wait3A_22] : memref<1x80xi32, #tpu.memory_space<vmem>> -> memref<1x80xi32, #tpu.memory_space<vmem>>
    %dma_wait3A_24 = tpu.memref_squeeze %dma_wait3A_23 : memref<1x80xi32, #tpu.memory_space<vmem>> -> memref<80xi32, #tpu.memory_space<vmem>>
    %dma_wait3A_25 = arith.constant 0 : i32
    %dma_wait3A_26 = arith.constant 0 : i32
    %dma_wait3A_27 = tpu.memref_slice %arg2[%dma_wait3A_25, %dma_wait3A_26] : memref<721x128xf32, #tpu.memory_space<hbm>> -> memref<721x128xf32, #tpu.memory_space<hbm>>
    tpu.wait_indirect_dma semaphore(%arg17 : memref<!tpu.dma_semaphore, #tpu.memory_space<semaphore_mem>>) src(%dma_wait3A_27 : memref<721x128xf32, #tpu.memory_space<hbm>>) dst(%arg16 : memref<80x128xf32, #tpu.memory_space<vmem>>)
    %mul3A_28 = arith.constant 80 : i32
    %mul3A_29 = arith.muli %add3A, %mul3A_28 : i32
    "tpu.region"() ({
      %run_scoped3A = tpu.sem_alloc : memref<!tpu.dma_semaphore, #tpu.memory_space<semaphore_mem>>
      %dma_start3A_174 = arith.constant 0 : i32
      %dma_start3A_175 = tpu.memref_slice %arg8[%mul3A_29, %dma_start3A_174] : memref<2560x128xf32, #tpu.memory_space<hbm>> -> memref<80x128xf32, #tpu.memory_space<hbm>>
      %dma_start3A_176 = arith.constant 0 : i32
      %dma_start3A_177 = tpu.memref_slice %arg8[%mul3A_29, %dma_start3A_176] : memref<2560x128xf32, #tpu.memory_space<hbm>> -> memref<80x128xf32, #tpu.memory_space<hbm>>
      tpu.enqueue_dma source(%arg16 : memref<80x128xf32, #tpu.memory_space<vmem>>) target(%dma_start3A_177 : memref<80x128xf32, #tpu.memory_space<hbm>>) target_semaphore(%run_scoped3A : memref<!tpu.dma_semaphore, #tpu.memory_space<semaphore_mem>>)
      %dma_wait3A_178 = arith.constant 0 : i32
      %dma_wait3A_179 = tpu.memref_slice %arg8[%mul3A_29, %dma_wait3A_178] : memref<2560x128xf32, #tpu.memory_space<hbm>> -> memref<80x128xf32, #tpu.memory_space<hbm>>
      %dma_wait3A_180 = arith.constant 0 : i32
      %dma_wait3A_181 = tpu.memref_slice %arg8[%mul3A_29, %dma_wait3A_180] : memref<2560x128xf32, #tpu.memory_space<hbm>> -> memref<80x128xf32, #tpu.memory_space<hbm>>
      tpu.wait_dma2 semaphore(%run_scoped3A : memref<!tpu.dma_semaphore, #tpu.memory_space<semaphore_mem>>) src(%arg16 : memref<80x128xf32, #tpu.memory_space<vmem>>) dst(%dma_wait3A_181 : memref<80x128xf32, #tpu.memory_space<hbm>>)
      tpu.yield
    }) : () -> ()
    %barrier3A = arith.constant 0 : index
    tpu.barrier barrier_id(%barrier3A)
    %dma_start3A_30 = arith.constant 0 : i32
    %dma_start3A_31 = arith.constant 0 : i32
    %dma_start3A_32 = arith.constant 0 : i32
    %dma_start3A_33 = arith.constant 0 : i32
    %dma_start3A_34 = arith.constant 0 : i32
    %dma_start3A_35 = tpu.memref_slice %arg11[%dma_start3A_31, %dma_start3A_33, %dma_start3A_34] : memref<2x32x128xf32, #tpu.memory_space<vmem>> -> memref<1x32x128xf32, #tpu.memory_space<vmem>>
    %dma_start3A_36 = tpu.memref_squeeze %dma_start3A_35 : memref<1x32x128xf32, #tpu.memory_space<vmem>> -> memref<32x128xf32, #tpu.memory_space<vmem>>
    %dma_start3A_37 = arith.constant 0 : i32
    %dma_start3A_38 = tpu.memref_slice %arg9[%dma_start3A_30, %dma_start3A_37] : memref<24x32xi32, #tpu.memory_space<vmem>> -> memref<1x32xi32, #tpu.memory_space<vmem>>
    %dma_start3A_39 = tpu.memref_squeeze %dma_start3A_38 : memref<1x32xi32, #tpu.memory_space<vmem>> -> memref<32xi32, #tpu.memory_space<vmem>>
    %dma_start3A_40 = arith.constant 0 : i32
    %dma_start3A_41 = arith.constant 0 : i32
    %dma_start3A_42 = tpu.memref_slice %arg2[%dma_start3A_40, %dma_start3A_41] : memref<721x128xf32, #tpu.memory_space<hbm>> -> memref<721x128xf32, #tpu.memory_space<hbm>>
    %dma_start3A_43 = tpu.memref_slice %arg13[%dma_start3A_32] : memref<2x!tpu.dma_semaphore, #tpu.memory_space<semaphore_mem>> -> memref<1x!tpu.dma_semaphore, #tpu.memory_space<semaphore_mem>>
    %dma_start3A_44 = tpu.memref_squeeze %dma_start3A_43 : memref<1x!tpu.dma_semaphore, #tpu.memory_space<semaphore_mem>> -> memref<!tpu.dma_semaphore, #tpu.memory_space<semaphore_mem>>
    tpu.enqueue_indirect_dma source(%dma_start3A_42 : memref<721x128xf32, #tpu.memory_space<hbm>>) target(%dma_start3A_36 : memref<32x128xf32, #tpu.memory_space<vmem>>) offsets(%dma_start3A_39 : memref<32xi32, #tpu.memory_space<vmem>>) semaphore(%dma_start3A_44 : memref<!tpu.dma_semaphore, #tpu.memory_space<semaphore_mem>>)
    %dma_start3A_45 = arith.constant 1 : i32
    %dma_start3A_46 = arith.constant 1 : i32
    %dma_start3A_47 = arith.constant 1 : i32
    %dma_start3A_48 = arith.constant 0 : i32
    %dma_start3A_49 = arith.constant 0 : i32
    %dma_start3A_50 = tpu.memref_slice %arg11[%dma_start3A_46, %dma_start3A_48, %dma_start3A_49] : memref<2x32x128xf32, #tpu.memory_space<vmem>> -> memref<1x32x128xf32, #tpu.memory_space<vmem>>
    %dma_start3A_51 = tpu.memref_squeeze %dma_start3A_50 : memref<1x32x128xf32, #tpu.memory_space<vmem>> -> memref<32x128xf32, #tpu.memory_space<vmem>>
    %dma_start3A_52 = arith.constant 0 : i32
    %dma_start3A_53 = tpu.memref_slice %arg9[%dma_start3A_45, %dma_start3A_52] : memref<24x32xi32, #tpu.memory_space<vmem>> -> memref<1x32xi32, #tpu.memory_space<vmem>>
    %dma_start3A_54 = tpu.memref_squeeze %dma_start3A_53 : memref<1x32xi32, #tpu.memory_space<vmem>> -> memref<32xi32, #tpu.memory_space<vmem>>
    %dma_start3A_55 = arith.constant 0 : i32
    %dma_start3A_56 = arith.constant 0 : i32
    %dma_start3A_57 = tpu.memref_slice %arg2[%dma_start3A_55, %dma_start3A_56] : memref<721x128xf32, #tpu.memory_space<hbm>> -> memref<721x128xf32, #tpu.memory_space<hbm>>
    %dma_start3A_58 = tpu.memref_slice %arg13[%dma_start3A_47] : memref<2x!tpu.dma_semaphore, #tpu.memory_space<semaphore_mem>> -> memref<1x!tpu.dma_semaphore, #tpu.memory_space<semaphore_mem>>
    %dma_start3A_59 = tpu.memref_squeeze %dma_start3A_58 : memref<1x!tpu.dma_semaphore, #tpu.memory_space<semaphore_mem>> -> memref<!tpu.dma_semaphore, #tpu.memory_space<semaphore_mem>>
    tpu.enqueue_indirect_dma source(%dma_start3A_57 : memref<721x128xf32, #tpu.memory_space<hbm>>) target(%dma_start3A_51 : memref<32x128xf32, #tpu.memory_space<vmem>>) offsets(%dma_start3A_54 : memref<32xi32, #tpu.memory_space<vmem>>) semaphore(%dma_start3A_59 : memref<!tpu.dma_semaphore, #tpu.memory_space<semaphore_mem>>)
    %dma_wait3A_60 = arith.constant 0 : i32
    %dma_wait3A_61 = arith.constant 0 : i32
    %dma_wait3A_62 = arith.constant 0 : i32
    %dma_wait3A_63 = arith.constant 0 : i32
    %dma_wait3A_64 = arith.constant 0 : i32
    %dma_wait3A_65 = tpu.memref_slice %arg11[%dma_wait3A_61, %dma_wait3A_63, %dma_wait3A_64] : memref<2x32x128xf32, #tpu.memory_space<vmem>> -> memref<1x32x128xf32, #tpu.memory_space<vmem>>
    %dma_wait3A_66 = tpu.memref_squeeze %dma_wait3A_65 : memref<1x32x128xf32, #tpu.memory_space<vmem>> -> memref<32x128xf32, #tpu.memory_space<vmem>>
    %dma_wait3A_67 = arith.constant 0 : i32
    %dma_wait3A_68 = tpu.memref_slice %arg9[%dma_wait3A_60, %dma_wait3A_67] : memref<24x32xi32, #tpu.memory_space<vmem>> -> memref<1x32xi32, #tpu.memory_space<vmem>>
    %dma_wait3A_69 = tpu.memref_squeeze %dma_wait3A_68 : memref<1x32xi32, #tpu.memory_space<vmem>> -> memref<32xi32, #tpu.memory_space<vmem>>
    %dma_wait3A_70 = arith.constant 0 : i32
    %dma_wait3A_71 = arith.constant 0 : i32
    %dma_wait3A_72 = tpu.memref_slice %arg2[%dma_wait3A_70, %dma_wait3A_71] : memref<721x128xf32, #tpu.memory_space<hbm>> -> memref<721x128xf32, #tpu.memory_space<hbm>>
    %dma_wait3A_73 = tpu.memref_slice %arg13[%dma_wait3A_62] : memref<2x!tpu.dma_semaphore, #tpu.memory_space<semaphore_mem>> -> memref<1x!tpu.dma_semaphore, #tpu.memory_space<semaphore_mem>>
    %dma_wait3A_74 = tpu.memref_squeeze %dma_wait3A_73 : memref<1x!tpu.dma_semaphore, #tpu.memory_space<semaphore_mem>> -> memref<!tpu.dma_semaphore, #tpu.memory_space<semaphore_mem>>
    tpu.wait_indirect_dma semaphore(%dma_wait3A_74 : memref<!tpu.dma_semaphore, #tpu.memory_space<semaphore_mem>>) src(%dma_wait3A_72 : memref<721x128xf32, #tpu.memory_space<hbm>>) dst(%dma_wait3A_66 : memref<32x128xf32, #tpu.memory_space<vmem>>)
    %dma_start3A_75 = arith.constant 0 : i32
    %dma_start3A_76 = arith.constant 0 : i32
    %dma_start3A_77 = arith.constant 0 : i32
    %dma_start3A_78 = arith.constant 0 : i32
    %dma_start3A_79 = arith.constant 0 : i32
    %dma_start3A_80 = tpu.memref_slice %arg11[%dma_start3A_75, %dma_start3A_78, %dma_start3A_79] : memref<2x32x128xf32, #tpu.memory_space<vmem>> -> memref<1x32x128xf32, #tpu.memory_space<vmem>>
    %dma_start3A_81 = tpu.memref_squeeze %dma_start3A_80 : memref<1x32x128xf32, #tpu.memory_space<vmem>> -> memref<32x128xf32, #tpu.memory_space<vmem>>
    %dma_start3A_82 = arith.constant 0 : i32
    %dma_start3A_83 = tpu.memref_slice %arg10[%dma_start3A_76, %dma_start3A_82] : memref<24x32xi32, #tpu.memory_space<vmem>> -> memref<1x32xi32, #tpu.memory_space<vmem>>
    %dma_start3A_84 = tpu.memref_squeeze %dma_start3A_83 : memref<1x32xi32, #tpu.memory_space<vmem>> -> memref<32xi32, #tpu.memory_space<vmem>>
    %dma_start3A_85 = arith.constant 0 : i32
    %dma_start3A_86 = arith.constant 0 : i32
    %dma_start3A_87 = tpu.memref_slice %arg12[%dma_start3A_85, %dma_start3A_86] : memref<2560x128xf32, #tpu.memory_space<vmem_shared>> -> memref<2560x128xf32, #tpu.memory_space<vmem_shared>>
    %dma_start3A_88 = tpu.memref_slice %arg14[%dma_start3A_77] : memref<2x!tpu.dma_semaphore, #tpu.memory_space<semaphore_mem>> -> memref<1x!tpu.dma_semaphore, #tpu.memory_space<semaphore_mem>>
    %dma_start3A_89 = tpu.memref_squeeze %dma_start3A_88 : memref<1x!tpu.dma_semaphore, #tpu.memory_space<semaphore_mem>> -> memref<!tpu.dma_semaphore, #tpu.memory_space<semaphore_mem>>
    tpu.enqueue_indirect_dma source(%dma_start3A_81 : memref<32x128xf32, #tpu.memory_space<vmem>>) target(%dma_start3A_87 : memref<2560x128xf32, #tpu.memory_space<vmem_shared>>) offsets(%dma_start3A_84 : memref<32xi32, #tpu.memory_space<vmem>>) semaphore(%dma_start3A_89 : memref<!tpu.dma_semaphore, #tpu.memory_space<semaphore_mem>>) {add = true}
    %sub3A = arith.constant 1 : i32
    %sub3A_90 = arith.subi %select_n3A, %sub3A : i32
    %sub3A_91 = arith.constant 1 : i32
    %sub3A_92 = arith.subi %sub3A_90, %sub3A_91 : i32
    %sub3A_93 = arith.constant 2 : i32
    %sub3A_94 = arith.constant 1 : i32
    %sub3A_95 = arith.subi %sub3A_93, %sub3A_94 : i32
    %add3A_96 = arith.addi %sub3A_92, %sub3A_95 : i32
    %div3A = arith.constant 2 : i32
    %div3A_97 = arith.divsi %add3A_96, %div3A : i32
    %while3A = arith.constant 2 : i32
    %while3A_98 = arith.constant 1 : i32
    %while3A_99 = arith.constant 0 : i32
    %while3A_100 = arith.subi %div3A_97, %while3A_99 : i32
    %while3A_101 = arith.addi %while3A_99, %while3A_100 : i32
    %while3A_102 = arith.constant 1 : i32
    %while3A_103 = arith.divsi %while3A_100, %while3A_102 : i32
    %while3A_104 = arith.muli %while3A_103, %while3A_102 : i32
    %while3A_105 = arith.addi %while3A_99, %while3A_104 : i32
    %while3A_106 = arith.constant 1 : i32
    scf.for %while3A_174 = %while3A_99 to %while3A_105 step %while3A_106  : i32 {
      %mul3A_175 = arith.muli %while3A_174, %while3A : i32
      %add3A_176 = arith.addi %while3A_98, %mul3A_175 : i32
      %add3A_177 = arith.constant 0 : i32
      %add3A_178 = arith.addi %add3A_176, %add3A_177 : i32
      %dma_wait3A_179 = arith.constant 0 : i32
      %dma_wait3A_180 = arith.constant 0 : i32
      %dma_wait3A_181 = arith.constant 0 : i32
      %dma_wait3A_182 = arith.constant 0 : i32
      %dma_wait3A_183 = arith.constant 0 : i32
      %dma_wait3A_184 = tpu.memref_slice %arg11[%dma_wait3A_179, %dma_wait3A_182, %dma_wait3A_183] : memref<2x32x128xf32, #tpu.memory_space<vmem>> -> memref<1x32x128xf32, #tpu.memory_space<vmem>>
      %dma_wait3A_185 = tpu.memref_squeeze %dma_wait3A_184 : memref<1x32x128xf32, #tpu.memory_space<vmem>> -> memref<32x128xf32, #tpu.memory_space<vmem>>
      %dma_wait3A_186 = arith.constant 0 : i32
      %dma_wait3A_187 = tpu.memref_slice %arg10[%dma_wait3A_180, %dma_wait3A_186] : memref<24x32xi32, #tpu.memory_space<vmem>> -> memref<1x32xi32, #tpu.memory_space<vmem>>
      %dma_wait3A_188 = tpu.memref_squeeze %dma_wait3A_187 : memref<1x32xi32, #tpu.memory_space<vmem>> -> memref<32xi32, #tpu.memory_space<vmem>>
      %dma_wait3A_189 = arith.constant 0 : i32
      %dma_wait3A_190 = arith.constant 0 : i32
      %dma_wait3A_191 = tpu.memref_slice %arg12[%dma_wait3A_189, %dma_wait3A_190] : memref<2560x128xf32, #tpu.memory_space<vmem_shared>> -> memref<2560x128xf32, #tpu.memory_space<vmem_shared>>
      %dma_wait3A_192 = tpu.memref_slice %arg14[%dma_wait3A_181] : memref<2x!tpu.dma_semaphore, #tpu.memory_space<semaphore_mem>> -> memref<1x!tpu.dma_semaphore, #tpu.memory_space<semaphore_mem>>
      %dma_wait3A_193 = tpu.memref_squeeze %dma_wait3A_192 : memref<1x!tpu.dma_semaphore, #tpu.memory_space<semaphore_mem>> -> memref<!tpu.dma_semaphore, #tpu.memory_space<semaphore_mem>>
      tpu.wait_indirect_dma semaphore(%dma_wait3A_193 : memref<!tpu.dma_semaphore, #tpu.memory_space<semaphore_mem>>) src(%dma_wait3A_185 : memref<32x128xf32, #tpu.memory_space<vmem>>) dst(%dma_wait3A_191 : memref<2560x128xf32, #tpu.memory_space<vmem_shared>>)
      %add3A_194 = arith.constant 1 : i32
      %add3A_195 = arith.addi %add3A_178, %add3A_194 : i32
      %dma_start3A_196 = arith.constant 0 : i32
      %dma_start3A_197 = arith.constant 0 : i32
      %dma_start3A_198 = arith.constant 0 : i32
      %dma_start3A_199 = arith.constant 0 : i32
      %dma_start3A_200 = tpu.memref_slice %arg11[%dma_start3A_196, %dma_start3A_198, %dma_start3A_199] : memref<2x32x128xf32, #tpu.memory_space<vmem>> -> memref<1x32x128xf32, #tpu.memory_space<vmem>>
      %dma_start3A_201 = tpu.memref_squeeze %dma_start3A_200 : memref<1x32x128xf32, #tpu.memory_space<vmem>> -> memref<32x128xf32, #tpu.memory_space<vmem>>
      %dma_start3A_202 = arith.constant 0 : i32
      %dma_start3A_203 = tpu.memref_slice %arg9[%add3A_195, %dma_start3A_202] : memref<24x32xi32, #tpu.memory_space<vmem>> -> memref<1x32xi32, #tpu.memory_space<vmem>>
      %dma_start3A_204 = tpu.memref_squeeze %dma_start3A_203 : memref<1x32xi32, #tpu.memory_space<vmem>> -> memref<32xi32, #tpu.memory_space<vmem>>
      %dma_start3A_205 = arith.constant 0 : i32
      %dma_start3A_206 = arith.constant 0 : i32
      %dma_start3A_207 = tpu.memref_slice %arg2[%dma_start3A_205, %dma_start3A_206] : memref<721x128xf32, #tpu.memory_space<hbm>> -> memref<721x128xf32, #tpu.memory_space<hbm>>
      %dma_start3A_208 = tpu.memref_slice %arg13[%dma_start3A_197] : memref<2x!tpu.dma_semaphore, #tpu.memory_space<semaphore_mem>> -> memref<1x!tpu.dma_semaphore, #tpu.memory_space<semaphore_mem>>
      %dma_start3A_209 = tpu.memref_squeeze %dma_start3A_208 : memref<1x!tpu.dma_semaphore, #tpu.memory_space<semaphore_mem>> -> memref<!tpu.dma_semaphore, #tpu.memory_space<semaphore_mem>>
      tpu.enqueue_indirect_dma source(%dma_start3A_207 : memref<721x128xf32, #tpu.memory_space<hbm>>) target(%dma_start3A_201 : memref<32x128xf32, #tpu.memory_space<vmem>>) offsets(%dma_start3A_204 : memref<32xi32, #tpu.memory_space<vmem>>) semaphore(%dma_start3A_209 : memref<!tpu.dma_semaphore, #tpu.memory_space<semaphore_mem>>)
      %dma_wait3A_210 = arith.constant 0 : i32
      %dma_wait3A_211 = arith.constant 1 : i32
      %dma_wait3A_212 = arith.constant 1 : i32
      %dma_wait3A_213 = arith.constant 0 : i32
      %dma_wait3A_214 = arith.constant 0 : i32
      %dma_wait3A_215 = tpu.memref_slice %arg11[%dma_wait3A_211, %dma_wait3A_213, %dma_wait3A_214] : memref<2x32x128xf32, #tpu.memory_space<vmem>> -> memref<1x32x128xf32, #tpu.memory_space<vmem>>
      %dma_wait3A_216 = tpu.memref_squeeze %dma_wait3A_215 : memref<1x32x128xf32, #tpu.memory_space<vmem>> -> memref<32x128xf32, #tpu.memory_space<vmem>>
      %dma_wait3A_217 = arith.constant 0 : i32
      %dma_wait3A_218 = tpu.memref_slice %arg9[%dma_wait3A_210, %dma_wait3A_217] : memref<24x32xi32, #tpu.memory_space<vmem>> -> memref<1x32xi32, #tpu.memory_space<vmem>>
      %dma_wait3A_219 = tpu.memref_squeeze %dma_wait3A_218 : memref<1x32xi32, #tpu.memory_space<vmem>> -> memref<32xi32, #tpu.memory_space<vmem>>
      %dma_wait3A_220 = arith.constant 0 : i32
      %dma_wait3A_221 = arith.constant 0 : i32
      %dma_wait3A_222 = tpu.memref_slice %arg2[%dma_wait3A_220, %dma_wait3A_221] : memref<721x128xf32, #tpu.memory_space<hbm>> -> memref<721x128xf32, #tpu.memory_space<hbm>>
      %dma_wait3A_223 = tpu.memref_slice %arg13[%dma_wait3A_212] : memref<2x!tpu.dma_semaphore, #tpu.memory_space<semaphore_mem>> -> memref<1x!tpu.dma_semaphore, #tpu.memory_space<semaphore_mem>>
      %dma_wait3A_224 = tpu.memref_squeeze %dma_wait3A_223 : memref<1x!tpu.dma_semaphore, #tpu.memory_space<semaphore_mem>> -> memref<!tpu.dma_semaphore, #tpu.memory_space<semaphore_mem>>
      tpu.wait_indirect_dma semaphore(%dma_wait3A_224 : memref<!tpu.dma_semaphore, #tpu.memory_space<semaphore_mem>>) src(%dma_wait3A_222 : memref<721x128xf32, #tpu.memory_space<hbm>>) dst(%dma_wait3A_216 : memref<32x128xf32, #tpu.memory_space<vmem>>)
      %dma_start3A_225 = arith.constant 1 : i32
      %dma_start3A_226 = arith.constant 1 : i32
      %dma_start3A_227 = arith.constant 0 : i32
      %dma_start3A_228 = arith.constant 0 : i32
      %dma_start3A_229 = tpu.memref_slice %arg11[%dma_start3A_225, %dma_start3A_227, %dma_start3A_228] : memref<2x32x128xf32, #tpu.memory_space<vmem>> -> memref<1x32x128xf32, #tpu.memory_space<vmem>>
      %dma_start3A_230 = tpu.memref_squeeze %dma_start3A_229 : memref<1x32x128xf32, #tpu.memory_space<vmem>> -> memref<32x128xf32, #tpu.memory_space<vmem>>
      %dma_start3A_231 = arith.constant 0 : i32
      %dma_start3A_232 = tpu.memref_slice %arg10[%add3A_178, %dma_start3A_231] : memref<24x32xi32, #tpu.memory_space<vmem>> -> memref<1x32xi32, #tpu.memory_space<vmem>>
      %dma_start3A_233 = tpu.memref_squeeze %dma_start3A_232 : memref<1x32xi32, #tpu.memory_space<vmem>> -> memref<32xi32, #tpu.memory_space<vmem>>
      %dma_start3A_234 = arith.constant 0 : i32
      %dma_start3A_235 = arith.constant 0 : i32
      %dma_start3A_236 = tpu.memref_slice %arg12[%dma_start3A_234, %dma_start3A_235] : memref<2560x128xf32, #tpu.memory_space<vmem_shared>> -> memref<2560x128xf32, #tpu.memory_space<vmem_shared>>
      %dma_start3A_237 = tpu.memref_slice %arg14[%dma_start3A_226] : memref<2x!tpu.dma_semaphore, #tpu.memory_space<semaphore_mem>> -> memref<1x!tpu.dma_semaphore, #tpu.memory_space<semaphore_mem>>
      %dma_start3A_238 = tpu.memref_squeeze %dma_start3A_237 : memref<1x!tpu.dma_semaphore, #tpu.memory_space<semaphore_mem>> -> memref<!tpu.dma_semaphore, #tpu.memory_space<semaphore_mem>>
      tpu.enqueue_indirect_dma source(%dma_start3A_230 : memref<32x128xf32, #tpu.memory_space<vmem>>) target(%dma_start3A_236 : memref<2560x128xf32, #tpu.memory_space<vmem_shared>>) offsets(%dma_start3A_233 : memref<32xi32, #tpu.memory_space<vmem>>) semaphore(%dma_start3A_238 : memref<!tpu.dma_semaphore, #tpu.memory_space<semaphore_mem>>) {add = true}
      %add3A_239 = arith.constant 1 : i32
      %add3A_240 = arith.addi %add3A_176, %add3A_239 : i32
      %dma_wait3A_241 = arith.constant 1 : i32
      %dma_wait3A_242 = arith.constant 0 : i32
      %dma_wait3A_243 = arith.constant 1 : i32
      %dma_wait3A_244 = arith.constant 0 : i32
      %dma_wait3A_245 = arith.constant 0 : i32
      %dma_wait3A_246 = tpu.memref_slice %arg11[%dma_wait3A_241, %dma_wait3A_244, %dma_wait3A_245] : memref<2x32x128xf32, #tpu.memory_space<vmem>> -> memref<1x32x128xf32, #tpu.memory_space<vmem>>
      %dma_wait3A_247 = tpu.memref_squeeze %dma_wait3A_246 : memref<1x32x128xf32, #tpu.memory_space<vmem>> -> memref<32x128xf32, #tpu.memory_space<vmem>>
      %dma_wait3A_248 = arith.constant 0 : i32
      %dma_wait3A_249 = tpu.memref_slice %arg10[%dma_wait3A_242, %dma_wait3A_248] : memref<24x32xi32, #tpu.memory_space<vmem>> -> memref<1x32xi32, #tpu.memory_space<vmem>>
      %dma_wait3A_250 = tpu.memref_squeeze %dma_wait3A_249 : memref<1x32xi32, #tpu.memory_space<vmem>> -> memref<32xi32, #tpu.memory_space<vmem>>
      %dma_wait3A_251 = arith.constant 0 : i32
      %dma_wait3A_252 = arith.constant 0 : i32
      %dma_wait3A_253 = tpu.memref_slice %arg12[%dma_wait3A_251, %dma_wait3A_252] : memref<2560x128xf32, #tpu.memory_space<vmem_shared>> -> memref<2560x128xf32, #tpu.memory_space<vmem_shared>>
      %dma_wait3A_254 = tpu.memref_slice %arg14[%dma_wait3A_243] : memref<2x!tpu.dma_semaphore, #tpu.memory_space<semaphore_mem>> -> memref<1x!tpu.dma_semaphore, #tpu.memory_space<semaphore_mem>>
      %dma_wait3A_255 = tpu.memref_squeeze %dma_wait3A_254 : memref<1x!tpu.dma_semaphore, #tpu.memory_space<semaphore_mem>> -> memref<!tpu.dma_semaphore, #tpu.memory_space<semaphore_mem>>
      tpu.wait_indirect_dma semaphore(%dma_wait3A_255 : memref<!tpu.dma_semaphore, #tpu.memory_space<semaphore_mem>>) src(%dma_wait3A_247 : memref<32x128xf32, #tpu.memory_space<vmem>>) dst(%dma_wait3A_253 : memref<2560x128xf32, #tpu.memory_space<vmem_shared>>)
      %add3A_256 = arith.constant 1 : i32
      %add3A_257 = arith.addi %add3A_240, %add3A_256 : i32
      %dma_start3A_258 = arith.constant 1 : i32
      %dma_start3A_259 = arith.constant 1 : i32
      %dma_start3A_260 = arith.constant 0 : i32
      %dma_start3A_261 = arith.constant 0 : i32
      %dma_start3A_262 = tpu.memref_slice %arg11[%dma_start3A_258, %dma_start3A_260, %dma_start3A_261] : memref<2x32x128xf32, #tpu.memory_space<vmem>> -> memref<1x32x128xf32, #tpu.memory_space<vmem>>
      %dma_start3A_263 = tpu.memref_squeeze %dma_start3A_262 : memref<1x32x128xf32, #tpu.memory_space<vmem>> -> memref<32x128xf32, #tpu.memory_space<vmem>>
      %dma_start3A_264 = arith.constant 0 : i32
      %dma_start3A_265 = tpu.memref_slice %arg9[%add3A_257, %dma_start3A_264] : memref<24x32xi32, #tpu.memory_space<vmem>> -> memref<1x32xi32, #tpu.memory_space<vmem>>
      %dma_start3A_266 = tpu.memref_squeeze %dma_start3A_265 : memref<1x32xi32, #tpu.memory_space<vmem>> -> memref<32xi32, #tpu.memory_space<vmem>>
      %dma_start3A_267 = arith.constant 0 : i32
      %dma_start3A_268 = arith.constant 0 : i32
      %dma_start3A_269 = tpu.memref_slice %arg2[%dma_start3A_267, %dma_start3A_268] : memref<721x128xf32, #tpu.memory_space<hbm>> -> memref<721x128xf32, #tpu.memory_space<hbm>>
      %dma_start3A_270 = tpu.memref_slice %arg13[%dma_start3A_259] : memref<2x!tpu.dma_semaphore, #tpu.memory_space<semaphore_mem>> -> memref<1x!tpu.dma_semaphore, #tpu.memory_space<semaphore_mem>>
      %dma_start3A_271 = tpu.memref_squeeze %dma_start3A_270 : memref<1x!tpu.dma_semaphore, #tpu.memory_space<semaphore_mem>> -> memref<!tpu.dma_semaphore, #tpu.memory_space<semaphore_mem>>
      tpu.enqueue_indirect_dma source(%dma_start3A_269 : memref<721x128xf32, #tpu.memory_space<hbm>>) target(%dma_start3A_263 : memref<32x128xf32, #tpu.memory_space<vmem>>) offsets(%dma_start3A_266 : memref<32xi32, #tpu.memory_space<vmem>>) semaphore(%dma_start3A_271 : memref<!tpu.dma_semaphore, #tpu.memory_space<semaphore_mem>>)
      %dma_wait3A_272 = arith.constant 0 : i32
      %dma_wait3A_273 = arith.constant 0 : i32
      %dma_wait3A_274 = arith.constant 0 : i32
      %dma_wait3A_275 = arith.constant 0 : i32
      %dma_wait3A_276 = arith.constant 0 : i32
      %dma_wait3A_277 = tpu.memref_slice %arg11[%dma_wait3A_273, %dma_wait3A_275, %dma_wait3A_276] : memref<2x32x128xf32, #tpu.memory_space<vmem>> -> memref<1x32x128xf32, #tpu.memory_space<vmem>>
      %dma_wait3A_278 = tpu.memref_squeeze %dma_wait3A_277 : memref<1x32x128xf32, #tpu.memory_space<vmem>> -> memref<32x128xf32, #tpu.memory_space<vmem>>
      %dma_wait3A_279 = arith.constant 0 : i32
      %dma_wait3A_280 = tpu.memref_slice %arg9[%dma_wait3A_272, %dma_wait3A_279] : memref<24x32xi32, #tpu.memory_space<vmem>> -> memref<1x32xi32, #tpu.memory_space<vmem>>
      %dma_wait3A_281 = tpu.memref_squeeze %dma_wait3A_280 : memref<1x32xi32, #tpu.memory_space<vmem>> -> memref<32xi32, #tpu.memory_space<vmem>>
      %dma_wait3A_282 = arith.constant 0 : i32
      %dma_wait3A_283 = arith.constant 0 : i32
      %dma_wait3A_284 = tpu.memref_slice %arg2[%dma_wait3A_282, %dma_wait3A_283] : memref<721x128xf32, #tpu.memory_space<hbm>> -> memref<721x128xf32, #tpu.memory_space<hbm>>
      %dma_wait3A_285 = tpu.memref_slice %arg13[%dma_wait3A_274] : memref<2x!tpu.dma_semaphore, #tpu.memory_space<semaphore_mem>> -> memref<1x!tpu.dma_semaphore, #tpu.memory_space<semaphore_mem>>
      %dma_wait3A_286 = tpu.memref_squeeze %dma_wait3A_285 : memref<1x!tpu.dma_semaphore, #tpu.memory_space<semaphore_mem>> -> memref<!tpu.dma_semaphore, #tpu.memory_space<semaphore_mem>>
      tpu.wait_indirect_dma semaphore(%dma_wait3A_286 : memref<!tpu.dma_semaphore, #tpu.memory_space<semaphore_mem>>) src(%dma_wait3A_284 : memref<721x128xf32, #tpu.memory_space<hbm>>) dst(%dma_wait3A_278 : memref<32x128xf32, #tpu.memory_space<vmem>>)
      %dma_start3A_287 = arith.constant 0 : i32
      %dma_start3A_288 = arith.constant 0 : i32
      %dma_start3A_289 = arith.constant 0 : i32
      %dma_start3A_290 = arith.constant 0 : i32
      %dma_start3A_291 = tpu.memref_slice %arg11[%dma_start3A_287, %dma_start3A_289, %dma_start3A_290] : memref<2x32x128xf32, #tpu.memory_space<vmem>> -> memref<1x32x128xf32, #tpu.memory_space<vmem>>
      %dma_start3A_292 = tpu.memref_squeeze %dma_start3A_291 : memref<1x32x128xf32, #tpu.memory_space<vmem>> -> memref<32x128xf32, #tpu.memory_space<vmem>>
      %dma_start3A_293 = arith.constant 0 : i32
      %dma_start3A_294 = tpu.memref_slice %arg10[%add3A_240, %dma_start3A_293] : memref<24x32xi32, #tpu.memory_space<vmem>> -> memref<1x32xi32, #tpu.memory_space<vmem>>
      %dma_start3A_295 = tpu.memref_squeeze %dma_start3A_294 : memref<1x32xi32, #tpu.memory_space<vmem>> -> memref<32xi32, #tpu.memory_space<vmem>>
      %dma_start3A_296 = arith.constant 0 : i32
      %dma_start3A_297 = arith.constant 0 : i32
      %dma_start3A_298 = tpu.memref_slice %arg12[%dma_start3A_296, %dma_start3A_297] : memref<2560x128xf32, #tpu.memory_space<vmem_shared>> -> memref<2560x128xf32, #tpu.memory_space<vmem_shared>>
      %dma_start3A_299 = tpu.memref_slice %arg14[%dma_start3A_288] : memref<2x!tpu.dma_semaphore, #tpu.memory_space<semaphore_mem>> -> memref<1x!tpu.dma_semaphore, #tpu.memory_space<semaphore_mem>>
      %dma_start3A_300 = tpu.memref_squeeze %dma_start3A_299 : memref<1x!tpu.dma_semaphore, #tpu.memory_space<semaphore_mem>> -> memref<!tpu.dma_semaphore, #tpu.memory_space<semaphore_mem>>
      tpu.enqueue_indirect_dma source(%dma_start3A_292 : memref<32x128xf32, #tpu.memory_space<vmem>>) target(%dma_start3A_298 : memref<2560x128xf32, #tpu.memory_space<vmem_shared>>) offsets(%dma_start3A_295 : memref<32xi32, #tpu.memory_space<vmem>>) semaphore(%dma_start3A_300 : memref<!tpu.dma_semaphore, #tpu.memory_space<semaphore_mem>>) {add = true}
    }
    %while3A_107 = arith.constant 1 : i32
    scf.for %while3A_174 = %while3A_105 to %while3A_101 step %while3A_107  : i32 {
      %mul3A_175 = arith.muli %while3A_174, %while3A : i32
      %add3A_176 = arith.addi %while3A_98, %mul3A_175 : i32
      %add3A_177 = arith.constant 0 : i32
      %add3A_178 = arith.addi %add3A_176, %add3A_177 : i32
      %dma_wait3A_179 = arith.constant 0 : i32
      %dma_wait3A_180 = arith.constant 0 : i32
      %dma_wait3A_181 = arith.constant 0 : i32
      %dma_wait3A_182 = arith.constant 0 : i32
      %dma_wait3A_183 = arith.constant 0 : i32
      %dma_wait3A_184 = tpu.memref_slice %arg11[%dma_wait3A_179, %dma_wait3A_182, %dma_wait3A_183] : memref<2x32x128xf32, #tpu.memory_space<vmem>> -> memref<1x32x128xf32, #tpu.memory_space<vmem>>
      %dma_wait3A_185 = tpu.memref_squeeze %dma_wait3A_184 : memref<1x32x128xf32, #tpu.memory_space<vmem>> -> memref<32x128xf32, #tpu.memory_space<vmem>>
      %dma_wait3A_186 = arith.constant 0 : i32
      %dma_wait3A_187 = tpu.memref_slice %arg10[%dma_wait3A_180, %dma_wait3A_186] : memref<24x32xi32, #tpu.memory_space<vmem>> -> memref<1x32xi32, #tpu.memory_space<vmem>>
      %dma_wait3A_188 = tpu.memref_squeeze %dma_wait3A_187 : memref<1x32xi32, #tpu.memory_space<vmem>> -> memref<32xi32, #tpu.memory_space<vmem>>
      %dma_wait3A_189 = arith.constant 0 : i32
      %dma_wait3A_190 = arith.constant 0 : i32
      %dma_wait3A_191 = tpu.memref_slice %arg12[%dma_wait3A_189, %dma_wait3A_190] : memref<2560x128xf32, #tpu.memory_space<vmem_shared>> -> memref<2560x128xf32, #tpu.memory_space<vmem_shared>>
      %dma_wait3A_192 = tpu.memref_slice %arg14[%dma_wait3A_181] : memref<2x!tpu.dma_semaphore, #tpu.memory_space<semaphore_mem>> -> memref<1x!tpu.dma_semaphore, #tpu.memory_space<semaphore_mem>>
      %dma_wait3A_193 = tpu.memref_squeeze %dma_wait3A_192 : memref<1x!tpu.dma_semaphore, #tpu.memory_space<semaphore_mem>> -> memref<!tpu.dma_semaphore, #tpu.memory_space<semaphore_mem>>
      tpu.wait_indirect_dma semaphore(%dma_wait3A_193 : memref<!tpu.dma_semaphore, #tpu.memory_space<semaphore_mem>>) src(%dma_wait3A_185 : memref<32x128xf32, #tpu.memory_space<vmem>>) dst(%dma_wait3A_191 : memref<2560x128xf32, #tpu.memory_space<vmem_shared>>)
      %add3A_194 = arith.constant 1 : i32
      %add3A_195 = arith.addi %add3A_178, %add3A_194 : i32
      %dma_start3A_196 = arith.constant 0 : i32
      %dma_start3A_197 = arith.constant 0 : i32
      %dma_start3A_198 = arith.constant 0 : i32
      %dma_start3A_199 = arith.constant 0 : i32
      %dma_start3A_200 = tpu.memref_slice %arg11[%dma_start3A_196, %dma_start3A_198, %dma_start3A_199] : memref<2x32x128xf32, #tpu.memory_space<vmem>> -> memref<1x32x128xf32, #tpu.memory_space<vmem>>
      %dma_start3A_201 = tpu.memref_squeeze %dma_start3A_200 : memref<1x32x128xf32, #tpu.memory_space<vmem>> -> memref<32x128xf32, #tpu.memory_space<vmem>>
      %dma_start3A_202 = arith.constant 0 : i32
      %dma_start3A_203 = tpu.memref_slice %arg9[%add3A_195, %dma_start3A_202] : memref<24x32xi32, #tpu.memory_space<vmem>> -> memref<1x32xi32, #tpu.memory_space<vmem>>
      %dma_start3A_204 = tpu.memref_squeeze %dma_start3A_203 : memref<1x32xi32, #tpu.memory_space<vmem>> -> memref<32xi32, #tpu.memory_space<vmem>>
      %dma_start3A_205 = arith.constant 0 : i32
      %dma_start3A_206 = arith.constant 0 : i32
      %dma_start3A_207 = tpu.memref_slice %arg2[%dma_start3A_205, %dma_start3A_206] : memref<721x128xf32, #tpu.memory_space<hbm>> -> memref<721x128xf32, #tpu.memory_space<hbm>>
      %dma_start3A_208 = tpu.memref_slice %arg13[%dma_start3A_197] : memref<2x!tpu.dma_semaphore, #tpu.memory_space<semaphore_mem>> -> memref<1x!tpu.dma_semaphore, #tpu.memory_space<semaphore_mem>>
      %dma_start3A_209 = tpu.memref_squeeze %dma_start3A_208 : memref<1x!tpu.dma_semaphore, #tpu.memory_space<semaphore_mem>> -> memref<!tpu.dma_semaphore, #tpu.memory_space<semaphore_mem>>
      tpu.enqueue_indirect_dma source(%dma_start3A_207 : memref<721x128xf32, #tpu.memory_space<hbm>>) target(%dma_start3A_201 : memref<32x128xf32, #tpu.memory_space<vmem>>) offsets(%dma_start3A_204 : memref<32xi32, #tpu.memory_space<vmem>>) semaphore(%dma_start3A_209 : memref<!tpu.dma_semaphore, #tpu.memory_space<semaphore_mem>>)
      %dma_wait3A_210 = arith.constant 0 : i32
      %dma_wait3A_211 = arith.constant 1 : i32
      %dma_wait3A_212 = arith.constant 1 : i32
      %dma_wait3A_213 = arith.constant 0 : i32
      %dma_wait3A_214 = arith.constant 0 : i32
      %dma_wait3A_215 = tpu.memref_slice %arg11[%dma_wait3A_211, %dma_wait3A_213, %dma_wait3A_214] : memref<2x32x128xf32, #tpu.memory_space<vmem>> -> memref<1x32x128xf32, #tpu.memory_space<vmem>>
      %dma_wait3A_216 = tpu.memref_squeeze %dma_wait3A_215 : memref<1x32x128xf32, #tpu.memory_space<vmem>> -> memref<32x128xf32, #tpu.memory_space<vmem>>
      %dma_wait3A_217 = arith.constant 0 : i32
      %dma_wait3A_218 = tpu.memref_slice %arg9[%dma_wait3A_210, %dma_wait3A_217] : memref<24x32xi32, #tpu.memory_space<vmem>> -> memref<1x32xi32, #tpu.memory_space<vmem>>
      %dma_wait3A_219 = tpu.memref_squeeze %dma_wait3A_218 : memref<1x32xi32, #tpu.memory_space<vmem>> -> memref<32xi32, #tpu.memory_space<vmem>>
      %dma_wait3A_220 = arith.constant 0 : i32
      %dma_wait3A_221 = arith.constant 0 : i32
      %dma_wait3A_222 = tpu.memref_slice %arg2[%dma_wait3A_220, %dma_wait3A_221] : memref<721x128xf32, #tpu.memory_space<hbm>> -> memref<721x128xf32, #tpu.memory_space<hbm>>
      %dma_wait3A_223 = tpu.memref_slice %arg13[%dma_wait3A_212] : memref<2x!tpu.dma_semaphore, #tpu.memory_space<semaphore_mem>> -> memref<1x!tpu.dma_semaphore, #tpu.memory_space<semaphore_mem>>
      %dma_wait3A_224 = tpu.memref_squeeze %dma_wait3A_223 : memref<1x!tpu.dma_semaphore, #tpu.memory_space<semaphore_mem>> -> memref<!tpu.dma_semaphore, #tpu.memory_space<semaphore_mem>>
      tpu.wait_indirect_dma semaphore(%dma_wait3A_224 : memref<!tpu.dma_semaphore, #tpu.memory_space<semaphore_mem>>) src(%dma_wait3A_222 : memref<721x128xf32, #tpu.memory_space<hbm>>) dst(%dma_wait3A_216 : memref<32x128xf32, #tpu.memory_space<vmem>>)
      %dma_start3A_225 = arith.constant 1 : i32
      %dma_start3A_226 = arith.constant 1 : i32
      %dma_start3A_227 = arith.constant 0 : i32
      %dma_start3A_228 = arith.constant 0 : i32
      %dma_start3A_229 = tpu.memref_slice %arg11[%dma_start3A_225, %dma_start3A_227, %dma_start3A_228] : memref<2x32x128xf32, #tpu.memory_space<vmem>> -> memref<1x32x128xf32, #tpu.memory_space<vmem>>
      %dma_start3A_230 = tpu.memref_squeeze %dma_start3A_229 : memref<1x32x128xf32, #tpu.memory_space<vmem>> -> memref<32x128xf32, #tpu.memory_space<vmem>>
      %dma_start3A_231 = arith.constant 0 : i32
      %dma_start3A_232 = tpu.memref_slice %arg10[%add3A_178, %dma_start3A_231] : memref<24x32xi32, #tpu.memory_space<vmem>> -> memref<1x32xi32, #tpu.memory_space<vmem>>
      %dma_start3A_233 = tpu.memref_squeeze %dma_start3A_232 : memref<1x32xi32, #tpu.memory_space<vmem>> -> memref<32xi32, #tpu.memory_space<vmem>>
      %dma_start3A_234 = arith.constant 0 : i32
      %dma_start3A_235 = arith.constant 0 : i32
      %dma_start3A_236 = tpu.memref_slice %arg12[%dma_start3A_234, %dma_start3A_235] : memref<2560x128xf32, #tpu.memory_space<vmem_shared>> -> memref<2560x128xf32, #tpu.memory_space<vmem_shared>>
      %dma_start3A_237 = tpu.memref_slice %arg14[%dma_start3A_226] : memref<2x!tpu.dma_semaphore, #tpu.memory_space<semaphore_mem>> -> memref<1x!tpu.dma_semaphore, #tpu.memory_space<semaphore_mem>>
      %dma_start3A_238 = tpu.memref_squeeze %dma_start3A_237 : memref<1x!tpu.dma_semaphore, #tpu.memory_space<semaphore_mem>> -> memref<!tpu.dma_semaphore, #tpu.memory_space<semaphore_mem>>
      tpu.enqueue_indirect_dma source(%dma_start3A_230 : memref<32x128xf32, #tpu.memory_space<vmem>>) target(%dma_start3A_236 : memref<2560x128xf32, #tpu.memory_space<vmem_shared>>) offsets(%dma_start3A_233 : memref<32xi32, #tpu.memory_space<vmem>>) semaphore(%dma_start3A_238 : memref<!tpu.dma_semaphore, #tpu.memory_space<semaphore_mem>>) {add = true}
      %add3A_239 = arith.constant 1 : i32
      %add3A_240 = arith.addi %add3A_176, %add3A_239 : i32
      %dma_wait3A_241 = arith.constant 1 : i32
      %dma_wait3A_242 = arith.constant 0 : i32
      %dma_wait3A_243 = arith.constant 1 : i32
      %dma_wait3A_244 = arith.constant 0 : i32
      %dma_wait3A_245 = arith.constant 0 : i32
      %dma_wait3A_246 = tpu.memref_slice %arg11[%dma_wait3A_241, %dma_wait3A_244, %dma_wait3A_245] : memref<2x32x128xf32, #tpu.memory_space<vmem>> -> memref<1x32x128xf32, #tpu.memory_space<vmem>>
      %dma_wait3A_247 = tpu.memref_squeeze %dma_wait3A_246 : memref<1x32x128xf32, #tpu.memory_space<vmem>> -> memref<32x128xf32, #tpu.memory_space<vmem>>
      %dma_wait3A_248 = arith.constant 0 : i32
      %dma_wait3A_249 = tpu.memref_slice %arg10[%dma_wait3A_242, %dma_wait3A_248] : memref<24x32xi32, #tpu.memory_space<vmem>> -> memref<1x32xi32, #tpu.memory_space<vmem>>
      %dma_wait3A_250 = tpu.memref_squeeze %dma_wait3A_249 : memref<1x32xi32, #tpu.memory_space<vmem>> -> memref<32xi32, #tpu.memory_space<vmem>>
      %dma_wait3A_251 = arith.constant 0 : i32
      %dma_wait3A_252 = arith.constant 0 : i32
      %dma_wait3A_253 = tpu.memref_slice %arg12[%dma_wait3A_251, %dma_wait3A_252] : memref<2560x128xf32, #tpu.memory_space<vmem_shared>> -> memref<2560x128xf32, #tpu.memory_space<vmem_shared>>
      %dma_wait3A_254 = tpu.memref_slice %arg14[%dma_wait3A_243] : memref<2x!tpu.dma_semaphore, #tpu.memory_space<semaphore_mem>> -> memref<1x!tpu.dma_semaphore, #tpu.memory_space<semaphore_mem>>
      %dma_wait3A_255 = tpu.memref_squeeze %dma_wait3A_254 : memref<1x!tpu.dma_semaphore, #tpu.memory_space<semaphore_mem>> -> memref<!tpu.dma_semaphore, #tpu.memory_space<semaphore_mem>>
      tpu.wait_indirect_dma semaphore(%dma_wait3A_255 : memref<!tpu.dma_semaphore, #tpu.memory_space<semaphore_mem>>) src(%dma_wait3A_247 : memref<32x128xf32, #tpu.memory_space<vmem>>) dst(%dma_wait3A_253 : memref<2560x128xf32, #tpu.memory_space<vmem_shared>>)
      %add3A_256 = arith.constant 1 : i32
      %add3A_257 = arith.addi %add3A_240, %add3A_256 : i32
      %dma_start3A_258 = arith.constant 1 : i32
      %dma_start3A_259 = arith.constant 1 : i32
      %dma_start3A_260 = arith.constant 0 : i32
      %dma_start3A_261 = arith.constant 0 : i32
      %dma_start3A_262 = tpu.memref_slice %arg11[%dma_start3A_258, %dma_start3A_260, %dma_start3A_261] : memref<2x32x128xf32, #tpu.memory_space<vmem>> -> memref<1x32x128xf32, #tpu.memory_space<vmem>>
      %dma_start3A_263 = tpu.memref_squeeze %dma_start3A_262 : memref<1x32x128xf32, #tpu.memory_space<vmem>> -> memref<32x128xf32, #tpu.memory_space<vmem>>
      %dma_start3A_264 = arith.constant 0 : i32
      %dma_start3A_265 = tpu.memref_slice %arg9[%add3A_257, %dma_start3A_264] : memref<24x32xi32, #tpu.memory_space<vmem>> -> memref<1x32xi32, #tpu.memory_space<vmem>>
      %dma_start3A_266 = tpu.memref_squeeze %dma_start3A_265 : memref<1x32xi32, #tpu.memory_space<vmem>> -> memref<32xi32, #tpu.memory_space<vmem>>
      %dma_start3A_267 = arith.constant 0 : i32
      %dma_start3A_268 = arith.constant 0 : i32
      %dma_start3A_269 = tpu.memref_slice %arg2[%dma_start3A_267, %dma_start3A_268] : memref<721x128xf32, #tpu.memory_space<hbm>> -> memref<721x128xf32, #tpu.memory_space<hbm>>
      %dma_start3A_270 = tpu.memref_slice %arg13[%dma_start3A_259] : memref<2x!tpu.dma_semaphore, #tpu.memory_space<semaphore_mem>> -> memref<1x!tpu.dma_semaphore, #tpu.memory_space<semaphore_mem>>
      %dma_start3A_271 = tpu.memref_squeeze %dma_start3A_270 : memref<1x!tpu.dma_semaphore, #tpu.memory_space<semaphore_mem>> -> memref<!tpu.dma_semaphore, #tpu.memory_space<semaphore_mem>>
      tpu.enqueue_indirect_dma source(%dma_start3A_269 : memref<721x128xf32, #tpu.memory_space<hbm>>) target(%dma_start3A_263 : memref<32x128xf32, #tpu.memory_space<vmem>>) offsets(%dma_start3A_266 : memref<32xi32, #tpu.memory_space<vmem>>) semaphore(%dma_start3A_271 : memref<!tpu.dma_semaphore, #tpu.memory_space<semaphore_mem>>)
      %dma_wait3A_272 = arith.constant 0 : i32
      %dma_wait3A_273 = arith.constant 0 : i32
      %dma_wait3A_274 = arith.constant 0 : i32
      %dma_wait3A_275 = arith.constant 0 : i32
      %dma_wait3A_276 = arith.constant 0 : i32
      %dma_wait3A_277 = tpu.memref_slice %arg11[%dma_wait3A_273, %dma_wait3A_275, %dma_wait3A_276] : memref<2x32x128xf32, #tpu.memory_space<vmem>> -> memref<1x32x128xf32, #tpu.memory_space<vmem>>
      %dma_wait3A_278 = tpu.memref_squeeze %dma_wait3A_277 : memref<1x32x128xf32, #tpu.memory_space<vmem>> -> memref<32x128xf32, #tpu.memory_space<vmem>>
      %dma_wait3A_279 = arith.constant 0 : i32
      %dma_wait3A_280 = tpu.memref_slice %arg9[%dma_wait3A_272, %dma_wait3A_279] : memref<24x32xi32, #tpu.memory_space<vmem>> -> memref<1x32xi32, #tpu.memory_space<vmem>>
      %dma_wait3A_281 = tpu.memref_squeeze %dma_wait3A_280 : memref<1x32xi32, #tpu.memory_space<vmem>> -> memref<32xi32, #tpu.memory_space<vmem>>
      %dma_wait3A_282 = arith.constant 0 : i32
      %dma_wait3A_283 = arith.constant 0 : i32
      %dma_wait3A_284 = tpu.memref_slice %arg2[%dma_wait3A_282, %dma_wait3A_283] : memref<721x128xf32, #tpu.memory_space<hbm>> -> memref<721x128xf32, #tpu.memory_space<hbm>>
      %dma_wait3A_285 = tpu.memref_slice %arg13[%dma_wait3A_274] : memref<2x!tpu.dma_semaphore, #tpu.memory_space<semaphore_mem>> -> memref<1x!tpu.dma_semaphore, #tpu.memory_space<semaphore_mem>>
      %dma_wait3A_286 = tpu.memref_squeeze %dma_wait3A_285 : memref<1x!tpu.dma_semaphore, #tpu.memory_space<semaphore_mem>> -> memref<!tpu.dma_semaphore, #tpu.memory_space<semaphore_mem>>
      tpu.wait_indirect_dma semaphore(%dma_wait3A_286 : memref<!tpu.dma_semaphore, #tpu.memory_space<semaphore_mem>>) src(%dma_wait3A_284 : memref<721x128xf32, #tpu.memory_space<hbm>>) dst(%dma_wait3A_278 : memref<32x128xf32, #tpu.memory_space<vmem>>)
      %dma_start3A_287 = arith.constant 0 : i32
      %dma_start3A_288 = arith.constant 0 : i32
      %dma_start3A_289 = arith.constant 0 : i32
      %dma_start3A_290 = arith.constant 0 : i32
      %dma_start3A_291 = tpu.memref_slice %arg11[%dma_start3A_287, %dma_start3A_289, %dma_start3A_290] : memref<2x32x128xf32, #tpu.memory_space<vmem>> -> memref<1x32x128xf32, #tpu.memory_space<vmem>>
      %dma_start3A_292 = tpu.memref_squeeze %dma_start3A_291 : memref<1x32x128xf32, #tpu.memory_space<vmem>> -> memref<32x128xf32, #tpu.memory_space<vmem>>
      %dma_start3A_293 = arith.constant 0 : i32
      %dma_start3A_294 = tpu.memref_slice %arg10[%add3A_240, %dma_start3A_293] : memref<24x32xi32, #tpu.memory_space<vmem>> -> memref<1x32xi32, #tpu.memory_space<vmem>>
      %dma_start3A_295 = tpu.memref_squeeze %dma_start3A_294 : memref<1x32xi32, #tpu.memory_space<vmem>> -> memref<32xi32, #tpu.memory_space<vmem>>
      %dma_start3A_296 = arith.constant 0 : i32
      %dma_start3A_297 = arith.constant 0 : i32
      %dma_start3A_298 = tpu.memref_slice %arg12[%dma_start3A_296, %dma_start3A_297] : memref<2560x128xf32, #tpu.memory_space<vmem_shared>> -> memref<2560x128xf32, #tpu.memory_space<vmem_shared>>
      %dma_start3A_299 = tpu.memref_slice %arg14[%dma_start3A_288] : memref<2x!tpu.dma_semaphore, #tpu.memory_space<semaphore_mem>> -> memref<1x!tpu.dma_semaphore, #tpu.memory_space<semaphore_mem>>
      %dma_start3A_300 = tpu.memref_squeeze %dma_start3A_299 : memref<1x!tpu.dma_semaphore, #tpu.memory_space<semaphore_mem>> -> memref<!tpu.dma_semaphore, #tpu.memory_space<semaphore_mem>>
      tpu.enqueue_indirect_dma source(%dma_start3A_292 : memref<32x128xf32, #tpu.memory_space<vmem>>) target(%dma_start3A_298 : memref<2560x128xf32, #tpu.memory_space<vmem_shared>>) offsets(%dma_start3A_295 : memref<32xi32, #tpu.memory_space<vmem>>) semaphore(%dma_start3A_300 : memref<!tpu.dma_semaphore, #tpu.memory_space<semaphore_mem>>) {add = true}
    }
    %dma_wait3A_108 = arith.constant 0 : i32
    %dma_wait3A_109 = arith.constant 1 : i32
    %dma_wait3A_110 = arith.constant 1 : i32
    %dma_wait3A_111 = arith.constant 0 : i32
    %dma_wait3A_112 = arith.constant 0 : i32
    %dma_wait3A_113 = tpu.memref_slice %arg11[%dma_wait3A_109, %dma_wait3A_111, %dma_wait3A_112] : memref<2x32x128xf32, #tpu.memory_space<vmem>> -> memref<1x32x128xf32, #tpu.memory_space<vmem>>
    %dma_wait3A_114 = tpu.memref_squeeze %dma_wait3A_113 : memref<1x32x128xf32, #tpu.memory_space<vmem>> -> memref<32x128xf32, #tpu.memory_space<vmem>>
    %dma_wait3A_115 = arith.constant 0 : i32
    %dma_wait3A_116 = tpu.memref_slice %arg9[%dma_wait3A_108, %dma_wait3A_115] : memref<24x32xi32, #tpu.memory_space<vmem>> -> memref<1x32xi32, #tpu.memory_space<vmem>>
    %dma_wait3A_117 = tpu.memref_squeeze %dma_wait3A_116 : memref<1x32xi32, #tpu.memory_space<vmem>> -> memref<32xi32, #tpu.memory_space<vmem>>
    %dma_wait3A_118 = arith.constant 0 : i32
    %dma_wait3A_119 = arith.constant 0 : i32
    %dma_wait3A_120 = tpu.memref_slice %arg2[%dma_wait3A_118, %dma_wait3A_119] : memref<721x128xf32, #tpu.memory_space<hbm>> -> memref<721x128xf32, #tpu.memory_space<hbm>>
    %dma_wait3A_121 = tpu.memref_slice %arg13[%dma_wait3A_110] : memref<2x!tpu.dma_semaphore, #tpu.memory_space<semaphore_mem>> -> memref<1x!tpu.dma_semaphore, #tpu.memory_space<semaphore_mem>>
    %dma_wait3A_122 = tpu.memref_squeeze %dma_wait3A_121 : memref<1x!tpu.dma_semaphore, #tpu.memory_space<semaphore_mem>> -> memref<!tpu.dma_semaphore, #tpu.memory_space<semaphore_mem>>
    tpu.wait_indirect_dma semaphore(%dma_wait3A_122 : memref<!tpu.dma_semaphore, #tpu.memory_space<semaphore_mem>>) src(%dma_wait3A_120 : memref<721x128xf32, #tpu.memory_space<hbm>>) dst(%dma_wait3A_114 : memref<32x128xf32, #tpu.memory_space<vmem>>)
    %sub3A_123 = arith.constant 1 : i32
    %sub3A_124 = arith.subi %select_n3A, %sub3A_123 : i32
    %dma_start3A_125 = arith.constant 1 : i32
    %dma_start3A_126 = arith.constant 1 : i32
    %dma_start3A_127 = arith.constant 0 : i32
    %dma_start3A_128 = arith.constant 0 : i32
    %dma_start3A_129 = tpu.memref_slice %arg11[%dma_start3A_125, %dma_start3A_127, %dma_start3A_128] : memref<2x32x128xf32, #tpu.memory_space<vmem>> -> memref<1x32x128xf32, #tpu.memory_space<vmem>>
    %dma_start3A_130 = tpu.memref_squeeze %dma_start3A_129 : memref<1x32x128xf32, #tpu.memory_space<vmem>> -> memref<32x128xf32, #tpu.memory_space<vmem>>
    %dma_start3A_131 = arith.constant 0 : i32
    %dma_start3A_132 = tpu.memref_slice %arg10[%sub3A_124, %dma_start3A_131] : memref<24x32xi32, #tpu.memory_space<vmem>> -> memref<1x32xi32, #tpu.memory_space<vmem>>
    %dma_start3A_133 = tpu.memref_squeeze %dma_start3A_132 : memref<1x32xi32, #tpu.memory_space<vmem>> -> memref<32xi32, #tpu.memory_space<vmem>>
    %dma_start3A_134 = arith.constant 0 : i32
    %dma_start3A_135 = arith.constant 0 : i32
    %dma_start3A_136 = tpu.memref_slice %arg12[%dma_start3A_134, %dma_start3A_135] : memref<2560x128xf32, #tpu.memory_space<vmem_shared>> -> memref<2560x128xf32, #tpu.memory_space<vmem_shared>>
    %dma_start3A_137 = tpu.memref_slice %arg14[%dma_start3A_126] : memref<2x!tpu.dma_semaphore, #tpu.memory_space<semaphore_mem>> -> memref<1x!tpu.dma_semaphore, #tpu.memory_space<semaphore_mem>>
    %dma_start3A_138 = tpu.memref_squeeze %dma_start3A_137 : memref<1x!tpu.dma_semaphore, #tpu.memory_space<semaphore_mem>> -> memref<!tpu.dma_semaphore, #tpu.memory_space<semaphore_mem>>
    tpu.enqueue_indirect_dma source(%dma_start3A_130 : memref<32x128xf32, #tpu.memory_space<vmem>>) target(%dma_start3A_136 : memref<2560x128xf32, #tpu.memory_space<vmem_shared>>) offsets(%dma_start3A_133 : memref<32xi32, #tpu.memory_space<vmem>>) semaphore(%dma_start3A_138 : memref<!tpu.dma_semaphore, #tpu.memory_space<semaphore_mem>>) {add = true}
    %dma_wait3A_139 = arith.constant 0 : i32
    %dma_wait3A_140 = arith.constant 0 : i32
    %dma_wait3A_141 = arith.constant 0 : i32
    %dma_wait3A_142 = arith.constant 0 : i32
    %dma_wait3A_143 = arith.constant 0 : i32
    %dma_wait3A_144 = tpu.memref_slice %arg11[%dma_wait3A_139, %dma_wait3A_142, %dma_wait3A_143] : memref<2x32x128xf32, #tpu.memory_space<vmem>> -> memref<1x32x128xf32, #tpu.memory_space<vmem>>
    %dma_wait3A_145 = tpu.memref_squeeze %dma_wait3A_144 : memref<1x32x128xf32, #tpu.memory_space<vmem>> -> memref<32x128xf32, #tpu.memory_space<vmem>>
    %dma_wait3A_146 = arith.constant 0 : i32
    %dma_wait3A_147 = tpu.memref_slice %arg10[%dma_wait3A_140, %dma_wait3A_146] : memref<24x32xi32, #tpu.memory_space<vmem>> -> memref<1x32xi32, #tpu.memory_space<vmem>>
    %dma_wait3A_148 = tpu.memref_squeeze %dma_wait3A_147 : memref<1x32xi32, #tpu.memory_space<vmem>> -> memref<32xi32, #tpu.memory_space<vmem>>
    %dma_wait3A_149 = arith.constant 0 : i32
    %dma_wait3A_150 = arith.constant 0 : i32
    %dma_wait3A_151 = tpu.memref_slice %arg12[%dma_wait3A_149, %dma_wait3A_150] : memref<2560x128xf32, #tpu.memory_space<vmem_shared>> -> memref<2560x128xf32, #tpu.memory_space<vmem_shared>>
    %dma_wait3A_152 = tpu.memref_slice %arg14[%dma_wait3A_141] : memref<2x!tpu.dma_semaphore, #tpu.memory_space<semaphore_mem>> -> memref<1x!tpu.dma_semaphore, #tpu.memory_space<semaphore_mem>>
    %dma_wait3A_153 = tpu.memref_squeeze %dma_wait3A_152 : memref<1x!tpu.dma_semaphore, #tpu.memory_space<semaphore_mem>> -> memref<!tpu.dma_semaphore, #tpu.memory_space<semaphore_mem>>
    tpu.wait_indirect_dma semaphore(%dma_wait3A_153 : memref<!tpu.dma_semaphore, #tpu.memory_space<semaphore_mem>>) src(%dma_wait3A_145 : memref<32x128xf32, #tpu.memory_space<vmem>>) dst(%dma_wait3A_151 : memref<2560x128xf32, #tpu.memory_space<vmem_shared>>)
    %dma_wait3A_154 = arith.constant 1 : i32
    %dma_wait3A_155 = arith.constant 0 : i32
    %dma_wait3A_156 = arith.constant 1 : i32
    %dma_wait3A_157 = arith.constant 0 : i32
    %dma_wait3A_158 = arith.constant 0 : i32
    %dma_wait3A_159 = tpu.memref_slice %arg11[%dma_wait3A_154, %dma_wait3A_157, %dma_wait3A_158] : memref<2x32x128xf32, #tpu.memory_space<vmem>> -> memref<1x32x128xf32, #tpu.memory_space<vmem>>
    %dma_wait3A_160 = tpu.memref_squeeze %dma_wait3A_159 : memref<1x32x128xf32, #tpu.memory_space<vmem>> -> memref<32x128xf32, #tpu.memory_space<vmem>>
    %dma_wait3A_161 = arith.constant 0 : i32
    %dma_wait3A_162 = tpu.memref_slice %arg10[%dma_wait3A_155, %dma_wait3A_161] : memref<24x32xi32, #tpu.memory_space<vmem>> -> memref<1x32xi32, #tpu.memory_space<vmem>>
    %dma_wait3A_163 = tpu.memref_squeeze %dma_wait3A_162 : memref<1x32xi32, #tpu.memory_space<vmem>> -> memref<32xi32, #tpu.memory_space<vmem>>
    %dma_wait3A_164 = arith.constant 0 : i32
    %dma_wait3A_165 = arith.constant 0 : i32
    %dma_wait3A_166 = tpu.memref_slice %arg12[%dma_wait3A_164, %dma_wait3A_165] : memref<2560x128xf32, #tpu.memory_space<vmem_shared>> -> memref<2560x128xf32, #tpu.memory_space<vmem_shared>>
    %dma_wait3A_167 = tpu.memref_slice %arg14[%dma_wait3A_156] : memref<2x!tpu.dma_semaphore, #tpu.memory_space<semaphore_mem>> -> memref<1x!tpu.dma_semaphore, #tpu.memory_space<semaphore_mem>>
    %dma_wait3A_168 = tpu.memref_squeeze %dma_wait3A_167 : memref<1x!tpu.dma_semaphore, #tpu.memory_space<semaphore_mem>> -> memref<!tpu.dma_semaphore, #tpu.memory_space<semaphore_mem>>
    tpu.wait_indirect_dma semaphore(%dma_wait3A_168 : memref<!tpu.dma_semaphore, #tpu.memory_space<semaphore_mem>>) src(%dma_wait3A_160 : memref<32x128xf32, #tpu.memory_space<vmem>>) dst(%dma_wait3A_166 : memref<2560x128xf32, #tpu.memory_space<vmem_shared>>)
    %barrier3A_169 = arith.constant 0 : index
    tpu.barrier barrier_id(%barrier3A_169)
    %mul3A_170 = arith.constant 160 : i32
    %mul3A_171 = arith.muli %arg1, %mul3A_170 : i32
    %mul3A_172 = arith.constant 160 : i32
    %mul3A_173 = arith.muli %arg1, %mul3A_172 : i32
    "tpu.region"() ({
      %run_scoped3A = tpu.sem_alloc : memref<!tpu.dma_semaphore, #tpu.memory_space<semaphore_mem>>
      %dma_start3A_174 = arith.constant 0 : i32
      %dma_start3A_175 = tpu.memref_slice %arg7[%arg0, %mul3A_173, %dma_start3A_174] : memref<2x2560x128xf32, #tpu.memory_space<hbm>> -> memref<1x160x128xf32, #tpu.memory_space<hbm>>
      %dma_start3A_176 = tpu.memref_squeeze %dma_start3A_175 : memref<1x160x128xf32, #tpu.memory_space<hbm>> -> memref<160x128xf32, #tpu.memory_space<hbm>>
      %dma_start3A_177 = arith.constant 0 : i32
      %dma_start3A_178 = tpu.memref_slice %arg12[%mul3A_171, %dma_start3A_177] : memref<2560x128xf32, #tpu.memory_space<vmem_shared>> -> memref<160x128xf32, #tpu.memory_space<vmem_shared>>
      tpu.enqueue_dma source(%dma_start3A_178 : memref<160x128xf32, #tpu.memory_space<vmem_shared>>) target(%dma_start3A_176 : memref<160x128xf32, #tpu.memory_space<hbm>>) target_semaphore(%run_scoped3A : memref<!tpu.dma_semaphore, #tpu.memory_space<semaphore_mem>>)
      %dma_wait3A_179 = arith.constant 0 : i32
      %dma_wait3A_180 = tpu.memref_slice %arg7[%arg0, %mul3A_173, %dma_wait3A_179] : memref<2x2560x128xf32, #tpu.memory_space<hbm>> -> memref<1x160x128xf32, #tpu.memory_space<hbm>>
      %dma_wait3A_181 = tpu.memref_squeeze %dma_wait3A_180 : memref<1x160x128xf32, #tpu.memory_space<hbm>> -> memref<160x128xf32, #tpu.memory_space<hbm>>
      %dma_wait3A_182 = arith.constant 0 : i32
      %dma_wait3A_183 = tpu.memref_slice %arg12[%mul3A_171, %dma_wait3A_182] : memref<2560x128xf32, #tpu.memory_space<vmem_shared>> -> memref<160x128xf32, #tpu.memory_space<vmem_shared>>
      tpu.wait_dma2 semaphore(%run_scoped3A : memref<!tpu.dma_semaphore, #tpu.memory_space<semaphore_mem>>) src(%dma_wait3A_183 : memref<160x128xf32, #tpu.memory_space<vmem_shared>>) dst(%dma_wait3A_181 : memref<160x128xf32, #tpu.memory_space<hbm>>)
      tpu.yield
    }) : () -> ()
    return
  }
}

#map = affine_map<(d0, d1) -> (0, 0)>
#map1 = affine_map<(d0, d1) -> (0, 0, 0)>
module attributes {stable_mosaic.version = 14 : i64} {
  func.func @k(%arg0: i32, %arg1: i32, %arg2: memref<10000x128xf32, #tpu.memory_space<hbm>>, %arg3: memref<528x32xi32, #tpu.memory_space<hbm>>, %arg4: memref<528x32xi32, #tpu.memory_space<hbm>>, %arg5: memref<2560x128xf32, #tpu.memory_space<hbm>>, %arg6: memref<32x80xi32, #tpu.memory_space<hbm>>, %arg7: memref<2x2560x128xf32, #tpu.memory_space<hbm>>, %arg8: memref<2560x128xf32, #tpu.memory_space<hbm>>, %arg9: memref<24x32xi32, #tpu.memory_space<vmem>>, %arg10: memref<24x32xi32, #tpu.memory_space<vmem>>, %arg11: memref<2x32x128xf32, #tpu.memory_space<vmem>>, %arg12: memref<2560x128xf32, #tpu.memory_space<vmem_shared>>, %arg13: memref<2x!tpu.dma_semaphore, #tpu.memory_space<semaphore_mem>>, %arg14: memref<2x!tpu.dma_semaphore, #tpu.memory_space<semaphore_mem>>, %arg15: memref<1x80xi32, #tpu.memory_space<vmem>>, %arg16: memref<80x128xf32, #tpu.memory_space<vmem>>, %arg17: memref<!tpu.dma_semaphore, #tpu.memory_space<semaphore_mem>>) attributes {dimension_semantics = [#tpu.dimension_semantics<core_parallel>, #tpu.dimension_semantics<subcore_parallel>], iteration_bounds = array<i64: 2, 16>, scalar_prefetch = 0 : i64, scratch_operands = 9 : i64, tpu.core_type = #tpu.core_type<sc_vector_subcore>, window_params = [{transform_indices = #map}, {transform_indices = #map}, {transform_indices = #map}, {transform_indices = #map}, {transform_indices = #map}, {transform_indices = #map1}, {transform_indices = #map}]} {
    %mul3A = arith.constant 16 : i32
    %mul3A_0 = arith.muli %arg0, %mul3A : i32
    %add3A = arith.addi %mul3A_0, %arg1 : i32
    %eq3A = arith.constant 0 : i32
    %eq3A_1 = arith.cmpi eq, %arg0, %eq3A : i32
    %jit3A = arith.constant 24 : i32
    %jit3A_2 = arith.constant 8 : i32
    %select_n3A = arith.select %eq3A_1, %jit3A, %jit3A_2 : i32
    %eq3A_3 = arith.constant 0 : i32
    %eq3A_4 = arith.cmpi eq, %arg0, %eq3A_3 : i32
    %mul3A_5 = arith.constant 24 : i32
    %mul3A_6 = arith.muli %arg1, %mul3A_5 : i32
    %mul3A_7 = arith.constant 8 : i32
    %mul3A_8 = arith.muli %arg1, %mul3A_7 : i32
    %add3A_9 = arith.constant 384 : i32
    %add3A_10 = arith.addi %add3A_9, %mul3A_8 : i32
    %select_n3A_11 = arith.select %eq3A_4, %mul3A_6, %add3A_10 : i32
    %mul3A_12 = arith.constant 160 : i32
    %mul3A_13 = arith.muli %arg1, %mul3A_12 : i32
    %mul3A_14 = arith.constant 160 : i32
    %mul3A_15 = arith.muli %arg1, %mul3A_14 : i32
    "tpu.region"() ({
      %run_scoped3A = tpu.sem_alloc : memref<!tpu.dma_semaphore, #tpu.memory_space<semaphore_mem>>
      %dma_start3A_174 = arith.constant 0 : i32
      %dma_start3A_175 = tpu.memref_slice %arg12[%mul3A_15, %dma_start3A_174] : memref<2560x128xf32, #tpu.memory_space<vmem_shared>> -> memref<160x128xf32, #tpu.memory_space<vmem_shared>>
      %dma_start3A_176 = arith.constant 0 : i32
      %dma_start3A_177 = tpu.memref_slice %arg5[%mul3A_13, %dma_start3A_176] : memref<2560x128xf32, #tpu.memory_space<hbm>> -> memref<160x128xf32, #tpu.memory_space<hbm>>
      tpu.enqueue_dma source(%dma_start3A_177 : memref<160x128xf32, #tpu.memory_space<hbm>>) target(%dma_start3A_175 : memref<160x128xf32, #tpu.memory_space<vmem_shared>>) target_semaphore(%run_scoped3A : memref<!tpu.dma_semaphore, #tpu.memory_space<semaphore_mem>>)
      %dma_wait3A_178 = arith.constant 0 : i32
      %dma_wait3A_179 = tpu.memref_slice %arg12[%mul3A_15, %dma_wait3A_178] : memref<2560x128xf32, #tpu.memory_space<vmem_shared>> -> memref<160x128xf32, #tpu.memory_space<vmem_shared>>
      %dma_wait3A_180 = arith.constant 0 : i32
      %dma_wait3A_181 = tpu.memref_slice %arg5[%mul3A_13, %dma_wait3A_180] : memref<2560x128xf32, #tpu.memory_space<hbm>> -> memref<160x128xf32, #tpu.memory_space<hbm>>
      tpu.wait_dma2 semaphore(%run_scoped3A : memref<!tpu.dma_semaphore, #tpu.memory_space<semaphore_mem>>) src(%dma_wait3A_181 : memref<160x128xf32, #tpu.memory_space<hbm>>) dst(%dma_wait3A_179 : memref<160x128xf32, #tpu.memory_space<vmem_shared>>)
      tpu.yield
    }) : () -> ()
    "tpu.region"() ({
      %run_scoped3A = tpu.sem_alloc : memref<!tpu.dma_semaphore, #tpu.memory_space<semaphore_mem>>
      %dma_start3A_174 = arith.constant 0 : i32
      %dma_start3A_175 = tpu.memref_slice %arg3[%select_n3A_11, %dma_start3A_174] : memref<528x32xi32, #tpu.memory_space<hbm>> -> memref<24x32xi32, #tpu.memory_space<hbm>>
      %dma_start3A_176 = arith.constant 0 : i32
      %dma_start3A_177 = tpu.memref_slice %arg3[%select_n3A_11, %dma_start3A_176] : memref<528x32xi32, #tpu.memory_space<hbm>> -> memref<24x32xi32, #tpu.memory_space<hbm>>
      tpu.enqueue_dma source(%dma_start3A_177 : memref<24x32xi32, #tpu.memory_space<hbm>>) target(%arg9 : memref<24x32xi32, #tpu.memory_space<vmem>>) target_semaphore(%run_scoped3A : memref<!tpu.dma_semaphore, #tpu.memory_space<semaphore_mem>>)
      %dma_wait3A_178 = arith.constant 0 : i32
      %dma_wait3A_179 = tpu.memref_slice %arg3[%select_n3A_11, %dma_wait3A_178] : memref<528x32xi32, #tpu.memory_space<hbm>> -> memref<24x32xi32, #tpu.memory_space<hbm>>
      %dma_wait3A_180 = arith.constant 0 : i32
      %dma_wait3A_181 = tpu.memref_slice %arg3[%select_n3A_11, %dma_wait3A_180] : memref<528x32xi32, #tpu.memory_space<hbm>> -> memref<24x32xi32, #tpu.memory_space<hbm>>
      tpu.wait_dma2 semaphore(%run_scoped3A : memref<!tpu.dma_semaphore, #tpu.memory_space<semaphore_mem>>) src(%dma_wait3A_181 : memref<24x32xi32, #tpu.memory_space<hbm>>) dst(%arg9 : memref<24x32xi32, #tpu.memory_space<vmem>>)
      tpu.yield
    }) : () -> ()
    "tpu.region"() ({
      %run_scoped3A = tpu.sem_alloc : memref<!tpu.dma_semaphore, #tpu.memory_space<semaphore_mem>>
      %dma_start3A_174 = arith.constant 0 : i32
      %dma_start3A_175 = tpu.memref_slice %arg4[%select_n3A_11, %dma_start3A_174] : memref<528x32xi32, #tpu.memory_space<hbm>> -> memref<24x32xi32, #tpu.memory_space<hbm>>
      %dma_start3A_176 = arith.constant 0 : i32
      %dma_start3A_177 = tpu.memref_slice %arg4[%select_n3A_11, %dma_start3A_176] : memref<528x32xi32, #tpu.memory_space<hbm>> -> memref<24x32xi32, #tpu.memory_space<hbm>>
      tpu.enqueue_dma source(%dma_start3A_177 : memref<24x32xi32, #tpu.memory_space<hbm>>) target(%arg10 : memref<24x32xi32, #tpu.memory_space<vmem>>) target_semaphore(%run_scoped3A : memref<!tpu.dma_semaphore, #tpu.memory_space<semaphore_mem>>)
      %dma_wait3A_178 = arith.constant 0 : i32
      %dma_wait3A_179 = tpu.memref_slice %arg4[%select_n3A_11, %dma_wait3A_178] : memref<528x32xi32, #tpu.memory_space<hbm>> -> memref<24x32xi32, #tpu.memory_space<hbm>>
      %dma_wait3A_180 = arith.constant 0 : i32
      %dma_wait3A_181 = tpu.memref_slice %arg4[%select_n3A_11, %dma_wait3A_180] : memref<528x32xi32, #tpu.memory_space<hbm>> -> memref<24x32xi32, #tpu.memory_space<hbm>>
      tpu.wait_dma2 semaphore(%run_scoped3A : memref<!tpu.dma_semaphore, #tpu.memory_space<semaphore_mem>>) src(%dma_wait3A_181 : memref<24x32xi32, #tpu.memory_space<hbm>>) dst(%arg10 : memref<24x32xi32, #tpu.memory_space<vmem>>)
      tpu.yield
    }) : () -> ()
    "tpu.region"() ({
      %run_scoped3A = tpu.sem_alloc : memref<!tpu.dma_semaphore, #tpu.memory_space<semaphore_mem>>
      %dma_start3A_174 = arith.constant 0 : i32
      %dma_start3A_175 = tpu.memref_slice %arg6[%add3A, %dma_start3A_174] : memref<32x80xi32, #tpu.memory_space<hbm>> -> memref<1x80xi32, #tpu.memory_space<hbm>>
      %dma_start3A_176 = arith.constant 0 : i32
      %dma_start3A_177 = tpu.memref_slice %arg6[%add3A, %dma_start3A_176] : memref<32x80xi32, #tpu.memory_space<hbm>> -> memref<1x80xi32, #tpu.memory_space<hbm>>
      tpu.enqueue_dma source(%dma_start3A_177 : memref<1x80xi32, #tpu.memory_space<hbm>>) target(%arg15 : memref<1x80xi32, #tpu.memory_space<vmem>>) target_semaphore(%run_scoped3A : memref<!tpu.dma_semaphore, #tpu.memory_space<semaphore_mem>>)
      %dma_wait3A_178 = arith.constant 0 : i32
      %dma_wait3A_179 = tpu.memref_slice %arg6[%add3A, %dma_wait3A_178] : memref<32x80xi32, #tpu.memory_space<hbm>> -> memref<1x80xi32, #tpu.memory_space<hbm>>
      %dma_wait3A_180 = arith.constant 0 : i32
      %dma_wait3A_181 = tpu.memref_slice %arg6[%add3A, %dma_wait3A_180] : memref<32x80xi32, #tpu.memory_space<hbm>> -> memref<1x80xi32, #tpu.memory_space<hbm>>
      tpu.wait_dma2 semaphore(%run_scoped3A : memref<!tpu.dma_semaphore, #tpu.memory_space<semaphore_mem>>) src(%dma_wait3A_181 : memref<1x80xi32, #tpu.memory_space<hbm>>) dst(%arg15 : memref<1x80xi32, #tpu.memory_space<vmem>>)
      tpu.yield
    }) : () -> ()
    %dma_start3A = arith.constant 0 : i32
    %dma_start3A_16 = arith.constant 0 : i32
    %dma_start3A_17 = tpu.memref_slice %arg15[%dma_start3A, %dma_start3A_16] : memref<1x80xi32, #tpu.memory_space<vmem>> -> memref<1x80xi32, #tpu.memory_space<vmem>>
    %dma_start3A_18 = tpu.memref_squeeze %dma_start3A_17 : memref<1x80xi32, #tpu.memory_space<vmem>> -> memref<80xi32, #tpu.memory_space<vmem>>
    %dma_start3A_19 = arith.constant 0 : i32
    %dma_start3A_20 = arith.constant 0 : i32
    %dma_start3A_21 = tpu.memref_slice %arg2[%dma_start3A_19, %dma_start3A_20] : memref<10000x128xf32, #tpu.memory_space<hbm>> -> memref<10000x128xf32, #tpu.memory_space<hbm>>
    tpu.enqueue_indirect_dma source(%dma_start3A_21 : memref<10000x128xf32, #tpu.memory_space<hbm>>) target(%arg16 : memref<80x128xf32, #tpu.memory_space<vmem>>) offsets(%dma_start3A_18 : memref<80xi32, #tpu.memory_space<vmem>>) semaphore(%arg17 : memref<!tpu.dma_semaphore, #tpu.memory_space<semaphore_mem>>)
    %dma_wait3A = arith.constant 0 : i32
    %dma_wait3A_22 = arith.constant 0 : i32
    %dma_wait3A_23 = tpu.memref_slice %arg15[%dma_wait3A, %dma_wait3A_22] : memref<1x80xi32, #tpu.memory_space<vmem>> -> memref<1x80xi32, #tpu.memory_space<vmem>>
    %dma_wait3A_24 = tpu.memref_squeeze %dma_wait3A_23 : memref<1x80xi32, #tpu.memory_space<vmem>> -> memref<80xi32, #tpu.memory_space<vmem>>
    %dma_wait3A_25 = arith.constant 0 : i32
    %dma_wait3A_26 = arith.constant 0 : i32
    %dma_wait3A_27 = tpu.memref_slice %arg2[%dma_wait3A_25, %dma_wait3A_26] : memref<10000x128xf32, #tpu.memory_space<hbm>> -> memref<10000x128xf32, #tpu.memory_space<hbm>>
    tpu.wait_indirect_dma semaphore(%arg17 : memref<!tpu.dma_semaphore, #tpu.memory_space<semaphore_mem>>) src(%dma_wait3A_27 : memref<10000x128xf32, #tpu.memory_space<hbm>>) dst(%arg16 : memref<80x128xf32, #tpu.memory_space<vmem>>)
    %mul3A_28 = arith.constant 80 : i32
    %mul3A_29 = arith.muli %add3A, %mul3A_28 : i32
    "tpu.region"() ({
      %run_scoped3A = tpu.sem_alloc : memref<!tpu.dma_semaphore, #tpu.memory_space<semaphore_mem>>
      %dma_start3A_174 = arith.constant 0 : i32
      %dma_start3A_175 = tpu.memref_slice %arg8[%mul3A_29, %dma_start3A_174] : memref<2560x128xf32, #tpu.memory_space<hbm>> -> memref<80x128xf32, #tpu.memory_space<hbm>>
      %dma_start3A_176 = arith.constant 0 : i32
      %dma_start3A_177 = tpu.memref_slice %arg8[%mul3A_29, %dma_start3A_176] : memref<2560x128xf32, #tpu.memory_space<hbm>> -> memref<80x128xf32, #tpu.memory_space<hbm>>
      tpu.enqueue_dma source(%arg16 : memref<80x128xf32, #tpu.memory_space<vmem>>) target(%dma_start3A_177 : memref<80x128xf32, #tpu.memory_space<hbm>>) target_semaphore(%run_scoped3A : memref<!tpu.dma_semaphore, #tpu.memory_space<semaphore_mem>>)
      %dma_wait3A_178 = arith.constant 0 : i32
      %dma_wait3A_179 = tpu.memref_slice %arg8[%mul3A_29, %dma_wait3A_178] : memref<2560x128xf32, #tpu.memory_space<hbm>> -> memref<80x128xf32, #tpu.memory_space<hbm>>
      %dma_wait3A_180 = arith.constant 0 : i32
      %dma_wait3A_181 = tpu.memref_slice %arg8[%mul3A_29, %dma_wait3A_180] : memref<2560x128xf32, #tpu.memory_space<hbm>> -> memref<80x128xf32, #tpu.memory_space<hbm>>
      tpu.wait_dma2 semaphore(%run_scoped3A : memref<!tpu.dma_semaphore, #tpu.memory_space<semaphore_mem>>) src(%arg16 : memref<80x128xf32, #tpu.memory_space<vmem>>) dst(%dma_wait3A_181 : memref<80x128xf32, #tpu.memory_space<hbm>>)
      tpu.yield
    }) : () -> ()
    %barrier3A = arith.constant 0 : index
    tpu.barrier barrier_id(%barrier3A)
    %dma_start3A_30 = arith.constant 0 : i32
    %dma_start3A_31 = arith.constant 0 : i32
    %dma_start3A_32 = arith.constant 0 : i32
    %dma_start3A_33 = arith.constant 0 : i32
    %dma_start3A_34 = arith.constant 0 : i32
    %dma_start3A_35 = tpu.memref_slice %arg11[%dma_start3A_31, %dma_start3A_33, %dma_start3A_34] : memref<2x32x128xf32, #tpu.memory_space<vmem>> -> memref<1x32x128xf32, #tpu.memory_space<vmem>>
    %dma_start3A_36 = tpu.memref_squeeze %dma_start3A_35 : memref<1x32x128xf32, #tpu.memory_space<vmem>> -> memref<32x128xf32, #tpu.memory_space<vmem>>
    %dma_start3A_37 = arith.constant 0 : i32
    %dma_start3A_38 = tpu.memref_slice %arg9[%dma_start3A_30, %dma_start3A_37] : memref<24x32xi32, #tpu.memory_space<vmem>> -> memref<1x32xi32, #tpu.memory_space<vmem>>
    %dma_start3A_39 = tpu.memref_squeeze %dma_start3A_38 : memref<1x32xi32, #tpu.memory_space<vmem>> -> memref<32xi32, #tpu.memory_space<vmem>>
    %dma_start3A_40 = arith.constant 0 : i32
    %dma_start3A_41 = arith.constant 0 : i32
    %dma_start3A_42 = tpu.memref_slice %arg2[%dma_start3A_40, %dma_start3A_41] : memref<10000x128xf32, #tpu.memory_space<hbm>> -> memref<10000x128xf32, #tpu.memory_space<hbm>>
    %dma_start3A_43 = tpu.memref_slice %arg13[%dma_start3A_32] : memref<2x!tpu.dma_semaphore, #tpu.memory_space<semaphore_mem>> -> memref<1x!tpu.dma_semaphore, #tpu.memory_space<semaphore_mem>>
    %dma_start3A_44 = tpu.memref_squeeze %dma_start3A_43 : memref<1x!tpu.dma_semaphore, #tpu.memory_space<semaphore_mem>> -> memref<!tpu.dma_semaphore, #tpu.memory_space<semaphore_mem>>
    tpu.enqueue_indirect_dma source(%dma_start3A_42 : memref<10000x128xf32, #tpu.memory_space<hbm>>) target(%dma_start3A_36 : memref<32x128xf32, #tpu.memory_space<vmem>>) offsets(%dma_start3A_39 : memref<32xi32, #tpu.memory_space<vmem>>) semaphore(%dma_start3A_44 : memref<!tpu.dma_semaphore, #tpu.memory_space<semaphore_mem>>)
    %dma_start3A_45 = arith.constant 1 : i32
    %dma_start3A_46 = arith.constant 1 : i32
    %dma_start3A_47 = arith.constant 1 : i32
    %dma_start3A_48 = arith.constant 0 : i32
    %dma_start3A_49 = arith.constant 0 : i32
    %dma_start3A_50 = tpu.memref_slice %arg11[%dma_start3A_46, %dma_start3A_48, %dma_start3A_49] : memref<2x32x128xf32, #tpu.memory_space<vmem>> -> memref<1x32x128xf32, #tpu.memory_space<vmem>>
    %dma_start3A_51 = tpu.memref_squeeze %dma_start3A_50 : memref<1x32x128xf32, #tpu.memory_space<vmem>> -> memref<32x128xf32, #tpu.memory_space<vmem>>
    %dma_start3A_52 = arith.constant 0 : i32
    %dma_start3A_53 = tpu.memref_slice %arg9[%dma_start3A_45, %dma_start3A_52] : memref<24x32xi32, #tpu.memory_space<vmem>> -> memref<1x32xi32, #tpu.memory_space<vmem>>
    %dma_start3A_54 = tpu.memref_squeeze %dma_start3A_53 : memref<1x32xi32, #tpu.memory_space<vmem>> -> memref<32xi32, #tpu.memory_space<vmem>>
    %dma_start3A_55 = arith.constant 0 : i32
    %dma_start3A_56 = arith.constant 0 : i32
    %dma_start3A_57 = tpu.memref_slice %arg2[%dma_start3A_55, %dma_start3A_56] : memref<10000x128xf32, #tpu.memory_space<hbm>> -> memref<10000x128xf32, #tpu.memory_space<hbm>>
    %dma_start3A_58 = tpu.memref_slice %arg13[%dma_start3A_47] : memref<2x!tpu.dma_semaphore, #tpu.memory_space<semaphore_mem>> -> memref<1x!tpu.dma_semaphore, #tpu.memory_space<semaphore_mem>>
    %dma_start3A_59 = tpu.memref_squeeze %dma_start3A_58 : memref<1x!tpu.dma_semaphore, #tpu.memory_space<semaphore_mem>> -> memref<!tpu.dma_semaphore, #tpu.memory_space<semaphore_mem>>
    tpu.enqueue_indirect_dma source(%dma_start3A_57 : memref<10000x128xf32, #tpu.memory_space<hbm>>) target(%dma_start3A_51 : memref<32x128xf32, #tpu.memory_space<vmem>>) offsets(%dma_start3A_54 : memref<32xi32, #tpu.memory_space<vmem>>) semaphore(%dma_start3A_59 : memref<!tpu.dma_semaphore, #tpu.memory_space<semaphore_mem>>)
    %dma_wait3A_60 = arith.constant 0 : i32
    %dma_wait3A_61 = arith.constant 0 : i32
    %dma_wait3A_62 = arith.constant 0 : i32
    %dma_wait3A_63 = arith.constant 0 : i32
    %dma_wait3A_64 = arith.constant 0 : i32
    %dma_wait3A_65 = tpu.memref_slice %arg11[%dma_wait3A_61, %dma_wait3A_63, %dma_wait3A_64] : memref<2x32x128xf32, #tpu.memory_space<vmem>> -> memref<1x32x128xf32, #tpu.memory_space<vmem>>
    %dma_wait3A_66 = tpu.memref_squeeze %dma_wait3A_65 : memref<1x32x128xf32, #tpu.memory_space<vmem>> -> memref<32x128xf32, #tpu.memory_space<vmem>>
    %dma_wait3A_67 = arith.constant 0 : i32
    %dma_wait3A_68 = tpu.memref_slice %arg9[%dma_wait3A_60, %dma_wait3A_67] : memref<24x32xi32, #tpu.memory_space<vmem>> -> memref<1x32xi32, #tpu.memory_space<vmem>>
    %dma_wait3A_69 = tpu.memref_squeeze %dma_wait3A_68 : memref<1x32xi32, #tpu.memory_space<vmem>> -> memref<32xi32, #tpu.memory_space<vmem>>
    %dma_wait3A_70 = arith.constant 0 : i32
    %dma_wait3A_71 = arith.constant 0 : i32
    %dma_wait3A_72 = tpu.memref_slice %arg2[%dma_wait3A_70, %dma_wait3A_71] : memref<10000x128xf32, #tpu.memory_space<hbm>> -> memref<10000x128xf32, #tpu.memory_space<hbm>>
    %dma_wait3A_73 = tpu.memref_slice %arg13[%dma_wait3A_62] : memref<2x!tpu.dma_semaphore, #tpu.memory_space<semaphore_mem>> -> memref<1x!tpu.dma_semaphore, #tpu.memory_space<semaphore_mem>>
    %dma_wait3A_74 = tpu.memref_squeeze %dma_wait3A_73 : memref<1x!tpu.dma_semaphore, #tpu.memory_space<semaphore_mem>> -> memref<!tpu.dma_semaphore, #tpu.memory_space<semaphore_mem>>
    tpu.wait_indirect_dma semaphore(%dma_wait3A_74 : memref<!tpu.dma_semaphore, #tpu.memory_space<semaphore_mem>>) src(%dma_wait3A_72 : memref<10000x128xf32, #tpu.memory_space<hbm>>) dst(%dma_wait3A_66 : memref<32x128xf32, #tpu.memory_space<vmem>>)
    %dma_start3A_75 = arith.constant 0 : i32
    %dma_start3A_76 = arith.constant 0 : i32
    %dma_start3A_77 = arith.constant 0 : i32
    %dma_start3A_78 = arith.constant 0 : i32
    %dma_start3A_79 = arith.constant 0 : i32
    %dma_start3A_80 = tpu.memref_slice %arg11[%dma_start3A_75, %dma_start3A_78, %dma_start3A_79] : memref<2x32x128xf32, #tpu.memory_space<vmem>> -> memref<1x32x128xf32, #tpu.memory_space<vmem>>
    %dma_start3A_81 = tpu.memref_squeeze %dma_start3A_80 : memref<1x32x128xf32, #tpu.memory_space<vmem>> -> memref<32x128xf32, #tpu.memory_space<vmem>>
    %dma_start3A_82 = arith.constant 0 : i32
    %dma_start3A_83 = tpu.memref_slice %arg10[%dma_start3A_76, %dma_start3A_82] : memref<24x32xi32, #tpu.memory_space<vmem>> -> memref<1x32xi32, #tpu.memory_space<vmem>>
    %dma_start3A_84 = tpu.memref_squeeze %dma_start3A_83 : memref<1x32xi32, #tpu.memory_space<vmem>> -> memref<32xi32, #tpu.memory_space<vmem>>
    %dma_start3A_85 = arith.constant 0 : i32
    %dma_start3A_86 = arith.constant 0 : i32
    %dma_start3A_87 = tpu.memref_slice %arg12[%dma_start3A_85, %dma_start3A_86] : memref<2560x128xf32, #tpu.memory_space<vmem_shared>> -> memref<2560x128xf32, #tpu.memory_space<vmem_shared>>
    %dma_start3A_88 = tpu.memref_slice %arg14[%dma_start3A_77] : memref<2x!tpu.dma_semaphore, #tpu.memory_space<semaphore_mem>> -> memref<1x!tpu.dma_semaphore, #tpu.memory_space<semaphore_mem>>
    %dma_start3A_89 = tpu.memref_squeeze %dma_start3A_88 : memref<1x!tpu.dma_semaphore, #tpu.memory_space<semaphore_mem>> -> memref<!tpu.dma_semaphore, #tpu.memory_space<semaphore_mem>>
    tpu.enqueue_indirect_dma source(%dma_start3A_81 : memref<32x128xf32, #tpu.memory_space<vmem>>) target(%dma_start3A_87 : memref<2560x128xf32, #tpu.memory_space<vmem_shared>>) offsets(%dma_start3A_84 : memref<32xi32, #tpu.memory_space<vmem>>) semaphore(%dma_start3A_89 : memref<!tpu.dma_semaphore, #tpu.memory_space<semaphore_mem>>) {add = true}
    %sub3A = arith.constant 1 : i32
    %sub3A_90 = arith.subi %select_n3A, %sub3A : i32
    %sub3A_91 = arith.constant 1 : i32
    %sub3A_92 = arith.subi %sub3A_90, %sub3A_91 : i32
    %sub3A_93 = arith.constant 2 : i32
    %sub3A_94 = arith.constant 1 : i32
    %sub3A_95 = arith.subi %sub3A_93, %sub3A_94 : i32
    %add3A_96 = arith.addi %sub3A_92, %sub3A_95 : i32
    %div3A = arith.constant 2 : i32
    %div3A_97 = arith.divsi %add3A_96, %div3A : i32
    %while3A = arith.constant 2 : i32
    %while3A_98 = arith.constant 1 : i32
    %while3A_99 = arith.constant 0 : i32
    %while3A_100 = arith.subi %div3A_97, %while3A_99 : i32
    %while3A_101 = arith.addi %while3A_99, %while3A_100 : i32
    %while3A_102 = arith.constant 1 : i32
    %while3A_103 = arith.divsi %while3A_100, %while3A_102 : i32
    %while3A_104 = arith.muli %while3A_103, %while3A_102 : i32
    %while3A_105 = arith.addi %while3A_99, %while3A_104 : i32
    %while3A_106 = arith.constant 1 : i32
    scf.for %while3A_174 = %while3A_99 to %while3A_105 step %while3A_106  : i32 {
      %mul3A_175 = arith.muli %while3A_174, %while3A : i32
      %add3A_176 = arith.addi %while3A_98, %mul3A_175 : i32
      %add3A_177 = arith.constant 0 : i32
      %add3A_178 = arith.addi %add3A_176, %add3A_177 : i32
      %dma_wait3A_179 = arith.constant 0 : i32
      %dma_wait3A_180 = arith.constant 0 : i32
      %dma_wait3A_181 = arith.constant 0 : i32
      %dma_wait3A_182 = arith.constant 0 : i32
      %dma_wait3A_183 = arith.constant 0 : i32
      %dma_wait3A_184 = tpu.memref_slice %arg11[%dma_wait3A_179, %dma_wait3A_182, %dma_wait3A_183] : memref<2x32x128xf32, #tpu.memory_space<vmem>> -> memref<1x32x128xf32, #tpu.memory_space<vmem>>
      %dma_wait3A_185 = tpu.memref_squeeze %dma_wait3A_184 : memref<1x32x128xf32, #tpu.memory_space<vmem>> -> memref<32x128xf32, #tpu.memory_space<vmem>>
      %dma_wait3A_186 = arith.constant 0 : i32
      %dma_wait3A_187 = tpu.memref_slice %arg10[%dma_wait3A_180, %dma_wait3A_186] : memref<24x32xi32, #tpu.memory_space<vmem>> -> memref<1x32xi32, #tpu.memory_space<vmem>>
      %dma_wait3A_188 = tpu.memref_squeeze %dma_wait3A_187 : memref<1x32xi32, #tpu.memory_space<vmem>> -> memref<32xi32, #tpu.memory_space<vmem>>
      %dma_wait3A_189 = arith.constant 0 : i32
      %dma_wait3A_190 = arith.constant 0 : i32
      %dma_wait3A_191 = tpu.memref_slice %arg12[%dma_wait3A_189, %dma_wait3A_190] : memref<2560x128xf32, #tpu.memory_space<vmem_shared>> -> memref<2560x128xf32, #tpu.memory_space<vmem_shared>>
      %dma_wait3A_192 = tpu.memref_slice %arg14[%dma_wait3A_181] : memref<2x!tpu.dma_semaphore, #tpu.memory_space<semaphore_mem>> -> memref<1x!tpu.dma_semaphore, #tpu.memory_space<semaphore_mem>>
      %dma_wait3A_193 = tpu.memref_squeeze %dma_wait3A_192 : memref<1x!tpu.dma_semaphore, #tpu.memory_space<semaphore_mem>> -> memref<!tpu.dma_semaphore, #tpu.memory_space<semaphore_mem>>
      tpu.wait_indirect_dma semaphore(%dma_wait3A_193 : memref<!tpu.dma_semaphore, #tpu.memory_space<semaphore_mem>>) src(%dma_wait3A_185 : memref<32x128xf32, #tpu.memory_space<vmem>>) dst(%dma_wait3A_191 : memref<2560x128xf32, #tpu.memory_space<vmem_shared>>)
      %add3A_194 = arith.constant 1 : i32
      %add3A_195 = arith.addi %add3A_178, %add3A_194 : i32
      %dma_start3A_196 = arith.constant 0 : i32
      %dma_start3A_197 = arith.constant 0 : i32
      %dma_start3A_198 = arith.constant 0 : i32
      %dma_start3A_199 = arith.constant 0 : i32
      %dma_start3A_200 = tpu.memref_slice %arg11[%dma_start3A_196, %dma_start3A_198, %dma_start3A_199] : memref<2x32x128xf32, #tpu.memory_space<vmem>> -> memref<1x32x128xf32, #tpu.memory_space<vmem>>
      %dma_start3A_201 = tpu.memref_squeeze %dma_start3A_200 : memref<1x32x128xf32, #tpu.memory_space<vmem>> -> memref<32x128xf32, #tpu.memory_space<vmem>>
      %dma_start3A_202 = arith.constant 0 : i32
      %dma_start3A_203 = tpu.memref_slice %arg9[%add3A_195, %dma_start3A_202] : memref<24x32xi32, #tpu.memory_space<vmem>> -> memref<1x32xi32, #tpu.memory_space<vmem>>
      %dma_start3A_204 = tpu.memref_squeeze %dma_start3A_203 : memref<1x32xi32, #tpu.memory_space<vmem>> -> memref<32xi32, #tpu.memory_space<vmem>>
      %dma_start3A_205 = arith.constant 0 : i32
      %dma_start3A_206 = arith.constant 0 : i32
      %dma_start3A_207 = tpu.memref_slice %arg2[%dma_start3A_205, %dma_start3A_206] : memref<10000x128xf32, #tpu.memory_space<hbm>> -> memref<10000x128xf32, #tpu.memory_space<hbm>>
      %dma_start3A_208 = tpu.memref_slice %arg13[%dma_start3A_197] : memref<2x!tpu.dma_semaphore, #tpu.memory_space<semaphore_mem>> -> memref<1x!tpu.dma_semaphore, #tpu.memory_space<semaphore_mem>>
      %dma_start3A_209 = tpu.memref_squeeze %dma_start3A_208 : memref<1x!tpu.dma_semaphore, #tpu.memory_space<semaphore_mem>> -> memref<!tpu.dma_semaphore, #tpu.memory_space<semaphore_mem>>
      tpu.enqueue_indirect_dma source(%dma_start3A_207 : memref<10000x128xf32, #tpu.memory_space<hbm>>) target(%dma_start3A_201 : memref<32x128xf32, #tpu.memory_space<vmem>>) offsets(%dma_start3A_204 : memref<32xi32, #tpu.memory_space<vmem>>) semaphore(%dma_start3A_209 : memref<!tpu.dma_semaphore, #tpu.memory_space<semaphore_mem>>)
      %dma_wait3A_210 = arith.constant 0 : i32
      %dma_wait3A_211 = arith.constant 1 : i32
      %dma_wait3A_212 = arith.constant 1 : i32
      %dma_wait3A_213 = arith.constant 0 : i32
      %dma_wait3A_214 = arith.constant 0 : i32
      %dma_wait3A_215 = tpu.memref_slice %arg11[%dma_wait3A_211, %dma_wait3A_213, %dma_wait3A_214] : memref<2x32x128xf32, #tpu.memory_space<vmem>> -> memref<1x32x128xf32, #tpu.memory_space<vmem>>
      %dma_wait3A_216 = tpu.memref_squeeze %dma_wait3A_215 : memref<1x32x128xf32, #tpu.memory_space<vmem>> -> memref<32x128xf32, #tpu.memory_space<vmem>>
      %dma_wait3A_217 = arith.constant 0 : i32
      %dma_wait3A_218 = tpu.memref_slice %arg9[%dma_wait3A_210, %dma_wait3A_217] : memref<24x32xi32, #tpu.memory_space<vmem>> -> memref<1x32xi32, #tpu.memory_space<vmem>>
      %dma_wait3A_219 = tpu.memref_squeeze %dma_wait3A_218 : memref<1x32xi32, #tpu.memory_space<vmem>> -> memref<32xi32, #tpu.memory_space<vmem>>
      %dma_wait3A_220 = arith.constant 0 : i32
      %dma_wait3A_221 = arith.constant 0 : i32
      %dma_wait3A_222 = tpu.memref_slice %arg2[%dma_wait3A_220, %dma_wait3A_221] : memref<10000x128xf32, #tpu.memory_space<hbm>> -> memref<10000x128xf32, #tpu.memory_space<hbm>>
      %dma_wait3A_223 = tpu.memref_slice %arg13[%dma_wait3A_212] : memref<2x!tpu.dma_semaphore, #tpu.memory_space<semaphore_mem>> -> memref<1x!tpu.dma_semaphore, #tpu.memory_space<semaphore_mem>>
      %dma_wait3A_224 = tpu.memref_squeeze %dma_wait3A_223 : memref<1x!tpu.dma_semaphore, #tpu.memory_space<semaphore_mem>> -> memref<!tpu.dma_semaphore, #tpu.memory_space<semaphore_mem>>
      tpu.wait_indirect_dma semaphore(%dma_wait3A_224 : memref<!tpu.dma_semaphore, #tpu.memory_space<semaphore_mem>>) src(%dma_wait3A_222 : memref<10000x128xf32, #tpu.memory_space<hbm>>) dst(%dma_wait3A_216 : memref<32x128xf32, #tpu.memory_space<vmem>>)
      %dma_start3A_225 = arith.constant 1 : i32
      %dma_start3A_226 = arith.constant 1 : i32
      %dma_start3A_227 = arith.constant 0 : i32
      %dma_start3A_228 = arith.constant 0 : i32
      %dma_start3A_229 = tpu.memref_slice %arg11[%dma_start3A_225, %dma_start3A_227, %dma_start3A_228] : memref<2x32x128xf32, #tpu.memory_space<vmem>> -> memref<1x32x128xf32, #tpu.memory_space<vmem>>
      %dma_start3A_230 = tpu.memref_squeeze %dma_start3A_229 : memref<1x32x128xf32, #tpu.memory_space<vmem>> -> memref<32x128xf32, #tpu.memory_space<vmem>>
      %dma_start3A_231 = arith.constant 0 : i32
      %dma_start3A_232 = tpu.memref_slice %arg10[%add3A_178, %dma_start3A_231] : memref<24x32xi32, #tpu.memory_space<vmem>> -> memref<1x32xi32, #tpu.memory_space<vmem>>
      %dma_start3A_233 = tpu.memref_squeeze %dma_start3A_232 : memref<1x32xi32, #tpu.memory_space<vmem>> -> memref<32xi32, #tpu.memory_space<vmem>>
      %dma_start3A_234 = arith.constant 0 : i32
      %dma_start3A_235 = arith.constant 0 : i32
      %dma_start3A_236 = tpu.memref_slice %arg12[%dma_start3A_234, %dma_start3A_235] : memref<2560x128xf32, #tpu.memory_space<vmem_shared>> -> memref<2560x128xf32, #tpu.memory_space<vmem_shared>>
      %dma_start3A_237 = tpu.memref_slice %arg14[%dma_start3A_226] : memref<2x!tpu.dma_semaphore, #tpu.memory_space<semaphore_mem>> -> memref<1x!tpu.dma_semaphore, #tpu.memory_space<semaphore_mem>>
      %dma_start3A_238 = tpu.memref_squeeze %dma_start3A_237 : memref<1x!tpu.dma_semaphore, #tpu.memory_space<semaphore_mem>> -> memref<!tpu.dma_semaphore, #tpu.memory_space<semaphore_mem>>
      tpu.enqueue_indirect_dma source(%dma_start3A_230 : memref<32x128xf32, #tpu.memory_space<vmem>>) target(%dma_start3A_236 : memref<2560x128xf32, #tpu.memory_space<vmem_shared>>) offsets(%dma_start3A_233 : memref<32xi32, #tpu.memory_space<vmem>>) semaphore(%dma_start3A_238 : memref<!tpu.dma_semaphore, #tpu.memory_space<semaphore_mem>>) {add = true}
      %add3A_239 = arith.constant 1 : i32
      %add3A_240 = arith.addi %add3A_176, %add3A_239 : i32
      %dma_wait3A_241 = arith.constant 1 : i32
      %dma_wait3A_242 = arith.constant 0 : i32
      %dma_wait3A_243 = arith.constant 1 : i32
      %dma_wait3A_244 = arith.constant 0 : i32
      %dma_wait3A_245 = arith.constant 0 : i32
      %dma_wait3A_246 = tpu.memref_slice %arg11[%dma_wait3A_241, %dma_wait3A_244, %dma_wait3A_245] : memref<2x32x128xf32, #tpu.memory_space<vmem>> -> memref<1x32x128xf32, #tpu.memory_space<vmem>>
      %dma_wait3A_247 = tpu.memref_squeeze %dma_wait3A_246 : memref<1x32x128xf32, #tpu.memory_space<vmem>> -> memref<32x128xf32, #tpu.memory_space<vmem>>
      %dma_wait3A_248 = arith.constant 0 : i32
      %dma_wait3A_249 = tpu.memref_slice %arg10[%dma_wait3A_242, %dma_wait3A_248] : memref<24x32xi32, #tpu.memory_space<vmem>> -> memref<1x32xi32, #tpu.memory_space<vmem>>
      %dma_wait3A_250 = tpu.memref_squeeze %dma_wait3A_249 : memref<1x32xi32, #tpu.memory_space<vmem>> -> memref<32xi32, #tpu.memory_space<vmem>>
      %dma_wait3A_251 = arith.constant 0 : i32
      %dma_wait3A_252 = arith.constant 0 : i32
      %dma_wait3A_253 = tpu.memref_slice %arg12[%dma_wait3A_251, %dma_wait3A_252] : memref<2560x128xf32, #tpu.memory_space<vmem_shared>> -> memref<2560x128xf32, #tpu.memory_space<vmem_shared>>
      %dma_wait3A_254 = tpu.memref_slice %arg14[%dma_wait3A_243] : memref<2x!tpu.dma_semaphore, #tpu.memory_space<semaphore_mem>> -> memref<1x!tpu.dma_semaphore, #tpu.memory_space<semaphore_mem>>
      %dma_wait3A_255 = tpu.memref_squeeze %dma_wait3A_254 : memref<1x!tpu.dma_semaphore, #tpu.memory_space<semaphore_mem>> -> memref<!tpu.dma_semaphore, #tpu.memory_space<semaphore_mem>>
      tpu.wait_indirect_dma semaphore(%dma_wait3A_255 : memref<!tpu.dma_semaphore, #tpu.memory_space<semaphore_mem>>) src(%dma_wait3A_247 : memref<32x128xf32, #tpu.memory_space<vmem>>) dst(%dma_wait3A_253 : memref<2560x128xf32, #tpu.memory_space<vmem_shared>>)
      %add3A_256 = arith.constant 1 : i32
      %add3A_257 = arith.addi %add3A_240, %add3A_256 : i32
      %dma_start3A_258 = arith.constant 1 : i32
      %dma_start3A_259 = arith.constant 1 : i32
      %dma_start3A_260 = arith.constant 0 : i32
      %dma_start3A_261 = arith.constant 0 : i32
      %dma_start3A_262 = tpu.memref_slice %arg11[%dma_start3A_258, %dma_start3A_260, %dma_start3A_261] : memref<2x32x128xf32, #tpu.memory_space<vmem>> -> memref<1x32x128xf32, #tpu.memory_space<vmem>>
      %dma_start3A_263 = tpu.memref_squeeze %dma_start3A_262 : memref<1x32x128xf32, #tpu.memory_space<vmem>> -> memref<32x128xf32, #tpu.memory_space<vmem>>
      %dma_start3A_264 = arith.constant 0 : i32
      %dma_start3A_265 = tpu.memref_slice %arg9[%add3A_257, %dma_start3A_264] : memref<24x32xi32, #tpu.memory_space<vmem>> -> memref<1x32xi32, #tpu.memory_space<vmem>>
      %dma_start3A_266 = tpu.memref_squeeze %dma_start3A_265 : memref<1x32xi32, #tpu.memory_space<vmem>> -> memref<32xi32, #tpu.memory_space<vmem>>
      %dma_start3A_267 = arith.constant 0 : i32
      %dma_start3A_268 = arith.constant 0 : i32
      %dma_start3A_269 = tpu.memref_slice %arg2[%dma_start3A_267, %dma_start3A_268] : memref<10000x128xf32, #tpu.memory_space<hbm>> -> memref<10000x128xf32, #tpu.memory_space<hbm>>
      %dma_start3A_270 = tpu.memref_slice %arg13[%dma_start3A_259] : memref<2x!tpu.dma_semaphore, #tpu.memory_space<semaphore_mem>> -> memref<1x!tpu.dma_semaphore, #tpu.memory_space<semaphore_mem>>
      %dma_start3A_271 = tpu.memref_squeeze %dma_start3A_270 : memref<1x!tpu.dma_semaphore, #tpu.memory_space<semaphore_mem>> -> memref<!tpu.dma_semaphore, #tpu.memory_space<semaphore_mem>>
      tpu.enqueue_indirect_dma source(%dma_start3A_269 : memref<10000x128xf32, #tpu.memory_space<hbm>>) target(%dma_start3A_263 : memref<32x128xf32, #tpu.memory_space<vmem>>) offsets(%dma_start3A_266 : memref<32xi32, #tpu.memory_space<vmem>>) semaphore(%dma_start3A_271 : memref<!tpu.dma_semaphore, #tpu.memory_space<semaphore_mem>>)
      %dma_wait3A_272 = arith.constant 0 : i32
      %dma_wait3A_273 = arith.constant 0 : i32
      %dma_wait3A_274 = arith.constant 0 : i32
      %dma_wait3A_275 = arith.constant 0 : i32
      %dma_wait3A_276 = arith.constant 0 : i32
      %dma_wait3A_277 = tpu.memref_slice %arg11[%dma_wait3A_273, %dma_wait3A_275, %dma_wait3A_276] : memref<2x32x128xf32, #tpu.memory_space<vmem>> -> memref<1x32x128xf32, #tpu.memory_space<vmem>>
      %dma_wait3A_278 = tpu.memref_squeeze %dma_wait3A_277 : memref<1x32x128xf32, #tpu.memory_space<vmem>> -> memref<32x128xf32, #tpu.memory_space<vmem>>
      %dma_wait3A_279 = arith.constant 0 : i32
      %dma_wait3A_280 = tpu.memref_slice %arg9[%dma_wait3A_272, %dma_wait3A_279] : memref<24x32xi32, #tpu.memory_space<vmem>> -> memref<1x32xi32, #tpu.memory_space<vmem>>
      %dma_wait3A_281 = tpu.memref_squeeze %dma_wait3A_280 : memref<1x32xi32, #tpu.memory_space<vmem>> -> memref<32xi32, #tpu.memory_space<vmem>>
      %dma_wait3A_282 = arith.constant 0 : i32
      %dma_wait3A_283 = arith.constant 0 : i32
      %dma_wait3A_284 = tpu.memref_slice %arg2[%dma_wait3A_282, %dma_wait3A_283] : memref<10000x128xf32, #tpu.memory_space<hbm>> -> memref<10000x128xf32, #tpu.memory_space<hbm>>
      %dma_wait3A_285 = tpu.memref_slice %arg13[%dma_wait3A_274] : memref<2x!tpu.dma_semaphore, #tpu.memory_space<semaphore_mem>> -> memref<1x!tpu.dma_semaphore, #tpu.memory_space<semaphore_mem>>
      %dma_wait3A_286 = tpu.memref_squeeze %dma_wait3A_285 : memref<1x!tpu.dma_semaphore, #tpu.memory_space<semaphore_mem>> -> memref<!tpu.dma_semaphore, #tpu.memory_space<semaphore_mem>>
      tpu.wait_indirect_dma semaphore(%dma_wait3A_286 : memref<!tpu.dma_semaphore, #tpu.memory_space<semaphore_mem>>) src(%dma_wait3A_284 : memref<10000x128xf32, #tpu.memory_space<hbm>>) dst(%dma_wait3A_278 : memref<32x128xf32, #tpu.memory_space<vmem>>)
      %dma_start3A_287 = arith.constant 0 : i32
      %dma_start3A_288 = arith.constant 0 : i32
      %dma_start3A_289 = arith.constant 0 : i32
      %dma_start3A_290 = arith.constant 0 : i32
      %dma_start3A_291 = tpu.memref_slice %arg11[%dma_start3A_287, %dma_start3A_289, %dma_start3A_290] : memref<2x32x128xf32, #tpu.memory_space<vmem>> -> memref<1x32x128xf32, #tpu.memory_space<vmem>>
      %dma_start3A_292 = tpu.memref_squeeze %dma_start3A_291 : memref<1x32x128xf32, #tpu.memory_space<vmem>> -> memref<32x128xf32, #tpu.memory_space<vmem>>
      %dma_start3A_293 = arith.constant 0 : i32
      %dma_start3A_294 = tpu.memref_slice %arg10[%add3A_240, %dma_start3A_293] : memref<24x32xi32, #tpu.memory_space<vmem>> -> memref<1x32xi32, #tpu.memory_space<vmem>>
      %dma_start3A_295 = tpu.memref_squeeze %dma_start3A_294 : memref<1x32xi32, #tpu.memory_space<vmem>> -> memref<32xi32, #tpu.memory_space<vmem>>
      %dma_start3A_296 = arith.constant 0 : i32
      %dma_start3A_297 = arith.constant 0 : i32
      %dma_start3A_298 = tpu.memref_slice %arg12[%dma_start3A_296, %dma_start3A_297] : memref<2560x128xf32, #tpu.memory_space<vmem_shared>> -> memref<2560x128xf32, #tpu.memory_space<vmem_shared>>
      %dma_start3A_299 = tpu.memref_slice %arg14[%dma_start3A_288] : memref<2x!tpu.dma_semaphore, #tpu.memory_space<semaphore_mem>> -> memref<1x!tpu.dma_semaphore, #tpu.memory_space<semaphore_mem>>
      %dma_start3A_300 = tpu.memref_squeeze %dma_start3A_299 : memref<1x!tpu.dma_semaphore, #tpu.memory_space<semaphore_mem>> -> memref<!tpu.dma_semaphore, #tpu.memory_space<semaphore_mem>>
      tpu.enqueue_indirect_dma source(%dma_start3A_292 : memref<32x128xf32, #tpu.memory_space<vmem>>) target(%dma_start3A_298 : memref<2560x128xf32, #tpu.memory_space<vmem_shared>>) offsets(%dma_start3A_295 : memref<32xi32, #tpu.memory_space<vmem>>) semaphore(%dma_start3A_300 : memref<!tpu.dma_semaphore, #tpu.memory_space<semaphore_mem>>) {add = true}
    }
    %while3A_107 = arith.constant 1 : i32
    scf.for %while3A_174 = %while3A_105 to %while3A_101 step %while3A_107  : i32 {
      %mul3A_175 = arith.muli %while3A_174, %while3A : i32
      %add3A_176 = arith.addi %while3A_98, %mul3A_175 : i32
      %add3A_177 = arith.constant 0 : i32
      %add3A_178 = arith.addi %add3A_176, %add3A_177 : i32
      %dma_wait3A_179 = arith.constant 0 : i32
      %dma_wait3A_180 = arith.constant 0 : i32
      %dma_wait3A_181 = arith.constant 0 : i32
      %dma_wait3A_182 = arith.constant 0 : i32
      %dma_wait3A_183 = arith.constant 0 : i32
      %dma_wait3A_184 = tpu.memref_slice %arg11[%dma_wait3A_179, %dma_wait3A_182, %dma_wait3A_183] : memref<2x32x128xf32, #tpu.memory_space<vmem>> -> memref<1x32x128xf32, #tpu.memory_space<vmem>>
      %dma_wait3A_185 = tpu.memref_squeeze %dma_wait3A_184 : memref<1x32x128xf32, #tpu.memory_space<vmem>> -> memref<32x128xf32, #tpu.memory_space<vmem>>
      %dma_wait3A_186 = arith.constant 0 : i32
      %dma_wait3A_187 = tpu.memref_slice %arg10[%dma_wait3A_180, %dma_wait3A_186] : memref<24x32xi32, #tpu.memory_space<vmem>> -> memref<1x32xi32, #tpu.memory_space<vmem>>
      %dma_wait3A_188 = tpu.memref_squeeze %dma_wait3A_187 : memref<1x32xi32, #tpu.memory_space<vmem>> -> memref<32xi32, #tpu.memory_space<vmem>>
      %dma_wait3A_189 = arith.constant 0 : i32
      %dma_wait3A_190 = arith.constant 0 : i32
      %dma_wait3A_191 = tpu.memref_slice %arg12[%dma_wait3A_189, %dma_wait3A_190] : memref<2560x128xf32, #tpu.memory_space<vmem_shared>> -> memref<2560x128xf32, #tpu.memory_space<vmem_shared>>
      %dma_wait3A_192 = tpu.memref_slice %arg14[%dma_wait3A_181] : memref<2x!tpu.dma_semaphore, #tpu.memory_space<semaphore_mem>> -> memref<1x!tpu.dma_semaphore, #tpu.memory_space<semaphore_mem>>
      %dma_wait3A_193 = tpu.memref_squeeze %dma_wait3A_192 : memref<1x!tpu.dma_semaphore, #tpu.memory_space<semaphore_mem>> -> memref<!tpu.dma_semaphore, #tpu.memory_space<semaphore_mem>>
      tpu.wait_indirect_dma semaphore(%dma_wait3A_193 : memref<!tpu.dma_semaphore, #tpu.memory_space<semaphore_mem>>) src(%dma_wait3A_185 : memref<32x128xf32, #tpu.memory_space<vmem>>) dst(%dma_wait3A_191 : memref<2560x128xf32, #tpu.memory_space<vmem_shared>>)
      %add3A_194 = arith.constant 1 : i32
      %add3A_195 = arith.addi %add3A_178, %add3A_194 : i32
      %dma_start3A_196 = arith.constant 0 : i32
      %dma_start3A_197 = arith.constant 0 : i32
      %dma_start3A_198 = arith.constant 0 : i32
      %dma_start3A_199 = arith.constant 0 : i32
      %dma_start3A_200 = tpu.memref_slice %arg11[%dma_start3A_196, %dma_start3A_198, %dma_start3A_199] : memref<2x32x128xf32, #tpu.memory_space<vmem>> -> memref<1x32x128xf32, #tpu.memory_space<vmem>>
      %dma_start3A_201 = tpu.memref_squeeze %dma_start3A_200 : memref<1x32x128xf32, #tpu.memory_space<vmem>> -> memref<32x128xf32, #tpu.memory_space<vmem>>
      %dma_start3A_202 = arith.constant 0 : i32
      %dma_start3A_203 = tpu.memref_slice %arg9[%add3A_195, %dma_start3A_202] : memref<24x32xi32, #tpu.memory_space<vmem>> -> memref<1x32xi32, #tpu.memory_space<vmem>>
      %dma_start3A_204 = tpu.memref_squeeze %dma_start3A_203 : memref<1x32xi32, #tpu.memory_space<vmem>> -> memref<32xi32, #tpu.memory_space<vmem>>
      %dma_start3A_205 = arith.constant 0 : i32
      %dma_start3A_206 = arith.constant 0 : i32
      %dma_start3A_207 = tpu.memref_slice %arg2[%dma_start3A_205, %dma_start3A_206] : memref<10000x128xf32, #tpu.memory_space<hbm>> -> memref<10000x128xf32, #tpu.memory_space<hbm>>
      %dma_start3A_208 = tpu.memref_slice %arg13[%dma_start3A_197] : memref<2x!tpu.dma_semaphore, #tpu.memory_space<semaphore_mem>> -> memref<1x!tpu.dma_semaphore, #tpu.memory_space<semaphore_mem>>
      %dma_start3A_209 = tpu.memref_squeeze %dma_start3A_208 : memref<1x!tpu.dma_semaphore, #tpu.memory_space<semaphore_mem>> -> memref<!tpu.dma_semaphore, #tpu.memory_space<semaphore_mem>>
      tpu.enqueue_indirect_dma source(%dma_start3A_207 : memref<10000x128xf32, #tpu.memory_space<hbm>>) target(%dma_start3A_201 : memref<32x128xf32, #tpu.memory_space<vmem>>) offsets(%dma_start3A_204 : memref<32xi32, #tpu.memory_space<vmem>>) semaphore(%dma_start3A_209 : memref<!tpu.dma_semaphore, #tpu.memory_space<semaphore_mem>>)
      %dma_wait3A_210 = arith.constant 0 : i32
      %dma_wait3A_211 = arith.constant 1 : i32
      %dma_wait3A_212 = arith.constant 1 : i32
      %dma_wait3A_213 = arith.constant 0 : i32
      %dma_wait3A_214 = arith.constant 0 : i32
      %dma_wait3A_215 = tpu.memref_slice %arg11[%dma_wait3A_211, %dma_wait3A_213, %dma_wait3A_214] : memref<2x32x128xf32, #tpu.memory_space<vmem>> -> memref<1x32x128xf32, #tpu.memory_space<vmem>>
      %dma_wait3A_216 = tpu.memref_squeeze %dma_wait3A_215 : memref<1x32x128xf32, #tpu.memory_space<vmem>> -> memref<32x128xf32, #tpu.memory_space<vmem>>
      %dma_wait3A_217 = arith.constant 0 : i32
      %dma_wait3A_218 = tpu.memref_slice %arg9[%dma_wait3A_210, %dma_wait3A_217] : memref<24x32xi32, #tpu.memory_space<vmem>> -> memref<1x32xi32, #tpu.memory_space<vmem>>
      %dma_wait3A_219 = tpu.memref_squeeze %dma_wait3A_218 : memref<1x32xi32, #tpu.memory_space<vmem>> -> memref<32xi32, #tpu.memory_space<vmem>>
      %dma_wait3A_220 = arith.constant 0 : i32
      %dma_wait3A_221 = arith.constant 0 : i32
      %dma_wait3A_222 = tpu.memref_slice %arg2[%dma_wait3A_220, %dma_wait3A_221] : memref<10000x128xf32, #tpu.memory_space<hbm>> -> memref<10000x128xf32, #tpu.memory_space<hbm>>
      %dma_wait3A_223 = tpu.memref_slice %arg13[%dma_wait3A_212] : memref<2x!tpu.dma_semaphore, #tpu.memory_space<semaphore_mem>> -> memref<1x!tpu.dma_semaphore, #tpu.memory_space<semaphore_mem>>
      %dma_wait3A_224 = tpu.memref_squeeze %dma_wait3A_223 : memref<1x!tpu.dma_semaphore, #tpu.memory_space<semaphore_mem>> -> memref<!tpu.dma_semaphore, #tpu.memory_space<semaphore_mem>>
      tpu.wait_indirect_dma semaphore(%dma_wait3A_224 : memref<!tpu.dma_semaphore, #tpu.memory_space<semaphore_mem>>) src(%dma_wait3A_222 : memref<10000x128xf32, #tpu.memory_space<hbm>>) dst(%dma_wait3A_216 : memref<32x128xf32, #tpu.memory_space<vmem>>)
      %dma_start3A_225 = arith.constant 1 : i32
      %dma_start3A_226 = arith.constant 1 : i32
      %dma_start3A_227 = arith.constant 0 : i32
      %dma_start3A_228 = arith.constant 0 : i32
      %dma_start3A_229 = tpu.memref_slice %arg11[%dma_start3A_225, %dma_start3A_227, %dma_start3A_228] : memref<2x32x128xf32, #tpu.memory_space<vmem>> -> memref<1x32x128xf32, #tpu.memory_space<vmem>>
      %dma_start3A_230 = tpu.memref_squeeze %dma_start3A_229 : memref<1x32x128xf32, #tpu.memory_space<vmem>> -> memref<32x128xf32, #tpu.memory_space<vmem>>
      %dma_start3A_231 = arith.constant 0 : i32
      %dma_start3A_232 = tpu.memref_slice %arg10[%add3A_178, %dma_start3A_231] : memref<24x32xi32, #tpu.memory_space<vmem>> -> memref<1x32xi32, #tpu.memory_space<vmem>>
      %dma_start3A_233 = tpu.memref_squeeze %dma_start3A_232 : memref<1x32xi32, #tpu.memory_space<vmem>> -> memref<32xi32, #tpu.memory_space<vmem>>
      %dma_start3A_234 = arith.constant 0 : i32
      %dma_start3A_235 = arith.constant 0 : i32
      %dma_start3A_236 = tpu.memref_slice %arg12[%dma_start3A_234, %dma_start3A_235] : memref<2560x128xf32, #tpu.memory_space<vmem_shared>> -> memref<2560x128xf32, #tpu.memory_space<vmem_shared>>
      %dma_start3A_237 = tpu.memref_slice %arg14[%dma_start3A_226] : memref<2x!tpu.dma_semaphore, #tpu.memory_space<semaphore_mem>> -> memref<1x!tpu.dma_semaphore, #tpu.memory_space<semaphore_mem>>
      %dma_start3A_238 = tpu.memref_squeeze %dma_start3A_237 : memref<1x!tpu.dma_semaphore, #tpu.memory_space<semaphore_mem>> -> memref<!tpu.dma_semaphore, #tpu.memory_space<semaphore_mem>>
      tpu.enqueue_indirect_dma source(%dma_start3A_230 : memref<32x128xf32, #tpu.memory_space<vmem>>) target(%dma_start3A_236 : memref<2560x128xf32, #tpu.memory_space<vmem_shared>>) offsets(%dma_start3A_233 : memref<32xi32, #tpu.memory_space<vmem>>) semaphore(%dma_start3A_238 : memref<!tpu.dma_semaphore, #tpu.memory_space<semaphore_mem>>) {add = true}
      %add3A_239 = arith.constant 1 : i32
      %add3A_240 = arith.addi %add3A_176, %add3A_239 : i32
      %dma_wait3A_241 = arith.constant 1 : i32
      %dma_wait3A_242 = arith.constant 0 : i32
      %dma_wait3A_243 = arith.constant 1 : i32
      %dma_wait3A_244 = arith.constant 0 : i32
      %dma_wait3A_245 = arith.constant 0 : i32
      %dma_wait3A_246 = tpu.memref_slice %arg11[%dma_wait3A_241, %dma_wait3A_244, %dma_wait3A_245] : memref<2x32x128xf32, #tpu.memory_space<vmem>> -> memref<1x32x128xf32, #tpu.memory_space<vmem>>
      %dma_wait3A_247 = tpu.memref_squeeze %dma_wait3A_246 : memref<1x32x128xf32, #tpu.memory_space<vmem>> -> memref<32x128xf32, #tpu.memory_space<vmem>>
      %dma_wait3A_248 = arith.constant 0 : i32
      %dma_wait3A_249 = tpu.memref_slice %arg10[%dma_wait3A_242, %dma_wait3A_248] : memref<24x32xi32, #tpu.memory_space<vmem>> -> memref<1x32xi32, #tpu.memory_space<vmem>>
      %dma_wait3A_250 = tpu.memref_squeeze %dma_wait3A_249 : memref<1x32xi32, #tpu.memory_space<vmem>> -> memref<32xi32, #tpu.memory_space<vmem>>
      %dma_wait3A_251 = arith.constant 0 : i32
      %dma_wait3A_252 = arith.constant 0 : i32
      %dma_wait3A_253 = tpu.memref_slice %arg12[%dma_wait3A_251, %dma_wait3A_252] : memref<2560x128xf32, #tpu.memory_space<vmem_shared>> -> memref<2560x128xf32, #tpu.memory_space<vmem_shared>>
      %dma_wait3A_254 = tpu.memref_slice %arg14[%dma_wait3A_243] : memref<2x!tpu.dma_semaphore, #tpu.memory_space<semaphore_mem>> -> memref<1x!tpu.dma_semaphore, #tpu.memory_space<semaphore_mem>>
      %dma_wait3A_255 = tpu.memref_squeeze %dma_wait3A_254 : memref<1x!tpu.dma_semaphore, #tpu.memory_space<semaphore_mem>> -> memref<!tpu.dma_semaphore, #tpu.memory_space<semaphore_mem>>
      tpu.wait_indirect_dma semaphore(%dma_wait3A_255 : memref<!tpu.dma_semaphore, #tpu.memory_space<semaphore_mem>>) src(%dma_wait3A_247 : memref<32x128xf32, #tpu.memory_space<vmem>>) dst(%dma_wait3A_253 : memref<2560x128xf32, #tpu.memory_space<vmem_shared>>)
      %add3A_256 = arith.constant 1 : i32
      %add3A_257 = arith.addi %add3A_240, %add3A_256 : i32
      %dma_start3A_258 = arith.constant 1 : i32
      %dma_start3A_259 = arith.constant 1 : i32
      %dma_start3A_260 = arith.constant 0 : i32
      %dma_start3A_261 = arith.constant 0 : i32
      %dma_start3A_262 = tpu.memref_slice %arg11[%dma_start3A_258, %dma_start3A_260, %dma_start3A_261] : memref<2x32x128xf32, #tpu.memory_space<vmem>> -> memref<1x32x128xf32, #tpu.memory_space<vmem>>
      %dma_start3A_263 = tpu.memref_squeeze %dma_start3A_262 : memref<1x32x128xf32, #tpu.memory_space<vmem>> -> memref<32x128xf32, #tpu.memory_space<vmem>>
      %dma_start3A_264 = arith.constant 0 : i32
      %dma_start3A_265 = tpu.memref_slice %arg9[%add3A_257, %dma_start3A_264] : memref<24x32xi32, #tpu.memory_space<vmem>> -> memref<1x32xi32, #tpu.memory_space<vmem>>
      %dma_start3A_266 = tpu.memref_squeeze %dma_start3A_265 : memref<1x32xi32, #tpu.memory_space<vmem>> -> memref<32xi32, #tpu.memory_space<vmem>>
      %dma_start3A_267 = arith.constant 0 : i32
      %dma_start3A_268 = arith.constant 0 : i32
      %dma_start3A_269 = tpu.memref_slice %arg2[%dma_start3A_267, %dma_start3A_268] : memref<10000x128xf32, #tpu.memory_space<hbm>> -> memref<10000x128xf32, #tpu.memory_space<hbm>>
      %dma_start3A_270 = tpu.memref_slice %arg13[%dma_start3A_259] : memref<2x!tpu.dma_semaphore, #tpu.memory_space<semaphore_mem>> -> memref<1x!tpu.dma_semaphore, #tpu.memory_space<semaphore_mem>>
      %dma_start3A_271 = tpu.memref_squeeze %dma_start3A_270 : memref<1x!tpu.dma_semaphore, #tpu.memory_space<semaphore_mem>> -> memref<!tpu.dma_semaphore, #tpu.memory_space<semaphore_mem>>
      tpu.enqueue_indirect_dma source(%dma_start3A_269 : memref<10000x128xf32, #tpu.memory_space<hbm>>) target(%dma_start3A_263 : memref<32x128xf32, #tpu.memory_space<vmem>>) offsets(%dma_start3A_266 : memref<32xi32, #tpu.memory_space<vmem>>) semaphore(%dma_start3A_271 : memref<!tpu.dma_semaphore, #tpu.memory_space<semaphore_mem>>)
      %dma_wait3A_272 = arith.constant 0 : i32
      %dma_wait3A_273 = arith.constant 0 : i32
      %dma_wait3A_274 = arith.constant 0 : i32
      %dma_wait3A_275 = arith.constant 0 : i32
      %dma_wait3A_276 = arith.constant 0 : i32
      %dma_wait3A_277 = tpu.memref_slice %arg11[%dma_wait3A_273, %dma_wait3A_275, %dma_wait3A_276] : memref<2x32x128xf32, #tpu.memory_space<vmem>> -> memref<1x32x128xf32, #tpu.memory_space<vmem>>
      %dma_wait3A_278 = tpu.memref_squeeze %dma_wait3A_277 : memref<1x32x128xf32, #tpu.memory_space<vmem>> -> memref<32x128xf32, #tpu.memory_space<vmem>>
      %dma_wait3A_279 = arith.constant 0 : i32
      %dma_wait3A_280 = tpu.memref_slice %arg9[%dma_wait3A_272, %dma_wait3A_279] : memref<24x32xi32, #tpu.memory_space<vmem>> -> memref<1x32xi32, #tpu.memory_space<vmem>>
      %dma_wait3A_281 = tpu.memref_squeeze %dma_wait3A_280 : memref<1x32xi32, #tpu.memory_space<vmem>> -> memref<32xi32, #tpu.memory_space<vmem>>
      %dma_wait3A_282 = arith.constant 0 : i32
      %dma_wait3A_283 = arith.constant 0 : i32
      %dma_wait3A_284 = tpu.memref_slice %arg2[%dma_wait3A_282, %dma_wait3A_283] : memref<10000x128xf32, #tpu.memory_space<hbm>> -> memref<10000x128xf32, #tpu.memory_space<hbm>>
      %dma_wait3A_285 = tpu.memref_slice %arg13[%dma_wait3A_274] : memref<2x!tpu.dma_semaphore, #tpu.memory_space<semaphore_mem>> -> memref<1x!tpu.dma_semaphore, #tpu.memory_space<semaphore_mem>>
      %dma_wait3A_286 = tpu.memref_squeeze %dma_wait3A_285 : memref<1x!tpu.dma_semaphore, #tpu.memory_space<semaphore_mem>> -> memref<!tpu.dma_semaphore, #tpu.memory_space<semaphore_mem>>
      tpu.wait_indirect_dma semaphore(%dma_wait3A_286 : memref<!tpu.dma_semaphore, #tpu.memory_space<semaphore_mem>>) src(%dma_wait3A_284 : memref<10000x128xf32, #tpu.memory_space<hbm>>) dst(%dma_wait3A_278 : memref<32x128xf32, #tpu.memory_space<vmem>>)
      %dma_start3A_287 = arith.constant 0 : i32
      %dma_start3A_288 = arith.constant 0 : i32
      %dma_start3A_289 = arith.constant 0 : i32
      %dma_start3A_290 = arith.constant 0 : i32
      %dma_start3A_291 = tpu.memref_slice %arg11[%dma_start3A_287, %dma_start3A_289, %dma_start3A_290] : memref<2x32x128xf32, #tpu.memory_space<vmem>> -> memref<1x32x128xf32, #tpu.memory_space<vmem>>
      %dma_start3A_292 = tpu.memref_squeeze %dma_start3A_291 : memref<1x32x128xf32, #tpu.memory_space<vmem>> -> memref<32x128xf32, #tpu.memory_space<vmem>>
      %dma_start3A_293 = arith.constant 0 : i32
      %dma_start3A_294 = tpu.memref_slice %arg10[%add3A_240, %dma_start3A_293] : memref<24x32xi32, #tpu.memory_space<vmem>> -> memref<1x32xi32, #tpu.memory_space<vmem>>
      %dma_start3A_295 = tpu.memref_squeeze %dma_start3A_294 : memref<1x32xi32, #tpu.memory_space<vmem>> -> memref<32xi32, #tpu.memory_space<vmem>>
      %dma_start3A_296 = arith.constant 0 : i32
      %dma_start3A_297 = arith.constant 0 : i32
      %dma_start3A_298 = tpu.memref_slice %arg12[%dma_start3A_296, %dma_start3A_297] : memref<2560x128xf32, #tpu.memory_space<vmem_shared>> -> memref<2560x128xf32, #tpu.memory_space<vmem_shared>>
      %dma_start3A_299 = tpu.memref_slice %arg14[%dma_start3A_288] : memref<2x!tpu.dma_semaphore, #tpu.memory_space<semaphore_mem>> -> memref<1x!tpu.dma_semaphore, #tpu.memory_space<semaphore_mem>>
      %dma_start3A_300 = tpu.memref_squeeze %dma_start3A_299 : memref<1x!tpu.dma_semaphore, #tpu.memory_space<semaphore_mem>> -> memref<!tpu.dma_semaphore, #tpu.memory_space<semaphore_mem>>
      tpu.enqueue_indirect_dma source(%dma_start3A_292 : memref<32x128xf32, #tpu.memory_space<vmem>>) target(%dma_start3A_298 : memref<2560x128xf32, #tpu.memory_space<vmem_shared>>) offsets(%dma_start3A_295 : memref<32xi32, #tpu.memory_space<vmem>>) semaphore(%dma_start3A_300 : memref<!tpu.dma_semaphore, #tpu.memory_space<semaphore_mem>>) {add = true}
    }
    %dma_wait3A_108 = arith.constant 0 : i32
    %dma_wait3A_109 = arith.constant 1 : i32
    %dma_wait3A_110 = arith.constant 1 : i32
    %dma_wait3A_111 = arith.constant 0 : i32
    %dma_wait3A_112 = arith.constant 0 : i32
    %dma_wait3A_113 = tpu.memref_slice %arg11[%dma_wait3A_109, %dma_wait3A_111, %dma_wait3A_112] : memref<2x32x128xf32, #tpu.memory_space<vmem>> -> memref<1x32x128xf32, #tpu.memory_space<vmem>>
    %dma_wait3A_114 = tpu.memref_squeeze %dma_wait3A_113 : memref<1x32x128xf32, #tpu.memory_space<vmem>> -> memref<32x128xf32, #tpu.memory_space<vmem>>
    %dma_wait3A_115 = arith.constant 0 : i32
    %dma_wait3A_116 = tpu.memref_slice %arg9[%dma_wait3A_108, %dma_wait3A_115] : memref<24x32xi32, #tpu.memory_space<vmem>> -> memref<1x32xi32, #tpu.memory_space<vmem>>
    %dma_wait3A_117 = tpu.memref_squeeze %dma_wait3A_116 : memref<1x32xi32, #tpu.memory_space<vmem>> -> memref<32xi32, #tpu.memory_space<vmem>>
    %dma_wait3A_118 = arith.constant 0 : i32
    %dma_wait3A_119 = arith.constant 0 : i32
    %dma_wait3A_120 = tpu.memref_slice %arg2[%dma_wait3A_118, %dma_wait3A_119] : memref<10000x128xf32, #tpu.memory_space<hbm>> -> memref<10000x128xf32, #tpu.memory_space<hbm>>
    %dma_wait3A_121 = tpu.memref_slice %arg13[%dma_wait3A_110] : memref<2x!tpu.dma_semaphore, #tpu.memory_space<semaphore_mem>> -> memref<1x!tpu.dma_semaphore, #tpu.memory_space<semaphore_mem>>
    %dma_wait3A_122 = tpu.memref_squeeze %dma_wait3A_121 : memref<1x!tpu.dma_semaphore, #tpu.memory_space<semaphore_mem>> -> memref<!tpu.dma_semaphore, #tpu.memory_space<semaphore_mem>>
    tpu.wait_indirect_dma semaphore(%dma_wait3A_122 : memref<!tpu.dma_semaphore, #tpu.memory_space<semaphore_mem>>) src(%dma_wait3A_120 : memref<10000x128xf32, #tpu.memory_space<hbm>>) dst(%dma_wait3A_114 : memref<32x128xf32, #tpu.memory_space<vmem>>)
    %sub3A_123 = arith.constant 1 : i32
    %sub3A_124 = arith.subi %select_n3A, %sub3A_123 : i32
    %dma_start3A_125 = arith.constant 1 : i32
    %dma_start3A_126 = arith.constant 1 : i32
    %dma_start3A_127 = arith.constant 0 : i32
    %dma_start3A_128 = arith.constant 0 : i32
    %dma_start3A_129 = tpu.memref_slice %arg11[%dma_start3A_125, %dma_start3A_127, %dma_start3A_128] : memref<2x32x128xf32, #tpu.memory_space<vmem>> -> memref<1x32x128xf32, #tpu.memory_space<vmem>>
    %dma_start3A_130 = tpu.memref_squeeze %dma_start3A_129 : memref<1x32x128xf32, #tpu.memory_space<vmem>> -> memref<32x128xf32, #tpu.memory_space<vmem>>
    %dma_start3A_131 = arith.constant 0 : i32
    %dma_start3A_132 = tpu.memref_slice %arg10[%sub3A_124, %dma_start3A_131] : memref<24x32xi32, #tpu.memory_space<vmem>> -> memref<1x32xi32, #tpu.memory_space<vmem>>
    %dma_start3A_133 = tpu.memref_squeeze %dma_start3A_132 : memref<1x32xi32, #tpu.memory_space<vmem>> -> memref<32xi32, #tpu.memory_space<vmem>>
    %dma_start3A_134 = arith.constant 0 : i32
    %dma_start3A_135 = arith.constant 0 : i32
    %dma_start3A_136 = tpu.memref_slice %arg12[%dma_start3A_134, %dma_start3A_135] : memref<2560x128xf32, #tpu.memory_space<vmem_shared>> -> memref<2560x128xf32, #tpu.memory_space<vmem_shared>>
    %dma_start3A_137 = tpu.memref_slice %arg14[%dma_start3A_126] : memref<2x!tpu.dma_semaphore, #tpu.memory_space<semaphore_mem>> -> memref<1x!tpu.dma_semaphore, #tpu.memory_space<semaphore_mem>>
    %dma_start3A_138 = tpu.memref_squeeze %dma_start3A_137 : memref<1x!tpu.dma_semaphore, #tpu.memory_space<semaphore_mem>> -> memref<!tpu.dma_semaphore, #tpu.memory_space<semaphore_mem>>
    tpu.enqueue_indirect_dma source(%dma_start3A_130 : memref<32x128xf32, #tpu.memory_space<vmem>>) target(%dma_start3A_136 : memref<2560x128xf32, #tpu.memory_space<vmem_shared>>) offsets(%dma_start3A_133 : memref<32xi32, #tpu.memory_space<vmem>>) semaphore(%dma_start3A_138 : memref<!tpu.dma_semaphore, #tpu.memory_space<semaphore_mem>>) {add = true}
    %dma_wait3A_139 = arith.constant 0 : i32
    %dma_wait3A_140 = arith.constant 0 : i32
    %dma_wait3A_141 = arith.constant 0 : i32
    %dma_wait3A_142 = arith.constant 0 : i32
    %dma_wait3A_143 = arith.constant 0 : i32
    %dma_wait3A_144 = tpu.memref_slice %arg11[%dma_wait3A_139, %dma_wait3A_142, %dma_wait3A_143] : memref<2x32x128xf32, #tpu.memory_space<vmem>> -> memref<1x32x128xf32, #tpu.memory_space<vmem>>
    %dma_wait3A_145 = tpu.memref_squeeze %dma_wait3A_144 : memref<1x32x128xf32, #tpu.memory_space<vmem>> -> memref<32x128xf32, #tpu.memory_space<vmem>>
    %dma_wait3A_146 = arith.constant 0 : i32
    %dma_wait3A_147 = tpu.memref_slice %arg10[%dma_wait3A_140, %dma_wait3A_146] : memref<24x32xi32, #tpu.memory_space<vmem>> -> memref<1x32xi32, #tpu.memory_space<vmem>>
    %dma_wait3A_148 = tpu.memref_squeeze %dma_wait3A_147 : memref<1x32xi32, #tpu.memory_space<vmem>> -> memref<32xi32, #tpu.memory_space<vmem>>
    %dma_wait3A_149 = arith.constant 0 : i32
    %dma_wait3A_150 = arith.constant 0 : i32
    %dma_wait3A_151 = tpu.memref_slice %arg12[%dma_wait3A_149, %dma_wait3A_150] : memref<2560x128xf32, #tpu.memory_space<vmem_shared>> -> memref<2560x128xf32, #tpu.memory_space<vmem_shared>>
    %dma_wait3A_152 = tpu.memref_slice %arg14[%dma_wait3A_141] : memref<2x!tpu.dma_semaphore, #tpu.memory_space<semaphore_mem>> -> memref<1x!tpu.dma_semaphore, #tpu.memory_space<semaphore_mem>>
    %dma_wait3A_153 = tpu.memref_squeeze %dma_wait3A_152 : memref<1x!tpu.dma_semaphore, #tpu.memory_space<semaphore_mem>> -> memref<!tpu.dma_semaphore, #tpu.memory_space<semaphore_mem>>
    tpu.wait_indirect_dma semaphore(%dma_wait3A_153 : memref<!tpu.dma_semaphore, #tpu.memory_space<semaphore_mem>>) src(%dma_wait3A_145 : memref<32x128xf32, #tpu.memory_space<vmem>>) dst(%dma_wait3A_151 : memref<2560x128xf32, #tpu.memory_space<vmem_shared>>)
    %dma_wait3A_154 = arith.constant 1 : i32
    %dma_wait3A_155 = arith.constant 0 : i32
    %dma_wait3A_156 = arith.constant 1 : i32
    %dma_wait3A_157 = arith.constant 0 : i32
    %dma_wait3A_158 = arith.constant 0 : i32
    %dma_wait3A_159 = tpu.memref_slice %arg11[%dma_wait3A_154, %dma_wait3A_157, %dma_wait3A_158] : memref<2x32x128xf32, #tpu.memory_space<vmem>> -> memref<1x32x128xf32, #tpu.memory_space<vmem>>
    %dma_wait3A_160 = tpu.memref_squeeze %dma_wait3A_159 : memref<1x32x128xf32, #tpu.memory_space<vmem>> -> memref<32x128xf32, #tpu.memory_space<vmem>>
    %dma_wait3A_161 = arith.constant 0 : i32
    %dma_wait3A_162 = tpu.memref_slice %arg10[%dma_wait3A_155, %dma_wait3A_161] : memref<24x32xi32, #tpu.memory_space<vmem>> -> memref<1x32xi32, #tpu.memory_space<vmem>>
    %dma_wait3A_163 = tpu.memref_squeeze %dma_wait3A_162 : memref<1x32xi32, #tpu.memory_space<vmem>> -> memref<32xi32, #tpu.memory_space<vmem>>
    %dma_wait3A_164 = arith.constant 0 : i32
    %dma_wait3A_165 = arith.constant 0 : i32
    %dma_wait3A_166 = tpu.memref_slice %arg12[%dma_wait3A_164, %dma_wait3A_165] : memref<2560x128xf32, #tpu.memory_space<vmem_shared>> -> memref<2560x128xf32, #tpu.memory_space<vmem_shared>>
    %dma_wait3A_167 = tpu.memref_slice %arg14[%dma_wait3A_156] : memref<2x!tpu.dma_semaphore, #tpu.memory_space<semaphore_mem>> -> memref<1x!tpu.dma_semaphore, #tpu.memory_space<semaphore_mem>>
    %dma_wait3A_168 = tpu.memref_squeeze %dma_wait3A_167 : memref<1x!tpu.dma_semaphore, #tpu.memory_space<semaphore_mem>> -> memref<!tpu.dma_semaphore, #tpu.memory_space<semaphore_mem>>
    tpu.wait_indirect_dma semaphore(%dma_wait3A_168 : memref<!tpu.dma_semaphore, #tpu.memory_space<semaphore_mem>>) src(%dma_wait3A_160 : memref<32x128xf32, #tpu.memory_space<vmem>>) dst(%dma_wait3A_166 : memref<2560x128xf32, #tpu.memory_space<vmem_shared>>)
    %barrier3A_169 = arith.constant 0 : index
    tpu.barrier barrier_id(%barrier3A_169)
    %mul3A_170 = arith.constant 160 : i32
    %mul3A_171 = arith.muli %arg1, %mul3A_170 : i32
    %mul3A_172 = arith.constant 160 : i32
    %mul3A_173 = arith.muli %arg1, %mul3A_172 : i32
    "tpu.region"() ({
      %run_scoped3A = tpu.sem_alloc : memref<!tpu.dma_semaphore, #tpu.memory_space<semaphore_mem>>
      %dma_start3A_174 = arith.constant 0 : i32
      %dma_start3A_175 = tpu.memref_slice %arg7[%arg0, %mul3A_173, %dma_start3A_174] : memref<2x2560x128xf32, #tpu.memory_space<hbm>> -> memref<1x160x128xf32, #tpu.memory_space<hbm>>
      %dma_start3A_176 = tpu.memref_squeeze %dma_start3A_175 : memref<1x160x128xf32, #tpu.memory_space<hbm>> -> memref<160x128xf32, #tpu.memory_space<hbm>>
      %dma_start3A_177 = arith.constant 0 : i32
      %dma_start3A_178 = tpu.memref_slice %arg12[%mul3A_171, %dma_start3A_177] : memref<2560x128xf32, #tpu.memory_space<vmem_shared>> -> memref<160x128xf32, #tpu.memory_space<vmem_shared>>
      tpu.enqueue_dma source(%dma_start3A_178 : memref<160x128xf32, #tpu.memory_space<vmem_shared>>) target(%dma_start3A_176 : memref<160x128xf32, #tpu.memory_space<hbm>>) target_semaphore(%run_scoped3A : memref<!tpu.dma_semaphore, #tpu.memory_space<semaphore_mem>>)
      %dma_wait3A_179 = arith.constant 0 : i32
      %dma_wait3A_180 = tpu.memref_slice %arg7[%arg0, %mul3A_173, %dma_wait3A_179] : memref<2x2560x128xf32, #tpu.memory_space<hbm>> -> memref<1x160x128xf32, #tpu.memory_space<hbm>>
      %dma_wait3A_181 = tpu.memref_squeeze %dma_wait3A_180 : memref<1x160x128xf32, #tpu.memory_space<hbm>> -> memref<160x128xf32, #tpu.memory_space<hbm>>
      %dma_wait3A_182 = arith.constant 0 : i32
      %dma_wait3A_183 = tpu.memref_slice %arg12[%mul3A_171, %dma_wait3A_182] : memref<2560x128xf32, #tpu.memory_space<vmem_shared>> -> memref<160x128xf32, #tpu.memory_space<vmem_shared>>
      tpu.wait_dma2 semaphore(%run_scoped3A : memref<!tpu.dma_semaphore, #tpu.memory_space<semaphore_mem>>) src(%dma_wait3A_183 : memref<160x128xf32, #tpu.memory_space<vmem_shared>>) dst(%dma_wait3A_181 : memref<160x128xf32, #tpu.memory_space<hbm>>)
      tpu.yield
    }) : () -> ()
    return
  }
}

module attributes {stable_mosaic.version = 14 : i64} {
  func.func @_knn_body(%arg0: i32, %arg1: memref<256x8xf32, #tpu.memory_space<vmem>>, %arg2: memref<8x2560xf32, #tpu.memory_space<vmem>>, %arg3: memref<256x8xi32, #tpu.memory_space<vmem>>) attributes {dimension_semantics = [#tpu.dimension_semantics<arbitrary>], iteration_bounds = array<i64: 10>, scalar_prefetch = 0 : i64, scratch_operands = 0 : i64, tpu.core_type = #tpu.core_type<tc>, window_params = [{transform_indices = @transform_0, window_bounds = array<i64: 256, 8>}, {pipeline_mode = #tpu.pipeline_mode<synchronous>, transform_indices = @transform_1, window_bounds = array<i64: 8, 2560>}, {transform_indices = @transform_2, window_bounds = array<i64: 256, 8>}]} {
    %get3A = arith.constant 0 : index
    %get3A_0 = arith.constant 0 : index
    %get3A_1 = vector.load %arg1[%get3A, %get3A_0] : memref<256x8xf32, #tpu.memory_space<vmem>>, vector<256x8xf32>
    %get3A_2 = arith.constant 0 : index
    %get3A_3 = arith.constant 0 : index
    %get3A_4 = vector.load %arg2[%get3A_2, %get3A_3] : memref<8x2560xf32, #tpu.memory_space<vmem>>, vector<8x2560xf32>
    %broadcast_in_dim3A = arith.constant 0.000000e+00 : f32
    %broadcast_in_dim3A_5 = vector.broadcast %broadcast_in_dim3A : f32 to vector<256x2560xf32>
    %slice3A = vector.extract_strided_slice %get3A_1 {offsets = [0, 0], sizes = [256, 1], strides = [1, 1]} : vector<256x8xf32> to vector<256x1xf32>
    %slice3A_6 = vector.extract_strided_slice %get3A_4 {offsets = [0, 0], sizes = [1, 2560], strides = [1, 1]} : vector<8x2560xf32> to vector<1x2560xf32>
    %sub3A = vector.broadcast %slice3A : vector<256x1xf32> to vector<256x2560xf32>
    %sub3A_7 = vector.broadcast %slice3A_6 : vector<1x2560xf32> to vector<256x2560xf32>
    %sub3A_8 = arith.subf %sub3A, %sub3A_7 : vector<256x2560xf32>
    %mul3A = arith.mulf %sub3A_8, %sub3A_8 : vector<256x2560xf32>
    %add3A = arith.addf %broadcast_in_dim3A_5, %mul3A : vector<256x2560xf32>
    %slice3A_9 = vector.extract_strided_slice %get3A_1 {offsets = [0, 1], sizes = [256, 1], strides = [1, 1]} : vector<256x8xf32> to vector<256x1xf32>
    %slice3A_10 = vector.extract_strided_slice %get3A_4 {offsets = [1, 0], sizes = [1, 2560], strides = [1, 1]} : vector<8x2560xf32> to vector<1x2560xf32>
    %sub3A_11 = vector.broadcast %slice3A_9 : vector<256x1xf32> to vector<256x2560xf32>
    %sub3A_12 = vector.broadcast %slice3A_10 : vector<1x2560xf32> to vector<256x2560xf32>
    %sub3A_13 = arith.subf %sub3A_11, %sub3A_12 : vector<256x2560xf32>
    %mul3A_14 = arith.mulf %sub3A_13, %sub3A_13 : vector<256x2560xf32>
    %add3A_15 = arith.addf %add3A, %mul3A_14 : vector<256x2560xf32>
    %slice3A_16 = vector.extract_strided_slice %get3A_1 {offsets = [0, 2], sizes = [256, 1], strides = [1, 1]} : vector<256x8xf32> to vector<256x1xf32>
    %slice3A_17 = vector.extract_strided_slice %get3A_4 {offsets = [2, 0], sizes = [1, 2560], strides = [1, 1]} : vector<8x2560xf32> to vector<1x2560xf32>
    %sub3A_18 = vector.broadcast %slice3A_16 : vector<256x1xf32> to vector<256x2560xf32>
    %sub3A_19 = vector.broadcast %slice3A_17 : vector<1x2560xf32> to vector<256x2560xf32>
    %sub3A_20 = arith.subf %sub3A_18, %sub3A_19 : vector<256x2560xf32>
    %mul3A_21 = arith.mulf %sub3A_20, %sub3A_20 : vector<256x2560xf32>
    %add3A_22 = arith.addf %add3A_15, %mul3A_21 : vector<256x2560xf32>
    %iota3A = tpu.iota {dimensions = array<i32: 0>} : vector<256x2560xi32>
    %mul3A_23 = arith.constant 256 : i32
    %mul3A_24 = arith.muli %arg0, %mul3A_23 : i32
    %add3A_25 = vector.broadcast %mul3A_24 : i32 to vector<256x2560xi32>
    %add3A_26 = arith.addi %iota3A, %add3A_25 : vector<256x2560xi32>
    %iota3A_27 = tpu.iota {dimensions = array<i32: 1>} : vector<256x2560xi32>
    %eq3A = arith.cmpi eq, %add3A_26, %iota3A_27 : vector<256x2560xi32>
    %add3A_28 = arith.constant 1.000000e+10 : f32
    %add3A_29 = vector.broadcast %add3A_28 : f32 to vector<256x2560xf32>
    %add3A_30 = arith.addf %add3A_22, %add3A_29 : vector<256x2560xf32>
    %select_n3A = arith.select %eq3A, %add3A_30, %add3A_22 : vector<256x2560xi1>, vector<256x2560xf32>
    %argmin3A = tpu.reduce_index %select_n3A {axis = 1 : i32, kind = #tpu.reduction_kind<arg_min>} : vector<256x2560xf32> -> vector<256xi32>
    %broadcast_in_dim3A_31 = vector.shape_cast %argmin3A : vector<256xi32> to vector<256x1xi32>
    %broadcast_in_dim3A_32 = vector.shape_cast %argmin3A : vector<256xi32> to vector<256x1xi32>
    %eq3A_33 = vector.broadcast %broadcast_in_dim3A_32 : vector<256x1xi32> to vector<256x2560xi32>
    %eq3A_34 = arith.cmpi eq, %iota3A_27, %eq3A_33 : vector<256x2560xi32>
    %jit3A = arith.constant 0x7F800000 : f32
    %broadcast_in_dim3A_35 = vector.broadcast %jit3A : f32 to vector<256x2560xf32>
    %select_n3A_36 = arith.select %eq3A_34, %broadcast_in_dim3A_35, %select_n3A : vector<256x2560xi1>, vector<256x2560xf32>
    %argmin3A_37 = tpu.reduce_index %select_n3A_36 {axis = 1 : i32, kind = #tpu.reduction_kind<arg_min>} : vector<256x2560xf32> -> vector<256xi32>
    %broadcast_in_dim3A_38 = vector.shape_cast %argmin3A_37 : vector<256xi32> to vector<256x1xi32>
    %broadcast_in_dim3A_39 = vector.shape_cast %argmin3A_37 : vector<256xi32> to vector<256x1xi32>
    %eq3A_40 = vector.broadcast %broadcast_in_dim3A_39 : vector<256x1xi32> to vector<256x2560xi32>
    %eq3A_41 = arith.cmpi eq, %iota3A_27, %eq3A_40 : vector<256x2560xi32>
    %jit3A_42 = arith.constant 0x7F800000 : f32
    %broadcast_in_dim3A_43 = vector.broadcast %jit3A_42 : f32 to vector<256x2560xf32>
    %select_n3A_44 = arith.select %eq3A_41, %broadcast_in_dim3A_43, %select_n3A_36 : vector<256x2560xi1>, vector<256x2560xf32>
    %argmin3A_45 = tpu.reduce_index %select_n3A_44 {axis = 1 : i32, kind = #tpu.reduction_kind<arg_min>} : vector<256x2560xf32> -> vector<256xi32>
    %broadcast_in_dim3A_46 = vector.shape_cast %argmin3A_45 : vector<256xi32> to vector<256x1xi32>
    %broadcast_in_dim3A_47 = vector.shape_cast %argmin3A_45 : vector<256xi32> to vector<256x1xi32>
    %eq3A_48 = vector.broadcast %broadcast_in_dim3A_47 : vector<256x1xi32> to vector<256x2560xi32>
    %eq3A_49 = arith.cmpi eq, %iota3A_27, %eq3A_48 : vector<256x2560xi32>
    %jit3A_50 = arith.constant 0x7F800000 : f32
    %broadcast_in_dim3A_51 = vector.broadcast %jit3A_50 : f32 to vector<256x2560xf32>
    %select_n3A_52 = arith.select %eq3A_49, %broadcast_in_dim3A_51, %select_n3A_44 : vector<256x2560xi1>, vector<256x2560xf32>
    %argmin3A_53 = tpu.reduce_index %select_n3A_52 {axis = 1 : i32, kind = #tpu.reduction_kind<arg_min>} : vector<256x2560xf32> -> vector<256xi32>
    %broadcast_in_dim3A_54 = vector.shape_cast %argmin3A_53 : vector<256xi32> to vector<256x1xi32>
    %broadcast_in_dim3A_55 = vector.shape_cast %argmin3A_53 : vector<256xi32> to vector<256x1xi32>
    %eq3A_56 = vector.broadcast %broadcast_in_dim3A_55 : vector<256x1xi32> to vector<256x2560xi32>
    %eq3A_57 = arith.cmpi eq, %iota3A_27, %eq3A_56 : vector<256x2560xi32>
    %jit3A_58 = arith.constant 0x7F800000 : f32
    %broadcast_in_dim3A_59 = vector.broadcast %jit3A_58 : f32 to vector<256x2560xf32>
    %select_n3A_60 = arith.select %eq3A_57, %broadcast_in_dim3A_59, %select_n3A_52 : vector<256x2560xi1>, vector<256x2560xf32>
    %argmin3A_61 = tpu.reduce_index %select_n3A_60 {axis = 1 : i32, kind = #tpu.reduction_kind<arg_min>} : vector<256x2560xf32> -> vector<256xi32>
    %broadcast_in_dim3A_62 = vector.shape_cast %argmin3A_61 : vector<256xi32> to vector<256x1xi32>
    %broadcast_in_dim3A_63 = vector.shape_cast %argmin3A_61 : vector<256xi32> to vector<256x1xi32>
    %eq3A_64 = vector.broadcast %broadcast_in_dim3A_63 : vector<256x1xi32> to vector<256x2560xi32>
    %eq3A_65 = arith.cmpi eq, %iota3A_27, %eq3A_64 : vector<256x2560xi32>
    %jit3A_66 = arith.constant 0x7F800000 : f32
    %broadcast_in_dim3A_67 = vector.broadcast %jit3A_66 : f32 to vector<256x2560xf32>
    %select_n3A_68 = arith.select %eq3A_65, %broadcast_in_dim3A_67, %select_n3A_60 : vector<256x2560xi1>, vector<256x2560xf32>
    %argmin3A_69 = tpu.reduce_index %select_n3A_68 {axis = 1 : i32, kind = #tpu.reduction_kind<arg_min>} : vector<256x2560xf32> -> vector<256xi32>
    %broadcast_in_dim3A_70 = vector.shape_cast %argmin3A_69 : vector<256xi32> to vector<256x1xi32>
    %broadcast_in_dim3A_71 = arith.constant 0 : i32
    %broadcast_in_dim3A_72 = vector.broadcast %broadcast_in_dim3A_71 : i32 to vector<256x2xi32>
    %concatenate3A = tpu.concatenate %broadcast_in_dim3A_31, %broadcast_in_dim3A_38, %broadcast_in_dim3A_46, %broadcast_in_dim3A_54, %broadcast_in_dim3A_62, %broadcast_in_dim3A_70, %broadcast_in_dim3A_72 in 1 : vector<256x1xi32>, vector<256x1xi32>, vector<256x1xi32>, vector<256x1xi32>, vector<256x1xi32>, vector<256x1xi32>, vector<256x2xi32> -> vector<256x8xi32>
    %swap3A = arith.constant 0 : index
    %swap3A_73 = arith.constant 0 : index
    %swap3A_74 = vector.load %arg3[%swap3A, %swap3A_73] : memref<256x8xi32, #tpu.memory_space<vmem>>, vector<256x8xi32>
    tpu.vector_store %arg3[%swap3A, %swap3A_73], %concatenate3A {strides = array<i32>} : memref<256x8xi32, #tpu.memory_space<vmem>>, vector<256x8xi32>,
    return
  }
  func.func @transform_0(%arg0: i32) -> (i32, i32) {
    %c0_i32 = arith.constant 0 : i32
    %c0_i32_0 = arith.constant 0 : i32
    return %arg0, %c0_i32 : i32, i32
  }
  func.func @transform_1(%arg0: i32) -> (i32, i32) {
    %c0_i32 = arith.constant 0 : i32
    %c0_i32_0 = arith.constant 0 : i32
    %c0_i32_1 = arith.constant 0 : i32
    return %c0_i32, %c0_i32_0 : i32, i32
  }
  func.func @transform_2(%arg0: i32) -> (i32, i32) {
    %c0_i32 = arith.constant 0 : i32
    %c0_i32_0 = arith.constant 0 : i32
    return %arg0, %c0_i32 : i32, i32
  }
}

module attributes {stable_mosaic.version = 14 : i64} {
  func.func @_conv2_body(%arg0: i32, %arg1: memref<2000x128xf32, #tpu.memory_space<vmem>>, %arg2: memref<2000x128xf32, #tpu.memory_space<vmem>>, %arg3: memref<2000x128xf32, #tpu.memory_space<vmem>>, %arg4: memref<128x128xf32, #tpu.memory_space<vmem>>, %arg5: memref<128x128xf32, #tpu.memory_space<vmem>>, %arg6: memref<1x128xf32, #tpu.memory_space<vmem>>, %arg7: memref<2000x128xf32, #tpu.memory_space<vmem>>) attributes {dimension_semantics = [#tpu.dimension_semantics<arbitrary>], iteration_bounds = array<i64: 5>, scalar_prefetch = 0 : i64, scratch_operands = 0 : i64, tpu.core_type = #tpu.core_type<tc>, window_params = [{transform_indices = @transform_0, window_bounds = array<i64: 2000, 128>}, {transform_indices = @transform_1, window_bounds = array<i64: 2000, 128>}, {transform_indices = @transform_2, window_bounds = array<i64: 2000, 128>}, {pipeline_mode = #tpu.pipeline_mode<synchronous>, transform_indices = @transform_3, window_bounds = array<i64: 128, 128>}, {pipeline_mode = #tpu.pipeline_mode<synchronous>, transform_indices = @transform_4, window_bounds = array<i64: 128, 128>}, {pipeline_mode = #tpu.pipeline_mode<synchronous>, transform_indices = @transform_5, window_bounds = array<i64: 1, 128>}, {transform_indices = @transform_6, window_bounds = array<i64: 2000, 128>}]} {
    %get3A = arith.constant 0 : index
    %get3A_0 = arith.constant 0 : index
    %get3A_1 = vector.load %arg1[%get3A, %get3A_0] : memref<2000x128xf32, #tpu.memory_space<vmem>>, vector<2000x128xf32>
    %get3A_2 = arith.constant 0 : index
    %get3A_3 = arith.constant 0 : index
    %get3A_4 = vector.load %arg4[%get3A_2, %get3A_3] : memref<128x128xf32, #tpu.memory_space<vmem>>, vector<128x128xf32>
    %dot_general3A = arith.constant dense<0.000000e+00> : vector<2000x128xf32>
    %dot_general3A_5 = tpu.matmul %get3A_1, %get3A_4, %dot_general3A {dimension_numbers = #tpu.dot_dimension_numbers<[1], [0], [0], [1], [0, 0, 1, 1], [], []>, transpose_lhs_hint = false} : vector<2000x128xf32>, vector<128x128xf32>, vector<2000x128xf32> -> vector<2000x128xf32>
    %get3A_6 = arith.constant 0 : index
    %get3A_7 = arith.constant 0 : index
    %get3A_8 = vector.load %arg2[%get3A_6, %get3A_7] : memref<2000x128xf32, #tpu.memory_space<vmem>>, vector<2000x128xf32>
    %get3A_9 = arith.constant 0 : index
    %get3A_10 = arith.constant 0 : index
    %get3A_11 = vector.load %arg3[%get3A_9, %get3A_10] : memref<2000x128xf32, #tpu.memory_space<vmem>>, vector<2000x128xf32>
    %add3A = arith.addf %get3A_8, %get3A_11 : vector<2000x128xf32>
    %get3A_12 = arith.constant 0 : index
    %get3A_13 = arith.constant 0 : index
    %get3A_14 = vector.load %arg5[%get3A_12, %get3A_13] : memref<128x128xf32, #tpu.memory_space<vmem>>, vector<128x128xf32>
    %dot_general3A_15 = arith.constant dense<0.000000e+00> : vector<2000x128xf32>
    %dot_general3A_16 = tpu.matmul %add3A, %get3A_14, %dot_general3A_15 {dimension_numbers = #tpu.dot_dimension_numbers<[1], [0], [0], [1], [0, 0, 1, 1], [], []>, transpose_lhs_hint = false} : vector<2000x128xf32>, vector<128x128xf32>, vector<2000x128xf32> -> vector<2000x128xf32>
    %add3A_17 = arith.addf %dot_general3A_5, %dot_general3A_16 : vector<2000x128xf32>
    %get3A_18 = arith.constant 0 : index
    %get3A_19 = arith.constant 0 : index
    %get3A_20 = vector.load %arg6[%get3A_18, %get3A_19] : memref<1x128xf32, #tpu.memory_space<vmem>>, vector<1x128xf32>
    %add3A_21 = vector.broadcast %get3A_20 : vector<1x128xf32> to vector<2000x128xf32>
    %add3A_22 = arith.addf %add3A_17, %add3A_21 : vector<2000x128xf32>
    %max3A = arith.constant 0.000000e+00 : f32
    %max3A_23 = vector.broadcast %max3A : f32 to vector<2000x128xf32>
    %max3A_24 = arith.maximumf %add3A_22, %max3A_23 : vector<2000x128xf32>
    %swap3A = arith.constant 0 : index
    %swap3A_25 = arith.constant 0 : index
    %swap3A_26 = vector.load %arg7[%swap3A, %swap3A_25] : memref<2000x128xf32, #tpu.memory_space<vmem>>, vector<2000x128xf32>
    tpu.vector_store %arg7[%swap3A, %swap3A_25], %max3A_24 {strides = array<i32>} : memref<2000x128xf32, #tpu.memory_space<vmem>>, vector<2000x128xf32>,
    return
  }
  func.func @transform_0(%arg0: i32) -> (i32, i32) {
    %c0_i32 = arith.constant 0 : i32
    %c0_i32_0 = arith.constant 0 : i32
    return %arg0, %c0_i32 : i32, i32
  }
  func.func @transform_1(%arg0: i32) -> (i32, i32) {
    %c0_i32 = arith.constant 0 : i32
    %c0_i32_0 = arith.constant 0 : i32
    return %arg0, %c0_i32 : i32, i32
  }
  func.func @transform_2(%arg0: i32) -> (i32, i32) {
    %c0_i32 = arith.constant 0 : i32
    %c0_i32_0 = arith.constant 0 : i32
    return %arg0, %c0_i32 : i32, i32
  }
  func.func @transform_3(%arg0: i32) -> (i32, i32) {
    %c0_i32 = arith.constant 0 : i32
    %c0_i32_0 = arith.constant 0 : i32
    %c0_i32_1 = arith.constant 0 : i32
    return %c0_i32, %c0_i32_0 : i32, i32
  }
  func.func @transform_4(%arg0: i32) -> (i32, i32) {
    %c0_i32 = arith.constant 0 : i32
    %c0_i32_0 = arith.constant 0 : i32
    %c0_i32_1 = arith.constant 0 : i32
    return %c0_i32, %c0_i32_0 : i32, i32
  }
  func.func @transform_5(%arg0: i32) -> (i32, i32) {
    %c0_i32 = arith.constant 0 : i32
    %c0_i32_0 = arith.constant 0 : i32
    %c0_i32_1 = arith.constant 0 : i32
    return %c0_i32, %c0_i32_0 : i32, i32
  }
  func.func @transform_6(%arg0: i32) -> (i32, i32) {
    %c0_i32 = arith.constant 0 : i32
    %c0_i32_0 = arith.constant 0 : i32
    return %arg0, %c0_i32 : i32, i32
  }
}

module attributes {stable_mosaic.version = 14 : i64} {
  func.func @_conv2_body(%arg0: i32, %arg1: memref<512x128xf32, #tpu.memory_space<vmem>>, %arg2: memref<512x128xf32, #tpu.memory_space<vmem>>, %arg3: memref<512x128xf32, #tpu.memory_space<vmem>>, %arg4: memref<128x128xf32, #tpu.memory_space<vmem>>, %arg5: memref<128x128xf32, #tpu.memory_space<vmem>>, %arg6: memref<1x128xf32, #tpu.memory_space<vmem>>, %arg7: memref<512x128xf32, #tpu.memory_space<vmem>>) attributes {dimension_semantics = [#tpu.dimension_semantics<arbitrary>], iteration_bounds = array<i64: 5>, scalar_prefetch = 0 : i64, scratch_operands = 0 : i64, tpu.core_type = #tpu.core_type<tc>, window_params = [{transform_indices = @transform_0, window_bounds = array<i64: 512, 128>}, {transform_indices = @transform_1, window_bounds = array<i64: 512, 128>}, {transform_indices = @transform_2, window_bounds = array<i64: 512, 128>}, {pipeline_mode = #tpu.pipeline_mode<synchronous>, transform_indices = @transform_3, window_bounds = array<i64: 128, 128>}, {pipeline_mode = #tpu.pipeline_mode<synchronous>, transform_indices = @transform_4, window_bounds = array<i64: 128, 128>}, {pipeline_mode = #tpu.pipeline_mode<synchronous>, transform_indices = @transform_5, window_bounds = array<i64: 1, 128>}, {transform_indices = @transform_6, window_bounds = array<i64: 512, 128>}]} {
    %get3A = arith.constant 0 : index
    %get3A_0 = arith.constant 0 : index
    %get3A_1 = vector.load %arg1[%get3A, %get3A_0] : memref<512x128xf32, #tpu.memory_space<vmem>>, vector<512x128xf32>
    %get3A_2 = arith.constant 0 : index
    %get3A_3 = arith.constant 0 : index
    %get3A_4 = vector.load %arg4[%get3A_2, %get3A_3] : memref<128x128xf32, #tpu.memory_space<vmem>>, vector<128x128xf32>
    %dot_general3A = arith.constant dense<0.000000e+00> : vector<512x128xf32>
    %dot_general3A_5 = tpu.matmul %get3A_1, %get3A_4, %dot_general3A {dimension_numbers = #tpu.dot_dimension_numbers<[1], [0], [0], [1], [0, 0, 1, 1], [], []>, transpose_lhs_hint = false} : vector<512x128xf32>, vector<128x128xf32>, vector<512x128xf32> -> vector<512x128xf32>
    %get3A_6 = arith.constant 0 : index
    %get3A_7 = arith.constant 0 : index
    %get3A_8 = vector.load %arg2[%get3A_6, %get3A_7] : memref<512x128xf32, #tpu.memory_space<vmem>>, vector<512x128xf32>
    %get3A_9 = arith.constant 0 : index
    %get3A_10 = arith.constant 0 : index
    %get3A_11 = vector.load %arg3[%get3A_9, %get3A_10] : memref<512x128xf32, #tpu.memory_space<vmem>>, vector<512x128xf32>
    %add3A = arith.addf %get3A_8, %get3A_11 : vector<512x128xf32>
    %get3A_12 = arith.constant 0 : index
    %get3A_13 = arith.constant 0 : index
    %get3A_14 = vector.load %arg5[%get3A_12, %get3A_13] : memref<128x128xf32, #tpu.memory_space<vmem>>, vector<128x128xf32>
    %dot_general3A_15 = arith.constant dense<0.000000e+00> : vector<512x128xf32>
    %dot_general3A_16 = tpu.matmul %add3A, %get3A_14, %dot_general3A_15 {dimension_numbers = #tpu.dot_dimension_numbers<[1], [0], [0], [1], [0, 0, 1, 1], [], []>, transpose_lhs_hint = false} : vector<512x128xf32>, vector<128x128xf32>, vector<512x128xf32> -> vector<512x128xf32>
    %add3A_17 = arith.addf %dot_general3A_5, %dot_general3A_16 : vector<512x128xf32>
    %get3A_18 = arith.constant 0 : index
    %get3A_19 = arith.constant 0 : index
    %get3A_20 = vector.load %arg6[%get3A_18, %get3A_19] : memref<1x128xf32, #tpu.memory_space<vmem>>, vector<1x128xf32>
    %add3A_21 = vector.broadcast %get3A_20 : vector<1x128xf32> to vector<512x128xf32>
    %add3A_22 = arith.addf %add3A_17, %add3A_21 : vector<512x128xf32>
    %max3A = arith.constant 0.000000e+00 : f32
    %max3A_23 = vector.broadcast %max3A : f32 to vector<512x128xf32>
    %max3A_24 = arith.maximumf %add3A_22, %max3A_23 : vector<512x128xf32>
    %swap3A = arith.constant 0 : index
    %swap3A_25 = arith.constant 0 : index
    %swap3A_26 = vector.load %arg7[%swap3A, %swap3A_25] : memref<512x128xf32, #tpu.memory_space<vmem>>, vector<512x128xf32>
    tpu.vector_store %arg7[%swap3A, %swap3A_25], %max3A_24 {strides = array<i32>} : memref<512x128xf32, #tpu.memory_space<vmem>>, vector<512x128xf32>,
    return
  }
  func.func @transform_0(%arg0: i32) -> (i32, i32) {
    %c0_i32 = arith.constant 0 : i32
    %c0_i32_0 = arith.constant 0 : i32
    return %arg0, %c0_i32 : i32, i32
  }
  func.func @transform_1(%arg0: i32) -> (i32, i32) {
    %c0_i32 = arith.constant 0 : i32
    %c0_i32_0 = arith.constant 0 : i32
    return %arg0, %c0_i32 : i32, i32
  }
  func.func @transform_2(%arg0: i32) -> (i32, i32) {
    %c0_i32 = arith.constant 0 : i32
    %c0_i32_0 = arith.constant 0 : i32
    return %arg0, %c0_i32 : i32, i32
  }
  func.func @transform_3(%arg0: i32) -> (i32, i32) {
    %c0_i32 = arith.constant 0 : i32
    %c0_i32_0 = arith.constant 0 : i32
    %c0_i32_1 = arith.constant 0 : i32
    return %c0_i32, %c0_i32_0 : i32, i32
  }
  func.func @transform_4(%arg0: i32) -> (i32, i32) {
    %c0_i32 = arith.constant 0 : i32
    %c0_i32_0 = arith.constant 0 : i32
    %c0_i32_1 = arith.constant 0 : i32
    return %c0_i32, %c0_i32_0 : i32, i32
  }
  func.func @transform_5(%arg0: i32) -> (i32, i32) {
    %c0_i32 = arith.constant 0 : i32
    %c0_i32_0 = arith.constant 0 : i32
    %c0_i32_1 = arith.constant 0 : i32
    return %c0_i32, %c0_i32_0 : i32, i32
  }
  func.func @transform_6(%arg0: i32) -> (i32, i32) {
    %c0_i32 = arith.constant 0 : i32
    %c0_i32_0 = arith.constant 0 : i32
    return %arg0, %c0_i32 : i32, i32
  }
}

module attributes {stable_mosaic.version = 14 : i64} {
  func.func @_final_body(%arg0: i32, %arg1: memref<2000x128xf32, #tpu.memory_space<vmem>>, %arg2: memref<2000x128xf32, #tpu.memory_space<vmem>>, %arg3: memref<2000x128xf32, #tpu.memory_space<vmem>>, %arg4: memref<128x128xf32, #tpu.memory_space<vmem>>, %arg5: memref<128x128xf32, #tpu.memory_space<vmem>>, %arg6: memref<1x128xf32, #tpu.memory_space<vmem>>, %arg7: memref<128x128xf32, #tpu.memory_space<vmem>>, %arg8: memref<1x128xf32, #tpu.memory_space<vmem>>, %arg9: memref<2000x128xf32, #tpu.memory_space<vmem>>) attributes {dimension_semantics = [#tpu.dimension_semantics<arbitrary>], iteration_bounds = array<i64: 5>, scalar_prefetch = 0 : i64, scratch_operands = 0 : i64, tpu.core_type = #tpu.core_type<tc>, window_params = [{transform_indices = @transform_0, window_bounds = array<i64: 2000, 128>}, {transform_indices = @transform_1, window_bounds = array<i64: 2000, 128>}, {transform_indices = @transform_2, window_bounds = array<i64: 2000, 128>}, {pipeline_mode = #tpu.pipeline_mode<synchronous>, transform_indices = @transform_3, window_bounds = array<i64: 128, 128>}, {pipeline_mode = #tpu.pipeline_mode<synchronous>, transform_indices = @transform_4, window_bounds = array<i64: 128, 128>}, {pipeline_mode = #tpu.pipeline_mode<synchronous>, transform_indices = @transform_5, window_bounds = array<i64: 1, 128>}, {pipeline_mode = #tpu.pipeline_mode<synchronous>, transform_indices = @transform_6, window_bounds = array<i64: 128, 128>}, {pipeline_mode = #tpu.pipeline_mode<synchronous>, transform_indices = @transform_7, window_bounds = array<i64: 1, 128>}, {transform_indices = @transform_8, window_bounds = array<i64: 2000, 128>}]} {
    %get3A = arith.constant 0 : index
    %get3A_0 = arith.constant 0 : index
    %get3A_1 = vector.load %arg1[%get3A, %get3A_0] : memref<2000x128xf32, #tpu.memory_space<vmem>>, vector<2000x128xf32>
    %get3A_2 = arith.constant 0 : index
    %get3A_3 = arith.constant 0 : index
    %get3A_4 = vector.load %arg4[%get3A_2, %get3A_3] : memref<128x128xf32, #tpu.memory_space<vmem>>, vector<128x128xf32>
    %dot_general3A = arith.constant dense<0.000000e+00> : vector<2000x128xf32>
    %dot_general3A_5 = tpu.matmul %get3A_1, %get3A_4, %dot_general3A {dimension_numbers = #tpu.dot_dimension_numbers<[1], [0], [0], [1], [0, 0, 1, 1], [], []>, transpose_lhs_hint = false} : vector<2000x128xf32>, vector<128x128xf32>, vector<2000x128xf32> -> vector<2000x128xf32>
    %get3A_6 = arith.constant 0 : index
    %get3A_7 = arith.constant 0 : index
    %get3A_8 = vector.load %arg2[%get3A_6, %get3A_7] : memref<2000x128xf32, #tpu.memory_space<vmem>>, vector<2000x128xf32>
    %get3A_9 = arith.constant 0 : index
    %get3A_10 = arith.constant 0 : index
    %get3A_11 = vector.load %arg3[%get3A_9, %get3A_10] : memref<2000x128xf32, #tpu.memory_space<vmem>>, vector<2000x128xf32>
    %add3A = arith.addf %get3A_8, %get3A_11 : vector<2000x128xf32>
    %get3A_12 = arith.constant 0 : index
    %get3A_13 = arith.constant 0 : index
    %get3A_14 = vector.load %arg5[%get3A_12, %get3A_13] : memref<128x128xf32, #tpu.memory_space<vmem>>, vector<128x128xf32>
    %dot_general3A_15 = arith.constant dense<0.000000e+00> : vector<2000x128xf32>
    %dot_general3A_16 = tpu.matmul %add3A, %get3A_14, %dot_general3A_15 {dimension_numbers = #tpu.dot_dimension_numbers<[1], [0], [0], [1], [0, 0, 1, 1], [], []>, transpose_lhs_hint = false} : vector<2000x128xf32>, vector<128x128xf32>, vector<2000x128xf32> -> vector<2000x128xf32>
    %add3A_17 = arith.addf %dot_general3A_5, %dot_general3A_16 : vector<2000x128xf32>
    %get3A_18 = arith.constant 0 : index
    %get3A_19 = arith.constant 0 : index
    %get3A_20 = vector.load %arg6[%get3A_18, %get3A_19] : memref<1x128xf32, #tpu.memory_space<vmem>>, vector<1x128xf32>
    %add3A_21 = vector.broadcast %get3A_20 : vector<1x128xf32> to vector<2000x128xf32>
    %add3A_22 = arith.addf %add3A_17, %add3A_21 : vector<2000x128xf32>
    %max3A = arith.constant 0.000000e+00 : f32
    %max3A_23 = vector.broadcast %max3A : f32 to vector<2000x128xf32>
    %max3A_24 = arith.maximumf %add3A_22, %max3A_23 : vector<2000x128xf32>
    %get3A_25 = arith.constant 0 : index
    %get3A_26 = arith.constant 0 : index
    %get3A_27 = vector.load %arg7[%get3A_25, %get3A_26] : memref<128x128xf32, #tpu.memory_space<vmem>>, vector<128x128xf32>
    %dot_general3A_28 = arith.constant dense<0.000000e+00> : vector<2000x128xf32>
    %dot_general3A_29 = tpu.matmul %max3A_24, %get3A_27, %dot_general3A_28 {dimension_numbers = #tpu.dot_dimension_numbers<[1], [0], [0], [1], [0, 0, 1, 1], [], []>, transpose_lhs_hint = false} : vector<2000x128xf32>, vector<128x128xf32>, vector<2000x128xf32> -> vector<2000x128xf32>
    %get3A_30 = arith.constant 0 : index
    %get3A_31 = arith.constant 0 : index
    %get3A_32 = vector.load %arg8[%get3A_30, %get3A_31] : memref<1x128xf32, #tpu.memory_space<vmem>>, vector<1x128xf32>
    %add3A_33 = vector.broadcast %get3A_32 : vector<1x128xf32> to vector<2000x128xf32>
    %add3A_34 = arith.addf %dot_general3A_29, %add3A_33 : vector<2000x128xf32>
    %swap3A = arith.constant 0 : index
    %swap3A_35 = arith.constant 0 : index
    %swap3A_36 = vector.load %arg9[%swap3A, %swap3A_35] : memref<2000x128xf32, #tpu.memory_space<vmem>>, vector<2000x128xf32>
    tpu.vector_store %arg9[%swap3A, %swap3A_35], %add3A_34 {strides = array<i32>} : memref<2000x128xf32, #tpu.memory_space<vmem>>, vector<2000x128xf32>,
    return
  }
  func.func @transform_0(%arg0: i32) -> (i32, i32) {
    %c0_i32 = arith.constant 0 : i32
    %c0_i32_0 = arith.constant 0 : i32
    return %arg0, %c0_i32 : i32, i32
  }
  func.func @transform_1(%arg0: i32) -> (i32, i32) {
    %c0_i32 = arith.constant 0 : i32
    %c0_i32_0 = arith.constant 0 : i32
    return %arg0, %c0_i32 : i32, i32
  }
  func.func @transform_2(%arg0: i32) -> (i32, i32) {
    %c0_i32 = arith.constant 0 : i32
    %c0_i32_0 = arith.constant 0 : i32
    return %arg0, %c0_i32 : i32, i32
  }
  func.func @transform_3(%arg0: i32) -> (i32, i32) {
    %c0_i32 = arith.constant 0 : i32
    %c0_i32_0 = arith.constant 0 : i32
    %c0_i32_1 = arith.constant 0 : i32
    return %c0_i32, %c0_i32_0 : i32, i32
  }
  func.func @transform_4(%arg0: i32) -> (i32, i32) {
    %c0_i32 = arith.constant 0 : i32
    %c0_i32_0 = arith.constant 0 : i32
    %c0_i32_1 = arith.constant 0 : i32
    return %c0_i32, %c0_i32_0 : i32, i32
  }
  func.func @transform_5(%arg0: i32) -> (i32, i32) {
    %c0_i32 = arith.constant 0 : i32
    %c0_i32_0 = arith.constant 0 : i32
    %c0_i32_1 = arith.constant 0 : i32
    return %c0_i32, %c0_i32_0 : i32, i32
  }
  func.func @transform_6(%arg0: i32) -> (i32, i32) {
    %c0_i32 = arith.constant 0 : i32
    %c0_i32_0 = arith.constant 0 : i32
    %c0_i32_1 = arith.constant 0 : i32
    return %c0_i32, %c0_i32_0 : i32, i32
  }
  func.func @transform_7(%arg0: i32) -> (i32, i32) {
    %c0_i32 = arith.constant 0 : i32
    %c0_i32_0 = arith.constant 0 : i32
    %c0_i32_1 = arith.constant 0 : i32
    return %c0_i32, %c0_i32_0 : i32, i32
  }
  func.func @transform_8(%arg0: i32) -> (i32, i32) {
    %c0_i32 = arith.constant 0 : i32
    %c0_i32_0 = arith.constant 0 : i32
    return %arg0, %c0_i32 : i32, i32
  }
}

</mosaic_0001>

<sc_bundles>
// kernel: kernel.11.cloned.1.call-start
scs
__scs_entry_jumppad:
0x0: {  	(pc) =	sbr.rel $0x88, $3  }
0x1: {  	(tag) =	ssettag $0x0;
	lr =	simm.s32 $0x1  }
0x2: {  	[smem:$0x3F90] =	sst lr;
	_ =	strace $0xD0000000  }
0x3: {  	_ = 	snop  }
0x4: {  	_ = 	snop  }
0x5: {  	_ = 	snop  }
0x6: {  	_ = 	snop  }
0x7: {  	_ = 	snop  }
__scs_overlays_trampoline_lowered:
0x8: {  	[smem:$0x3F9F] =	sst s0  }
0x9: {  	[smem:$0x3FA0] =	sst s1  }
0xa: {  	[smem:$0x3FA1] =	sst s2  }
0xb: {  	[smem:$0x3FA2] =	sst s3  }
0xc: {  	[smem:$0x3FA3] =	sst s4  }
0xd: {  	[smem:$0x3FA4] =	sst s5  }
0xe: {  	[smem:$0x3FA5] =	sst s6  }
0xf: {  	[smem:$0x3FA6] =	sst s7  }
0x10: {  	[smem:$0x3FA7] =	sst s8  }
0x11: {  	[smem:$0x3FA8] =	sst s9;
	s0 =	simm.s32 @!p0 $0x0  }
0x12: {  	s1 =	sld [smem:$0x3F8E];
	s0 =	simm.s32 @p0 $0x1  }
0x13: {  	[smem:$0x3FA9] =	sst s0;
	s0 =	simm.s32 @!p1 $0x0  }
0x14: {  	s2 =	sld [smem:$0x3F8D];
	s0 =	simm.s32 @p1 $0x1  }
0x15: {  	[smem:$0x3FAA] =	sst s0;
	s0 =	simm.s32 @!p2 $0x0  }
0x16: {  	s3 =	sld [smem:$0x3FDB];
	s0 =	simm.s32 @p2 $0x1  }
0x17: {  	s4 =	simm.s32 $0x1BF5;
	[smem:$0x3FAC] =	sst s0  }
0x18: {  	s0 =	sld [smem:$0x3F8F];
	_ =	swait.ge [sflag:s4], $0x0  }
0x19: {  	s7 =	sld [smem:$0x3F90]  }
0x1a: {  	s8 =	sadd.s32 $0xFFFFE003, lr  }
0x1b: {  	s9 =	sadd.s32 $0xFFFFFEF7, lr;
	s5 =	simm.s32 $0xFFFFFFFF;
	p2 =	slt.u32 s8, $0xFFFFF086  }
0x1c: {  	p1 =	slt.u32 s9, $0xF7A;
	s5 =	simm.s32 @!p2 $0x0  }
0x1d: {  	s5 =	simm.s32 @p1 $0x1;
	p0 =	seq.s32 s7, s2  }
0x1e: {  	s7 =	smul.u32 @!p0 $0xF7A, s2;
	p2 =	seq.s32 @!p0 s5, $0x0  }
0x1f: {  	s9 =	smul.u32 $0xF7A, s1;
	s8 =	simm.s32 @!p0 $0x1BF5;
	p2 =	por !p2, p0  }
0x20: {  	[sflag:s8] =	ssyncset.s32 @!p0 $0xFFFFF086;
	s6 =	sadd.s32 @!p0 s3, s7;
	s7 =	simm.s32 @!p0 $0x108  }
0x21: {  	s3 =	sadd.s32 s3, s9;
	s6 =	sadd.s32 @!p0 $0x88, s6;
	s7 =	simm.s32 @p2 $0x1082  }
0x22: {  	[simem:s7], [sflag:s8] =	dma.local @!p0 [hbm:s6], $0xF7A  }
0x23: {  	s9 =	sor.u32 $0xD0000000, s2;
	s6 =	simm.s32 $0x108;
	_ =	swait.ge @!p0 [sflag:s8], $0x0  }
0x24: {  	s3 =	sadd.s32 $0x88, s3;
	s6 =	simm.s32 @!p1 $0x1082;
	[sflag:s4] =	ssyncset.s32 $0xFFFFF086  }
0x25: {  	[simem:s6], [sflag:s4] =	dma.local [hbm:s3], $0xF7A  }
0x26: {  	[smem:$0x3F90] =	sst s1;
	(tag) =	ssettag s2;
	_ =	strace s9  }
0x27: {  	s1 =	sld [smem:$0x3FA0]  }
0x28: {  	s2 =	sld [smem:$0x3FA1]  }
0x29: {  	s4 =	sld [smem:$0x3FA3]  }
0x2a: {  	p0 =	seq.s32 s5, $0x0;
	s5 =	sld [smem:$0x3FA4]  }
0x2b: {  	s6 =	sld [smem:$0x3FA5]  }
0x2c: {  	s7 =	sld [smem:$0x3FA6]  }
0x2d: {  	s3 =	simm.s32 $0x108;
	s8 =	sld [smem:$0x3FA7]  }
0x2e: {  	s3 =	simm.s32 @!p0 $0x1082;
	s9 =	sld [smem:$0x3FA8]  }
0x2f: {  	lr =	sadd.s32 s0, s3;
	s0 =	sld [smem:$0x3F9F]  }
0x30: {  	s3 =	sld [smem:$0x3FA2]  }
0x31: {  	[smem:$0x3FAB] =	sst s10  }
0x32: {  	s10 =	sld [smem:$0x3FA9];
	_ =	sdelay $0x3  }
0x33: {  	p0 =	seq.s32 s10, $0x1;
	s10 =	sld [smem:$0x3FAB];
	_ =	sdelay $0x3  }
0x34: {  	[smem:$0x3FAB] =	sst s10  }
0x35: {  	s10 =	sld [smem:$0x3FAA];
	_ =	sdelay $0x3  }
0x36: {  	p1 =	seq.s32 s10, $0x1;
	s10 =	sld [smem:$0x3FAB];
	_ =	sdelay $0x3  }
0x37: {  	[smem:$0x3FAB] =	sst s10  }
0x38: {  	s10 =	sld [smem:$0x3FAC]  }
0x39: {  	_ = 	snop;
	(pc) =	sbr.ind lr, $3  }
0x3a: {  	_ = 	snop  }
0x3b: {  	_ = 	snop  }
0x3c: {  	p2 =	seq.s32 s10, $0x1;
	s10 =	sld [smem:$0x3FAB]  }
0x3d: {  	_ =	shalt  }
0x3e: {  	_ =	shalt  }
0x3f: {  	_ =	shalt  }
0x40: {  	_ =	shalt  }
0x41: {  	_ =	shalt  }
0x42: {  	_ =	shalt  }
0x43: {  	_ =	shalt  }
0x44: {  	_ =	shalt  }
0x45: {  	_ =	shalt  }
0x46: {  	_ =	shalt  }
0x47: {  	_ =	shalt  }
0x48: {  	_ =	shalt  }
0x49: {  	_ =	shalt  }
0x4a: {  	_ =	shalt  }
0x4b: {  	_ =	shalt  }
0x4c: {  	_ =	shalt  }
0x4d: {  	_ =	shalt  }
0x4e: {  	_ =	shalt  }
0x4f: {  	_ =	shalt  }
0x50: {  	_ =	shalt  }
0x51: {  	_ =	shalt  }
0x52: {  	_ =	shalt  }
0x53: {  	_ =	shalt  }
0x54: {  	_ =	shalt  }
0x55: {  	_ =	shalt  }
0x56: {  	_ =	shalt  }
0x57: {  	_ =	shalt  }
0x58: {  	_ =	shalt  }
0x59: {  	_ =	shalt  }
0x5a: {  	_ =	shalt  }
0x5b: {  	_ =	shalt  }
0x5c: {  	_ =	shalt  }
0x5d: {  	_ =	shalt  }
0x5e: {  	_ =	shalt  }
0x5f: {  	_ =	shalt  }
0x60: {  	_ =	shalt  }
0x61: {  	_ =	shalt  }
0x62: {  	_ =	shalt  }
0x63: {  	_ =	shalt  }
0x64: {  	_ =	shalt  }
0x65: {  	_ =	shalt  }
0x66: {  	_ =	shalt  }
0x67: {  	_ =	shalt  }
0x68: {  	_ =	shalt  }
0x69: {  	_ =	shalt  }
0x6a: {  	_ =	shalt  }
0x6b: {  	_ =	shalt  }
0x6c: {  	_ =	shalt  }
0x6d: {  	_ =	shalt  }
0x6e: {  	_ =	shalt  }
0x6f: {  	_ =	shalt  }
0x70: {  	_ =	shalt  }
0x71: {  	_ =	shalt  }
0x72: {  	_ =	shalt  }
0x73: {  	_ =	shalt  }
0x74: {  	_ =	shalt  }
0x75: {  	_ =	shalt  }
0x76: {  	_ =	shalt  }
0x77: {  	_ =	shalt  }
0x78: {  	_ =	shalt  }
0x79: {  	_ =	shalt  }
0x7a: {  	_ =	shalt  }
0x7b: {  	_ =	shalt  }
0x7c: {  	_ =	shalt  }
0x7d: {  	_ =	shalt  }
0x7e: {  	_ =	shalt  }
0x7f: {  	_ =	shalt  }
0x80: {  	_ =	shalt  }
0x81: {  	_ =	shalt  }
0x82: {  	_ =	shalt  }
0x83: {  	_ =	shalt  }
0x84: {  	_ =	shalt  }
0x85: {  	_ =	shalt  }
0x86: {  	_ =	shalt  }
0x87: {  	_ =	shalt  }
.Lfunc_end0:
.L_simem_size_0:
called_computation_lowered:
.L_overlay_start_0:
0x88: {  	s2 =	sld [smem:$0x3FD9]  }
0x89: {  	s3 =	sld [smem:$0x3FFE];
	_ =	sdelay $0x1  }
0x8a: {  	s1 =	srdreg.scid  }
0x8b: {  	s0 =	sand.u32 $0x1, s1  }
0x8c: {  	s17 =	sshll.u32 s0, $0xA;
	s2 =	sadd.s32 s3, s2  }
0x8d: {  	s2 =	sadd.s32 s2, s17  }
0x8e: {  	[smem:$0x3FB7] =	sst s2  }
0x8f: {  	_ = 	snop  }
0x90: {  	s2 =	sld [smem:$0x3FC9];
	(tm) =	ssettm $0x1  }
0x91: {  	s18 =	sld [smem:$0x3FFB];
	_ =	sdelay $0x3  }
0x92: {  	_ =	strace s18  }
0x93: {  	s3 =	sld [smem:$0x3FFC];
	_ =	sdelay $0x3  }
0x94: {  	_ =	strace s3  }
0x95: {  	s3 =	sld [smem:$0x3FFD];
	_ =	sdelay $0x3  }
0x96: {  	_ =	strace s3  }
0x97: {  	_ =	strace $0x8FFFFFFF  }
0x98: {  	s19 =	sld [smem:$0x3FDB];
	_ =	sdelay $0x1  }
0x99: {  	s4 =	simm.s32 $_scs_section_size  }
0x9a: {  	s5 =	simm.s32 $_size__tile_overlayer_lowered;
	s6 =	simm.s32 $_tile_overlayer_lowered  }
0x9b: {  	s22 =	simm.s32 $0x1BFF;
	s21 =	sshll.u32 s6, $0x1;
	s3 =	sadd.s32 s4, s19  }
0x9c: {  	s7 =	simm.s32 $0x0;
	s20 =	sshll.u32 s5, $0x1;
	s5 =	sadd.s32 s21, s3  }
0x9d: {  	[timem:s7], [sflag:s22] =	dma.local [hbm:s5], s20  }
0x9e: {  	_ =	swait.ge [sflag:s22], s20  }
0x9f: {  	s4 =	ssub.s32 $0x0, s20;
	[sflag:s22] =	ssyncset.done $0x0  }
0xa0: {  	[sflag:s22] =	ssyncadd.s32 s4;
	_ =	sdelay $0x1  }
0xa1: {  	s23 =	simm.s32 $0x1B8B  }
0xa2: {  	_ =	swait.ge [sflag:s23], $0x1  }
0xa3: {  	[sflag:s23] =	ssyncset.done $0x0  }
0xa4: {  	s25 =	simm.s32 $0x1B8E;
	s24 =	sld [smem:$0x3FFE];
	[sflag:s23] =	ssyncadd.s32 $0xFFFFFFFF  }
0xa5: {  	s26 =	simm.s32 $execute0_lowered;
	[smem:$0x3FD2] =	sst s25  }
0xa6: {  	s5 =	sshll.u32 s26, $0x1;
	_ =	strace $0x80000046;
	[dreg:$0x1] =	wrdreg $0xFFFFFFFF  }
0xa7: {  	s28 =	simm.s32 $_size_execute0_lowered;
	s3 =	sadd.s32 s3, s5;
	[dreg:$0x0] =	wrdreg $0x0  }
0xa8: {  	s5 =	sshll.u32 s28, $0x1;
	[dreg:$0x2] =	wrdreg s3  }
0xa9: {  	[dreg:$0x3] =	wrdreg s5  }
0xaa: {  	[dreg:$0x4] =	wrdreg $0xC0  }
0xab: {  	_ =	task [dreg:s7], $0x5FFFF  }
0xac: {  	[dreg:$0x1] =	wrdreg $0xFFFFFFFF  }
0xad: {  	[dreg:$0x0] =	wrdreg $0x60  }
0xae: {  	[dreg:$0x2] =	wrdreg s2  }
0xaf: {  	[dreg:$0x3] =	wrdreg s24  }
0xb0: {  	[dreg:$0x4] =	wrdreg $0xB8000  }
0xb1: {  	[dreg:$0x5] =	wrdreg $0x9  }
0xb2: {  	_ =	task.clear_ibuf [dreg:s7], $0x6FFFF;
	_ =	strace $0x90000046  }
0xb3: {  	s29 =	simm.s32 $0x9;
	_ =	strace $0x80000048  }
0xb4: {  	_ =	swait.ge [sflag:s29], $0x1  }
0xb5: {  	[sflag:s29] =	ssyncadd.s32 $0xFFFFFFFF  }
0xb6: {  	_ =	strace $0x90000048  }
0xb7: {  	_ =	sfence  }
0xb8: {  	s30 =	sld [smem:$0x0];
	_ =	sdelay $0x2  }
0xb9: {  	s31 =	sshll.u32 s1, $0xD;
	s1 =	sshrl.u32 s1, $0x2  }
0xba: {  	s3 =	sand.u32 $0x4000, s31;
	s1 =	sadd.s32 s1, s30  }
0xbb: {  	s0 =	sor.u32 s3, s0;
	s1 =	sshll.u32 s1, $0x11  }
0xbc: {  	s0 =	sor.u32 s1, s0  }
0xbd: {  	s0 =	sadd.s32 $0x8F2B, s0  }
0xbe: {  	[sflag:s0] =	ssyncadd.remote.s32 $0x1  }
0xbf: {  	_ =	sfence.sel $0xFFFF  }
0xc0: {  	[dreg:$0x0] =	wrdreg $0xFFFFFFFF;
	(pc) =	sbr.abs _section_cstart, $3  }
0xc1: {  	[dreg:$0x1] =	wrdreg $0xFFFFFFFF  }
0xc2: {  	_ =	task.clear_ibuf [dreg:s7], $0x2FFFF;
	_ =	strace $0x9FFFFFFF  }
0xc3: {  	(tm) =	ssettm $0x7FFFFFFF  }
tec
execute0_lowered:
.L_overlay_start_1:
0x0: {  	(tag) =	ssettag $0x1  }
0x1: {  	s2 =	rddreg [dreg:$0x0]  }
0x2: {  	s5 =	rddreg [dreg:$0x1]  }
0x3: {  	s3 =	rddreg [dreg:$0x2]  }
0x4: {  	s0 =	rddreg [dreg:$0x3]  }
0x5: {  	s1 =	stileid.u32;
	s6 =	srdreg.scid  }
0x6: {  	s4 =	simm.s32 $0x0;
	s15 =	simm.s32 $0x3C00;
	s16 =	simm.s32 $0x40  }
0x7: {  	s17 =	simm.s32 $0x7800;
	s18 =	simm.s32 $0x80;
	s19 =	simm.s32 $0x9800  }
0x8: {  	s20 =	simm.s32 $0x1;
	s21 =	simm.s32 $0x3;
	s7 =	smul.u32 $0x28, s1  }
0x9: {  	s22 =	simm.s32 $0x2;
	s23 =	simm.s32 $0x4;
	s8 =	smul.u32 $0x78, s1  }
0xa: {  	s24 =	simm.s32 $0x0;
	s6 =	sand.u32 $0x1, s6;
	s26 =	smul.u32 $0x13C00, s1  }
0xb: {  	[smem:$0x7FF] =	sst s4;
	s11 =	smul.u32 $0x4F000, s1;
	s30 =	sshll.u32 s1, $0x6  }
0xc: {  	p0 =	seq.s32 s6, $0x0;
	_ =	strace $0x80000047;
	s9 =	smul.u32 $0x13C000, s6  }
0xd: {  	s6 =	ssub.s32 $0x2, s6;
	s7 =	sadd.s32 $0x780, s7;
	s28 =	sshrl.u32 s26, $0x3  }
0xe: {  	s29 =	sshrl.u32 s6, $0x1;
	s11 =	sshrl.u32 s11, $0x2;
	s7 =	smov.u32 @p0 s8  }
0xf: {  	s8 =	sadd.s32 s26, s9;
	s13 =	ssub.s32 s6, s29;
	s14 =	sadd.s32 s11, s3  }
0x10: {  	s11 =	simm.s32 $0x77;
	s6 =	sor.u32 $0x1C05, s30;
	s7 =	sshll.u32 s7, $0x4  }
0x11: {  	s8 =	sshrl.u32 s8, $0x3;
	s11 =	simm.s32 @!p0 $0x27;
	s10 =	sadd.s32 s7, s5  }
0x12: {  	s7 =	sadd.s32 s28, s5;
	s12 =	sadd.s32 s8, s5;
	s9 =	sshrl.u32 s11, $0x1  }
0x13: {  	s31 =	sshll.u32 s11, $0x7;
	s5 =	sadd.s32 $0x1A200, s7;
	s7 =	sadd.s32 $0xFC00, s10  }
0x14: {  	s8 =	sadd.s32 $0x5600, s10;
	s10 =	sadd.s32 $0x3C00, s31;
	s11 =	sadd.s32 $0x41A00, s12  }
0x15: {  	s12 =	smax.u32 s13, $0x1;
	s13 =	sshrl.u32 s14, $0x3;
	s14 =	simm.s32 $0x5  }
.LBB2_1:
0x16: {  	[spmem:s13], [sflag:s6] =	dma.local [hbm:s5], $0x2780  }
0x17: {  	_ =	swait.ge [sflag:s14], $0x2780  }
0x18: {  	[sflag:s14] =	ssyncset.done $0x0  }
0x19: {  	[sflag:s14] =	ssyncadd.s32 $0xFFFFD880  }
0x1a: {  	[tilespmem:s4], [sflag:$0x5] =	stream.linear.gather [hbm4b:s7+s4], $0x3C00, $0x38;
	[tilespmem:$0x1F400] =	vst v63  }
0x1b: {  	_ =	swait.ge [sflag:s14], $0x3C00  }
0x1c: {  	[sflag:s14] =	ssyncset.done $0x0  }
0x1d: {  	[sflag:s14] =	ssyncadd.s32 $0xFFFFC400  }
0x1e: {  	[tilespmem:s15], [sflag:$0x5] =	stream.linear.gather [hbm4b:s8+s4], $0x3C00, $0x38;
	[tilespmem:$0x1F400] =	vst v63  }
0x1f: {  	_ =	swait.ge [sflag:s14], $0x3C00  }
0x20: {  	[sflag:s14] =	ssyncset.done $0x0  }
0x21: {  	[sflag:s14] =	ssyncadd.s32 $0xFFFFC400  }
0x22: {  	[bflag:$0x0] =	sbarrier.arrive $0xFFFF  }
0x23: {  	[tilespmem:s17], [sflag:$0x1] =	stream.indirect.gather [hbm4b:s2+s16], $0x80, s4, s16, $0xb8;
	[tilespmem:$0x1F400] =	vst v63  }
0x24: {  	_ = 	snop  }
0x25: {  	[tilespmem:s19], [sflag:$0x2] =	stream.indirect.gather [hbm4b:s2+s16], $0x80, s18, s16, $0xb8;
	[tilespmem:$0x1F400] =	vst v63  }
0x26: {  	_ =	swait.ge [sflag:s20], $0x2000  }
0x27: {  	[sflag:s20] =	ssyncset.done $0x0  }
0x28: {  	[sflag:s20] =	ssyncadd.s32 $0xFFFFE000  }
0x29: {  	[spmem:s3] =	stream.indirect.scatter.add.f32 [tilespmem:s17], [sflag:$0x3], $0x80, s15, s16, $0xb8;
	[tilespmem:$0x1F400] =	vst v63  }
0x2a: {  	_ =	swait.ge [sflag:s21], $0x2000  }
0x2b: {  	[sflag:s21] =	ssyncset.done $0x0  }
0x2c: {  	s25 =	simm.s32 $0x100;
	[sflag:s21] =	ssyncadd.s32 $0xFFFFE000  }
0x2d: {  	[tilespmem:s17], [sflag:$0x1] =	stream.indirect.gather [hbm4b:s2+s16], $0x80, s25, s16, $0xb8;
	[tilespmem:$0x1F400] =	vst v63  }
0x2e: {  	_ =	swait.ge [sflag:s22], $0x2000  }
0x2f: {  	[sflag:s22] =	ssyncset.done $0x0  }
0x30: {  	s30 =	simm.s32 $0x3C80;
	[sflag:s22] =	ssyncadd.s32 $0xFFFFE000  }
0x31: {  	[spmem:s3] =	stream.indirect.scatter.add.f32 [tilespmem:s19], [sflag:$0x4], $0x80, s30, s16, $0xb8;
	[tilespmem:$0x1F400] =	vst v63  }
0x32: {  	_ =	swait.ge [sflag:s23], $0x2000  }
0x33: {  	p0 =	sne.s32 s9, $0x1;
	[sflag:s23] =	ssyncset.done $0x0  }
.Ltmp0:
0x34: {  	s31 =	simm.s32 $0x180;
	[sflag:s23] =	ssyncadd.s32 $0xFFFFE000;
	(pc) =	sbr.rel @!p0 .LBB2_3-.Ltmp0, $4  }
0x35: {  	[tilespmem:s19], [sflag:$0x2] =	stream.indirect.gather [hbm4b:s2+s16], $0x80, s31, s16, $0xb8;
	[tilespmem:$0x1F400] =	vst v63  }
0x36: {  	_ =	swait.ge [sflag:s20], $0x2000  }
0x37: {  	s26 =	simm.s32 $0x3D80;
	s29 =	simm.s32 $0x3D00;
	[sflag:s20] =	ssyncset.done $0x0  }
0x38: {  	s28 =	simm.s32 $0x280;
	s25 =	sadd.s32 $0xFFFFFFFF, s9;
	[sflag:s20] =	ssyncadd.s32 $0xFFFFE000  }
.LBB2_2:
0x39: {  	[spmem:s3] =	stream.indirect.scatter.add.f32 [tilespmem:s17], [sflag:$0x3], $0x80, s29, s16, $0xb8;
	[tilespmem:$0x1F400] =	vst v63  }
0x3a: {  	p0 =	sne.s32 s25, $0x1;
	s25 =	sadd.s32 $0xFFFFFFFF, s25;
	_ =	swait.ge [sflag:s21], $0x2000  }
0x3b: {  	s29 =	smov.u32 s26;
	[sflag:s21] =	ssyncset.done $0x0  }
0x3c: {  	s30 =	sadd.s32 $0xFFFFFF80, s28;
	[sflag:s21] =	ssyncadd.s32 $0xFFFFE000  }
0x3d: {  	[tilespmem:s17], [sflag:$0x1] =	stream.indirect.gather [hbm4b:s2+s16], $0x80, s30, s16, $0xb8;
	[tilespmem:$0x1F400] =	vst v63  }
0x3e: {  	_ =	swait.ge [sflag:s22], $0x2000  }
0x3f: {  	[sflag:s22] =	ssyncset.done $0x0  }
0x40: {  	[sflag:s22] =	ssyncadd.s32 $0xFFFFE000  }
0x41: {  	[spmem:s3] =	stream.indirect.scatter.add.f32 [tilespmem:s19], [sflag:$0x4], $0x80, s26, s16, $0xb8;
	[tilespmem:$0x1F400] =	vst v63  }
0x42: {  	_ =	swait.ge [sflag:s23], $0x2000  }
0x43: {  	[sflag:s23] =	ssyncset.done $0x0  }
.Ltmp1:
0x44: {  	[sflag:s23] =	ssyncadd.s32 $0xFFFFE000;
	(pc) =	sbr.rel @p0 .LBB2_2-.Ltmp1, $4  }
0x45: {  	[tilespmem:s19], [sflag:$0x2] =	stream.indirect.gather [hbm4b:s2+s16], $0x80, s28, s16, $0xb8;
	[tilespmem:$0x1F400] =	vst v63  }
0x46: {  	_ =	swait.ge [sflag:s20], $0x2000  }
0x47: {  	s26 =	sadd.s32 $0x100, s26;
	[sflag:s20] =	ssyncset.done $0x0  }
0x48: {  	s29 =	sadd.s32 $0x80, s29;
	s28 =	sadd.s32 $0x100, s28;
	[sflag:s20] =	ssyncadd.s32 $0xFFFFE000  }
.LBB2_3:
0x49: {  	[spmem:s3] =	stream.indirect.scatter.add.f32 [tilespmem:s17], [sflag:$0x3], $0x80, s29, s16, $0xb8;
	[tilespmem:$0x1F400] =	vst v63  }
0x4a: {  	_ =	swait.ge [sflag:s22], $0x2000  }
0x4b: {  	[sflag:s22] =	ssyncset.done $0x0  }
0x4c: {  	[sflag:s22] =	ssyncadd.s32 $0xFFFFE000  }
0x4d: {  	[spmem:s3] =	stream.indirect.scatter.add.f32 [tilespmem:s19], [sflag:$0x4], $0x80, s10, s16, $0xb8;
	[tilespmem:$0x1F400] =	vst v63  }
0x4e: {  	_ =	swait.ge [sflag:s21], $0x2000  }
0x4f: {  	[sflag:s21] =	ssyncset.done $0x0  }
0x50: {  	[sflag:s21] =	ssyncadd.s32 $0xFFFFE000  }
0x51: {  	_ =	swait.ge [sflag:s23], $0x2000  }
0x52: {  	s24 =	sadd.s32 $0x1, s24;
	[sflag:s23] =	ssyncset.done $0x0  }
0x53: {  	p0 =	sne.s32 s24, s12;
	[sflag:s23] =	ssyncadd.s32 $0xFFFFE000  }
.Ltmp2:
0x54: {  	[bflag:$0x0] =	sbarrier.arrive $0xFFFF;
	(pc) =	sbr.rel @p0 .LBB2_1-.Ltmp2, $4  }
0x55: {  	[hbm:s11], [sflag:s6] =	dma.local [spmem:s13], $0x2780  }
0x56: {  	_ =	swait.ge [sflag:s14], $0x2780  }
0x57: {  	[sflag:s14] =	ssyncset.done $0x0  }
0x58: {  	[sflag:s14] =	ssyncadd.s32 $0xFFFFD880  }
0x59: {  	_ =	sfence.sel $0x180000  }
0x5a: {  	[bflag:$0x0] =	sbarrier.arrive $0xFFFF  }
0x5b: {  	p0 =	sne.s32 s1, $0x0;
	_ =	strace $0x90000047  }
0x5c: {  	s0 =	sadd.s32 @!p0 $0x100000, s0;
	[bflag:$0x2] =	sbarrier.arrive $0xFFFF  }
0x5d: {  	[sflag:s0] =	ssyncadd.tile.s32 @!p0 $0x1;
	_ =	shalt  }
.Lfunc_end2:
_tile_overlayer_lowered:
.L_overlay_start_2:
0x5e: {  	(tag) =	ssettag $0x2  }
0x5f: {  	s0 =	rddreg [dreg:$0x0];
	s2 =	stileid.u32  }
0x60: {  	s1 =	rddreg [dreg:$0x1];
	p0 =	sne.s32 s2, $0x0  }
0x61: {  	s3 =	rddreg [dreg:$0x2];
	[bflag:$0x3] =	sbarrier.arrive $0xFFFF;
	s2 =	simm.s32 @!p0 $0x1C05  }
0x62: {  	[timem:s3], [sflag:s2] =	dma.local @!p0 [hbm:s0], s1  }
0x63: {  	s0 =	simm.s32 @!p0 $0x5  }
0x64: {  	_ =	swait.ge @!p0 [sflag:s0], s1  }
0x65: {  	s1 =	ssub.s32 @!p0 $0x0, s1;
	[sflag:s0] =	ssyncset.done @!p0 $0x0  }
0x66: {  	[sflag:s0] =	ssyncadd.s32 @!p0 s1  }
0x67: {  	[bflag:$0x3] =	sbarrier.arrive $0xFFFF  }
0x68: {  	_ =	shalt  }

// kernel: kernel.14.cloned.1.call-start
scs
__scs_entry_jumppad:
0x0: {  	(pc) =	sbr.rel $0x88, $3  }
0x1: {  	(tag) =	ssettag $0x0;
	lr =	simm.s32 $0x1  }
0x2: {  	[smem:$0x3F90] =	sst lr;
	_ =	strace $0xD0000000  }
0x3: {  	_ = 	snop  }
0x4: {  	_ = 	snop  }
0x5: {  	_ = 	snop  }
0x6: {  	_ = 	snop  }
0x7: {  	_ = 	snop  }
__scs_overlays_trampoline_lowered:
0x8: {  	[smem:$0x3F9F] =	sst s0  }
0x9: {  	[smem:$0x3FA0] =	sst s1  }
0xa: {  	[smem:$0x3FA1] =	sst s2  }
0xb: {  	[smem:$0x3FA2] =	sst s3  }
0xc: {  	[smem:$0x3FA3] =	sst s4  }
0xd: {  	[smem:$0x3FA4] =	sst s5  }
0xe: {  	[smem:$0x3FA5] =	sst s6  }
0xf: {  	[smem:$0x3FA6] =	sst s7  }
0x10: {  	[smem:$0x3FA7] =	sst s8  }
0x11: {  	[smem:$0x3FA8] =	sst s9;
	s0 =	simm.s32 @!p0 $0x0  }
0x12: {  	s1 =	sld [smem:$0x3F8E];
	s0 =	simm.s32 @p0 $0x1  }
0x13: {  	[smem:$0x3FA9] =	sst s0;
	s0 =	simm.s32 @!p1 $0x0  }
0x14: {  	s2 =	sld [smem:$0x3F8D];
	s0 =	simm.s32 @p1 $0x1  }
0x15: {  	[smem:$0x3FAA] =	sst s0;
	s0 =	simm.s32 @!p2 $0x0  }
0x16: {  	s3 =	sld [smem:$0x3FDB];
	s0 =	simm.s32 @p2 $0x1  }
0x17: {  	s4 =	simm.s32 $0x1BF5;
	[smem:$0x3FAC] =	sst s0  }
0x18: {  	s0 =	sld [smem:$0x3F8F];
	_ =	swait.ge [sflag:s4], $0x0  }
0x19: {  	s7 =	sld [smem:$0x3F90]  }
0x1a: {  	s8 =	sadd.s32 $0xFFFFE003, lr  }
0x1b: {  	s9 =	sadd.s32 $0xFFFFFEF7, lr;
	s5 =	simm.s32 $0xFFFFFFFF;
	p2 =	slt.u32 s8, $0xFFFFF086  }
0x1c: {  	p1 =	slt.u32 s9, $0xF7A;
	s5 =	simm.s32 @!p2 $0x0  }
0x1d: {  	s5 =	simm.s32 @p1 $0x1;
	p0 =	seq.s32 s7, s2  }
0x1e: {  	s7 =	smul.u32 @!p0 $0xF7A, s2;
	p2 =	seq.s32 @!p0 s5, $0x0  }
0x1f: {  	s9 =	smul.u32 $0xF7A, s1;
	s8 =	simm.s32 @!p0 $0x1BF5;
	p2 =	por !p2, p0  }
0x20: {  	[sflag:s8] =	ssyncset.s32 @!p0 $0xFFFFF086;
	s6 =	sadd.s32 @!p0 s3, s7;
	s7 =	simm.s32 @!p0 $0x108  }
0x21: {  	s3 =	sadd.s32 s3, s9;
	s6 =	sadd.s32 @!p0 $0x88, s6;
	s7 =	simm.s32 @p2 $0x1082  }
0x22: {  	[simem:s7], [sflag:s8] =	dma.local @!p0 [hbm:s6], $0xF7A  }
0x23: {  	s9 =	sor.u32 $0xD0000000, s2;
	s6 =	simm.s32 $0x108;
	_ =	swait.ge @!p0 [sflag:s8], $0x0  }
0x24: {  	s3 =	sadd.s32 $0x88, s3;
	s6 =	simm.s32 @!p1 $0x1082;
	[sflag:s4] =	ssyncset.s32 $0xFFFFF086  }
0x25: {  	[simem:s6], [sflag:s4] =	dma.local [hbm:s3], $0xF7A  }
0x26: {  	[smem:$0x3F90] =	sst s1;
	(tag) =	ssettag s2;
	_ =	strace s9  }
0x27: {  	s1 =	sld [smem:$0x3FA0]  }
0x28: {  	s2 =	sld [smem:$0x3FA1]  }
0x29: {  	s4 =	sld [smem:$0x3FA3]  }
0x2a: {  	p0 =	seq.s32 s5, $0x0;
	s5 =	sld [smem:$0x3FA4]  }
0x2b: {  	s6 =	sld [smem:$0x3FA5]  }
0x2c: {  	s7 =	sld [smem:$0x3FA6]  }
0x2d: {  	s3 =	simm.s32 $0x108;
	s8 =	sld [smem:$0x3FA7]  }
0x2e: {  	s3 =	simm.s32 @!p0 $0x1082;
	s9 =	sld [smem:$0x3FA8]  }
0x2f: {  	lr =	sadd.s32 s0, s3;
	s0 =	sld [smem:$0x3F9F]  }
0x30: {  	s3 =	sld [smem:$0x3FA2]  }
0x31: {  	[smem:$0x3FAB] =	sst s10  }
0x32: {  	s10 =	sld [smem:$0x3FA9];
	_ =	sdelay $0x3  }
0x33: {  	p0 =	seq.s32 s10, $0x1;
	s10 =	sld [smem:$0x3FAB];
	_ =	sdelay $0x3  }
0x34: {  	[smem:$0x3FAB] =	sst s10  }
0x35: {  	s10 =	sld [smem:$0x3FAA];
	_ =	sdelay $0x3  }
0x36: {  	p1 =	seq.s32 s10, $0x1;
	s10 =	sld [smem:$0x3FAB];
	_ =	sdelay $0x3  }
0x37: {  	[smem:$0x3FAB] =	sst s10  }
0x38: {  	s10 =	sld [smem:$0x3FAC]  }
0x39: {  	_ = 	snop;
	(pc) =	sbr.ind lr, $3  }
0x3a: {  	_ = 	snop  }
0x3b: {  	_ = 	snop  }
0x3c: {  	p2 =	seq.s32 s10, $0x1;
	s10 =	sld [smem:$0x3FAB]  }
0x3d: {  	_ =	shalt  }
0x3e: {  	_ =	shalt  }
0x3f: {  	_ =	shalt  }
0x40: {  	_ =	shalt  }
0x41: {  	_ =	shalt  }
0x42: {  	_ =	shalt  }
0x43: {  	_ =	shalt  }
0x44: {  	_ =	shalt  }
0x45: {  	_ =	shalt  }
0x46: {  	_ =	shalt  }
0x47: {  	_ =	shalt  }
0x48: {  	_ =	shalt  }
0x49: {  	_ =	shalt  }
0x4a: {  	_ =	shalt  }
0x4b: {  	_ =	shalt  }
0x4c: {  	_ =	shalt  }
0x4d: {  	_ =	shalt  }
0x4e: {  	_ =	shalt  }
0x4f: {  	_ =	shalt  }
0x50: {  	_ =	shalt  }
0x51: {  	_ =	shalt  }
0x52: {  	_ =	shalt  }
0x53: {  	_ =	shalt  }
0x54: {  	_ =	shalt  }
0x55: {  	_ =	shalt  }
0x56: {  	_ =	shalt  }
0x57: {  	_ =	shalt  }
0x58: {  	_ =	shalt  }
0x59: {  	_ =	shalt  }
0x5a: {  	_ =	shalt  }
0x5b: {  	_ =	shalt  }
0x5c: {  	_ =	shalt  }
0x5d: {  	_ =	shalt  }
0x5e: {  	_ =	shalt  }
0x5f: {  	_ =	shalt  }
0x60: {  	_ =	shalt  }
0x61: {  	_ =	shalt  }
0x62: {  	_ =	shalt  }
0x63: {  	_ =	shalt  }
0x64: {  	_ =	shalt  }
0x65: {  	_ =	shalt  }
0x66: {  	_ =	shalt  }
0x67: {  	_ =	shalt  }
0x68: {  	_ =	shalt  }
0x69: {  	_ =	shalt  }
0x6a: {  	_ =	shalt  }
0x6b: {  	_ =	shalt  }
0x6c: {  	_ =	shalt  }
0x6d: {  	_ =	shalt  }
0x6e: {  	_ =	shalt  }
0x6f: {  	_ =	shalt  }
0x70: {  	_ =	shalt  }
0x71: {  	_ =	shalt  }
0x72: {  	_ =	shalt  }
0x73: {  	_ =	shalt  }
0x74: {  	_ =	shalt  }
0x75: {  	_ =	shalt  }
0x76: {  	_ =	shalt  }
0x77: {  	_ =	shalt  }
0x78: {  	_ =	shalt  }
0x79: {  	_ =	shalt  }
0x7a: {  	_ =	shalt  }
0x7b: {  	_ =	shalt  }
0x7c: {  	_ =	shalt  }
0x7d: {  	_ =	shalt  }
0x7e: {  	_ =	shalt  }
0x7f: {  	_ =	shalt  }
0x80: {  	_ =	shalt  }
0x81: {  	_ =	shalt  }
0x82: {  	_ =	shalt  }
0x83: {  	_ =	shalt  }
0x84: {  	_ =	shalt  }
0x85: {  	_ =	shalt  }
0x86: {  	_ =	shalt  }
0x87: {  	_ =	shalt  }
.Lfunc_end0:
.L_simem_size_0:
called_computation.1_lowered:
.L_overlay_start_0:
0x88: {  	s2 =	sld [smem:$0x3FD9]  }
0x89: {  	s3 =	sld [smem:$0x3FFE];
	_ =	sdelay $0x1  }
0x8a: {  	s1 =	srdreg.scid  }
0x8b: {  	s0 =	sand.u32 $0x1, s1  }
0x8c: {  	s17 =	sshll.u32 s0, $0xA;
	s2 =	sadd.s32 s3, s2  }
0x8d: {  	s2 =	sadd.s32 s2, s17  }
0x8e: {  	[smem:$0x3FB7] =	sst s2  }
0x8f: {  	_ = 	snop  }
0x90: {  	s2 =	sld [smem:$0x3FD0];
	(tm) =	ssettm $0x1  }
0x91: {  	s18 =	sld [smem:$0x3FFB];
	_ =	sdelay $0x3  }
0x92: {  	_ =	strace s18  }
0x93: {  	s3 =	sld [smem:$0x3FFC];
	_ =	sdelay $0x3  }
0x94: {  	_ =	strace s3  }
0x95: {  	s3 =	sld [smem:$0x3FFD];
	_ =	sdelay $0x3  }
0x96: {  	_ =	strace s3  }
0x97: {  	_ =	strace $0x8FFFFFFF  }
0x98: {  	s19 =	sld [smem:$0x3FDB];
	_ =	sdelay $0x1  }
0x99: {  	s4 =	simm.s32 $_scs_section_size  }
0x9a: {  	s5 =	simm.s32 $_size__tile_overlayer_lowered;
	s6 =	simm.s32 $_tile_overlayer_lowered  }
0x9b: {  	s22 =	simm.s32 $0x1BFF;
	s21 =	sshll.u32 s6, $0x1;
	s3 =	sadd.s32 s4, s19  }
0x9c: {  	s7 =	simm.s32 $0x0;
	s20 =	sshll.u32 s5, $0x1;
	s5 =	sadd.s32 s21, s3  }
0x9d: {  	[timem:s7], [sflag:s22] =	dma.local [hbm:s5], s20  }
0x9e: {  	_ =	swait.ge [sflag:s22], s20  }
0x9f: {  	s4 =	ssub.s32 $0x0, s20;
	[sflag:s22] =	ssyncset.done $0x0  }
0xa0: {  	[sflag:s22] =	ssyncadd.s32 s4;
	_ =	sdelay $0x1  }
0xa1: {  	s23 =	simm.s32 $0x1B8B  }
0xa2: {  	_ =	swait.ge [sflag:s23], $0x1  }
0xa3: {  	[sflag:s23] =	ssyncset.done $0x0  }
0xa4: {  	s25 =	simm.s32 $0x1B8E;
	s24 =	sld [smem:$0x3FFE];
	[sflag:s23] =	ssyncadd.s32 $0xFFFFFFFF  }
0xa5: {  	s26 =	simm.s32 $execute0_lowered;
	[smem:$0x3FD2] =	sst s25  }
0xa6: {  	s5 =	sshll.u32 s26, $0x1;
	_ =	strace $0x80000049;
	[dreg:$0x1] =	wrdreg $0xFFFFFFFF  }
0xa7: {  	s28 =	simm.s32 $_size_execute0_lowered;
	s3 =	sadd.s32 s3, s5;
	[dreg:$0x0] =	wrdreg $0x0  }
0xa8: {  	s5 =	sshll.u32 s28, $0x1;
	[dreg:$0x2] =	wrdreg s3  }
0xa9: {  	[dreg:$0x3] =	wrdreg s5  }
0xaa: {  	[dreg:$0x4] =	wrdreg $0xC0  }
0xab: {  	_ =	task [dreg:s7], $0x5FFFF  }
0xac: {  	[dreg:$0x1] =	wrdreg $0xFFFFFFFF  }
0xad: {  	[dreg:$0x0] =	wrdreg $0x60  }
0xae: {  	[dreg:$0x2] =	wrdreg s2  }
0xaf: {  	[dreg:$0x3] =	wrdreg s24  }
0xb0: {  	[dreg:$0x4] =	wrdreg $0x38000  }
0xb1: {  	[dreg:$0x5] =	wrdreg $0x9  }
0xb2: {  	_ =	task.clear_ibuf [dreg:s7], $0x6FFFF;
	_ =	strace $0x90000049  }
0xb3: {  	s29 =	simm.s32 $0x9;
	_ =	strace $0x8000004B  }
0xb4: {  	_ =	swait.ge [sflag:s29], $0x1  }
0xb5: {  	[sflag:s29] =	ssyncadd.s32 $0xFFFFFFFF  }
0xb6: {  	_ =	strace $0x9000004B  }
0xb7: {  	_ =	sfence  }
0xb8: {  	s30 =	sld [smem:$0x0];
	_ =	sdelay $0x2  }
0xb9: {  	s31 =	sshll.u32 s1, $0xD;
	s1 =	sshrl.u32 s1, $0x2  }
0xba: {  	s3 =	sand.u32 $0x4000, s31;
	s1 =	sadd.s32 s1, s30  }
0xbb: {  	s0 =	sor.u32 s3, s0;
	s1 =	sshll.u32 s1, $0x11  }
0xbc: {  	s0 =	sor.u32 s1, s0  }
0xbd: {  	s0 =	sadd.s32 $0x8F2B, s0  }
0xbe: {  	[sflag:s0] =	ssyncadd.remote.s32 $0x1  }
0xbf: {  	_ =	sfence.sel $0xFFFF  }
0xc0: {  	[dreg:$0x0] =	wrdreg $0xFFFFFFFF;
	(pc) =	sbr.abs _section_cstart, $3  }
0xc1: {  	[dreg:$0x1] =	wrdreg $0xFFFFFFFF  }
0xc2: {  	_ =	task.clear_ibuf [dreg:s7], $0x2FFFF;
	_ =	strace $0x9FFFFFFF  }
0xc3: {  	(tm) =	ssettm $0x7FFFFFFF  }
tec
execute0_lowered:
.L_overlay_start_1:
0x0: {  	(tag) =	ssettag $0x1  }
0x1: {  	s1 =	rddreg [dreg:$0x0]  }
0x2: {  	s0 =	rddreg [dreg:$0x1];
	s2 =	srdreg.scid  }
0x3: {  	s12 =	stileid.u32;
	s3 =	rddreg [dreg:$0x2]  }
0x4: {  	s16 =	simm.s32 $0x6;
	s28 =	simm.s32 $0x3;
	s29 =	simm.s32 $0x2  }
0x5: {  	s30 =	simm.s32 $0x4;
	s31 =	simm.s32 $0x0;
	s5 =	smul.u32 $0x18, s12  }
0x6: {  	s2 =	sand.u32 $0x1, s2;
	s4 =	sshll.u32 s12, $0x3;
	s17 =	smul.u32 $0x5000, s12  }
0x7: {  	s18 =	sshll.u32 s12, $0x4;
	s21 =	smul.u32 $0x14000, s12;
	s24 =	sshll.u32 s12, $0x6  }
0x8: {  	p0 =	seq.s32 s2, $0x0;
	s6 =	sor.u32 $0x180, s4;
	s4 =	simm.s32 $0x0  }
0x9: {  	s9 =	smul.u32 $0x50000, s2;
	s19 =	sshll.u32 s2, $0x4;
	s2 =	ssub.s32 $0x2, s2  }
0xa: {  	s6 =	smov.u32 @p0 s5;
	[smem:$0x7FF] =	sst s4;
	s7 =	sshrl.u32 s17, $0x3  }
0xb: {  	s20 =	sor.u32 s12, s19;
	s22 =	sshrl.u32 s2, $0x1;
	s5 =	sshll.u32 s6, $0x4  }
0xc: {  	_ =	strace $0x8000004A;
	s7 =	sadd.s32 s7, s0;
	s6 =	sadd.s32 s17, s9  }
0xd: {  	s11 =	smul.u32 $0x500, s20;
	s2 =	ssub.s32 s2, s22;
	s25 =	sshll.u32 s20, $0x4  }
0xe: {  	s17 =	simm.s32 $0xC00;
	s20 =	simm.s32 $0x8880;
	s22 =	simm.s32 $0x20  }
0xf: {  	s8 =	sadd.s32 s5, s0;
	s5 =	sand.u32 $0x70, s18;
	s6 =	sshrl.u32 s6, $0x3  }
0x10: {  	s23 =	sadd.s32 $0x41C00, s7;
	s9 =	sand.u32 $0x180, s25;
	s14 =	smax.u32 s2, $0x1  }
0x11: {  	s18 =	simm.s32 $0x8800;
	s25 =	simm.s32 $0x2800;
	s10 =	sadd.s32 s5, s0  }
0x12: {  	s13 =	sadd.s32 s6, s0;
	s5 =	sshrl.u32 s21, $0x2;
	s0 =	sadd.s32 s11, s0  }
0x13: {  	[dreg:$0x4] =	wrdreg s23;
	s6 =	sor.u32 $0x1C06, s24;
	s11 =	simm.s32 $0x17  }
0x14: {  	s7 =	sadd.s32 $0x90A00, s8;
	s8 =	sadd.s32 $0x92C00, s8;
	s21 =	simm.s32 $0x5  }
0x15: {  	s23 =	simm.s32 $0x1800;
	s15 =	sadd.s32 s5, s3;
	s9 =	sadd.s32 s9, s10  }
0x16: {  	s11 =	simm.s32 @!p0 $0x7;
	s10 =	sadd.s32 $0x5FC00, s0;
	s13 =	sadd.s32 $0x4BC00, s13  }
0x17: {  	s9 =	sadd.s32 $0x41A00, s9;
	s26 =	sshll.u32 s11, $0x7;
	s11 =	sshrl.u32 s11, $0x1  }
0x18: {  	s15 =	sshrl.u32 s15, $0x3;
	s12 =	sadd.s32 $0xC00, s26;
	s26 =	simm.s32 $0x1  }
.LBB2_1:
0x19: {  	s0 =	rddreg [dreg:$0x4]  }
0x1a: {  	[spmem:s15], [sflag:s6] =	dma.local [hbm:s0], $0xA00  }
0x1b: {  	_ =	swait.ge [sflag:s16], $0xA00  }
0x1c: {  	[sflag:s16] =	ssyncset.done $0x0  }
0x1d: {  	[sflag:s16] =	ssyncadd.s32 $0xFFFFF600  }
0x1e: {  	[tilespmem:s4], [sflag:$0x6] =	stream.linear.gather [hbm4b:s7+s4], $0xC00, $0x38;
	[tilespmem:$0xB080] =	vst v63  }
0x1f: {  	_ =	swait.ge [sflag:s16], $0xC00  }
0x20: {  	[sflag:s16] =	ssyncset.done $0x0  }
0x21: {  	[sflag:s16] =	ssyncadd.s32 $0xFFFFF400  }
0x22: {  	[tilespmem:s17], [sflag:$0x6] =	stream.linear.gather [hbm4b:s8+s4], $0xC00, $0x38;
	[tilespmem:$0xB080] =	vst v63  }
0x23: {  	_ =	swait.ge [sflag:s16], $0xC00  }
0x24: {  	[sflag:s16] =	ssyncset.done $0x0  }
0x25: {  	[sflag:s16] =	ssyncadd.s32 $0xFFFFF400  }
0x26: {  	[tilespmem:s18], [sflag:$0x6] =	stream.linear.gather [hbm4b:s9+s4], $0x80, $0x38;
	[tilespmem:$0xB080] =	vst v63  }
0x27: {  	_ =	swait.ge [sflag:s16], $0x80  }
0x28: {  	[sflag:s16] =	ssyncset.done $0x0  }
0x29: {  	s24 =	simm.s32 $0x50;
	[sflag:s16] =	ssyncadd.s32 $0xFFFFFF80  }
0x2a: {  	[tilespmem:s20], [sflag:$0x5] =	stream.indirect.gather [hbm4b:s1+s24], $0x80, s18, s24, $0xb8;
	[tilespmem:$0xB080] =	vst v63  }
0x2b: {  	_ =	swait.ge [sflag:s21], $0x2800  }
0x2c: {  	[sflag:s21] =	ssyncset.done $0x0  }
0x2d: {  	[sflag:s21] =	ssyncadd.s32 $0xFFFFD800  }
0x2e: {  	[hbm4b:s10+s4] =	stream.linear.scatter [tilespmem:s20], [sflag:$0x6], $0x2800, $0x38;
	[tilespmem:$0xB080] =	vst v63  }
0x2f: {  	_ =	swait.ge [sflag:s16], $0x2800  }
0x30: {  	[sflag:s16] =	ssyncset.done $0x0  }
0x31: {  	[sflag:s16] =	ssyncadd.s32 $0xFFFFD800  }
0x32: {  	[bflag:$0x0] =	sbarrier.arrive $0xFFFF  }
0x33: {  	[tilespmem:s23], [sflag:$0x1] =	stream.indirect.gather [hbm4b:s1+s22], $0x80, s4, s22, $0xb8;
	[tilespmem:$0xB080] =	vst v63  }
0x34: {  	s2 =	simm.s32 $0x80  }
0x35: {  	[tilespmem:s25], [sflag:$0x2] =	stream.indirect.gather [hbm4b:s1+s22], $0x80, s2, s22, $0xb8;
	[tilespmem:$0xB080] =	vst v63  }
0x36: {  	_ =	swait.ge [sflag:s26], $0x1000  }
0x37: {  	[sflag:s26] =	ssyncset.done $0x0  }
0x38: {  	[sflag:s26] =	ssyncadd.s32 $0xFFFFF000  }
0x39: {  	[spmem:s3] =	stream.indirect.scatter.add.f32 [tilespmem:s23], [sflag:$0x3], $0x80, s17, s22, $0xb8;
	[tilespmem:$0xB080] =	vst v63  }
0x3a: {  	_ =	swait.ge [sflag:s28], $0x1000  }
0x3b: {  	[sflag:s28] =	ssyncset.done $0x0  }
0x3c: {  	s5 =	simm.s32 $0x100;
	[sflag:s28] =	ssyncadd.s32 $0xFFFFF000  }
0x3d: {  	[tilespmem:s23], [sflag:$0x1] =	stream.indirect.gather [hbm4b:s1+s22], $0x80, s5, s22, $0xb8;
	[tilespmem:$0xB080] =	vst v63  }
0x3e: {  	_ =	swait.ge [sflag:s29], $0x1000  }
0x3f: {  	[sflag:s29] =	ssyncset.done $0x0  }
0x40: {  	s19 =	simm.s32 $0xC80;
	[sflag:s29] =	ssyncadd.s32 $0xFFFFF000  }
0x41: {  	[spmem:s3] =	stream.indirect.scatter.add.f32 [tilespmem:s25], [sflag:$0x4], $0x80, s19, s22, $0xb8;
	[tilespmem:$0xB080] =	vst v63  }
0x42: {  	_ =	swait.ge [sflag:s30], $0x1000  }
0x43: {  	p0 =	sne.s32 s11, $0x1;
	[sflag:s30] =	ssyncset.done $0x0  }
.Ltmp0:
0x44: {  	s24 =	simm.s32 $0x180;
	[sflag:s30] =	ssyncadd.s32 $0xFFFFF000;
	(pc) =	sbr.rel @!p0 .LBB2_3-.Ltmp0, $4  }
0x45: {  	[tilespmem:s25], [sflag:$0x2] =	stream.indirect.gather [hbm4b:s1+s22], $0x80, s24, s22, $0xb8;
	[tilespmem:$0xB080] =	vst v63  }
0x46: {  	_ =	swait.ge [sflag:s26], $0x1000  }
0x47: {  	s0 =	simm.s32 $0xD80;
	s2 =	sadd.s32 $0xFFFFFFFF, s11;
	[sflag:s26] =	ssyncset.done $0x0  }
0x48: {  	s19 =	simm.s32 $0x280;
	s24 =	simm.s32 $0xD00;
	[sflag:s26] =	ssyncadd.s32 $0xFFFFF000  }
.LBB2_2:
0x49: {  	[spmem:s3] =	stream.indirect.scatter.add.f32 [tilespmem:s23], [sflag:$0x3], $0x80, s24, s22, $0xb8;
	[tilespmem:$0xB080] =	vst v63  }
0x4a: {  	p0 =	sne.s32 s2, $0x1;
	s2 =	sadd.s32 $0xFFFFFFFF, s2;
	_ =	swait.ge [sflag:s28], $0x1000  }
0x4b: {  	s24 =	smov.u32 s0;
	[sflag:s28] =	ssyncset.done $0x0  }
0x4c: {  	s5 =	sadd.s32 $0xFFFFFF80, s19;
	[sflag:s28] =	ssyncadd.s32 $0xFFFFF000  }
0x4d: {  	[tilespmem:s23], [sflag:$0x1] =	stream.indirect.gather [hbm4b:s1+s22], $0x80, s5, s22, $0xb8;
	[tilespmem:$0xB080] =	vst v63  }
0x4e: {  	_ =	swait.ge [sflag:s29], $0x1000  }
0x4f: {  	[sflag:s29] =	ssyncset.done $0x0  }
0x50: {  	[sflag:s29] =	ssyncadd.s32 $0xFFFFF000  }
0x51: {  	[spmem:s3] =	stream.indirect.scatter.add.f32 [tilespmem:s25], [sflag:$0x4], $0x80, s0, s22, $0xb8;
	[tilespmem:$0xB080] =	vst v63  }
0x52: {  	_ =	swait.ge [sflag:s30], $0x1000  }
0x53: {  	[sflag:s30] =	ssyncset.done $0x0  }
.Ltmp1:
0x54: {  	[sflag:s30] =	ssyncadd.s32 $0xFFFFF000;
	(pc) =	sbr.rel @p0 .LBB2_2-.Ltmp1, $4  }
0x55: {  	[tilespmem:s25], [sflag:$0x2] =	stream.indirect.gather [hbm4b:s1+s22], $0x80, s19, s22, $0xb8;
	[tilespmem:$0xB080] =	vst v63  }
0x56: {  	_ =	swait.ge [sflag:s26], $0x1000  }
0x57: {  	s0 =	sadd.s32 $0x100, s0;
	[sflag:s26] =	ssyncset.done $0x0  }
0x58: {  	s24 =	sadd.s32 $0x80, s24;
	s19 =	sadd.s32 $0x100, s19;
	[sflag:s26] =	ssyncadd.s32 $0xFFFFF000  }
.LBB2_3:
0x59: {  	[spmem:s3] =	stream.indirect.scatter.add.f32 [tilespmem:s23], [sflag:$0x3], $0x80, s24, s22, $0xb8;
	[tilespmem:$0xB080] =	vst v63  }
0x5a: {  	_ =	swait.ge [sflag:s29], $0x1000  }
0x5b: {  	[sflag:s29] =	ssyncset.done $0x0  }
0x5c: {  	[sflag:s29] =	ssyncadd.s32 $0xFFFFF000  }
0x5d: {  	[spmem:s3] =	stream.indirect.scatter.add.f32 [tilespmem:s25], [sflag:$0x4], $0x80, s12, s22, $0xb8;
	[tilespmem:$0xB080] =	vst v63  }
0x5e: {  	_ =	swait.ge [sflag:s28], $0x1000  }
0x5f: {  	[sflag:s28] =	ssyncset.done $0x0  }
0x60: {  	[sflag:s28] =	ssyncadd.s32 $0xFFFFF000  }
0x61: {  	_ =	swait.ge [sflag:s30], $0x1000  }
0x62: {  	s31 =	sadd.s32 $0x1, s31;
	[sflag:s30] =	ssyncset.done $0x0  }
0x63: {  	p0 =	sne.s32 s31, s14;
	[sflag:s30] =	ssyncadd.s32 $0xFFFFF000  }
.Ltmp2:
0x64: {  	[bflag:$0x0] =	sbarrier.arrive $0xFFFF;
	(pc) =	sbr.rel @p0 .LBB2_1-.Ltmp2, $4  }
0x65: {  	[hbm:s13], [sflag:s6] =	dma.local [spmem:s15], $0xA00  }
0x66: {  	_ =	swait.ge [sflag:s16], $0xA00  }
0x67: {  	[sflag:s16] =	ssyncset.done $0x0  }
0x68: {  	[sflag:s16] =	ssyncadd.s32 $0xFFFFF600  }
0x69: {  	_ =	sfence.sel $0x180000  }
0x6a: {  	[bflag:$0x0] =	sbarrier.arrive $0xFFFF  }
0x6b: {  	_ =	strace $0x9000004A  }
0x6c: {  	s0 =	stileid.u32;
	[bflag:$0x2] =	sbarrier.arrive $0xFFFF  }
0x6d: {  	p0 =	sne.s32 s0, $0x0;
	s0 =	rddreg [dreg:$0x3]  }
0x6e: {  	s0 =	sadd.s32 @!p0 $0x100000, s0  }
0x6f: {  	[sflag:s0] =	ssyncadd.tile.s32 @!p0 $0x1;
	_ =	shalt  }
.Lfunc_end2:
_tile_overlayer_lowered:
.L_overlay_start_2:
0x70: {  	(tag) =	ssettag $0x2  }
0x71: {  	s0 =	rddreg [dreg:$0x0];
	s2 =	stileid.u32  }
0x72: {  	s1 =	rddreg [dreg:$0x1];
	p0 =	sne.s32 s2, $0x0  }
0x73: {  	s3 =	rddreg [dreg:$0x2];
	[bflag:$0x3] =	sbarrier.arrive $0xFFFF;
	s2 =	simm.s32 @!p0 $0x1C06  }
0x74: {  	[timem:s3], [sflag:s2] =	dma.local @!p0 [hbm:s0], s1  }
0x75: {  	s0 =	simm.s32 @!p0 $0x6  }
0x76: {  	_ =	swait.ge @!p0 [sflag:s0], s1  }
0x77: {  	s1 =	ssub.s32 @!p0 $0x0, s1;
	[sflag:s0] =	ssyncset.done @!p0 $0x0  }
0x78: {  	[sflag:s0] =	ssyncadd.s32 @!p0 s1  }
0x79: {  	[bflag:$0x3] =	sbarrier.arrive $0xFFFF  }
0x7a: {  	_ =	shalt  }

// kernel: kernel.17.cloned.1.call-start
scs
__scs_entry_jumppad:
0x0: {  	(pc) =	sbr.rel $0x88, $3  }
0x1: {  	(tag) =	ssettag $0x0;
	lr =	simm.s32 $0x1  }
0x2: {  	[smem:$0x3F90] =	sst lr;
	_ =	strace $0xD0000000  }
0x3: {  	_ = 	snop  }
0x4: {  	_ = 	snop  }
0x5: {  	_ = 	snop  }
0x6: {  	_ = 	snop  }
0x7: {  	_ = 	snop  }
__scs_overlays_trampoline_lowered:
0x8: {  	[smem:$0x3F9F] =	sst s0  }
0x9: {  	[smem:$0x3FA0] =	sst s1  }
0xa: {  	[smem:$0x3FA1] =	sst s2  }
0xb: {  	[smem:$0x3FA2] =	sst s3  }
0xc: {  	[smem:$0x3FA3] =	sst s4  }
0xd: {  	[smem:$0x3FA4] =	sst s5  }
0xe: {  	[smem:$0x3FA5] =	sst s6  }
0xf: {  	[smem:$0x3FA6] =	sst s7  }
0x10: {  	[smem:$0x3FA7] =	sst s8  }
0x11: {  	[smem:$0x3FA8] =	sst s9;
	s0 =	simm.s32 @!p0 $0x0  }
0x12: {  	s1 =	sld [smem:$0x3F8E];
	s0 =	simm.s32 @p0 $0x1  }
0x13: {  	[smem:$0x3FA9] =	sst s0;
	s0 =	simm.s32 @!p1 $0x0  }
0x14: {  	s2 =	sld [smem:$0x3F8D];
	s0 =	simm.s32 @p1 $0x1  }
0x15: {  	[smem:$0x3FAA] =	sst s0;
	s0 =	simm.s32 @!p2 $0x0  }
0x16: {  	s3 =	sld [smem:$0x3FDB];
	s0 =	simm.s32 @p2 $0x1  }
0x17: {  	s4 =	simm.s32 $0x1BF5;
	[smem:$0x3FAC] =	sst s0  }
0x18: {  	s0 =	sld [smem:$0x3F8F];
	_ =	swait.ge [sflag:s4], $0x0  }
0x19: {  	s7 =	sld [smem:$0x3F90]  }
0x1a: {  	s8 =	sadd.s32 $0xFFFFE003, lr  }
0x1b: {  	s9 =	sadd.s32 $0xFFFFFEF7, lr;
	s5 =	simm.s32 $0xFFFFFFFF;
	p2 =	slt.u32 s8, $0xFFFFF086  }
0x1c: {  	p1 =	slt.u32 s9, $0xF7A;
	s5 =	simm.s32 @!p2 $0x0  }
0x1d: {  	s5 =	simm.s32 @p1 $0x1;
	p0 =	seq.s32 s7, s2  }
0x1e: {  	s7 =	smul.u32 @!p0 $0xF7A, s2;
	p2 =	seq.s32 @!p0 s5, $0x0  }
0x1f: {  	s9 =	smul.u32 $0xF7A, s1;
	s8 =	simm.s32 @!p0 $0x1BF5;
	p2 =	por !p2, p0  }
0x20: {  	[sflag:s8] =	ssyncset.s32 @!p0 $0xFFFFF086;
	s6 =	sadd.s32 @!p0 s3, s7;
	s7 =	simm.s32 @!p0 $0x108  }
0x21: {  	s3 =	sadd.s32 s3, s9;
	s6 =	sadd.s32 @!p0 $0x88, s6;
	s7 =	simm.s32 @p2 $0x1082  }
0x22: {  	[simem:s7], [sflag:s8] =	dma.local @!p0 [hbm:s6], $0xF7A  }
0x23: {  	s9 =	sor.u32 $0xD0000000, s2;
	s6 =	simm.s32 $0x108;
	_ =	swait.ge @!p0 [sflag:s8], $0x0  }
0x24: {  	s3 =	sadd.s32 $0x88, s3;
	s6 =	simm.s32 @!p1 $0x1082;
	[sflag:s4] =	ssyncset.s32 $0xFFFFF086  }
0x25: {  	[simem:s6], [sflag:s4] =	dma.local [hbm:s3], $0xF7A  }
0x26: {  	[smem:$0x3F90] =	sst s1;
	(tag) =	ssettag s2;
	_ =	strace s9  }
0x27: {  	s1 =	sld [smem:$0x3FA0]  }
0x28: {  	s2 =	sld [smem:$0x3FA1]  }
0x29: {  	s4 =	sld [smem:$0x3FA3]  }
0x2a: {  	p0 =	seq.s32 s5, $0x0;
	s5 =	sld [smem:$0x3FA4]  }
0x2b: {  	s6 =	sld [smem:$0x3FA5]  }
0x2c: {  	s7 =	sld [smem:$0x3FA6]  }
0x2d: {  	s3 =	simm.s32 $0x108;
	s8 =	sld [smem:$0x3FA7]  }
0x2e: {  	s3 =	simm.s32 @!p0 $0x1082;
	s9 =	sld [smem:$0x3FA8]  }
0x2f: {  	lr =	sadd.s32 s0, s3;
	s0 =	sld [smem:$0x3F9F]  }
0x30: {  	s3 =	sld [smem:$0x3FA2]  }
0x31: {  	[smem:$0x3FAB] =	sst s10  }
0x32: {  	s10 =	sld [smem:$0x3FA9];
	_ =	sdelay $0x3  }
0x33: {  	p0 =	seq.s32 s10, $0x1;
	s10 =	sld [smem:$0x3FAB];
	_ =	sdelay $0x3  }
0x34: {  	[smem:$0x3FAB] =	sst s10  }
0x35: {  	s10 =	sld [smem:$0x3FAA];
	_ =	sdelay $0x3  }
0x36: {  	p1 =	seq.s32 s10, $0x1;
	s10 =	sld [smem:$0x3FAB];
	_ =	sdelay $0x3  }
0x37: {  	[smem:$0x3FAB] =	sst s10  }
0x38: {  	s10 =	sld [smem:$0x3FAC]  }
0x39: {  	_ = 	snop;
	(pc) =	sbr.ind lr, $3  }
0x3a: {  	_ = 	snop  }
0x3b: {  	_ = 	snop  }
0x3c: {  	p2 =	seq.s32 s10, $0x1;
	s10 =	sld [smem:$0x3FAB]  }
0x3d: {  	_ =	shalt  }
0x3e: {  	_ =	shalt  }
0x3f: {  	_ =	shalt  }
0x40: {  	_ =	shalt  }
0x41: {  	_ =	shalt  }
0x42: {  	_ =	shalt  }
0x43: {  	_ =	shalt  }
0x44: {  	_ =	shalt  }
0x45: {  	_ =	shalt  }
0x46: {  	_ =	shalt  }
0x47: {  	_ =	shalt  }
0x48: {  	_ =	shalt  }
0x49: {  	_ =	shalt  }
0x4a: {  	_ =	shalt  }
0x4b: {  	_ =	shalt  }
0x4c: {  	_ =	shalt  }
0x4d: {  	_ =	shalt  }
0x4e: {  	_ =	shalt  }
0x4f: {  	_ =	shalt  }
0x50: {  	_ =	shalt  }
0x51: {  	_ =	shalt  }
0x52: {  	_ =	shalt  }
0x53: {  	_ =	shalt  }
0x54: {  	_ =	shalt  }
0x55: {  	_ =	shalt  }
0x56: {  	_ =	shalt  }
0x57: {  	_ =	shalt  }
0x58: {  	_ =	shalt  }
0x59: {  	_ =	shalt  }
0x5a: {  	_ =	shalt  }
0x5b: {  	_ =	shalt  }
0x5c: {  	_ =	shalt  }
0x5d: {  	_ =	shalt  }
0x5e: {  	_ =	shalt  }
0x5f: {  	_ =	shalt  }
0x60: {  	_ =	shalt  }
0x61: {  	_ =	shalt  }
0x62: {  	_ =	shalt  }
0x63: {  	_ =	shalt  }
0x64: {  	_ =	shalt  }
0x65: {  	_ =	shalt  }
0x66: {  	_ =	shalt  }
0x67: {  	_ =	shalt  }
0x68: {  	_ =	shalt  }
0x69: {  	_ =	shalt  }
0x6a: {  	_ =	shalt  }
0x6b: {  	_ =	shalt  }
0x6c: {  	_ =	shalt  }
0x6d: {  	_ =	shalt  }
0x6e: {  	_ =	shalt  }
0x6f: {  	_ =	shalt  }
0x70: {  	_ =	shalt  }
0x71: {  	_ =	shalt  }
0x72: {  	_ =	shalt  }
0x73: {  	_ =	shalt  }
0x74: {  	_ =	shalt  }
0x75: {  	_ =	shalt  }
0x76: {  	_ =	shalt  }
0x77: {  	_ =	shalt  }
0x78: {  	_ =	shalt  }
0x79: {  	_ =	shalt  }
0x7a: {  	_ =	shalt  }
0x7b: {  	_ =	shalt  }
0x7c: {  	_ =	shalt  }
0x7d: {  	_ =	shalt  }
0x7e: {  	_ =	shalt  }
0x7f: {  	_ =	shalt  }
0x80: {  	_ =	shalt  }
0x81: {  	_ =	shalt  }
0x82: {  	_ =	shalt  }
0x83: {  	_ =	shalt  }
0x84: {  	_ =	shalt  }
0x85: {  	_ =	shalt  }
0x86: {  	_ =	shalt  }
0x87: {  	_ =	shalt  }
.Lfunc_end0:
.L_simem_size_0:
called_computation.2_lowered:
.L_overlay_start_0:
0x88: {  	s2 =	sld [smem:$0x3FD9]  }
0x89: {  	s3 =	sld [smem:$0x3FFE];
	_ =	sdelay $0x1  }
0x8a: {  	s1 =	srdreg.scid  }
0x8b: {  	s0 =	sand.u32 $0x1, s1  }
0x8c: {  	s17 =	sshll.u32 s0, $0xA;
	s2 =	sadd.s32 s3, s2  }
0x8d: {  	s2 =	sadd.s32 s2, s17  }
0x8e: {  	[smem:$0x3FB7] =	sst s2  }
0x8f: {  	_ = 	snop  }
0x90: {  	s2 =	sld [smem:$0x3FD0];
	(tm) =	ssettm $0x1  }
0x91: {  	s18 =	sld [smem:$0x3FFB];
	_ =	sdelay $0x3  }
0x92: {  	_ =	strace s18  }
0x93: {  	s3 =	sld [smem:$0x3FFC];
	_ =	sdelay $0x3  }
0x94: {  	_ =	strace s3  }
0x95: {  	s3 =	sld [smem:$0x3FFD];
	_ =	sdelay $0x3  }
0x96: {  	_ =	strace s3  }
0x97: {  	_ =	strace $0x8FFFFFFF  }
0x98: {  	s19 =	sld [smem:$0x3FDB];
	_ =	sdelay $0x1  }
0x99: {  	s4 =	simm.s32 $_scs_section_size  }
0x9a: {  	s5 =	simm.s32 $_size__tile_overlayer_lowered;
	s6 =	simm.s32 $_tile_overlayer_lowered  }
0x9b: {  	s22 =	simm.s32 $0x1BFF;
	s21 =	sshll.u32 s6, $0x1;
	s3 =	sadd.s32 s4, s19  }
0x9c: {  	s7 =	simm.s32 $0x0;
	s20 =	sshll.u32 s5, $0x1;
	s5 =	sadd.s32 s21, s3  }
0x9d: {  	[timem:s7], [sflag:s22] =	dma.local [hbm:s5], s20  }
0x9e: {  	_ =	swait.ge [sflag:s22], s20  }
0x9f: {  	s4 =	ssub.s32 $0x0, s20;
	[sflag:s22] =	ssyncset.done $0x0  }
0xa0: {  	[sflag:s22] =	ssyncadd.s32 s4;
	_ =	sdelay $0x1  }
0xa1: {  	s23 =	simm.s32 $0x1B8B  }
0xa2: {  	_ =	swait.ge [sflag:s23], $0x1  }
0xa3: {  	[sflag:s23] =	ssyncset.done $0x0  }
0xa4: {  	s25 =	simm.s32 $0x1B8E;
	s24 =	sld [smem:$0x3FFE];
	[sflag:s23] =	ssyncadd.s32 $0xFFFFFFFF  }
0xa5: {  	s26 =	simm.s32 $execute0_lowered;
	[smem:$0x3FD2] =	sst s25  }
0xa6: {  	s5 =	sshll.u32 s26, $0x1;
	_ =	strace $0x8000004C;
	[dreg:$0x1] =	wrdreg $0xFFFFFFFF  }
0xa7: {  	s28 =	simm.s32 $_size_execute0_lowered;
	s3 =	sadd.s32 s3, s5;
	[dreg:$0x0] =	wrdreg $0x0  }
0xa8: {  	s5 =	sshll.u32 s28, $0x1;
	[dreg:$0x2] =	wrdreg s3  }
0xa9: {  	[dreg:$0x3] =	wrdreg s5  }
0xaa: {  	[dreg:$0x4] =	wrdreg $0xC0  }
0xab: {  	_ =	task [dreg:s7], $0x5FFFF  }
0xac: {  	[dreg:$0x1] =	wrdreg $0xFFFFFFFF  }
0xad: {  	[dreg:$0x0] =	wrdreg $0x60  }
0xae: {  	[dreg:$0x2] =	wrdreg s24  }
0xaf: {  	[dreg:$0x3] =	wrdreg s2  }
0xb0: {  	[dreg:$0x4] =	wrdreg $0x38000  }
0xb1: {  	[dreg:$0x5] =	wrdreg $0x9  }
0xb2: {  	_ =	task.clear_ibuf [dreg:s7], $0x6FFFF;
	_ =	strace $0x9000004C  }
0xb3: {  	s29 =	simm.s32 $0x9;
	_ =	strace $0x8000004E  }
0xb4: {  	_ =	swait.ge [sflag:s29], $0x1  }
0xb5: {  	[sflag:s29] =	ssyncadd.s32 $0xFFFFFFFF  }
0xb6: {  	_ =	strace $0x9000004E  }
0xb7: {  	_ =	sfence  }
0xb8: {  	s30 =	sld [smem:$0x0];
	_ =	sdelay $0x2  }
0xb9: {  	s31 =	sshll.u32 s1, $0xD;
	s1 =	sshrl.u32 s1, $0x2  }
0xba: {  	s3 =	sand.u32 $0x4000, s31;
	s1 =	sadd.s32 s1, s30  }
0xbb: {  	s0 =	sor.u32 s3, s0;
	s1 =	sshll.u32 s1, $0x11  }
0xbc: {  	s0 =	sor.u32 s1, s0  }
0xbd: {  	s0 =	sadd.s32 $0x8F2B, s0  }
0xbe: {  	[sflag:s0] =	ssyncadd.remote.s32 $0x1  }
0xbf: {  	_ =	sfence.sel $0xFFFF  }
0xc0: {  	[dreg:$0x0] =	wrdreg $0xFFFFFFFF;
	(pc) =	sbr.abs _section_cstart, $3  }
0xc1: {  	[dreg:$0x1] =	wrdreg $0xFFFFFFFF  }
0xc2: {  	_ =	task.clear_ibuf [dreg:s7], $0x2FFFF;
	_ =	strace $0x9FFFFFFF  }
0xc3: {  	(tm) =	ssettm $0x7FFFFFFF  }
tec
execute0_lowered:
.L_overlay_start_1:
0x0: {  	(tag) =	ssettag $0x1  }
0x1: {  	s0 =	rddreg [dreg:$0x0]  }
0x2: {  	s2 =	rddreg [dreg:$0x1]  }
0x3: {  	s1 =	rddreg [dreg:$0x2];
	s3 =	simm.s32 $0x0;
	s4 =	srdreg.scid  }
0x4: {  	s17 =	stileid.u32;
	s18 =	simm.s32 $0x8800;
	s28 =	simm.s32 $0x3  }
0x5: {  	s29 =	simm.s32 $0x2;
	s30 =	simm.s32 $0x4;
	s31 =	simm.s32 $0x0  }
0x6: {  	[smem:$0x7FF] =	sst s3;
	s8 =	sand.u32 $0x1, s4;
	s4 =	smul.u32 $0x18, s17  }
0x7: {  	s5 =	sshll.u32 s17, $0x3;
	s11 =	smul.u32 $0x5000, s17;
	s7 =	sshll.u32 s17, $0x4  }
0x8: {  	s10 =	smul.u32 $0x14000, s17;
	s22 =	sshll.u32 s17, $0x6;
	p0 =	seq.s32 s8, $0x0  }
0x9: {  	s5 =	sor.u32 $0x180, s5;
	_ =	strace $0x8000004D;
	s20 =	sshll.u32 s8, $0x4  }
0xa: {  	s7 =	sand.u32 $0x70, s7;
	s13 =	ssub.s32 $0x2, s8;
	s24 =	smul.u32 $0x50000, s8  }
0xb: {  	s5 =	smov.u32 @p0 s4;
	s4 =	sadd.s32 $0x4BC00, s0;
	s6 =	sshrl.u32 s11, $0x3  }
0xc: {  	s14 =	sadd.s32 s7, s0;
	s21 =	sshrl.u32 s13, $0x1;
	s10 =	sshrl.u32 s10, $0x2  }
0xd: {  	s5 =	sshll.u32 s5, $0x4;
	s19 =	sadd.s32 s6, s0;
	s6 =	sor.u32 s17, s20  }
0xe: {  	s15 =	ssub.s32 s13, s21;
	s16 =	sadd.s32 s10, s1;
	s13 =	sadd.s32 s11, s24  }
0xf: {  	s17 =	simm.s32 $0xC00;
	s20 =	simm.s32 $0x8880;
	s21 =	simm.s32 $0x5  }
0x10: {  	s9 =	sadd.s32 s5, s0;
	s12 =	smul.u32 $0x500, s6;
	s5 =	sadd.s32 $0x41C00, s19  }
0x11: {  	s23 =	sshll.u32 s6, $0x4;
	s6 =	sor.u32 $0x1C06, s22;
	s26 =	sshrl.u32 s13, $0x3  }
0x12: {  	s22 =	simm.s32 $0x20;
	[dreg:$0x4] =	wrdreg s5;
	s7 =	sadd.s32 $0x69C00, s9  }
0x13: {  	s10 =	sand.u32 $0x180, s23;
	s8 =	sadd.s32 $0x92C00, s9;
	s13 =	sadd.s32 s2, s26  }
0x14: {  	s23 =	simm.s32 $0x1800;
	s26 =	simm.s32 $0x1;
	s0 =	sadd.s32 s12, s0  }
0x15: {  	s10 =	sadd.s32 s10, s14;
	s12 =	simm.s32 $0x17;
	s14 =	smax.u32 s15, $0x1  }
0x16: {  	s15 =	sshrl.u32 s16, $0x3;
	s16 =	simm.s32 $0x6;
	s12 =	simm.s32 @!p0 $0x7  }
0x17: {  	s9 =	sadd.s32 $0x41A00, s10;
	s10 =	sadd.s32 $0x4EA00, s0;
	s25 =	sshll.u32 s12, $0x7  }
0x18: {  	s11 =	sshrl.u32 s12, $0x1;
	s12 =	sadd.s32 $0xC00, s25;
	s25 =	simm.s32 $0x2800  }
.LBB2_1:
0x19: {  	s0 =	rddreg [dreg:$0x4]  }
0x1a: {  	[spmem:s15], [sflag:s6] =	dma.local [hbm:s0], $0xA00  }
0x1b: {  	_ =	swait.ge [sflag:s16], $0xA00  }
0x1c: {  	[sflag:s16] =	ssyncset.done $0x0  }
0x1d: {  	[sflag:s16] =	ssyncadd.s32 $0xFFFFF600  }
0x1e: {  	[tilespmem:s3], [sflag:$0x6] =	stream.linear.gather [hbm4b:s7+s3], $0xC00, $0x38;
	[tilespmem:$0xB080] =	vst v63  }
0x1f: {  	_ =	swait.ge [sflag:s16], $0xC00  }
0x20: {  	[sflag:s16] =	ssyncset.done $0x0  }
0x21: {  	[sflag:s16] =	ssyncadd.s32 $0xFFFFF400  }
0x22: {  	[tilespmem:s17], [sflag:$0x6] =	stream.linear.gather [hbm4b:s8+s3], $0xC00, $0x38;
	[tilespmem:$0xB080] =	vst v63  }
0x23: {  	_ =	swait.ge [sflag:s16], $0xC00  }
0x24: {  	[sflag:s16] =	ssyncset.done $0x0  }
0x25: {  	[sflag:s16] =	ssyncadd.s32 $0xFFFFF400  }
0x26: {  	[tilespmem:s18], [sflag:$0x6] =	stream.linear.gather [hbm4b:s9+s3], $0x80, $0x38;
	[tilespmem:$0xB080] =	vst v63  }
0x27: {  	_ =	swait.ge [sflag:s16], $0x80  }
0x28: {  	[sflag:s16] =	ssyncset.done $0x0  }
0x29: {  	s24 =	simm.s32 $0x50;
	[sflag:s16] =	ssyncadd.s32 $0xFFFFFF80  }
0x2a: {  	[tilespmem:s20], [sflag:$0x5] =	stream.indirect.gather [hbm4b:s4+s24], $0x80, s18, s24, $0xb8;
	[tilespmem:$0xB080] =	vst v63  }
0x2b: {  	_ =	swait.ge [sflag:s21], $0x2800  }
0x2c: {  	[sflag:s21] =	ssyncset.done $0x0  }
0x2d: {  	[sflag:s21] =	ssyncadd.s32 $0xFFFFD800  }
0x2e: {  	[hbm4b:s10+s3] =	stream.linear.scatter [tilespmem:s20], [sflag:$0x6], $0x2800, $0x38;
	[tilespmem:$0xB080] =	vst v63  }
0x2f: {  	_ =	swait.ge [sflag:s16], $0x2800  }
0x30: {  	[sflag:s16] =	ssyncset.done $0x0  }
0x31: {  	[sflag:s16] =	ssyncadd.s32 $0xFFFFD800  }
0x32: {  	[bflag:$0x0] =	sbarrier.arrive $0xFFFF  }
0x33: {  	[tilespmem:s23], [sflag:$0x1] =	stream.indirect.gather [hbm4b:s4+s22], $0x80, s3, s22, $0xb8;
	[tilespmem:$0xB080] =	vst v63  }
0x34: {  	s2 =	simm.s32 $0x80  }
0x35: {  	[tilespmem:s25], [sflag:$0x2] =	stream.indirect.gather [hbm4b:s4+s22], $0x80, s2, s22, $0xb8;
	[tilespmem:$0xB080] =	vst v63  }
0x36: {  	_ =	swait.ge [sflag:s26], $0x1000  }
0x37: {  	[sflag:s26] =	ssyncset.done $0x0  }
0x38: {  	[sflag:s26] =	ssyncadd.s32 $0xFFFFF000  }
0x39: {  	[spmem:s1] =	stream.indirect.scatter.add.f32 [tilespmem:s23], [sflag:$0x3], $0x80, s17, s22, $0xb8;
	[tilespmem:$0xB080] =	vst v63  }
0x3a: {  	_ =	swait.ge [sflag:s28], $0x1000  }
0x3b: {  	[sflag:s28] =	ssyncset.done $0x0  }
0x3c: {  	s5 =	simm.s32 $0x100;
	[sflag:s28] =	ssyncadd.s32 $0xFFFFF000  }
0x3d: {  	[tilespmem:s23], [sflag:$0x1] =	stream.indirect.gather [hbm4b:s4+s22], $0x80, s5, s22, $0xb8;
	[tilespmem:$0xB080] =	vst v63  }
0x3e: {  	_ =	swait.ge [sflag:s29], $0x1000  }
0x3f: {  	[sflag:s29] =	ssyncset.done $0x0  }
0x40: {  	s19 =	simm.s32 $0xC80;
	[sflag:s29] =	ssyncadd.s32 $0xFFFFF000  }
0x41: {  	[spmem:s1] =	stream.indirect.scatter.add.f32 [tilespmem:s25], [sflag:$0x4], $0x80, s19, s22, $0xb8;
	[tilespmem:$0xB080] =	vst v63  }
0x42: {  	_ =	swait.ge [sflag:s30], $0x1000  }
0x43: {  	p0 =	sne.s32 s11, $0x1;
	[sflag:s30] =	ssyncset.done $0x0  }
.Ltmp0:
0x44: {  	s24 =	simm.s32 $0x180;
	[sflag:s30] =	ssyncadd.s32 $0xFFFFF000;
	(pc) =	sbr.rel @!p0 .LBB2_3-.Ltmp0, $4  }
0x45: {  	[tilespmem:s25], [sflag:$0x2] =	stream.indirect.gather [hbm4b:s4+s22], $0x80, s24, s22, $0xb8;
	[tilespmem:$0xB080] =	vst v63  }
0x46: {  	_ =	swait.ge [sflag:s26], $0x1000  }
0x47: {  	s0 =	sadd.s32 $0xFFFFFFFF, s11;
	s2 =	simm.s32 $0xD80;
	[sflag:s26] =	ssyncset.done $0x0  }
0x48: {  	s19 =	simm.s32 $0x280;
	s24 =	simm.s32 $0xD00;
	[sflag:s26] =	ssyncadd.s32 $0xFFFFF000  }
.LBB2_2:
0x49: {  	[spmem:s1] =	stream.indirect.scatter.add.f32 [tilespmem:s23], [sflag:$0x3], $0x80, s24, s22, $0xb8;
	[tilespmem:$0xB080] =	vst v63  }
0x4a: {  	p0 =	sne.s32 s0, $0x1;
	s0 =	sadd.s32 $0xFFFFFFFF, s0;
	_ =	swait.ge [sflag:s28], $0x1000  }
0x4b: {  	s24 =	smov.u32 s2;
	[sflag:s28] =	ssyncset.done $0x0  }
0x4c: {  	s5 =	sadd.s32 $0xFFFFFF80, s19;
	[sflag:s28] =	ssyncadd.s32 $0xFFFFF000  }
0x4d: {  	[tilespmem:s23], [sflag:$0x1] =	stream.indirect.gather [hbm4b:s4+s22], $0x80, s5, s22, $0xb8;
	[tilespmem:$0xB080] =	vst v63  }
0x4e: {  	_ =	swait.ge [sflag:s29], $0x1000  }
0x4f: {  	[sflag:s29] =	ssyncset.done $0x0  }
0x50: {  	[sflag:s29] =	ssyncadd.s32 $0xFFFFF000  }
0x51: {  	[spmem:s1] =	stream.indirect.scatter.add.f32 [tilespmem:s25], [sflag:$0x4], $0x80, s2, s22, $0xb8;
	[tilespmem:$0xB080] =	vst v63  }
0x52: {  	_ =	swait.ge [sflag:s30], $0x1000  }
0x53: {  	[sflag:s30] =	ssyncset.done $0x0  }
.Ltmp1:
0x54: {  	[sflag:s30] =	ssyncadd.s32 $0xFFFFF000;
	(pc) =	sbr.rel @p0 .LBB2_2-.Ltmp1, $4  }
0x55: {  	[tilespmem:s25], [sflag:$0x2] =	stream.indirect.gather [hbm4b:s4+s22], $0x80, s19, s22, $0xb8;
	[tilespmem:$0xB080] =	vst v63  }
0x56: {  	_ =	swait.ge [sflag:s26], $0x1000  }
0x57: {  	s2 =	sadd.s32 $0x100, s2;
	[sflag:s26] =	ssyncset.done $0x0  }
0x58: {  	s24 =	sadd.s32 $0x80, s24;
	s19 =	sadd.s32 $0x100, s19;
	[sflag:s26] =	ssyncadd.s32 $0xFFFFF000  }
.LBB2_3:
0x59: {  	[spmem:s1] =	stream.indirect.scatter.add.f32 [tilespmem:s23], [sflag:$0x3], $0x80, s24, s22, $0xb8;
	[tilespmem:$0xB080] =	vst v63  }
0x5a: {  	_ =	swait.ge [sflag:s29], $0x1000  }
0x5b: {  	[sflag:s29] =	ssyncset.done $0x0  }
0x5c: {  	[sflag:s29] =	ssyncadd.s32 $0xFFFFF000  }
0x5d: {  	[spmem:s1] =	stream.indirect.scatter.add.f32 [tilespmem:s25], [sflag:$0x4], $0x80, s12, s22, $0xb8;
	[tilespmem:$0xB080] =	vst v63  }
0x5e: {  	_ =	swait.ge [sflag:s28], $0x1000  }
0x5f: {  	[sflag:s28] =	ssyncset.done $0x0  }
0x60: {  	[sflag:s28] =	ssyncadd.s32 $0xFFFFF000  }
0x61: {  	_ =	swait.ge [sflag:s30], $0x1000  }
0x62: {  	s31 =	sadd.s32 $0x1, s31;
	[sflag:s30] =	ssyncset.done $0x0  }
0x63: {  	p0 =	sne.s32 s31, s14;
	[sflag:s30] =	ssyncadd.s32 $0xFFFFF000  }
.Ltmp2:
0x64: {  	[bflag:$0x0] =	sbarrier.arrive $0xFFFF;
	(pc) =	sbr.rel @p0 .LBB2_1-.Ltmp2, $4  }
0x65: {  	[hbm:s13], [sflag:s6] =	dma.local [spmem:s15], $0xA00  }
0x66: {  	_ =	swait.ge [sflag:s16], $0xA00  }
0x67: {  	[sflag:s16] =	ssyncset.done $0x0  }
0x68: {  	[sflag:s16] =	ssyncadd.s32 $0xFFFFF600  }
0x69: {  	_ =	sfence.sel $0x180000  }
0x6a: {  	[bflag:$0x0] =	sbarrier.arrive $0xFFFF  }
0x6b: {  	_ =	strace $0x9000004D  }
0x6c: {  	s0 =	stileid.u32;
	[bflag:$0x2] =	sbarrier.arrive $0xFFFF  }
0x6d: {  	p0 =	sne.s32 s0, $0x0;
	s0 =	rddreg [dreg:$0x3]  }
0x6e: {  	s0 =	sadd.s32 @!p0 $0x100000, s0  }
0x6f: {  	[sflag:s0] =	ssyncadd.tile.s32 @!p0 $0x1;
	_ =	shalt  }
.Lfunc_end2:
_tile_overlayer_lowered:
.L_overlay_start_2:
0x70: {  	(tag) =	ssettag $0x2  }
0x71: {  	s0 =	rddreg [dreg:$0x0];
	s2 =	stileid.u32  }
0x72: {  	s1 =	rddreg [dreg:$0x1];
	p0 =	sne.s32 s2, $0x0  }
0x73: {  	s3 =	rddreg [dreg:$0x2];
	[bflag:$0x3] =	sbarrier.arrive $0xFFFF;
	s2 =	simm.s32 @!p0 $0x1C06  }
0x74: {  	[timem:s3], [sflag:s2] =	dma.local @!p0 [hbm:s0], s1  }
0x75: {  	s0 =	simm.s32 @!p0 $0x6  }
0x76: {  	_ =	swait.ge @!p0 [sflag:s0], s1  }
0x77: {  	s1 =	ssub.s32 @!p0 $0x0, s1;
	[sflag:s0] =	ssyncset.done @!p0 $0x0  }
0x78: {  	[sflag:s0] =	ssyncadd.s32 @!p0 s1  }
0x79: {  	[bflag:$0x3] =	sbarrier.arrive $0xFFFF  }
0x7a: {  	_ =	shalt  }

// kernel: kernel.20.cloned.1.call-start
scs
__scs_entry_jumppad:
0x0: {  	(pc) =	sbr.rel $0x88, $3  }
0x1: {  	(tag) =	ssettag $0x0;
	lr =	simm.s32 $0x1  }
0x2: {  	[smem:$0x3F90] =	sst lr;
	_ =	strace $0xD0000000  }
0x3: {  	_ = 	snop  }
0x4: {  	_ = 	snop  }
0x5: {  	_ = 	snop  }
0x6: {  	_ = 	snop  }
0x7: {  	_ = 	snop  }
__scs_overlays_trampoline_lowered:
0x8: {  	[smem:$0x3F9F] =	sst s0  }
0x9: {  	[smem:$0x3FA0] =	sst s1  }
0xa: {  	[smem:$0x3FA1] =	sst s2  }
0xb: {  	[smem:$0x3FA2] =	sst s3  }
0xc: {  	[smem:$0x3FA3] =	sst s4  }
0xd: {  	[smem:$0x3FA4] =	sst s5  }
0xe: {  	[smem:$0x3FA5] =	sst s6  }
0xf: {  	[smem:$0x3FA6] =	sst s7  }
0x10: {  	[smem:$0x3FA7] =	sst s8  }
0x11: {  	[smem:$0x3FA8] =	sst s9;
	s0 =	simm.s32 @!p0 $0x0  }
0x12: {  	s1 =	sld [smem:$0x3F8E];
	s0 =	simm.s32 @p0 $0x1  }
0x13: {  	[smem:$0x3FA9] =	sst s0;
	s0 =	simm.s32 @!p1 $0x0  }
0x14: {  	s2 =	sld [smem:$0x3F8D];
	s0 =	simm.s32 @p1 $0x1  }
0x15: {  	[smem:$0x3FAA] =	sst s0;
	s0 =	simm.s32 @!p2 $0x0  }
0x16: {  	s3 =	sld [smem:$0x3FDB];
	s0 =	simm.s32 @p2 $0x1  }
0x17: {  	s4 =	simm.s32 $0x1BF5;
	[smem:$0x3FAC] =	sst s0  }
0x18: {  	s0 =	sld [smem:$0x3F8F];
	_ =	swait.ge [sflag:s4], $0x0  }
0x19: {  	s7 =	sld [smem:$0x3F90]  }
0x1a: {  	s8 =	sadd.s32 $0xFFFFE003, lr  }
0x1b: {  	s9 =	sadd.s32 $0xFFFFFEF7, lr;
	s5 =	simm.s32 $0xFFFFFFFF;
	p2 =	slt.u32 s8, $0xFFFFF086  }
0x1c: {  	p1 =	slt.u32 s9, $0xF7A;
	s5 =	simm.s32 @!p2 $0x0  }
0x1d: {  	s5 =	simm.s32 @p1 $0x1;
	p0 =	seq.s32 s7, s2  }
0x1e: {  	s7 =	smul.u32 @!p0 $0xF7A, s2;
	p2 =	seq.s32 @!p0 s5, $0x0  }
0x1f: {  	s9 =	smul.u32 $0xF7A, s1;
	s8 =	simm.s32 @!p0 $0x1BF5;
	p2 =	por !p2, p0  }
0x20: {  	[sflag:s8] =	ssyncset.s32 @!p0 $0xFFFFF086;
	s6 =	sadd.s32 @!p0 s3, s7;
	s7 =	simm.s32 @!p0 $0x108  }
0x21: {  	s3 =	sadd.s32 s3, s9;
	s6 =	sadd.s32 @!p0 $0x88, s6;
	s7 =	simm.s32 @p2 $0x1082  }
0x22: {  	[simem:s7], [sflag:s8] =	dma.local @!p0 [hbm:s6], $0xF7A  }
0x23: {  	s9 =	sor.u32 $0xD0000000, s2;
	s6 =	simm.s32 $0x108;
	_ =	swait.ge @!p0 [sflag:s8], $0x0  }
0x24: {  	s3 =	sadd.s32 $0x88, s3;
	s6 =	simm.s32 @!p1 $0x1082;
	[sflag:s4] =	ssyncset.s32 $0xFFFFF086  }
0x25: {  	[simem:s6], [sflag:s4] =	dma.local [hbm:s3], $0xF7A  }
0x26: {  	[smem:$0x3F90] =	sst s1;
	(tag) =	ssettag s2;
	_ =	strace s9  }
0x27: {  	s1 =	sld [smem:$0x3FA0]  }
0x28: {  	s2 =	sld [smem:$0x3FA1]  }
0x29: {  	s4 =	sld [smem:$0x3FA3]  }
0x2a: {  	p0 =	seq.s32 s5, $0x0;
	s5 =	sld [smem:$0x3FA4]  }
0x2b: {  	s6 =	sld [smem:$0x3FA5]  }
0x2c: {  	s7 =	sld [smem:$0x3FA6]  }
0x2d: {  	s3 =	simm.s32 $0x108;
	s8 =	sld [smem:$0x3FA7]  }
0x2e: {  	s3 =	simm.s32 @!p0 $0x1082;
	s9 =	sld [smem:$0x3FA8]  }
0x2f: {  	lr =	sadd.s32 s0, s3;
	s0 =	sld [smem:$0x3F9F]  }
0x30: {  	s3 =	sld [smem:$0x3FA2]  }
0x31: {  	[smem:$0x3FAB] =	sst s10  }
0x32: {  	s10 =	sld [smem:$0x3FA9];
	_ =	sdelay $0x3  }
0x33: {  	p0 =	seq.s32 s10, $0x1;
	s10 =	sld [smem:$0x3FAB];
	_ =	sdelay $0x3  }
0x34: {  	[smem:$0x3FAB] =	sst s10  }
0x35: {  	s10 =	sld [smem:$0x3FAA];
	_ =	sdelay $0x3  }
0x36: {  	p1 =	seq.s32 s10, $0x1;
	s10 =	sld [smem:$0x3FAB];
	_ =	sdelay $0x3  }
0x37: {  	[smem:$0x3FAB] =	sst s10  }
0x38: {  	s10 =	sld [smem:$0x3FAC]  }
0x39: {  	_ = 	snop;
	(pc) =	sbr.ind lr, $3  }
0x3a: {  	_ = 	snop  }
0x3b: {  	_ = 	snop  }
0x3c: {  	p2 =	seq.s32 s10, $0x1;
	s10 =	sld [smem:$0x3FAB]  }
0x3d: {  	_ =	shalt  }
0x3e: {  	_ =	shalt  }
0x3f: {  	_ =	shalt  }
0x40: {  	_ =	shalt  }
0x41: {  	_ =	shalt  }
0x42: {  	_ =	shalt  }
0x43: {  	_ =	shalt  }
0x44: {  	_ =	shalt  }
0x45: {  	_ =	shalt  }
0x46: {  	_ =	shalt  }
0x47: {  	_ =	shalt  }
0x48: {  	_ =	shalt  }
0x49: {  	_ =	shalt  }
0x4a: {  	_ =	shalt  }
0x4b: {  	_ =	shalt  }
0x4c: {  	_ =	shalt  }
0x4d: {  	_ =	shalt  }
0x4e: {  	_ =	shalt  }
0x4f: {  	_ =	shalt  }
0x50: {  	_ =	shalt  }
0x51: {  	_ =	shalt  }
0x52: {  	_ =	shalt  }
0x53: {  	_ =	shalt  }
0x54: {  	_ =	shalt  }
0x55: {  	_ =	shalt  }
0x56: {  	_ =	shalt  }
0x57: {  	_ =	shalt  }
0x58: {  	_ =	shalt  }
0x59: {  	_ =	shalt  }
0x5a: {  	_ =	shalt  }
0x5b: {  	_ =	shalt  }
0x5c: {  	_ =	shalt  }
0x5d: {  	_ =	shalt  }
0x5e: {  	_ =	shalt  }
0x5f: {  	_ =	shalt  }
0x60: {  	_ =	shalt  }
0x61: {  	_ =	shalt  }
0x62: {  	_ =	shalt  }
0x63: {  	_ =	shalt  }
0x64: {  	_ =	shalt  }
0x65: {  	_ =	shalt  }
0x66: {  	_ =	shalt  }
0x67: {  	_ =	shalt  }
0x68: {  	_ =	shalt  }
0x69: {  	_ =	shalt  }
0x6a: {  	_ =	shalt  }
0x6b: {  	_ =	shalt  }
0x6c: {  	_ =	shalt  }
0x6d: {  	_ =	shalt  }
0x6e: {  	_ =	shalt  }
0x6f: {  	_ =	shalt  }
0x70: {  	_ =	shalt  }
0x71: {  	_ =	shalt  }
0x72: {  	_ =	shalt  }
0x73: {  	_ =	shalt  }
0x74: {  	_ =	shalt  }
0x75: {  	_ =	shalt  }
0x76: {  	_ =	shalt  }
0x77: {  	_ =	shalt  }
0x78: {  	_ =	shalt  }
0x79: {  	_ =	shalt  }
0x7a: {  	_ =	shalt  }
0x7b: {  	_ =	shalt  }
0x7c: {  	_ =	shalt  }
0x7d: {  	_ =	shalt  }
0x7e: {  	_ =	shalt  }
0x7f: {  	_ =	shalt  }
0x80: {  	_ =	shalt  }
0x81: {  	_ =	shalt  }
0x82: {  	_ =	shalt  }
0x83: {  	_ =	shalt  }
0x84: {  	_ =	shalt  }
0x85: {  	_ =	shalt  }
0x86: {  	_ =	shalt  }
0x87: {  	_ =	shalt  }
.Lfunc_end0:
.L_simem_size_0:
called_computation.3_lowered:
.L_overlay_start_0:
0x88: {  	s2 =	sld [smem:$0x3FD9]  }
0x89: {  	s3 =	sld [smem:$0x3FFE];
	_ =	sdelay $0x1  }
0x8a: {  	s1 =	srdreg.scid  }
0x8b: {  	s0 =	sand.u32 $0x1, s1  }
0x8c: {  	s17 =	sshll.u32 s0, $0xA;
	s2 =	sadd.s32 s3, s2  }
0x8d: {  	s2 =	sadd.s32 s2, s17  }
0x8e: {  	[smem:$0x3FB7] =	sst s2  }
0x8f: {  	_ = 	snop  }
0x90: {  	s2 =	sld [smem:$0x3FD0];
	(tm) =	ssettm $0x1  }
0x91: {  	s18 =	sld [smem:$0x3FFB];
	_ =	sdelay $0x3  }
0x92: {  	_ =	strace s18  }
0x93: {  	s3 =	sld [smem:$0x3FFC];
	_ =	sdelay $0x3  }
0x94: {  	_ =	strace s3  }
0x95: {  	s3 =	sld [smem:$0x3FFD];
	_ =	sdelay $0x3  }
0x96: {  	_ =	strace s3  }
0x97: {  	_ =	strace $0x8FFFFFFF  }
0x98: {  	s19 =	sld [smem:$0x3FDB];
	_ =	sdelay $0x1  }
0x99: {  	s4 =	simm.s32 $_scs_section_size  }
0x9a: {  	s5 =	simm.s32 $_size__tile_overlayer_lowered;
	s6 =	simm.s32 $_tile_overlayer_lowered  }
0x9b: {  	s22 =	simm.s32 $0x1BFF;
	s21 =	sshll.u32 s6, $0x1;
	s3 =	sadd.s32 s4, s19  }
0x9c: {  	s7 =	simm.s32 $0x0;
	s20 =	sshll.u32 s5, $0x1;
	s5 =	sadd.s32 s21, s3  }
0x9d: {  	[timem:s7], [sflag:s22] =	dma.local [hbm:s5], s20  }
0x9e: {  	_ =	swait.ge [sflag:s22], s20  }
0x9f: {  	s4 =	ssub.s32 $0x0, s20;
	[sflag:s22] =	ssyncset.done $0x0  }
0xa0: {  	[sflag:s22] =	ssyncadd.s32 s4;
	_ =	sdelay $0x1  }
0xa1: {  	s23 =	simm.s32 $0x1B8B  }
0xa2: {  	_ =	swait.ge [sflag:s23], $0x1  }
0xa3: {  	[sflag:s23] =	ssyncset.done $0x0  }
0xa4: {  	s25 =	simm.s32 $0x1B8E;
	s24 =	sld [smem:$0x3FFE];
	[sflag:s23] =	ssyncadd.s32 $0xFFFFFFFF  }
0xa5: {  	s26 =	simm.s32 $execute0_lowered;
	[smem:$0x3FD2] =	sst s25  }
0xa6: {  	s5 =	sshll.u32 s26, $0x1;
	_ =	strace $0x8000004F;
	[dreg:$0x1] =	wrdreg $0xFFFFFFFF  }
0xa7: {  	s28 =	simm.s32 $_size_execute0_lowered;
	s3 =	sadd.s32 s3, s5;
	[dreg:$0x0] =	wrdreg $0x0  }
0xa8: {  	s5 =	sshll.u32 s28, $0x1;
	[dreg:$0x2] =	wrdreg s3  }
0xa9: {  	[dreg:$0x3] =	wrdreg s5  }
0xaa: {  	[dreg:$0x4] =	wrdreg $0xC0  }
0xab: {  	_ =	task [dreg:s7], $0x5FFFF  }
0xac: {  	[dreg:$0x1] =	wrdreg $0xFFFFFFFF  }
0xad: {  	[dreg:$0x0] =	wrdreg $0x60  }
0xae: {  	[dreg:$0x2] =	wrdreg s2  }
0xaf: {  	[dreg:$0x3] =	wrdreg s24  }
0xb0: {  	[dreg:$0x4] =	wrdreg $0xB8000  }
0xb1: {  	[dreg:$0x5] =	wrdreg $0x9  }
0xb2: {  	_ =	task.clear_ibuf [dreg:s7], $0x6FFFF;
	_ =	strace $0x9000004F  }
0xb3: {  	s29 =	simm.s32 $0x9;
	_ =	strace $0x80000051  }
0xb4: {  	_ =	swait.ge [sflag:s29], $0x1  }
0xb5: {  	[sflag:s29] =	ssyncadd.s32 $0xFFFFFFFF  }
0xb6: {  	_ =	strace $0x90000051  }
0xb7: {  	_ =	sfence  }
0xb8: {  	s30 =	sld [smem:$0x0];
	_ =	sdelay $0x2  }
0xb9: {  	s31 =	sshll.u32 s1, $0xD;
	s1 =	sshrl.u32 s1, $0x2  }
0xba: {  	s3 =	sand.u32 $0x4000, s31;
	s1 =	sadd.s32 s1, s30  }
0xbb: {  	s0 =	sor.u32 s3, s0;
	s1 =	sshll.u32 s1, $0x11  }
0xbc: {  	s0 =	sor.u32 s1, s0  }
0xbd: {  	s0 =	sadd.s32 $0x8F2B, s0  }
0xbe: {  	[sflag:s0] =	ssyncadd.remote.s32 $0x1  }
0xbf: {  	_ =	sfence.sel $0xFFFF  }
0xc0: {  	[dreg:$0x0] =	wrdreg $0xFFFFFFFF;
	(pc) =	sbr.abs _section_cstart, $3  }
0xc1: {  	[dreg:$0x1] =	wrdreg $0xFFFFFFFF  }
0xc2: {  	_ =	task.clear_ibuf [dreg:s7], $0x2FFFF;
	_ =	strace $0x9FFFFFFF  }
0xc3: {  	(tm) =	ssettm $0x7FFFFFFF  }
tec
execute0_lowered:
.L_overlay_start_1:
0x0: {  	(tag) =	ssettag $0x1  }
0x1: {  	s2 =	rddreg [dreg:$0x0]  }
0x2: {  	s5 =	rddreg [dreg:$0x1]  }
0x3: {  	s3 =	rddreg [dreg:$0x2]  }
0x4: {  	s0 =	rddreg [dreg:$0x3]  }
0x5: {  	s1 =	stileid.u32;
	s6 =	srdreg.scid  }
0x6: {  	s4 =	simm.s32 $0x0;
	s15 =	simm.s32 $0x3C00;
	s16 =	simm.s32 $0x40  }
0x7: {  	s17 =	simm.s32 $0x7800;
	s18 =	simm.s32 $0x80;
	s19 =	simm.s32 $0x9800  }
0x8: {  	s20 =	simm.s32 $0x1;
	s21 =	simm.s32 $0x3;
	s7 =	smul.u32 $0x28, s1  }
0x9: {  	s22 =	simm.s32 $0x2;
	s23 =	simm.s32 $0x4;
	s8 =	smul.u32 $0x78, s1  }
0xa: {  	s24 =	simm.s32 $0x0;
	s6 =	sand.u32 $0x1, s6;
	s26 =	smul.u32 $0x13C00, s1  }
0xb: {  	[smem:$0x7FF] =	sst s4;
	s11 =	smul.u32 $0x4F000, s1;
	s30 =	sshll.u32 s1, $0x6  }
0xc: {  	p0 =	seq.s32 s6, $0x0;
	_ =	strace $0x80000050;
	s9 =	smul.u32 $0x13C000, s6  }
0xd: {  	s6 =	ssub.s32 $0x2, s6;
	s7 =	sadd.s32 $0x780, s7;
	s28 =	sshrl.u32 s26, $0x3  }
0xe: {  	s29 =	sshrl.u32 s6, $0x1;
	s11 =	sshrl.u32 s11, $0x2;
	s7 =	smov.u32 @p0 s8  }
0xf: {  	s8 =	sadd.s32 s26, s9;
	s13 =	ssub.s32 s6, s29;
	s14 =	sadd.s32 s11, s3  }
0x10: {  	s11 =	simm.s32 $0x77;
	s6 =	sor.u32 $0x1C05, s30;
	s7 =	sshll.u32 s7, $0x4  }
0x11: {  	s8 =	sshrl.u32 s8, $0x3;
	s11 =	simm.s32 @!p0 $0x27;
	s10 =	sadd.s32 s7, s5  }
0x12: {  	s7 =	sadd.s32 s28, s5;
	s12 =	sadd.s32 s8, s5;
	s9 =	sshrl.u32 s11, $0x1  }
0x13: {  	s31 =	sshll.u32 s11, $0x7;
	s5 =	sadd.s32 $0x1A200, s7;
	s7 =	sadd.s32 $0xFC00, s10  }
0x14: {  	s8 =	sadd.s32 $0x5600, s10;
	s10 =	sadd.s32 $0x3C00, s31;
	s11 =	sadd.s32 $0x41A00, s12  }
0x15: {  	s12 =	smax.u32 s13, $0x1;
	s13 =	sshrl.u32 s14, $0x3;
	s14 =	simm.s32 $0x5  }
.LBB2_1:
0x16: {  	[spmem:s13], [sflag:s6] =	dma.local [hbm:s5], $0x2780  }
0x17: {  	_ =	swait.ge [sflag:s14], $0x2780  }
0x18: {  	[sflag:s14] =	ssyncset.done $0x0  }
0x19: {  	[sflag:s14] =	ssyncadd.s32 $0xFFFFD880  }
0x1a: {  	[tilespmem:s4], [sflag:$0x5] =	stream.linear.gather [hbm4b:s7+s4], $0x3C00, $0x38;
	[tilespmem:$0x1F400] =	vst v63  }
0x1b: {  	_ =	swait.ge [sflag:s14], $0x3C00  }
0x1c: {  	[sflag:s14] =	ssyncset.done $0x0  }
0x1d: {  	[sflag:s14] =	ssyncadd.s32 $0xFFFFC400  }
0x1e: {  	[tilespmem:s15], [sflag:$0x5] =	stream.linear.gather [hbm4b:s8+s4], $0x3C00, $0x38;
	[tilespmem:$0x1F400] =	vst v63  }
0x1f: {  	_ =	swait.ge [sflag:s14], $0x3C00  }
0x20: {  	[sflag:s14] =	ssyncset.done $0x0  }
0x21: {  	[sflag:s14] =	ssyncadd.s32 $0xFFFFC400  }
0x22: {  	[bflag:$0x0] =	sbarrier.arrive $0xFFFF  }
0x23: {  	[tilespmem:s17], [sflag:$0x1] =	stream.indirect.gather [hbm4b:s2+s16], $0x80, s4, s16, $0xb8;
	[tilespmem:$0x1F400] =	vst v63  }
0x24: {  	_ = 	snop  }
0x25: {  	[tilespmem:s19], [sflag:$0x2] =	stream.indirect.gather [hbm4b:s2+s16], $0x80, s18, s16, $0xb8;
	[tilespmem:$0x1F400] =	vst v63  }
0x26: {  	_ =	swait.ge [sflag:s20], $0x2000  }
0x27: {  	[sflag:s20] =	ssyncset.done $0x0  }
0x28: {  	[sflag:s20] =	ssyncadd.s32 $0xFFFFE000  }
0x29: {  	[spmem:s3] =	stream.indirect.scatter.add.f32 [tilespmem:s17], [sflag:$0x3], $0x80, s15, s16, $0xb8;
	[tilespmem:$0x1F400] =	vst v63  }
0x2a: {  	_ =	swait.ge [sflag:s21], $0x2000  }
0x2b: {  	[sflag:s21] =	ssyncset.done $0x0  }
0x2c: {  	s25 =	simm.s32 $0x100;
	[sflag:s21] =	ssyncadd.s32 $0xFFFFE000  }
0x2d: {  	[tilespmem:s17], [sflag:$0x1] =	stream.indirect.gather [hbm4b:s2+s16], $0x80, s25, s16, $0xb8;
	[tilespmem:$0x1F400] =	vst v63  }
0x2e: {  	_ =	swait.ge [sflag:s22], $0x2000  }
0x2f: {  	[sflag:s22] =	ssyncset.done $0x0  }
0x30: {  	s30 =	simm.s32 $0x3C80;
	[sflag:s22] =	ssyncadd.s32 $0xFFFFE000  }
0x31: {  	[spmem:s3] =	stream.indirect.scatter.add.f32 [tilespmem:s19], [sflag:$0x4], $0x80, s30, s16, $0xb8;
	[tilespmem:$0x1F400] =	vst v63  }
0x32: {  	_ =	swait.ge [sflag:s23], $0x2000  }
0x33: {  	p0 =	sne.s32 s9, $0x1;
	[sflag:s23] =	ssyncset.done $0x0  }
.Ltmp0:
0x34: {  	s31 =	simm.s32 $0x180;
	[sflag:s23] =	ssyncadd.s32 $0xFFFFE000;
	(pc) =	sbr.rel @!p0 .LBB2_3-.Ltmp0, $4  }
0x35: {  	[tilespmem:s19], [sflag:$0x2] =	stream.indirect.gather [hbm4b:s2+s16], $0x80, s31, s16, $0xb8;
	[tilespmem:$0x1F400] =	vst v63  }
0x36: {  	_ =	swait.ge [sflag:s20], $0x2000  }
0x37: {  	s26 =	simm.s32 $0x3D80;
	s29 =	simm.s32 $0x3D00;
	[sflag:s20] =	ssyncset.done $0x0  }
0x38: {  	s28 =	simm.s32 $0x280;
	s25 =	sadd.s32 $0xFFFFFFFF, s9;
	[sflag:s20] =	ssyncadd.s32 $0xFFFFE000  }
.LBB2_2:
0x39: {  	[spmem:s3] =	stream.indirect.scatter.add.f32 [tilespmem:s17], [sflag:$0x3], $0x80, s29, s16, $0xb8;
	[tilespmem:$0x1F400] =	vst v63  }
0x3a: {  	p0 =	sne.s32 s25, $0x1;
	s25 =	sadd.s32 $0xFFFFFFFF, s25;
	_ =	swait.ge [sflag:s21], $0x2000  }
0x3b: {  	s29 =	smov.u32 s26;
	[sflag:s21] =	ssyncset.done $0x0  }
0x3c: {  	s30 =	sadd.s32 $0xFFFFFF80, s28;
	[sflag:s21] =	ssyncadd.s32 $0xFFFFE000  }
0x3d: {  	[tilespmem:s17], [sflag:$0x1] =	stream.indirect.gather [hbm4b:s2+s16], $0x80, s30, s16, $0xb8;
	[tilespmem:$0x1F400] =	vst v63  }
0x3e: {  	_ =	swait.ge [sflag:s22], $0x2000  }
0x3f: {  	[sflag:s22] =	ssyncset.done $0x0  }
0x40: {  	[sflag:s22] =	ssyncadd.s32 $0xFFFFE000  }
0x41: {  	[spmem:s3] =	stream.indirect.scatter.add.f32 [tilespmem:s19], [sflag:$0x4], $0x80, s26, s16, $0xb8;
	[tilespmem:$0x1F400] =	vst v63  }
0x42: {  	_ =	swait.ge [sflag:s23], $0x2000  }
0x43: {  	[sflag:s23] =	ssyncset.done $0x0  }
.Ltmp1:
0x44: {  	[sflag:s23] =	ssyncadd.s32 $0xFFFFE000;
	(pc) =	sbr.rel @p0 .LBB2_2-.Ltmp1, $4  }
0x45: {  	[tilespmem:s19], [sflag:$0x2] =	stream.indirect.gather [hbm4b:s2+s16], $0x80, s28, s16, $0xb8;
	[tilespmem:$0x1F400] =	vst v63  }
0x46: {  	_ =	swait.ge [sflag:s20], $0x2000  }
0x47: {  	s26 =	sadd.s32 $0x100, s26;
	[sflag:s20] =	ssyncset.done $0x0  }
0x48: {  	s29 =	sadd.s32 $0x80, s29;
	s28 =	sadd.s32 $0x100, s28;
	[sflag:s20] =	ssyncadd.s32 $0xFFFFE000  }
.LBB2_3:
0x49: {  	[spmem:s3] =	stream.indirect.scatter.add.f32 [tilespmem:s17], [sflag:$0x3], $0x80, s29, s16, $0xb8;
	[tilespmem:$0x1F400] =	vst v63  }
0x4a: {  	_ =	swait.ge [sflag:s22], $0x2000  }
0x4b: {  	[sflag:s22] =	ssyncset.done $0x0  }
0x4c: {  	[sflag:s22] =	ssyncadd.s32 $0xFFFFE000  }
0x4d: {  	[spmem:s3] =	stream.indirect.scatter.add.f32 [tilespmem:s19], [sflag:$0x4], $0x80, s10, s16, $0xb8;
	[tilespmem:$0x1F400] =	vst v63  }
0x4e: {  	_ =	swait.ge [sflag:s21], $0x2000  }
0x4f: {  	[sflag:s21] =	ssyncset.done $0x0  }
0x50: {  	[sflag:s21] =	ssyncadd.s32 $0xFFFFE000  }
0x51: {  	_ =	swait.ge [sflag:s23], $0x2000  }
0x52: {  	s24 =	sadd.s32 $0x1, s24;
	[sflag:s23] =	ssyncset.done $0x0  }
0x53: {  	p0 =	sne.s32 s24, s12;
	[sflag:s23] =	ssyncadd.s32 $0xFFFFE000  }
.Ltmp2:
0x54: {  	[bflag:$0x0] =	sbarrier.arrive $0xFFFF;
	(pc) =	sbr.rel @p0 .LBB2_1-.Ltmp2, $4  }
0x55: {  	[hbm:s11], [sflag:s6] =	dma.local [spmem:s13], $0x2780  }
0x56: {  	_ =	swait.ge [sflag:s14], $0x2780  }
0x57: {  	[sflag:s14] =	ssyncset.done $0x0  }
0x58: {  	[sflag:s14] =	ssyncadd.s32 $0xFFFFD880  }
0x59: {  	_ =	sfence.sel $0x180000  }
0x5a: {  	[bflag:$0x0] =	sbarrier.arrive $0xFFFF  }
0x5b: {  	p0 =	sne.s32 s1, $0x0;
	_ =	strace $0x90000050  }
0x5c: {  	s0 =	sadd.s32 @!p0 $0x100000, s0;
	[bflag:$0x2] =	sbarrier.arrive $0xFFFF  }
0x5d: {  	[sflag:s0] =	ssyncadd.tile.s32 @!p0 $0x1;
	_ =	shalt  }
.Lfunc_end2:
_tile_overlayer_lowered:
.L_overlay_start_2:
0x5e: {  	(tag) =	ssettag $0x2  }
0x5f: {  	s0 =	rddreg [dreg:$0x0];
	s2 =	stileid.u32  }
0x60: {  	s1 =	rddreg [dreg:$0x1];
	p0 =	sne.s32 s2, $0x0  }
0x61: {  	s3 =	rddreg [dreg:$0x2];
	[bflag:$0x3] =	sbarrier.arrive $0xFFFF;
	s2 =	simm.s32 @!p0 $0x1C05  }
0x62: {  	[timem:s3], [sflag:s2] =	dma.local @!p0 [hbm:s0], s1  }
0x63: {  	s0 =	simm.s32 @!p0 $0x5  }
0x64: {  	_ =	swait.ge @!p0 [sflag:s0], s1  }
0x65: {  	s1 =	ssub.s32 @!p0 $0x0, s1;
	[sflag:s0] =	ssyncset.done @!p0 $0x0  }
0x66: {  	[sflag:s0] =	ssyncadd.s32 @!p0 s1  }
0x67: {  	[bflag:$0x3] =	sbarrier.arrive $0xFFFF  }
0x68: {  	_ =	shalt  }

</sc_bundles>
